<compile_context>
chip_gen: v7x
topology: tpu7x:2x2x1
jax: 0.10.2.dev20260603
libtpu: 0.0.44.dev20260713+nightly
codegen_flags: <defaults>
</compile_context>

<pallas_src>
import functools

import jax
import jax.numpy as jnp
from jax import lax
from jax.experimental import pallas as pl
from jax.experimental.pallas import tpu as pltpu
from jax.experimental.pallas import tpu_sc as plsc

_N = 10000
_E = 320000
_D = 128
_DH = 64

_NC = 2
_NS = 16
_L = 16

_CH = 128
_CPT = 160
_EPW = _CPT * _CH
_EPAD = _NS * _EPW
_NPAD = 10240
_RPT = _NPAD // _NS
_RC = _RPT // _CH
_R = 3
_K = 2

_mesh = plsc.VectorSubcoreMesh(
    core_axis_name="c", subcore_axis_name="s", num_cores=_NC, num_subcores=_NS
)


def _make_agg_body(with_deg):
    def body(h_hbm, src_hbm, dst_hbm, *refs):
        if with_deg:
            (agg_out, deg_out, idx_s, idx_d, r0, r1, r2, onesv, zd, zrow,
             g0, g1, g2, h0, h1, h2, s0, s1, s2, d0, d1, d2,
             agg_sh, deg_sh) = refs
            dsem = [d0, d1, d2]
        else:
            (agg_out, idx_s, idx_d, r0, r1, r2, zrow,
             g0, g1, g2, h0, h1, h2, s0, s1, s2, agg_sh) = refs
        rows = [r0, r1, r2]
        gsem = [g0, g1, g2]
        hsem = [h0, h1, h2]
        ssem = [s0, s1, s2]

        c = lax.axis_index("c")
        s = lax.axis_index("s")

        zero16 = jnp.zeros((_L,), jnp.float32)
        one16 = jnp.ones((_L,), jnp.float32)

        @pl.loop(0, _CH)
        def _fill(i):
            for k in range(_DH // _L):
                zrow[i, pl.ds(k * _L, _L)] = zero16
            if with_deg:
                zd[i, :] = zero16
                onesv[i, :] = one16

        @pl.loop(0, _RC)
        def _zero(j):
            base = s * _RPT + j * _CH
            pltpu.sync_copy(zrow, agg_sh.at[pl.ds(base, _CH)])
            if with_deg:
                pltpu.sync_copy(zd, deg_sh.at[pl.ds(base, _CH)])

        plsc.subcore_barrier()

        pltpu.sync_copy(src_hbm.at[pl.ds(s * 2 * _CPT, 2 * _CPT)], idx_s)
        pltpu.sync_copy(dst_hbm.at[pl.ds(s * _CPT, _CPT)], idx_d)

        def fire_gather(j, b):
            pltpu.async_copy(h_hbm.at[c].at[idx_s.at[2 * j]],
                             rows[b].at[pl.ds(0, _CH // 2)], gsem[b])
            pltpu.async_copy(h_hbm.at[c].at[idx_s.at[2 * j + 1]],
                             rows[b].at[pl.ds(_CH // 2, _CH // 2)], hsem[b])

        def wait_gather(j, b):
            pltpu.make_async_copy(
                h_hbm.at[c].at[idx_s.at[2 * j]],
                rows[b].at[pl.ds(0, _CH // 2)], gsem[b]).wait()
            pltpu.make_async_copy(
                h_hbm.at[c].at[idx_s.at[2 * j + 1]],
                rows[b].at[pl.ds(_CH // 2, _CH // 2)], hsem[b]).wait()

        def fire_scatter(j, b):
            pltpu.async_copy(rows[b], agg_sh.at[idx_d.at[j]], ssem[b],
                             add=True)
            if with_deg:
                pltpu.async_copy(onesv, deg_sh.at[idx_d.at[j]], dsem[b],
                                 add=True)

        def wait_scatter(j, b):
            pltpu.make_async_copy(rows[b], agg_sh.at[idx_d.at[j]],
                                  ssem[b]).wait()
            if with_deg:
                pltpu.make_async_copy(onesv, deg_sh.at[idx_d.at[j]],
                                      dsem[b]).wait()

        def step(j, b, head, tail, early=False):
            if not head:
                wait_gather(j, b)
                fire_scatter(j, b)
            if not tail:
                b2 = (b + _K) % _R
                if not early:
                    wait_scatter(j - (_R - _K), b2)
                fire_gather(j + _K, b2)

        for j in range(_K):
            step(j - _K, (j - _K) % _R, True, False, early=True)
        e0 = _R - _K
        while (_CPT - e0 - _K) % _R:
            e0 += 1
        for j in range(e0):
            step(j, j % _R, False, False, early=(j < _R - _K))

        @pl.loop(0, (_CPT - e0 - _K) // _R)
        def _main(jo):
            j0 = e0 + jo * _R
            for i in range(_R):
                step(j0 + i, (e0 + i) % _R, False, False)

        for j in range(_CPT - _K, _CPT):
            step(j, j % _R, False, True)
        for j in range(_CPT - _R, _CPT):
            wait_scatter(j, j % _R)

        plsc.subcore_barrier()

        @pl.loop(0, _RC)
        def _wb(j):
            base = s * _RPT + j * _CH
            pltpu.sync_copy(agg_sh.at[pl.ds(base, _CH)], rows[0])
            pltpu.sync_copy(rows[0], agg_out.at[c, pl.ds(base, _CH)])
            if with_deg:
                pltpu.sync_copy(deg_sh.at[pl.ds(base, _CH)], zd)
                pltpu.sync_copy(zd, deg_out.at[c, pl.ds(base, _CH)])

    return body


def _agg_kernel(with_deg):
    out_type = [jax.ShapeDtypeStruct((_NC, _NPAD, _DH), jnp.float32)]
    scratch = [
        pltpu.VMEM((2 * _CPT, _CH // 2), jnp.int32),
        pltpu.VMEM((_CPT, _CH), jnp.int32),
    ]
    scratch += [pltpu.VMEM((_CH, _DH), jnp.float32) for _ in range(_R)]
    if with_deg:
        out_type.append(jax.ShapeDtypeStruct((_NC, _NPAD, _L), jnp.float32))
        scratch += [
            pltpu.VMEM((_CH, _L), jnp.float32),
            pltpu.VMEM((_CH, _L), jnp.float32),
        ]
    scratch.append(pltpu.VMEM((_CH, _DH), jnp.float32))
    nsem = 4 * _R if with_deg else 3 * _R
    scratch += [pltpu.SemaphoreType.DMA for _ in range(nsem)]
    scratch.append(pltpu.VMEM_SHARED((_NPAD, _DH), jnp.float32))
    if with_deg:
        scratch.append(pltpu.VMEM_SHARED((_NPAD, _L), jnp.float32))
    return pl.kernel(
        _make_agg_body(with_deg),
        out_type=tuple(out_type),
        mesh=_mesh,
        compiler_params=pltpu.CompilerParams(use_tc_tiling_on_sc=False),
        scratch_types=scratch,
    )


_agg_deg_call = _agg_kernel(True)


def _tc_body(h_ref, a_ref, d_ref, ws_ref, wn_ref, b_ref, o_ref, *, relu):
    h = h_ref[...]
    a = jnp.concatenate([a_ref[0], a_ref[1]], axis=1)
    deg = d_ref[0, :, 0:1]
    inv = 1.0 / jnp.maximum(deg, 1.0)
    out = jnp.dot(h, ws_ref[...], preferred_element_type=jnp.float32)
    out += jnp.dot(a * inv, wn_ref[...], preferred_element_type=jnp.float32)
    out += b_ref[...]
    if relu:
        out = jnp.maximum(out, 0.0)
    o_ref[...] = out


def _tc_layer(h, agg2, deg2, ws, wn, b, relu):
    n, din = h.shape
    dout = ws.shape[1]
    blk = 1000
    return pl.pallas_call(
        functools.partial(_tc_body, relu=relu),
        grid=(n // blk,),
        in_specs=[
            pl.BlockSpec((blk, din), lambda i: (i, 0)),
            pl.BlockSpec((_NC, blk, _DH), lambda i: (0, i, 0)),
            pl.BlockSpec((1, blk, _L), lambda i: (0, i, 0)),
            pl.BlockSpec((din, dout), lambda i: (0, 0)),
            pl.BlockSpec((din, dout), lambda i: (0, 0)),
            pl.BlockSpec((1, dout), lambda i: (0, 0)),
        ],
        out_specs=pl.BlockSpec((blk, dout), lambda i: (i, 0)),
        out_shape=jax.ShapeDtypeStruct((n, dout), jnp.float32),
    )(h, agg2, deg2, ws, wn, b.reshape(1, dout))


def _to_pair(h):
    return h.reshape(_N, _NC, _DH).transpose(1, 0, 2)


def kernel(x, edge_index, W_self_0, W_neigh_0, b_0, W_self_1, W_neigh_1, b_1,
           W_self_2, W_neigh_2, b_2):
    src = edge_index[0]
    dst = edge_index[1]
    pad = _EPAD - _E
    src_p = jnp.concatenate([src, jnp.zeros((pad,), jnp.int32)]).reshape(
        _EPAD * 2 // _CH, _CH // 2)
    dst_p = jnp.concatenate([dst, jnp.full((pad,), _N, jnp.int32)]).reshape(
        _EPAD // _CH, _CH)

    h = x
    agg2, deg2 = _agg_deg_call(_to_pair(h), src_p, dst_p)
    h = _tc_layer(h, agg2, deg2, W_self_0, W_neigh_0, b_0, True)
    agg2, _ = _agg_deg_call(_to_pair(h), src_p, dst_p)
    h = _tc_layer(h, agg2, deg2, W_self_1, W_neigh_1, b_1, True)
    agg2, _ = _agg_deg_call(_to_pair(h), src_p, dst_p)
    h = _tc_layer(h, agg2, deg2, W_self_2, W_neigh_2, b_2, False)
    return h

# --- scband reference (transcript-rebuilt; emitter-appended) ---
"""Pipeline reference for scband-sagebc-24232205484234 (READ-ONLY COPY).

The authoritative reference and input builder live on the scoring server;
editing this copy changes nothing except your own understanding.
"""

import jax, jax.numpy as jnp
import numpy as np

N = 10000
E = 320000
D_IN = 128
D_HID = 128
D_OUT = 64


def setup_inputs(seed: int = 0) -> dict:
    key = jax.random.key(seed)
    ks = jax.random.split(key, 12)
    x = jax.random.normal(ks[0], (N, D_IN), dtype=jnp.float32)
    edge_index = jax.random.randint(ks[1], (2, E), 0, N, dtype=jnp.int32)
    dims = [(D_IN, D_HID), (D_HID, D_HID), (D_HID, D_OUT)]
    inp = {"x": x, "edge_index": edge_index}
    for l, (din, dout) in enumerate(dims):
        s = 1.0 / np.sqrt(din)
        inp[f"W_self_{l}"] = jax.random.normal(ks[2 + 3 * l], (din, dout), dtype=jnp.float32) * s
        inp[f"W_neigh_{l}"] = jax.random.normal(ks[3 + 3 * l], (din, dout), dtype=jnp.float32) * s
        inp[f"b_{l}"] = jnp.zeros((dout,), dtype=jnp.float32)
    return inp


def _sage_layer(h, src, dst, W_self, W_neigh, b):
    # DGL SAGEConv with 'mean' aggregator: fc_neigh(mean_neighbors) + fc_self(h) + bias
    msg = jnp.take(h, src, axis=0)
    agg = jax.ops.segment_sum(msg, dst, num_segments=N)
    deg = jax.ops.segment_sum(jnp.ones((src.shape[0],), dtype=h.dtype), dst, num_segments=N)
    h_neigh = agg / jnp.maximum(deg, 1.0)[:, None]
    return h @ W_self + h_neigh @ W_neigh + b


def reference(x, edge_index, W_self_0, W_neigh_0, b_0, W_self_1, W_neigh_1, b_1, W_self_2, W_neigh_2, b_2):
    src = edge_index[0]
    dst = edge_index[1]
    params = [(W_self_0, W_neigh_0, b_0), (W_self_1, W_neigh_1, b_1), (W_self_2, W_neigh_2, b_2)]
    h = x
    n_layers = len(params)
    for l, (Ws, Wn, b) in enumerate(params):
        h = _sage_layer(h, src, dst, Ws, Wn, b)
        if l != n_layers - 1:
            h = jax.nn.relu(h)
            # dropout is identity in eval mode
    return h

if __name__ == "__main__":
    import jax
    _d = setup_inputs()
    print(jax.jit(kernel)(*tuple(_d.values())))

</pallas_src>

<mosaic_0001>
#map = affine_map<(d0, d1) -> (0, 0, 0)>
#map1 = affine_map<(d0, d1) -> (0, 0)>
module attributes {stable_mosaic.version = 14 : i64} {
  func.func @body(%arg0: i32, %arg1: i32, %arg2: memref<2x10000x64xf32, #tpu.memory_space<hbm>>, %arg3: memref<5120x64xi32, #tpu.memory_space<hbm>>, %arg4: memref<2560x128xi32, #tpu.memory_space<hbm>>, %arg5: memref<2x10240x64xf32, #tpu.memory_space<hbm>>, %arg6: memref<2x10240x16xf32, #tpu.memory_space<hbm>>, %arg7: memref<320x64xi32, #tpu.memory_space<vmem>>, %arg8: memref<160x128xi32, #tpu.memory_space<vmem>>, %arg9: memref<128x64xf32, #tpu.memory_space<vmem>>, %arg10: memref<128x64xf32, #tpu.memory_space<vmem>>, %arg11: memref<128x64xf32, #tpu.memory_space<vmem>>, %arg12: memref<128x16xf32, #tpu.memory_space<vmem>>, %arg13: memref<128x16xf32, #tpu.memory_space<vmem>>, %arg14: memref<128x64xf32, #tpu.memory_space<vmem>>, %arg15: memref<!tpu.dma_semaphore, #tpu.memory_space<semaphore_mem>>, %arg16: memref<!tpu.dma_semaphore, #tpu.memory_space<semaphore_mem>>, %arg17: memref<!tpu.dma_semaphore, #tpu.memory_space<semaphore_mem>>, %arg18: memref<!tpu.dma_semaphore, #tpu.memory_space<semaphore_mem>>, %arg19: memref<!tpu.dma_semaphore, #tpu.memory_space<semaphore_mem>>, %arg20: memref<!tpu.dma_semaphore, #tpu.memory_space<semaphore_mem>>, %arg21: memref<!tpu.dma_semaphore, #tpu.memory_space<semaphore_mem>>, %arg22: memref<!tpu.dma_semaphore, #tpu.memory_space<semaphore_mem>>, %arg23: memref<!tpu.dma_semaphore, #tpu.memory_space<semaphore_mem>>, %arg24: memref<!tpu.dma_semaphore, #tpu.memory_space<semaphore_mem>>, %arg25: memref<!tpu.dma_semaphore, #tpu.memory_space<semaphore_mem>>, %arg26: memref<!tpu.dma_semaphore, #tpu.memory_space<semaphore_mem>>, %arg27: memref<10240x64xf32, #tpu.memory_space<vmem_shared>>, %arg28: memref<10240x16xf32, #tpu.memory_space<vmem_shared>>) attributes {dimension_semantics = [#tpu.dimension_semantics<core_parallel>, #tpu.dimension_semantics<subcore_parallel>], iteration_bounds = array<i64: 2, 16>, scalar_prefetch = 0 : i64, scratch_operands = 22 : i64, tpu.core_type = #tpu.core_type<sc_vector_subcore>, window_params = [{transform_indices = #map}, {transform_indices = #map1}, {transform_indices = #map1}, {transform_indices = #map}, {transform_indices = #map}]} {
    %broadcast_in_dim3A = arith.constant 0.000000e+00 : f32
    %broadcast_in_dim3A_0 = vector.broadcast %broadcast_in_dim3A : f32 to vector<16xf32>
    %broadcast_in_dim3A_1 = arith.constant 1.000000e+00 : f32
    %broadcast_in_dim3A_2 = vector.broadcast %broadcast_in_dim3A_1 : f32 to vector<16xf32>
    %scan3A = arith.constant 0 : i32
    %scan3A_3 = arith.constant 128 : i32
    %scan3A_4 = arith.addi %scan3A, %scan3A_3 : i32
    %scan3A_5 = arith.constant 1 : i32
    scf.for %scan3A_362 = %scan3A to %scan3A_4 step %scan3A_5  : i32 {
      %mul3A_363 = arith.constant 1 : i32
      %mul3A_364 = arith.muli %scan3A_362, %mul3A_363 : i32
      %add3A = arith.constant 0 : i32
      %add3A_365 = arith.addi %add3A, %mul3A_364 : i32
      %swap3A = arith.index_cast %add3A_365 : i32 to index
      %swap3A_366 = arith.constant 0 : index
      %swap3A_367 = tpu.vector_load %arg14[%swap3A, %swap3A_366] {strides = array<i32>} : memref<128x64xf32, #tpu.memory_space<vmem>>, vector<1x16xf32>,
      %swap3A_368 = vector.shape_cast %swap3A_367 : vector<1x16xf32> to vector<16xf32>
      %swap3A_369 = vector.shape_cast %broadcast_in_dim3A_0 : vector<16xf32> to vector<1x16xf32>
      tpu.vector_store %arg14[%swap3A, %swap3A_366], %swap3A_369 {strides = array<i32>} : memref<128x64xf32, #tpu.memory_space<vmem>>, vector<1x16xf32>,
      %swap3A_370 = arith.index_cast %add3A_365 : i32 to index
      %swap3A_371 = arith.constant 16 : index
      %swap3A_372 = tpu.vector_load %arg14[%swap3A_370, %swap3A_371] {strides = array<i32>} : memref<128x64xf32, #tpu.memory_space<vmem>>, vector<1x16xf32>,
      %swap3A_373 = vector.shape_cast %swap3A_372 : vector<1x16xf32> to vector<16xf32>
      %swap3A_374 = vector.shape_cast %broadcast_in_dim3A_0 : vector<16xf32> to vector<1x16xf32>
      tpu.vector_store %arg14[%swap3A_370, %swap3A_371], %swap3A_374 {strides = array<i32>} : memref<128x64xf32, #tpu.memory_space<vmem>>, vector<1x16xf32>,
      %swap3A_375 = arith.index_cast %add3A_365 : i32 to index
      %swap3A_376 = arith.constant 32 : index
      %swap3A_377 = tpu.vector_load %arg14[%swap3A_375, %swap3A_376] {strides = array<i32>} : memref<128x64xf32, #tpu.memory_space<vmem>>, vector<1x16xf32>,
      %swap3A_378 = vector.shape_cast %swap3A_377 : vector<1x16xf32> to vector<16xf32>
      %swap3A_379 = vector.shape_cast %broadcast_in_dim3A_0 : vector<16xf32> to vector<1x16xf32>
      tpu.vector_store %arg14[%swap3A_375, %swap3A_376], %swap3A_379 {strides = array<i32>} : memref<128x64xf32, #tpu.memory_space<vmem>>, vector<1x16xf32>,
      %swap3A_380 = arith.index_cast %add3A_365 : i32 to index
      %swap3A_381 = arith.constant 48 : index
      %swap3A_382 = tpu.vector_load %arg14[%swap3A_380, %swap3A_381] {strides = array<i32>} : memref<128x64xf32, #tpu.memory_space<vmem>>, vector<1x16xf32>,
      %swap3A_383 = vector.shape_cast %swap3A_382 : vector<1x16xf32> to vector<16xf32>
      %swap3A_384 = vector.shape_cast %broadcast_in_dim3A_0 : vector<16xf32> to vector<1x16xf32>
      tpu.vector_store %arg14[%swap3A_380, %swap3A_381], %swap3A_384 {strides = array<i32>} : memref<128x64xf32, #tpu.memory_space<vmem>>, vector<1x16xf32>,
      %swap3A_385 = arith.index_cast %add3A_365 : i32 to index
      %swap3A_386 = arith.constant 0 : index
      %swap3A_387 = tpu.vector_load %arg13[%swap3A_385, %swap3A_386] {strides = array<i32>} : memref<128x16xf32, #tpu.memory_space<vmem>>, vector<1x16xf32>,
      %swap3A_388 = vector.shape_cast %swap3A_387 : vector<1x16xf32> to vector<16xf32>
      %swap3A_389 = vector.shape_cast %broadcast_in_dim3A_0 : vector<16xf32> to vector<1x16xf32>
      tpu.vector_store %arg13[%swap3A_385, %swap3A_386], %swap3A_389 {strides = array<i32>} : memref<128x16xf32, #tpu.memory_space<vmem>>, vector<1x16xf32>,
      %swap3A_390 = arith.index_cast %add3A_365 : i32 to index
      %swap3A_391 = arith.constant 0 : index
      %swap3A_392 = tpu.vector_load %arg12[%swap3A_390, %swap3A_391] {strides = array<i32>} : memref<128x16xf32, #tpu.memory_space<vmem>>, vector<1x16xf32>,
      %swap3A_393 = vector.shape_cast %swap3A_392 : vector<1x16xf32> to vector<16xf32>
      %swap3A_394 = vector.shape_cast %broadcast_in_dim3A_2 : vector<16xf32> to vector<1x16xf32>
      tpu.vector_store %arg12[%swap3A_390, %swap3A_391], %swap3A_394 {strides = array<i32>} : memref<128x16xf32, #tpu.memory_space<vmem>>, vector<1x16xf32>,
    }
    %scan3A_6 = arith.constant 128 : i32
    %scan3A_7 = arith.constant 0 : i32
    %scan3A_8 = arith.constant 5 : i32
    %scan3A_9 = arith.addi %scan3A_7, %scan3A_8 : i32
    %scan3A_10 = arith.constant 1 : i32
    scf.for %scan3A_362 = %scan3A_7 to %scan3A_9 step %scan3A_10  : i32 {
      %mul3A_363 = arith.constant 1 : i32
      %mul3A_364 = arith.muli %scan3A_362, %mul3A_363 : i32
      %add3A = arith.constant 0 : i32
      %add3A_365 = arith.addi %add3A, %mul3A_364 : i32
      %mul3A_366 = arith.constant 640 : i32
      %mul3A_367 = arith.muli %arg1, %mul3A_366 : i32
      %mul3A_368 = arith.constant 128 : i32
      %mul3A_369 = arith.muli %add3A_365, %mul3A_368 : i32
      %add3A_370 = arith.addi %mul3A_367, %mul3A_369 : i32
      "tpu.region"() ({
        %run_scoped3A = tpu.sem_alloc : memref<!tpu.dma_semaphore, #tpu.memory_space<semaphore_mem>>
        %dma_start3A_371 = arith.constant 0 : i32
        %dma_start3A_372 = tpu.memref_slice %arg27[%add3A_370, %dma_start3A_371] : memref<10240x64xf32, #tpu.memory_space<vmem_shared>> -> memref<128x64xf32, #tpu.memory_space<vmem_shared>>
        %dma_start3A_373 = arith.constant 0 : i32
        %dma_start3A_374 = tpu.memref_slice %arg27[%add3A_370, %dma_start3A_373] : memref<10240x64xf32, #tpu.memory_space<vmem_shared>> -> memref<128x64xf32, #tpu.memory_space<vmem_shared>>
        tpu.enqueue_dma source(%arg14 : memref<128x64xf32, #tpu.memory_space<vmem>>) target(%dma_start3A_374 : memref<128x64xf32, #tpu.memory_space<vmem_shared>>) target_semaphore(%run_scoped3A : memref<!tpu.dma_semaphore, #tpu.memory_space<semaphore_mem>>)
        %dma_wait3A_375 = arith.constant 0 : i32
        %dma_wait3A_376 = tpu.memref_slice %arg27[%add3A_370, %dma_wait3A_375] : memref<10240x64xf32, #tpu.memory_space<vmem_shared>> -> memref<128x64xf32, #tpu.memory_space<vmem_shared>>
        %dma_wait3A_377 = arith.constant 0 : i32
        %dma_wait3A_378 = tpu.memref_slice %arg27[%add3A_370, %dma_wait3A_377] : memref<10240x64xf32, #tpu.memory_space<vmem_shared>> -> memref<128x64xf32, #tpu.memory_space<vmem_shared>>
        tpu.wait_dma2 semaphore(%run_scoped3A : memref<!tpu.dma_semaphore, #tpu.memory_space<semaphore_mem>>) src(%arg14 : memref<128x64xf32, #tpu.memory_space<vmem>>) dst(%dma_wait3A_378 : memref<128x64xf32, #tpu.memory_space<vmem_shared>>)
        tpu.yield
      }) : () -> ()
      "tpu.region"() ({
        %run_scoped3A = tpu.sem_alloc : memref<!tpu.dma_semaphore, #tpu.memory_space<semaphore_mem>>
        %dma_start3A_371 = arith.constant 0 : i32
        %dma_start3A_372 = tpu.memref_slice %arg28[%add3A_370, %dma_start3A_371] : memref<10240x16xf32, #tpu.memory_space<vmem_shared>> -> memref<128x16xf32, #tpu.memory_space<vmem_shared>>
        %dma_start3A_373 = arith.constant 0 : i32
        %dma_start3A_374 = tpu.memref_slice %arg28[%add3A_370, %dma_start3A_373] : memref<10240x16xf32, #tpu.memory_space<vmem_shared>> -> memref<128x16xf32, #tpu.memory_space<vmem_shared>>
        tpu.enqueue_dma source(%arg13 : memref<128x16xf32, #tpu.memory_space<vmem>>) target(%dma_start3A_374 : memref<128x16xf32, #tpu.memory_space<vmem_shared>>) target_semaphore(%run_scoped3A : memref<!tpu.dma_semaphore, #tpu.memory_space<semaphore_mem>>)
        %dma_wait3A_375 = arith.constant 0 : i32
        %dma_wait3A_376 = tpu.memref_slice %arg28[%add3A_370, %dma_wait3A_375] : memref<10240x16xf32, #tpu.memory_space<vmem_shared>> -> memref<128x16xf32, #tpu.memory_space<vmem_shared>>
        %dma_wait3A_377 = arith.constant 0 : i32
        %dma_wait3A_378 = tpu.memref_slice %arg28[%add3A_370, %dma_wait3A_377] : memref<10240x16xf32, #tpu.memory_space<vmem_shared>> -> memref<128x16xf32, #tpu.memory_space<vmem_shared>>
        tpu.wait_dma2 semaphore(%run_scoped3A : memref<!tpu.dma_semaphore, #tpu.memory_space<semaphore_mem>>) src(%arg13 : memref<128x16xf32, #tpu.memory_space<vmem>>) dst(%dma_wait3A_378 : memref<128x16xf32, #tpu.memory_space<vmem_shared>>)
        tpu.yield
      }) : () -> ()
    }
    %scan3A_11 = arith.constant 5 : i32
    %barrier3A = arith.constant 0 : index
    tpu.barrier barrier_id(%barrier3A)
    %mul3A = arith.constant 2 : i32
    %mul3A_12 = arith.muli %arg1, %mul3A : i32
    %mul3A_13 = arith.constant 160 : i32
    %mul3A_14 = arith.muli %mul3A_12, %mul3A_13 : i32
    "tpu.region"() ({
      %run_scoped3A = tpu.sem_alloc : memref<!tpu.dma_semaphore, #tpu.memory_space<semaphore_mem>>
      %dma_start3A_362 = arith.constant 0 : i32
      %dma_start3A_363 = tpu.memref_slice %arg3[%mul3A_14, %dma_start3A_362] : memref<5120x64xi32, #tpu.memory_space<hbm>> -> memref<320x64xi32, #tpu.memory_space<hbm>>
      %dma_start3A_364 = arith.constant 0 : i32
      %dma_start3A_365 = tpu.memref_slice %arg3[%mul3A_14, %dma_start3A_364] : memref<5120x64xi32, #tpu.memory_space<hbm>> -> memref<320x64xi32, #tpu.memory_space<hbm>>
      tpu.enqueue_dma source(%dma_start3A_365 : memref<320x64xi32, #tpu.memory_space<hbm>>) target(%arg7 : memref<320x64xi32, #tpu.memory_space<vmem>>) target_semaphore(%run_scoped3A : memref<!tpu.dma_semaphore, #tpu.memory_space<semaphore_mem>>)
      %dma_wait3A_366 = arith.constant 0 : i32
      %dma_wait3A_367 = tpu.memref_slice %arg3[%mul3A_14, %dma_wait3A_366] : memref<5120x64xi32, #tpu.memory_space<hbm>> -> memref<320x64xi32, #tpu.memory_space<hbm>>
      %dma_wait3A_368 = arith.constant 0 : i32
      %dma_wait3A_369 = tpu.memref_slice %arg3[%mul3A_14, %dma_wait3A_368] : memref<5120x64xi32, #tpu.memory_space<hbm>> -> memref<320x64xi32, #tpu.memory_space<hbm>>
      tpu.wait_dma2 semaphore(%run_scoped3A : memref<!tpu.dma_semaphore, #tpu.memory_space<semaphore_mem>>) src(%dma_wait3A_369 : memref<320x64xi32, #tpu.memory_space<hbm>>) dst(%arg7 : memref<320x64xi32, #tpu.memory_space<vmem>>)
      tpu.yield
    }) : () -> ()
    %mul3A_15 = arith.constant 160 : i32
    %mul3A_16 = arith.muli %arg1, %mul3A_15 : i32
    "tpu.region"() ({
      %run_scoped3A = tpu.sem_alloc : memref<!tpu.dma_semaphore, #tpu.memory_space<semaphore_mem>>
      %dma_start3A_362 = arith.constant 0 : i32
      %dma_start3A_363 = tpu.memref_slice %arg4[%mul3A_16, %dma_start3A_362] : memref<2560x128xi32, #tpu.memory_space<hbm>> -> memref<160x128xi32, #tpu.memory_space<hbm>>
      %dma_start3A_364 = arith.constant 0 : i32
      %dma_start3A_365 = tpu.memref_slice %arg4[%mul3A_16, %dma_start3A_364] : memref<2560x128xi32, #tpu.memory_space<hbm>> -> memref<160x128xi32, #tpu.memory_space<hbm>>
      tpu.enqueue_dma source(%dma_start3A_365 : memref<160x128xi32, #tpu.memory_space<hbm>>) target(%arg8 : memref<160x128xi32, #tpu.memory_space<vmem>>) target_semaphore(%run_scoped3A : memref<!tpu.dma_semaphore, #tpu.memory_space<semaphore_mem>>)
      %dma_wait3A_366 = arith.constant 0 : i32
      %dma_wait3A_367 = tpu.memref_slice %arg4[%mul3A_16, %dma_wait3A_366] : memref<2560x128xi32, #tpu.memory_space<hbm>> -> memref<160x128xi32, #tpu.memory_space<hbm>>
      %dma_wait3A_368 = arith.constant 0 : i32
      %dma_wait3A_369 = tpu.memref_slice %arg4[%mul3A_16, %dma_wait3A_368] : memref<2560x128xi32, #tpu.memory_space<hbm>> -> memref<160x128xi32, #tpu.memory_space<hbm>>
      tpu.wait_dma2 semaphore(%run_scoped3A : memref<!tpu.dma_semaphore, #tpu.memory_space<semaphore_mem>>) src(%dma_wait3A_369 : memref<160x128xi32, #tpu.memory_space<hbm>>) dst(%arg8 : memref<160x128xi32, #tpu.memory_space<vmem>>)
      tpu.yield
    }) : () -> ()
    %dma_start3A = arith.constant 0 : i32
    %dma_start3A_17 = arith.constant 0 : i32
    %dma_start3A_18 = arith.constant 0 : i32
    %dma_start3A_19 = tpu.memref_slice %arg9[%dma_start3A_17, %dma_start3A_18] : memref<128x64xf32, #tpu.memory_space<vmem>> -> memref<64x64xf32, #tpu.memory_space<vmem>>
    %dma_start3A_20 = arith.constant 0 : i32
    %dma_start3A_21 = tpu.memref_slice %arg7[%dma_start3A, %dma_start3A_20] : memref<320x64xi32, #tpu.memory_space<vmem>> -> memref<1x64xi32, #tpu.memory_space<vmem>>
    %dma_start3A_22 = tpu.memref_squeeze %dma_start3A_21 : memref<1x64xi32, #tpu.memory_space<vmem>> -> memref<64xi32, #tpu.memory_space<vmem>>
    %dma_start3A_23 = arith.constant 0 : i32
    %dma_start3A_24 = arith.constant 0 : i32
    %dma_start3A_25 = tpu.memref_slice %arg2[%arg0, %dma_start3A_23, %dma_start3A_24] : memref<2x10000x64xf32, #tpu.memory_space<hbm>> -> memref<1x10000x64xf32, #tpu.memory_space<hbm>>
    %dma_start3A_26 = tpu.memref_squeeze %dma_start3A_25 : memref<1x10000x64xf32, #tpu.memory_space<hbm>> -> memref<10000x64xf32, #tpu.memory_space<hbm>>
    %dma_start3A_27 = arith.constant 0 : i32
    %dma_start3A_28 = arith.constant 0 : i32
    %dma_start3A_29 = tpu.memref_slice %dma_start3A_26[%dma_start3A_27, %dma_start3A_28] : memref<10000x64xf32, #tpu.memory_space<hbm>> -> memref<10000x64xf32, #tpu.memory_space<hbm>>
    tpu.enqueue_indirect_dma source(%dma_start3A_29 : memref<10000x64xf32, #tpu.memory_space<hbm>>) target(%dma_start3A_19 : memref<64x64xf32, #tpu.memory_space<vmem>>) offsets(%dma_start3A_22 : memref<64xi32, #tpu.memory_space<vmem>>) semaphore(%arg15 : memref<!tpu.dma_semaphore, #tpu.memory_space<semaphore_mem>>)
    %dma_start3A_30 = arith.constant 1 : i32
    %dma_start3A_31 = arith.constant 64 : i32
    %dma_start3A_32 = arith.constant 0 : i32
    %dma_start3A_33 = tpu.memref_slice %arg9[%dma_start3A_31, %dma_start3A_32] : memref<128x64xf32, #tpu.memory_space<vmem>> -> memref<64x64xf32, #tpu.memory_space<vmem>>
    %dma_start3A_34 = arith.constant 0 : i32
    %dma_start3A_35 = tpu.memref_slice %arg7[%dma_start3A_30, %dma_start3A_34] : memref<320x64xi32, #tpu.memory_space<vmem>> -> memref<1x64xi32, #tpu.memory_space<vmem>>
    %dma_start3A_36 = tpu.memref_squeeze %dma_start3A_35 : memref<1x64xi32, #tpu.memory_space<vmem>> -> memref<64xi32, #tpu.memory_space<vmem>>
    %dma_start3A_37 = arith.constant 0 : i32
    %dma_start3A_38 = arith.constant 0 : i32
    %dma_start3A_39 = tpu.memref_slice %arg2[%arg0, %dma_start3A_37, %dma_start3A_38] : memref<2x10000x64xf32, #tpu.memory_space<hbm>> -> memref<1x10000x64xf32, #tpu.memory_space<hbm>>
    %dma_start3A_40 = tpu.memref_squeeze %dma_start3A_39 : memref<1x10000x64xf32, #tpu.memory_space<hbm>> -> memref<10000x64xf32, #tpu.memory_space<hbm>>
    %dma_start3A_41 = arith.constant 0 : i32
    %dma_start3A_42 = arith.constant 0 : i32
    %dma_start3A_43 = tpu.memref_slice %dma_start3A_40[%dma_start3A_41, %dma_start3A_42] : memref<10000x64xf32, #tpu.memory_space<hbm>> -> memref<10000x64xf32, #tpu.memory_space<hbm>>
    tpu.enqueue_indirect_dma source(%dma_start3A_43 : memref<10000x64xf32, #tpu.memory_space<hbm>>) target(%dma_start3A_33 : memref<64x64xf32, #tpu.memory_space<vmem>>) offsets(%dma_start3A_36 : memref<64xi32, #tpu.memory_space<vmem>>) semaphore(%arg18 : memref<!tpu.dma_semaphore, #tpu.memory_space<semaphore_mem>>)
    %dma_start3A_44 = arith.constant 2 : i32
    %dma_start3A_45 = arith.constant 0 : i32
    %dma_start3A_46 = arith.constant 0 : i32
    %dma_start3A_47 = tpu.memref_slice %arg10[%dma_start3A_45, %dma_start3A_46] : memref<128x64xf32, #tpu.memory_space<vmem>> -> memref<64x64xf32, #tpu.memory_space<vmem>>
    %dma_start3A_48 = arith.constant 0 : i32
    %dma_start3A_49 = tpu.memref_slice %arg7[%dma_start3A_44, %dma_start3A_48] : memref<320x64xi32, #tpu.memory_space<vmem>> -> memref<1x64xi32, #tpu.memory_space<vmem>>
    %dma_start3A_50 = tpu.memref_squeeze %dma_start3A_49 : memref<1x64xi32, #tpu.memory_space<vmem>> -> memref<64xi32, #tpu.memory_space<vmem>>
    %dma_start3A_51 = arith.constant 0 : i32
    %dma_start3A_52 = arith.constant 0 : i32
    %dma_start3A_53 = tpu.memref_slice %arg2[%arg0, %dma_start3A_51, %dma_start3A_52] : memref<2x10000x64xf32, #tpu.memory_space<hbm>> -> memref<1x10000x64xf32, #tpu.memory_space<hbm>>
    %dma_start3A_54 = tpu.memref_squeeze %dma_start3A_53 : memref<1x10000x64xf32, #tpu.memory_space<hbm>> -> memref<10000x64xf32, #tpu.memory_space<hbm>>
    %dma_start3A_55 = arith.constant 0 : i32
    %dma_start3A_56 = arith.constant 0 : i32
    %dma_start3A_57 = tpu.memref_slice %dma_start3A_54[%dma_start3A_55, %dma_start3A_56] : memref<10000x64xf32, #tpu.memory_space<hbm>> -> memref<10000x64xf32, #tpu.memory_space<hbm>>
    tpu.enqueue_indirect_dma source(%dma_start3A_57 : memref<10000x64xf32, #tpu.memory_space<hbm>>) target(%dma_start3A_47 : memref<64x64xf32, #tpu.memory_space<vmem>>) offsets(%dma_start3A_50 : memref<64xi32, #tpu.memory_space<vmem>>) semaphore(%arg16 : memref<!tpu.dma_semaphore, #tpu.memory_space<semaphore_mem>>)
    %dma_start3A_58 = arith.constant 3 : i32
    %dma_start3A_59 = arith.constant 64 : i32
    %dma_start3A_60 = arith.constant 0 : i32
    %dma_start3A_61 = tpu.memref_slice %arg10[%dma_start3A_59, %dma_start3A_60] : memref<128x64xf32, #tpu.memory_space<vmem>> -> memref<64x64xf32, #tpu.memory_space<vmem>>
    %dma_start3A_62 = arith.constant 0 : i32
    %dma_start3A_63 = tpu.memref_slice %arg7[%dma_start3A_58, %dma_start3A_62] : memref<320x64xi32, #tpu.memory_space<vmem>> -> memref<1x64xi32, #tpu.memory_space<vmem>>
    %dma_start3A_64 = tpu.memref_squeeze %dma_start3A_63 : memref<1x64xi32, #tpu.memory_space<vmem>> -> memref<64xi32, #tpu.memory_space<vmem>>
    %dma_start3A_65 = arith.constant 0 : i32
    %dma_start3A_66 = arith.constant 0 : i32
    %dma_start3A_67 = tpu.memref_slice %arg2[%arg0, %dma_start3A_65, %dma_start3A_66] : memref<2x10000x64xf32, #tpu.memory_space<hbm>> -> memref<1x10000x64xf32, #tpu.memory_space<hbm>>
    %dma_start3A_68 = tpu.memref_squeeze %dma_start3A_67 : memref<1x10000x64xf32, #tpu.memory_space<hbm>> -> memref<10000x64xf32, #tpu.memory_space<hbm>>
    %dma_start3A_69 = arith.constant 0 : i32
    %dma_start3A_70 = arith.constant 0 : i32
    %dma_start3A_71 = tpu.memref_slice %dma_start3A_68[%dma_start3A_69, %dma_start3A_70] : memref<10000x64xf32, #tpu.memory_space<hbm>> -> memref<10000x64xf32, #tpu.memory_space<hbm>>
    tpu.enqueue_indirect_dma source(%dma_start3A_71 : memref<10000x64xf32, #tpu.memory_space<hbm>>) target(%dma_start3A_61 : memref<64x64xf32, #tpu.memory_space<vmem>>) offsets(%dma_start3A_64 : memref<64xi32, #tpu.memory_space<vmem>>) semaphore(%arg19 : memref<!tpu.dma_semaphore, #tpu.memory_space<semaphore_mem>>)
    %dma_wait3A = arith.constant 0 : i32
    %dma_wait3A_72 = arith.constant 0 : i32
    %dma_wait3A_73 = arith.constant 0 : i32
    %dma_wait3A_74 = tpu.memref_slice %arg9[%dma_wait3A_72, %dma_wait3A_73] : memref<128x64xf32, #tpu.memory_space<vmem>> -> memref<64x64xf32, #tpu.memory_space<vmem>>
    %dma_wait3A_75 = arith.constant 0 : i32
    %dma_wait3A_76 = tpu.memref_slice %arg7[%dma_wait3A, %dma_wait3A_75] : memref<320x64xi32, #tpu.memory_space<vmem>> -> memref<1x64xi32, #tpu.memory_space<vmem>>
    %dma_wait3A_77 = tpu.memref_squeeze %dma_wait3A_76 : memref<1x64xi32, #tpu.memory_space<vmem>> -> memref<64xi32, #tpu.memory_space<vmem>>
    %dma_wait3A_78 = arith.constant 0 : i32
    %dma_wait3A_79 = arith.constant 0 : i32
    %dma_wait3A_80 = tpu.memref_slice %arg2[%arg0, %dma_wait3A_78, %dma_wait3A_79] : memref<2x10000x64xf32, #tpu.memory_space<hbm>> -> memref<1x10000x64xf32, #tpu.memory_space<hbm>>
    %dma_wait3A_81 = tpu.memref_squeeze %dma_wait3A_80 : memref<1x10000x64xf32, #tpu.memory_space<hbm>> -> memref<10000x64xf32, #tpu.memory_space<hbm>>
    %dma_wait3A_82 = arith.constant 0 : i32
    %dma_wait3A_83 = arith.constant 0 : i32
    %dma_wait3A_84 = tpu.memref_slice %dma_wait3A_81[%dma_wait3A_82, %dma_wait3A_83] : memref<10000x64xf32, #tpu.memory_space<hbm>> -> memref<10000x64xf32, #tpu.memory_space<hbm>>
    tpu.wait_indirect_dma semaphore(%arg15 : memref<!tpu.dma_semaphore, #tpu.memory_space<semaphore_mem>>) src(%dma_wait3A_84 : memref<10000x64xf32, #tpu.memory_space<hbm>>) dst(%dma_wait3A_74 : memref<64x64xf32, #tpu.memory_space<vmem>>)
    %dma_wait3A_85 = arith.constant 1 : i32
    %dma_wait3A_86 = arith.constant 64 : i32
    %dma_wait3A_87 = arith.constant 0 : i32
    %dma_wait3A_88 = tpu.memref_slice %arg9[%dma_wait3A_86, %dma_wait3A_87] : memref<128x64xf32, #tpu.memory_space<vmem>> -> memref<64x64xf32, #tpu.memory_space<vmem>>
    %dma_wait3A_89 = arith.constant 0 : i32
    %dma_wait3A_90 = tpu.memref_slice %arg7[%dma_wait3A_85, %dma_wait3A_89] : memref<320x64xi32, #tpu.memory_space<vmem>> -> memref<1x64xi32, #tpu.memory_space<vmem>>
    %dma_wait3A_91 = tpu.memref_squeeze %dma_wait3A_90 : memref<1x64xi32, #tpu.memory_space<vmem>> -> memref<64xi32, #tpu.memory_space<vmem>>
    %dma_wait3A_92 = arith.constant 0 : i32
    %dma_wait3A_93 = arith.constant 0 : i32
    %dma_wait3A_94 = tpu.memref_slice %arg2[%arg0, %dma_wait3A_92, %dma_wait3A_93] : memref<2x10000x64xf32, #tpu.memory_space<hbm>> -> memref<1x10000x64xf32, #tpu.memory_space<hbm>>
    %dma_wait3A_95 = tpu.memref_squeeze %dma_wait3A_94 : memref<1x10000x64xf32, #tpu.memory_space<hbm>> -> memref<10000x64xf32, #tpu.memory_space<hbm>>
    %dma_wait3A_96 = arith.constant 0 : i32
    %dma_wait3A_97 = arith.constant 0 : i32
    %dma_wait3A_98 = tpu.memref_slice %dma_wait3A_95[%dma_wait3A_96, %dma_wait3A_97] : memref<10000x64xf32, #tpu.memory_space<hbm>> -> memref<10000x64xf32, #tpu.memory_space<hbm>>
    tpu.wait_indirect_dma semaphore(%arg18 : memref<!tpu.dma_semaphore, #tpu.memory_space<semaphore_mem>>) src(%dma_wait3A_98 : memref<10000x64xf32, #tpu.memory_space<hbm>>) dst(%dma_wait3A_88 : memref<64x64xf32, #tpu.memory_space<vmem>>)
    %dma_start3A_99 = arith.constant 0 : i32
    %dma_start3A_100 = arith.constant 0 : i32
    %dma_start3A_101 = tpu.memref_slice %arg8[%dma_start3A_99, %dma_start3A_100] : memref<160x128xi32, #tpu.memory_space<vmem>> -> memref<1x128xi32, #tpu.memory_space<vmem>>
    %dma_start3A_102 = tpu.memref_squeeze %dma_start3A_101 : memref<1x128xi32, #tpu.memory_space<vmem>> -> memref<128xi32, #tpu.memory_space<vmem>>
    %dma_start3A_103 = arith.constant 0 : i32
    %dma_start3A_104 = arith.constant 0 : i32
    %dma_start3A_105 = tpu.memref_slice %arg27[%dma_start3A_103, %dma_start3A_104] : memref<10240x64xf32, #tpu.memory_space<vmem_shared>> -> memref<10240x64xf32, #tpu.memory_space<vmem_shared>>
    tpu.enqueue_indirect_dma source(%arg9 : memref<128x64xf32, #tpu.memory_space<vmem>>) target(%dma_start3A_105 : memref<10240x64xf32, #tpu.memory_space<vmem_shared>>) offsets(%dma_start3A_102 : memref<128xi32, #tpu.memory_space<vmem>>) semaphore(%arg21 : memref<!tpu.dma_semaphore, #tpu.memory_space<semaphore_mem>>) {add = true}
    %dma_start3A_106 = arith.constant 0 : i32
    %dma_start3A_107 = arith.constant 0 : i32
    %dma_start3A_108 = tpu.memref_slice %arg8[%dma_start3A_106, %dma_start3A_107] : memref<160x128xi32, #tpu.memory_space<vmem>> -> memref<1x128xi32, #tpu.memory_space<vmem>>
    %dma_start3A_109 = tpu.memref_squeeze %dma_start3A_108 : memref<1x128xi32, #tpu.memory_space<vmem>> -> memref<128xi32, #tpu.memory_space<vmem>>
    %dma_start3A_110 = arith.constant 0 : i32
    %dma_start3A_111 = arith.constant 0 : i32
    %dma_start3A_112 = tpu.memref_slice %arg28[%dma_start3A_110, %dma_start3A_111] : memref<10240x16xf32, #tpu.memory_space<vmem_shared>> -> memref<10240x16xf32, #tpu.memory_space<vmem_shared>>
    tpu.enqueue_indirect_dma source(%arg12 : memref<128x16xf32, #tpu.memory_space<vmem>>) target(%dma_start3A_112 : memref<10240x16xf32, #tpu.memory_space<vmem_shared>>) offsets(%dma_start3A_109 : memref<128xi32, #tpu.memory_space<vmem>>) semaphore(%arg24 : memref<!tpu.dma_semaphore, #tpu.memory_space<semaphore_mem>>) {add = true}
    %dma_start3A_113 = arith.constant 4 : i32
    %dma_start3A_114 = arith.constant 0 : i32
    %dma_start3A_115 = arith.constant 0 : i32
    %dma_start3A_116 = tpu.memref_slice %arg11[%dma_start3A_114, %dma_start3A_115] : memref<128x64xf32, #tpu.memory_space<vmem>> -> memref<64x64xf32, #tpu.memory_space<vmem>>
    %dma_start3A_117 = arith.constant 0 : i32
    %dma_start3A_118 = tpu.memref_slice %arg7[%dma_start3A_113, %dma_start3A_117] : memref<320x64xi32, #tpu.memory_space<vmem>> -> memref<1x64xi32, #tpu.memory_space<vmem>>
    %dma_start3A_119 = tpu.memref_squeeze %dma_start3A_118 : memref<1x64xi32, #tpu.memory_space<vmem>> -> memref<64xi32, #tpu.memory_space<vmem>>
    %dma_start3A_120 = arith.constant 0 : i32
    %dma_start3A_121 = arith.constant 0 : i32
    %dma_start3A_122 = tpu.memref_slice %arg2[%arg0, %dma_start3A_120, %dma_start3A_121] : memref<2x10000x64xf32, #tpu.memory_space<hbm>> -> memref<1x10000x64xf32, #tpu.memory_space<hbm>>
    %dma_start3A_123 = tpu.memref_squeeze %dma_start3A_122 : memref<1x10000x64xf32, #tpu.memory_space<hbm>> -> memref<10000x64xf32, #tpu.memory_space<hbm>>
    %dma_start3A_124 = arith.constant 0 : i32
    %dma_start3A_125 = arith.constant 0 : i32
    %dma_start3A_126 = tpu.memref_slice %dma_start3A_123[%dma_start3A_124, %dma_start3A_125] : memref<10000x64xf32, #tpu.memory_space<hbm>> -> memref<10000x64xf32, #tpu.memory_space<hbm>>
    tpu.enqueue_indirect_dma source(%dma_start3A_126 : memref<10000x64xf32, #tpu.memory_space<hbm>>) target(%dma_start3A_116 : memref<64x64xf32, #tpu.memory_space<vmem>>) offsets(%dma_start3A_119 : memref<64xi32, #tpu.memory_space<vmem>>) semaphore(%arg17 : memref<!tpu.dma_semaphore, #tpu.memory_space<semaphore_mem>>)
    %dma_start3A_127 = arith.constant 5 : i32
    %dma_start3A_128 = arith.constant 64 : i32
    %dma_start3A_129 = arith.constant 0 : i32
    %dma_start3A_130 = tpu.memref_slice %arg11[%dma_start3A_128, %dma_start3A_129] : memref<128x64xf32, #tpu.memory_space<vmem>> -> memref<64x64xf32, #tpu.memory_space<vmem>>
    %dma_start3A_131 = arith.constant 0 : i32
    %dma_start3A_132 = tpu.memref_slice %arg7[%dma_start3A_127, %dma_start3A_131] : memref<320x64xi32, #tpu.memory_space<vmem>> -> memref<1x64xi32, #tpu.memory_space<vmem>>
    %dma_start3A_133 = tpu.memref_squeeze %dma_start3A_132 : memref<1x64xi32, #tpu.memory_space<vmem>> -> memref<64xi32, #tpu.memory_space<vmem>>
    %dma_start3A_134 = arith.constant 0 : i32
    %dma_start3A_135 = arith.constant 0 : i32
    %dma_start3A_136 = tpu.memref_slice %arg2[%arg0, %dma_start3A_134, %dma_start3A_135] : memref<2x10000x64xf32, #tpu.memory_space<hbm>> -> memref<1x10000x64xf32, #tpu.memory_space<hbm>>
    %dma_start3A_137 = tpu.memref_squeeze %dma_start3A_136 : memref<1x10000x64xf32, #tpu.memory_space<hbm>> -> memref<10000x64xf32, #tpu.memory_space<hbm>>
    %dma_start3A_138 = arith.constant 0 : i32
    %dma_start3A_139 = arith.constant 0 : i32
    %dma_start3A_140 = tpu.memref_slice %dma_start3A_137[%dma_start3A_138, %dma_start3A_139] : memref<10000x64xf32, #tpu.memory_space<hbm>> -> memref<10000x64xf32, #tpu.memory_space<hbm>>
    tpu.enqueue_indirect_dma source(%dma_start3A_140 : memref<10000x64xf32, #tpu.memory_space<hbm>>) target(%dma_start3A_130 : memref<64x64xf32, #tpu.memory_space<vmem>>) offsets(%dma_start3A_133 : memref<64xi32, #tpu.memory_space<vmem>>) semaphore(%arg20 : memref<!tpu.dma_semaphore, #tpu.memory_space<semaphore_mem>>)
    %dma_wait3A_141 = arith.constant 2 : i32
    %dma_wait3A_142 = arith.constant 0 : i32
    %dma_wait3A_143 = arith.constant 0 : i32
    %dma_wait3A_144 = tpu.memref_slice %arg10[%dma_wait3A_142, %dma_wait3A_143] : memref<128x64xf32, #tpu.memory_space<vmem>> -> memref<64x64xf32, #tpu.memory_space<vmem>>
    %dma_wait3A_145 = arith.constant 0 : i32
    %dma_wait3A_146 = tpu.memref_slice %arg7[%dma_wait3A_141, %dma_wait3A_145] : memref<320x64xi32, #tpu.memory_space<vmem>> -> memref<1x64xi32, #tpu.memory_space<vmem>>
    %dma_wait3A_147 = tpu.memref_squeeze %dma_wait3A_146 : memref<1x64xi32, #tpu.memory_space<vmem>> -> memref<64xi32, #tpu.memory_space<vmem>>
    %dma_wait3A_148 = arith.constant 0 : i32
    %dma_wait3A_149 = arith.constant 0 : i32
    %dma_wait3A_150 = tpu.memref_slice %arg2[%arg0, %dma_wait3A_148, %dma_wait3A_149] : memref<2x10000x64xf32, #tpu.memory_space<hbm>> -> memref<1x10000x64xf32, #tpu.memory_space<hbm>>
    %dma_wait3A_151 = tpu.memref_squeeze %dma_wait3A_150 : memref<1x10000x64xf32, #tpu.memory_space<hbm>> -> memref<10000x64xf32, #tpu.memory_space<hbm>>
    %dma_wait3A_152 = arith.constant 0 : i32
    %dma_wait3A_153 = arith.constant 0 : i32
    %dma_wait3A_154 = tpu.memref_slice %dma_wait3A_151[%dma_wait3A_152, %dma_wait3A_153] : memref<10000x64xf32, #tpu.memory_space<hbm>> -> memref<10000x64xf32, #tpu.memory_space<hbm>>
    tpu.wait_indirect_dma semaphore(%arg16 : memref<!tpu.dma_semaphore, #tpu.memory_space<semaphore_mem>>) src(%dma_wait3A_154 : memref<10000x64xf32, #tpu.memory_space<hbm>>) dst(%dma_wait3A_144 : memref<64x64xf32, #tpu.memory_space<vmem>>)
    %dma_wait3A_155 = arith.constant 3 : i32
    %dma_wait3A_156 = arith.constant 64 : i32
    %dma_wait3A_157 = arith.constant 0 : i32
    %dma_wait3A_158 = tpu.memref_slice %arg10[%dma_wait3A_156, %dma_wait3A_157] : memref<128x64xf32, #tpu.memory_space<vmem>> -> memref<64x64xf32, #tpu.memory_space<vmem>>
    %dma_wait3A_159 = arith.constant 0 : i32
    %dma_wait3A_160 = tpu.memref_slice %arg7[%dma_wait3A_155, %dma_wait3A_159] : memref<320x64xi32, #tpu.memory_space<vmem>> -> memref<1x64xi32, #tpu.memory_space<vmem>>
    %dma_wait3A_161 = tpu.memref_squeeze %dma_wait3A_160 : memref<1x64xi32, #tpu.memory_space<vmem>> -> memref<64xi32, #tpu.memory_space<vmem>>
    %dma_wait3A_162 = arith.constant 0 : i32
    %dma_wait3A_163 = arith.constant 0 : i32
    %dma_wait3A_164 = tpu.memref_slice %arg2[%arg0, %dma_wait3A_162, %dma_wait3A_163] : memref<2x10000x64xf32, #tpu.memory_space<hbm>> -> memref<1x10000x64xf32, #tpu.memory_space<hbm>>
    %dma_wait3A_165 = tpu.memref_squeeze %dma_wait3A_164 : memref<1x10000x64xf32, #tpu.memory_space<hbm>> -> memref<10000x64xf32, #tpu.memory_space<hbm>>
    %dma_wait3A_166 = arith.constant 0 : i32
    %dma_wait3A_167 = arith.constant 0 : i32
    %dma_wait3A_168 = tpu.memref_slice %dma_wait3A_165[%dma_wait3A_166, %dma_wait3A_167] : memref<10000x64xf32, #tpu.memory_space<hbm>> -> memref<10000x64xf32, #tpu.memory_space<hbm>>
    tpu.wait_indirect_dma semaphore(%arg19 : memref<!tpu.dma_semaphore, #tpu.memory_space<semaphore_mem>>) src(%dma_wait3A_168 : memref<10000x64xf32, #tpu.memory_space<hbm>>) dst(%dma_wait3A_158 : memref<64x64xf32, #tpu.memory_space<vmem>>)
    %dma_start3A_169 = arith.constant 1 : i32
    %dma_start3A_170 = arith.constant 0 : i32
    %dma_start3A_171 = tpu.memref_slice %arg8[%dma_start3A_169, %dma_start3A_170] : memref<160x128xi32, #tpu.memory_space<vmem>> -> memref<1x128xi32, #tpu.memory_space<vmem>>
    %dma_start3A_172 = tpu.memref_squeeze %dma_start3A_171 : memref<1x128xi32, #tpu.memory_space<vmem>> -> memref<128xi32, #tpu.memory_space<vmem>>
    %dma_start3A_173 = arith.constant 0 : i32
    %dma_start3A_174 = arith.constant 0 : i32
    %dma_start3A_175 = tpu.memref_slice %arg27[%dma_start3A_173, %dma_start3A_174] : memref<10240x64xf32, #tpu.memory_space<vmem_shared>> -> memref<10240x64xf32, #tpu.memory_space<vmem_shared>>
    tpu.enqueue_indirect_dma source(%arg10 : memref<128x64xf32, #tpu.memory_space<vmem>>) target(%dma_start3A_175 : memref<10240x64xf32, #tpu.memory_space<vmem_shared>>) offsets(%dma_start3A_172 : memref<128xi32, #tpu.memory_space<vmem>>) semaphore(%arg22 : memref<!tpu.dma_semaphore, #tpu.memory_space<semaphore_mem>>) {add = true}
    %dma_start3A_176 = arith.constant 1 : i32
    %dma_start3A_177 = arith.constant 0 : i32
    %dma_start3A_178 = tpu.memref_slice %arg8[%dma_start3A_176, %dma_start3A_177] : memref<160x128xi32, #tpu.memory_space<vmem>> -> memref<1x128xi32, #tpu.memory_space<vmem>>
    %dma_start3A_179 = tpu.memref_squeeze %dma_start3A_178 : memref<1x128xi32, #tpu.memory_space<vmem>> -> memref<128xi32, #tpu.memory_space<vmem>>
    %dma_start3A_180 = arith.constant 0 : i32
    %dma_start3A_181 = arith.constant 0 : i32
    %dma_start3A_182 = tpu.memref_slice %arg28[%dma_start3A_180, %dma_start3A_181] : memref<10240x16xf32, #tpu.memory_space<vmem_shared>> -> memref<10240x16xf32, #tpu.memory_space<vmem_shared>>
    tpu.enqueue_indirect_dma source(%arg12 : memref<128x16xf32, #tpu.memory_space<vmem>>) target(%dma_start3A_182 : memref<10240x16xf32, #tpu.memory_space<vmem_shared>>) offsets(%dma_start3A_179 : memref<128xi32, #tpu.memory_space<vmem>>) semaphore(%arg25 : memref<!tpu.dma_semaphore, #tpu.memory_space<semaphore_mem>>) {add = true}
    %dma_wait3A_183 = arith.constant 0 : i32
    %dma_wait3A_184 = arith.constant 0 : i32
    %dma_wait3A_185 = tpu.memref_slice %arg8[%dma_wait3A_183, %dma_wait3A_184] : memref<160x128xi32, #tpu.memory_space<vmem>> -> memref<1x128xi32, #tpu.memory_space<vmem>>
    %dma_wait3A_186 = tpu.memref_squeeze %dma_wait3A_185 : memref<1x128xi32, #tpu.memory_space<vmem>> -> memref<128xi32, #tpu.memory_space<vmem>>
    %dma_wait3A_187 = arith.constant 0 : i32
    %dma_wait3A_188 = arith.constant 0 : i32
    %dma_wait3A_189 = tpu.memref_slice %arg27[%dma_wait3A_187, %dma_wait3A_188] : memref<10240x64xf32, #tpu.memory_space<vmem_shared>> -> memref<10240x64xf32, #tpu.memory_space<vmem_shared>>
    tpu.wait_indirect_dma semaphore(%arg21 : memref<!tpu.dma_semaphore, #tpu.memory_space<semaphore_mem>>) src(%arg9 : memref<128x64xf32, #tpu.memory_space<vmem>>) dst(%dma_wait3A_189 : memref<10240x64xf32, #tpu.memory_space<vmem_shared>>)
    %dma_wait3A_190 = arith.constant 0 : i32
    %dma_wait3A_191 = arith.constant 0 : i32
    %dma_wait3A_192 = tpu.memref_slice %arg8[%dma_wait3A_190, %dma_wait3A_191] : memref<160x128xi32, #tpu.memory_space<vmem>> -> memref<1x128xi32, #tpu.memory_space<vmem>>
    %dma_wait3A_193 = tpu.memref_squeeze %dma_wait3A_192 : memref<1x128xi32, #tpu.memory_space<vmem>> -> memref<128xi32, #tpu.memory_space<vmem>>
    %dma_wait3A_194 = arith.constant 0 : i32
    %dma_wait3A_195 = arith.constant 0 : i32
    %dma_wait3A_196 = tpu.memref_slice %arg28[%dma_wait3A_194, %dma_wait3A_195] : memref<10240x16xf32, #tpu.memory_space<vmem_shared>> -> memref<10240x16xf32, #tpu.memory_space<vmem_shared>>
    tpu.wait_indirect_dma semaphore(%arg24 : memref<!tpu.dma_semaphore, #tpu.memory_space<semaphore_mem>>) src(%arg12 : memref<128x16xf32, #tpu.memory_space<vmem>>) dst(%dma_wait3A_196 : memref<10240x16xf32, #tpu.memory_space<vmem_shared>>)
    %dma_start3A_197 = arith.constant 6 : i32
    %dma_start3A_198 = arith.constant 0 : i32
    %dma_start3A_199 = arith.constant 0 : i32
    %dma_start3A_200 = tpu.memref_slice %arg9[%dma_start3A_198, %dma_start3A_199] : memref<128x64xf32, #tpu.memory_space<vmem>> -> memref<64x64xf32, #tpu.memory_space<vmem>>
    %dma_start3A_201 = arith.constant 0 : i32
    %dma_start3A_202 = tpu.memref_slice %arg7[%dma_start3A_197, %dma_start3A_201] : memref<320x64xi32, #tpu.memory_space<vmem>> -> memref<1x64xi32, #tpu.memory_space<vmem>>
    %dma_start3A_203 = tpu.memref_squeeze %dma_start3A_202 : memref<1x64xi32, #tpu.memory_space<vmem>> -> memref<64xi32, #tpu.memory_space<vmem>>
    %dma_start3A_204 = arith.constant 0 : i32
    %dma_start3A_205 = arith.constant 0 : i32
    %dma_start3A_206 = tpu.memref_slice %arg2[%arg0, %dma_start3A_204, %dma_start3A_205] : memref<2x10000x64xf32, #tpu.memory_space<hbm>> -> memref<1x10000x64xf32, #tpu.memory_space<hbm>>
    %dma_start3A_207 = tpu.memref_squeeze %dma_start3A_206 : memref<1x10000x64xf32, #tpu.memory_space<hbm>> -> memref<10000x64xf32, #tpu.memory_space<hbm>>
    %dma_start3A_208 = arith.constant 0 : i32
    %dma_start3A_209 = arith.constant 0 : i32
    %dma_start3A_210 = tpu.memref_slice %dma_start3A_207[%dma_start3A_208, %dma_start3A_209] : memref<10000x64xf32, #tpu.memory_space<hbm>> -> memref<10000x64xf32, #tpu.memory_space<hbm>>
    tpu.enqueue_indirect_dma source(%dma_start3A_210 : memref<10000x64xf32, #tpu.memory_space<hbm>>) target(%dma_start3A_200 : memref<64x64xf32, #tpu.memory_space<vmem>>) offsets(%dma_start3A_203 : memref<64xi32, #tpu.memory_space<vmem>>) semaphore(%arg15 : memref<!tpu.dma_semaphore, #tpu.memory_space<semaphore_mem>>)
    %dma_start3A_211 = arith.constant 7 : i32
    %dma_start3A_212 = arith.constant 64 : i32
    %dma_start3A_213 = arith.constant 0 : i32
    %dma_start3A_214 = tpu.memref_slice %arg9[%dma_start3A_212, %dma_start3A_213] : memref<128x64xf32, #tpu.memory_space<vmem>> -> memref<64x64xf32, #tpu.memory_space<vmem>>
    %dma_start3A_215 = arith.constant 0 : i32
    %dma_start3A_216 = tpu.memref_slice %arg7[%dma_start3A_211, %dma_start3A_215] : memref<320x64xi32, #tpu.memory_space<vmem>> -> memref<1x64xi32, #tpu.memory_space<vmem>>
    %dma_start3A_217 = tpu.memref_squeeze %dma_start3A_216 : memref<1x64xi32, #tpu.memory_space<vmem>> -> memref<64xi32, #tpu.memory_space<vmem>>
    %dma_start3A_218 = arith.constant 0 : i32
    %dma_start3A_219 = arith.constant 0 : i32
    %dma_start3A_220 = tpu.memref_slice %arg2[%arg0, %dma_start3A_218, %dma_start3A_219] : memref<2x10000x64xf32, #tpu.memory_space<hbm>> -> memref<1x10000x64xf32, #tpu.memory_space<hbm>>
    %dma_start3A_221 = tpu.memref_squeeze %dma_start3A_220 : memref<1x10000x64xf32, #tpu.memory_space<hbm>> -> memref<10000x64xf32, #tpu.memory_space<hbm>>
    %dma_start3A_222 = arith.constant 0 : i32
    %dma_start3A_223 = arith.constant 0 : i32
    %dma_start3A_224 = tpu.memref_slice %dma_start3A_221[%dma_start3A_222, %dma_start3A_223] : memref<10000x64xf32, #tpu.memory_space<hbm>> -> memref<10000x64xf32, #tpu.memory_space<hbm>>
    tpu.enqueue_indirect_dma source(%dma_start3A_224 : memref<10000x64xf32, #tpu.memory_space<hbm>>) target(%dma_start3A_214 : memref<64x64xf32, #tpu.memory_space<vmem>>) offsets(%dma_start3A_217 : memref<64xi32, #tpu.memory_space<vmem>>) semaphore(%arg18 : memref<!tpu.dma_semaphore, #tpu.memory_space<semaphore_mem>>)
    %scan3A_225 = arith.constant 0 : i32
    %scan3A_226 = arith.constant 52 : i32
    %scan3A_227 = arith.addi %scan3A_225, %scan3A_226 : i32
    %scan3A_228 = arith.constant 1 : i32
    scf.for %scan3A_362 = %scan3A_225 to %scan3A_227 step %scan3A_228  : i32 {
      %mul3A_363 = arith.constant 1 : i32
      %mul3A_364 = arith.muli %scan3A_362, %mul3A_363 : i32
      %add3A = arith.constant 0 : i32
      %add3A_365 = arith.addi %add3A, %mul3A_364 : i32
      %mul3A_366 = arith.constant 3 : i32
      %mul3A_367 = arith.muli %add3A_365, %mul3A_366 : i32
      %add3A_368 = arith.constant 2 : i32
      %add3A_369 = arith.addi %add3A_368, %mul3A_367 : i32
      %add3A_370 = arith.constant 0 : i32
      %add3A_371 = arith.addi %add3A_369, %add3A_370 : i32
      %mul3A_372 = arith.constant 2 : i32
      %mul3A_373 = arith.muli %mul3A_372, %add3A_371 : i32
      %dma_wait3A_374 = arith.constant 0 : i32
      %dma_wait3A_375 = arith.constant 0 : i32
      %dma_wait3A_376 = tpu.memref_slice %arg11[%dma_wait3A_374, %dma_wait3A_375] : memref<128x64xf32, #tpu.memory_space<vmem>> -> memref<64x64xf32, #tpu.memory_space<vmem>>
      %dma_wait3A_377 = arith.constant 0 : i32
      %dma_wait3A_378 = tpu.memref_slice %arg7[%mul3A_373, %dma_wait3A_377] : memref<320x64xi32, #tpu.memory_space<vmem>> -> memref<1x64xi32, #tpu.memory_space<vmem>>
      %dma_wait3A_379 = tpu.memref_squeeze %dma_wait3A_378 : memref<1x64xi32, #tpu.memory_space<vmem>> -> memref<64xi32, #tpu.memory_space<vmem>>
      %dma_wait3A_380 = arith.constant 0 : i32
      %dma_wait3A_381 = arith.constant 0 : i32
      %dma_wait3A_382 = tpu.memref_slice %arg2[%arg0, %dma_wait3A_380, %dma_wait3A_381] : memref<2x10000x64xf32, #tpu.memory_space<hbm>> -> memref<1x10000x64xf32, #tpu.memory_space<hbm>>
      %dma_wait3A_383 = tpu.memref_squeeze %dma_wait3A_382 : memref<1x10000x64xf32, #tpu.memory_space<hbm>> -> memref<10000x64xf32, #tpu.memory_space<hbm>>
      %dma_wait3A_384 = arith.constant 0 : i32
      %dma_wait3A_385 = arith.constant 0 : i32
      %dma_wait3A_386 = tpu.memref_slice %dma_wait3A_383[%dma_wait3A_384, %dma_wait3A_385] : memref<10000x64xf32, #tpu.memory_space<hbm>> -> memref<10000x64xf32, #tpu.memory_space<hbm>>
      tpu.wait_indirect_dma semaphore(%arg17 : memref<!tpu.dma_semaphore, #tpu.memory_space<semaphore_mem>>) src(%dma_wait3A_386 : memref<10000x64xf32, #tpu.memory_space<hbm>>) dst(%dma_wait3A_376 : memref<64x64xf32, #tpu.memory_space<vmem>>)
      %mul3A_387 = arith.constant 2 : i32
      %mul3A_388 = arith.muli %mul3A_387, %add3A_371 : i32
      %add3A_389 = arith.constant 1 : i32
      %add3A_390 = arith.addi %mul3A_388, %add3A_389 : i32
      %dma_wait3A_391 = arith.constant 64 : i32
      %dma_wait3A_392 = arith.constant 0 : i32
      %dma_wait3A_393 = tpu.memref_slice %arg11[%dma_wait3A_391, %dma_wait3A_392] : memref<128x64xf32, #tpu.memory_space<vmem>> -> memref<64x64xf32, #tpu.memory_space<vmem>>
      %dma_wait3A_394 = arith.constant 0 : i32
      %dma_wait3A_395 = tpu.memref_slice %arg7[%add3A_390, %dma_wait3A_394] : memref<320x64xi32, #tpu.memory_space<vmem>> -> memref<1x64xi32, #tpu.memory_space<vmem>>
      %dma_wait3A_396 = tpu.memref_squeeze %dma_wait3A_395 : memref<1x64xi32, #tpu.memory_space<vmem>> -> memref<64xi32, #tpu.memory_space<vmem>>
      %dma_wait3A_397 = arith.constant 0 : i32
      %dma_wait3A_398 = arith.constant 0 : i32
      %dma_wait3A_399 = tpu.memref_slice %arg2[%arg0, %dma_wait3A_397, %dma_wait3A_398] : memref<2x10000x64xf32, #tpu.memory_space<hbm>> -> memref<1x10000x64xf32, #tpu.memory_space<hbm>>
      %dma_wait3A_400 = tpu.memref_squeeze %dma_wait3A_399 : memref<1x10000x64xf32, #tpu.memory_space<hbm>> -> memref<10000x64xf32, #tpu.memory_space<hbm>>
      %dma_wait3A_401 = arith.constant 0 : i32
      %dma_wait3A_402 = arith.constant 0 : i32
      %dma_wait3A_403 = tpu.memref_slice %dma_wait3A_400[%dma_wait3A_401, %dma_wait3A_402] : memref<10000x64xf32, #tpu.memory_space<hbm>> -> memref<10000x64xf32, #tpu.memory_space<hbm>>
      tpu.wait_indirect_dma semaphore(%arg20 : memref<!tpu.dma_semaphore, #tpu.memory_space<semaphore_mem>>) src(%dma_wait3A_403 : memref<10000x64xf32, #tpu.memory_space<hbm>>) dst(%dma_wait3A_393 : memref<64x64xf32, #tpu.memory_space<vmem>>)
      %dma_start3A_404 = arith.constant 0 : i32
      %dma_start3A_405 = tpu.memref_slice %arg8[%add3A_371, %dma_start3A_404] : memref<160x128xi32, #tpu.memory_space<vmem>> -> memref<1x128xi32, #tpu.memory_space<vmem>>
      %dma_start3A_406 = tpu.memref_squeeze %dma_start3A_405 : memref<1x128xi32, #tpu.memory_space<vmem>> -> memref<128xi32, #tpu.memory_space<vmem>>
      %dma_start3A_407 = arith.constant 0 : i32
      %dma_start3A_408 = arith.constant 0 : i32
      %dma_start3A_409 = tpu.memref_slice %arg27[%dma_start3A_407, %dma_start3A_408] : memref<10240x64xf32, #tpu.memory_space<vmem_shared>> -> memref<10240x64xf32, #tpu.memory_space<vmem_shared>>
      tpu.enqueue_indirect_dma source(%arg11 : memref<128x64xf32, #tpu.memory_space<vmem>>) target(%dma_start3A_409 : memref<10240x64xf32, #tpu.memory_space<vmem_shared>>) offsets(%dma_start3A_406 : memref<128xi32, #tpu.memory_space<vmem>>) semaphore(%arg23 : memref<!tpu.dma_semaphore, #tpu.memory_space<semaphore_mem>>) {add = true}
      %dma_start3A_410 = arith.constant 0 : i32
      %dma_start3A_411 = tpu.memref_slice %arg8[%add3A_371, %dma_start3A_410] : memref<160x128xi32, #tpu.memory_space<vmem>> -> memref<1x128xi32, #tpu.memory_space<vmem>>
      %dma_start3A_412 = tpu.memref_squeeze %dma_start3A_411 : memref<1x128xi32, #tpu.memory_space<vmem>> -> memref<128xi32, #tpu.memory_space<vmem>>
      %dma_start3A_413 = arith.constant 0 : i32
      %dma_start3A_414 = arith.constant 0 : i32
      %dma_start3A_415 = tpu.memref_slice %arg28[%dma_start3A_413, %dma_start3A_414] : memref<10240x16xf32, #tpu.memory_space<vmem_shared>> -> memref<10240x16xf32, #tpu.memory_space<vmem_shared>>
      tpu.enqueue_indirect_dma source(%arg12 : memref<128x16xf32, #tpu.memory_space<vmem>>) target(%dma_start3A_415 : memref<10240x16xf32, #tpu.memory_space<vmem_shared>>) offsets(%dma_start3A_412 : memref<128xi32, #tpu.memory_space<vmem>>) semaphore(%arg26 : memref<!tpu.dma_semaphore, #tpu.memory_space<semaphore_mem>>) {add = true}
      %sub3A = arith.constant 1 : i32
      %sub3A_416 = arith.subi %add3A_371, %sub3A : i32
      %dma_wait3A_417 = arith.constant 0 : i32
      %dma_wait3A_418 = tpu.memref_slice %arg8[%sub3A_416, %dma_wait3A_417] : memref<160x128xi32, #tpu.memory_space<vmem>> -> memref<1x128xi32, #tpu.memory_space<vmem>>
      %dma_wait3A_419 = tpu.memref_squeeze %dma_wait3A_418 : memref<1x128xi32, #tpu.memory_space<vmem>> -> memref<128xi32, #tpu.memory_space<vmem>>
      %dma_wait3A_420 = arith.constant 0 : i32
      %dma_wait3A_421 = arith.constant 0 : i32
      %dma_wait3A_422 = tpu.memref_slice %arg27[%dma_wait3A_420, %dma_wait3A_421] : memref<10240x64xf32, #tpu.memory_space<vmem_shared>> -> memref<10240x64xf32, #tpu.memory_space<vmem_shared>>
      tpu.wait_indirect_dma semaphore(%arg22 : memref<!tpu.dma_semaphore, #tpu.memory_space<semaphore_mem>>) src(%arg10 : memref<128x64xf32, #tpu.memory_space<vmem>>) dst(%dma_wait3A_422 : memref<10240x64xf32, #tpu.memory_space<vmem_shared>>)
      %dma_wait3A_423 = arith.constant 0 : i32
      %dma_wait3A_424 = tpu.memref_slice %arg8[%sub3A_416, %dma_wait3A_423] : memref<160x128xi32, #tpu.memory_space<vmem>> -> memref<1x128xi32, #tpu.memory_space<vmem>>
      %dma_wait3A_425 = tpu.memref_squeeze %dma_wait3A_424 : memref<1x128xi32, #tpu.memory_space<vmem>> -> memref<128xi32, #tpu.memory_space<vmem>>
      %dma_wait3A_426 = arith.constant 0 : i32
      %dma_wait3A_427 = arith.constant 0 : i32
      %dma_wait3A_428 = tpu.memref_slice %arg28[%dma_wait3A_426, %dma_wait3A_427] : memref<10240x16xf32, #tpu.memory_space<vmem_shared>> -> memref<10240x16xf32, #tpu.memory_space<vmem_shared>>
      tpu.wait_indirect_dma semaphore(%arg25 : memref<!tpu.dma_semaphore, #tpu.memory_space<semaphore_mem>>) src(%arg12 : memref<128x16xf32, #tpu.memory_space<vmem>>) dst(%dma_wait3A_428 : memref<10240x16xf32, #tpu.memory_space<vmem_shared>>)
      %add3A_429 = arith.constant 2 : i32
      %add3A_430 = arith.addi %add3A_371, %add3A_429 : i32
      %mul3A_431 = arith.constant 2 : i32
      %mul3A_432 = arith.muli %mul3A_431, %add3A_430 : i32
      %dma_start3A_433 = arith.constant 0 : i32
      %dma_start3A_434 = arith.constant 0 : i32
      %dma_start3A_435 = tpu.memref_slice %arg10[%dma_start3A_433, %dma_start3A_434] : memref<128x64xf32, #tpu.memory_space<vmem>> -> memref<64x64xf32, #tpu.memory_space<vmem>>
      %dma_start3A_436 = arith.constant 0 : i32
      %dma_start3A_437 = tpu.memref_slice %arg7[%mul3A_432, %dma_start3A_436] : memref<320x64xi32, #tpu.memory_space<vmem>> -> memref<1x64xi32, #tpu.memory_space<vmem>>
      %dma_start3A_438 = tpu.memref_squeeze %dma_start3A_437 : memref<1x64xi32, #tpu.memory_space<vmem>> -> memref<64xi32, #tpu.memory_space<vmem>>
      %dma_start3A_439 = arith.constant 0 : i32
      %dma_start3A_440 = arith.constant 0 : i32
      %dma_start3A_441 = tpu.memref_slice %arg2[%arg0, %dma_start3A_439, %dma_start3A_440] : memref<2x10000x64xf32, #tpu.memory_space<hbm>> -> memref<1x10000x64xf32, #tpu.memory_space<hbm>>
      %dma_start3A_442 = tpu.memref_squeeze %dma_start3A_441 : memref<1x10000x64xf32, #tpu.memory_space<hbm>> -> memref<10000x64xf32, #tpu.memory_space<hbm>>
      %dma_start3A_443 = arith.constant 0 : i32
      %dma_start3A_444 = arith.constant 0 : i32
      %dma_start3A_445 = tpu.memref_slice %dma_start3A_442[%dma_start3A_443, %dma_start3A_444] : memref<10000x64xf32, #tpu.memory_space<hbm>> -> memref<10000x64xf32, #tpu.memory_space<hbm>>
      tpu.enqueue_indirect_dma source(%dma_start3A_445 : memref<10000x64xf32, #tpu.memory_space<hbm>>) target(%dma_start3A_435 : memref<64x64xf32, #tpu.memory_space<vmem>>) offsets(%dma_start3A_438 : memref<64xi32, #tpu.memory_space<vmem>>) semaphore(%arg16 : memref<!tpu.dma_semaphore, #tpu.memory_space<semaphore_mem>>)
      %mul3A_446 = arith.constant 2 : i32
      %mul3A_447 = arith.muli %mul3A_446, %add3A_430 : i32
      %add3A_448 = arith.constant 1 : i32
      %add3A_449 = arith.addi %mul3A_447, %add3A_448 : i32
      %dma_start3A_450 = arith.constant 64 : i32
      %dma_start3A_451 = arith.constant 0 : i32
      %dma_start3A_452 = tpu.memref_slice %arg10[%dma_start3A_450, %dma_start3A_451] : memref<128x64xf32, #tpu.memory_space<vmem>> -> memref<64x64xf32, #tpu.memory_space<vmem>>
      %dma_start3A_453 = arith.constant 0 : i32
      %dma_start3A_454 = tpu.memref_slice %arg7[%add3A_449, %dma_start3A_453] : memref<320x64xi32, #tpu.memory_space<vmem>> -> memref<1x64xi32, #tpu.memory_space<vmem>>
      %dma_start3A_455 = tpu.memref_squeeze %dma_start3A_454 : memref<1x64xi32, #tpu.memory_space<vmem>> -> memref<64xi32, #tpu.memory_space<vmem>>
      %dma_start3A_456 = arith.constant 0 : i32
      %dma_start3A_457 = arith.constant 0 : i32
      %dma_start3A_458 = tpu.memref_slice %arg2[%arg0, %dma_start3A_456, %dma_start3A_457] : memref<2x10000x64xf32, #tpu.memory_space<hbm>> -> memref<1x10000x64xf32, #tpu.memory_space<hbm>>
      %dma_start3A_459 = tpu.memref_squeeze %dma_start3A_458 : memref<1x10000x64xf32, #tpu.memory_space<hbm>> -> memref<10000x64xf32, #tpu.memory_space<hbm>>
      %dma_start3A_460 = arith.constant 0 : i32
      %dma_start3A_461 = arith.constant 0 : i32
      %dma_start3A_462 = tpu.memref_slice %dma_start3A_459[%dma_start3A_460, %dma_start3A_461] : memref<10000x64xf32, #tpu.memory_space<hbm>> -> memref<10000x64xf32, #tpu.memory_space<hbm>>
      tpu.enqueue_indirect_dma source(%dma_start3A_462 : memref<10000x64xf32, #tpu.memory_space<hbm>>) target(%dma_start3A_452 : memref<64x64xf32, #tpu.memory_space<vmem>>) offsets(%dma_start3A_455 : memref<64xi32, #tpu.memory_space<vmem>>) semaphore(%arg19 : memref<!tpu.dma_semaphore, #tpu.memory_space<semaphore_mem>>)
      %add3A_463 = arith.constant 1 : i32
      %add3A_464 = arith.addi %add3A_369, %add3A_463 : i32
      %mul3A_465 = arith.constant 2 : i32
      %mul3A_466 = arith.muli %mul3A_465, %add3A_464 : i32
      %dma_wait3A_467 = arith.constant 0 : i32
      %dma_wait3A_468 = arith.constant 0 : i32
      %dma_wait3A_469 = tpu.memref_slice %arg9[%dma_wait3A_467, %dma_wait3A_468] : memref<128x64xf32, #tpu.memory_space<vmem>> -> memref<64x64xf32, #tpu.memory_space<vmem>>
      %dma_wait3A_470 = arith.constant 0 : i32
      %dma_wait3A_471 = tpu.memref_slice %arg7[%mul3A_466, %dma_wait3A_470] : memref<320x64xi32, #tpu.memory_space<vmem>> -> memref<1x64xi32, #tpu.memory_space<vmem>>
      %dma_wait3A_472 = tpu.memref_squeeze %dma_wait3A_471 : memref<1x64xi32, #tpu.memory_space<vmem>> -> memref<64xi32, #tpu.memory_space<vmem>>
      %dma_wait3A_473 = arith.constant 0 : i32
      %dma_wait3A_474 = arith.constant 0 : i32
      %dma_wait3A_475 = tpu.memref_slice %arg2[%arg0, %dma_wait3A_473, %dma_wait3A_474] : memref<2x10000x64xf32, #tpu.memory_space<hbm>> -> memref<1x10000x64xf32, #tpu.memory_space<hbm>>
      %dma_wait3A_476 = tpu.memref_squeeze %dma_wait3A_475 : memref<1x10000x64xf32, #tpu.memory_space<hbm>> -> memref<10000x64xf32, #tpu.memory_space<hbm>>
      %dma_wait3A_477 = arith.constant 0 : i32
      %dma_wait3A_478 = arith.constant 0 : i32
      %dma_wait3A_479 = tpu.memref_slice %dma_wait3A_476[%dma_wait3A_477, %dma_wait3A_478] : memref<10000x64xf32, #tpu.memory_space<hbm>> -> memref<10000x64xf32, #tpu.memory_space<hbm>>
      tpu.wait_indirect_dma semaphore(%arg15 : memref<!tpu.dma_semaphore, #tpu.memory_space<semaphore_mem>>) src(%dma_wait3A_479 : memref<10000x64xf32, #tpu.memory_space<hbm>>) dst(%dma_wait3A_469 : memref<64x64xf32, #tpu.memory_space<vmem>>)
      %mul3A_480 = arith.constant 2 : i32
      %mul3A_481 = arith.muli %mul3A_480, %add3A_464 : i32
      %add3A_482 = arith.constant 1 : i32
      %add3A_483 = arith.addi %mul3A_481, %add3A_482 : i32
      %dma_wait3A_484 = arith.constant 64 : i32
      %dma_wait3A_485 = arith.constant 0 : i32
      %dma_wait3A_486 = tpu.memref_slice %arg9[%dma_wait3A_484, %dma_wait3A_485] : memref<128x64xf32, #tpu.memory_space<vmem>> -> memref<64x64xf32, #tpu.memory_space<vmem>>
      %dma_wait3A_487 = arith.constant 0 : i32
      %dma_wait3A_488 = tpu.memref_slice %arg7[%add3A_483, %dma_wait3A_487] : memref<320x64xi32, #tpu.memory_space<vmem>> -> memref<1x64xi32, #tpu.memory_space<vmem>>
      %dma_wait3A_489 = tpu.memref_squeeze %dma_wait3A_488 : memref<1x64xi32, #tpu.memory_space<vmem>> -> memref<64xi32, #tpu.memory_space<vmem>>
      %dma_wait3A_490 = arith.constant 0 : i32
      %dma_wait3A_491 = arith.constant 0 : i32
      %dma_wait3A_492 = tpu.memref_slice %arg2[%arg0, %dma_wait3A_490, %dma_wait3A_491] : memref<2x10000x64xf32, #tpu.memory_space<hbm>> -> memref<1x10000x64xf32, #tpu.memory_space<hbm>>
      %dma_wait3A_493 = tpu.memref_squeeze %dma_wait3A_492 : memref<1x10000x64xf32, #tpu.memory_space<hbm>> -> memref<10000x64xf32, #tpu.memory_space<hbm>>
      %dma_wait3A_494 = arith.constant 0 : i32
      %dma_wait3A_495 = arith.constant 0 : i32
      %dma_wait3A_496 = tpu.memref_slice %dma_wait3A_493[%dma_wait3A_494, %dma_wait3A_495] : memref<10000x64xf32, #tpu.memory_space<hbm>> -> memref<10000x64xf32, #tpu.memory_space<hbm>>
      tpu.wait_indirect_dma semaphore(%arg18 : memref<!tpu.dma_semaphore, #tpu.memory_space<semaphore_mem>>) src(%dma_wait3A_496 : memref<10000x64xf32, #tpu.memory_space<hbm>>) dst(%dma_wait3A_486 : memref<64x64xf32, #tpu.memory_space<vmem>>)
      %dma_start3A_497 = arith.constant 0 : i32
      %dma_start3A_498 = tpu.memref_slice %arg8[%add3A_464, %dma_start3A_497] : memref<160x128xi32, #tpu.memory_space<vmem>> -> memref<1x128xi32, #tpu.memory_space<vmem>>
      %dma_start3A_499 = tpu.memref_squeeze %dma_start3A_498 : memref<1x128xi32, #tpu.memory_space<vmem>> -> memref<128xi32, #tpu.memory_space<vmem>>
      %dma_start3A_500 = arith.constant 0 : i32
      %dma_start3A_501 = arith.constant 0 : i32
      %dma_start3A_502 = tpu.memref_slice %arg27[%dma_start3A_500, %dma_start3A_501] : memref<10240x64xf32, #tpu.memory_space<vmem_shared>> -> memref<10240x64xf32, #tpu.memory_space<vmem_shared>>
      tpu.enqueue_indirect_dma source(%arg9 : memref<128x64xf32, #tpu.memory_space<vmem>>) target(%dma_start3A_502 : memref<10240x64xf32, #tpu.memory_space<vmem_shared>>) offsets(%dma_start3A_499 : memref<128xi32, #tpu.memory_space<vmem>>) semaphore(%arg21 : memref<!tpu.dma_semaphore, #tpu.memory_space<semaphore_mem>>) {add = true}
      %dma_start3A_503 = arith.constant 0 : i32
      %dma_start3A_504 = tpu.memref_slice %arg8[%add3A_464, %dma_start3A_503] : memref<160x128xi32, #tpu.memory_space<vmem>> -> memref<1x128xi32, #tpu.memory_space<vmem>>
      %dma_start3A_505 = tpu.memref_squeeze %dma_start3A_504 : memref<1x128xi32, #tpu.memory_space<vmem>> -> memref<128xi32, #tpu.memory_space<vmem>>
      %dma_start3A_506 = arith.constant 0 : i32
      %dma_start3A_507 = arith.constant 0 : i32
      %dma_start3A_508 = tpu.memref_slice %arg28[%dma_start3A_506, %dma_start3A_507] : memref<10240x16xf32, #tpu.memory_space<vmem_shared>> -> memref<10240x16xf32, #tpu.memory_space<vmem_shared>>
      tpu.enqueue_indirect_dma source(%arg12 : memref<128x16xf32, #tpu.memory_space<vmem>>) target(%dma_start3A_508 : memref<10240x16xf32, #tpu.memory_space<vmem_shared>>) offsets(%dma_start3A_505 : memref<128xi32, #tpu.memory_space<vmem>>) semaphore(%arg24 : memref<!tpu.dma_semaphore, #tpu.memory_space<semaphore_mem>>) {add = true}
      %sub3A_509 = arith.constant 1 : i32
      %sub3A_510 = arith.subi %add3A_464, %sub3A_509 : i32
      %dma_wait3A_511 = arith.constant 0 : i32
      %dma_wait3A_512 = tpu.memref_slice %arg8[%sub3A_510, %dma_wait3A_511] : memref<160x128xi32, #tpu.memory_space<vmem>> -> memref<1x128xi32, #tpu.memory_space<vmem>>
      %dma_wait3A_513 = tpu.memref_squeeze %dma_wait3A_512 : memref<1x128xi32, #tpu.memory_space<vmem>> -> memref<128xi32, #tpu.memory_space<vmem>>
      %dma_wait3A_514 = arith.constant 0 : i32
      %dma_wait3A_515 = arith.constant 0 : i32
      %dma_wait3A_516 = tpu.memref_slice %arg27[%dma_wait3A_514, %dma_wait3A_515] : memref<10240x64xf32, #tpu.memory_space<vmem_shared>> -> memref<10240x64xf32, #tpu.memory_space<vmem_shared>>
      tpu.wait_indirect_dma semaphore(%arg23 : memref<!tpu.dma_semaphore, #tpu.memory_space<semaphore_mem>>) src(%arg11 : memref<128x64xf32, #tpu.memory_space<vmem>>) dst(%dma_wait3A_516 : memref<10240x64xf32, #tpu.memory_space<vmem_shared>>)
      %dma_wait3A_517 = arith.constant 0 : i32
      %dma_wait3A_518 = tpu.memref_slice %arg8[%sub3A_510, %dma_wait3A_517] : memref<160x128xi32, #tpu.memory_space<vmem>> -> memref<1x128xi32, #tpu.memory_space<vmem>>
      %dma_wait3A_519 = tpu.memref_squeeze %dma_wait3A_518 : memref<1x128xi32, #tpu.memory_space<vmem>> -> memref<128xi32, #tpu.memory_space<vmem>>
      %dma_wait3A_520 = arith.constant 0 : i32
      %dma_wait3A_521 = arith.constant 0 : i32
      %dma_wait3A_522 = tpu.memref_slice %arg28[%dma_wait3A_520, %dma_wait3A_521] : memref<10240x16xf32, #tpu.memory_space<vmem_shared>> -> memref<10240x16xf32, #tpu.memory_space<vmem_shared>>
      tpu.wait_indirect_dma semaphore(%arg26 : memref<!tpu.dma_semaphore, #tpu.memory_space<semaphore_mem>>) src(%arg12 : memref<128x16xf32, #tpu.memory_space<vmem>>) dst(%dma_wait3A_522 : memref<10240x16xf32, #tpu.memory_space<vmem_shared>>)
      %add3A_523 = arith.constant 2 : i32
      %add3A_524 = arith.addi %add3A_464, %add3A_523 : i32
      %mul3A_525 = arith.constant 2 : i32
      %mul3A_526 = arith.muli %mul3A_525, %add3A_524 : i32
      %dma_start3A_527 = arith.constant 0 : i32
      %dma_start3A_528 = arith.constant 0 : i32
      %dma_start3A_529 = tpu.memref_slice %arg11[%dma_start3A_527, %dma_start3A_528] : memref<128x64xf32, #tpu.memory_space<vmem>> -> memref<64x64xf32, #tpu.memory_space<vmem>>
      %dma_start3A_530 = arith.constant 0 : i32
      %dma_start3A_531 = tpu.memref_slice %arg7[%mul3A_526, %dma_start3A_530] : memref<320x64xi32, #tpu.memory_space<vmem>> -> memref<1x64xi32, #tpu.memory_space<vmem>>
      %dma_start3A_532 = tpu.memref_squeeze %dma_start3A_531 : memref<1x64xi32, #tpu.memory_space<vmem>> -> memref<64xi32, #tpu.memory_space<vmem>>
      %dma_start3A_533 = arith.constant 0 : i32
      %dma_start3A_534 = arith.constant 0 : i32
      %dma_start3A_535 = tpu.memref_slice %arg2[%arg0, %dma_start3A_533, %dma_start3A_534] : memref<2x10000x64xf32, #tpu.memory_space<hbm>> -> memref<1x10000x64xf32, #tpu.memory_space<hbm>>
      %dma_start3A_536 = tpu.memref_squeeze %dma_start3A_535 : memref<1x10000x64xf32, #tpu.memory_space<hbm>> -> memref<10000x64xf32, #tpu.memory_space<hbm>>
      %dma_start3A_537 = arith.constant 0 : i32
      %dma_start3A_538 = arith.constant 0 : i32
      %dma_start3A_539 = tpu.memref_slice %dma_start3A_536[%dma_start3A_537, %dma_start3A_538] : memref<10000x64xf32, #tpu.memory_space<hbm>> -> memref<10000x64xf32, #tpu.memory_space<hbm>>
      tpu.enqueue_indirect_dma source(%dma_start3A_539 : memref<10000x64xf32, #tpu.memory_space<hbm>>) target(%dma_start3A_529 : memref<64x64xf32, #tpu.memory_space<vmem>>) offsets(%dma_start3A_532 : memref<64xi32, #tpu.memory_space<vmem>>) semaphore(%arg17 : memref<!tpu.dma_semaphore, #tpu.memory_space<semaphore_mem>>)
      %mul3A_540 = arith.constant 2 : i32
      %mul3A_541 = arith.muli %mul3A_540, %add3A_524 : i32
      %add3A_542 = arith.constant 1 : i32
      %add3A_543 = arith.addi %mul3A_541, %add3A_542 : i32
      %dma_start3A_544 = arith.constant 64 : i32
      %dma_start3A_545 = arith.constant 0 : i32
      %dma_start3A_546 = tpu.memref_slice %arg11[%dma_start3A_544, %dma_start3A_545] : memref<128x64xf32, #tpu.memory_space<vmem>> -> memref<64x64xf32, #tpu.memory_space<vmem>>
      %dma_start3A_547 = arith.constant 0 : i32
      %dma_start3A_548 = tpu.memref_slice %arg7[%add3A_543, %dma_start3A_547] : memref<320x64xi32, #tpu.memory_space<vmem>> -> memref<1x64xi32, #tpu.memory_space<vmem>>
      %dma_start3A_549 = tpu.memref_squeeze %dma_start3A_548 : memref<1x64xi32, #tpu.memory_space<vmem>> -> memref<64xi32, #tpu.memory_space<vmem>>
      %dma_start3A_550 = arith.constant 0 : i32
      %dma_start3A_551 = arith.constant 0 : i32
      %dma_start3A_552 = tpu.memref_slice %arg2[%arg0, %dma_start3A_550, %dma_start3A_551] : memref<2x10000x64xf32, #tpu.memory_space<hbm>> -> memref<1x10000x64xf32, #tpu.memory_space<hbm>>
      %dma_start3A_553 = tpu.memref_squeeze %dma_start3A_552 : memref<1x10000x64xf32, #tpu.memory_space<hbm>> -> memref<10000x64xf32, #tpu.memory_space<hbm>>
      %dma_start3A_554 = arith.constant 0 : i32
      %dma_start3A_555 = arith.constant 0 : i32
      %dma_start3A_556 = tpu.memref_slice %dma_start3A_553[%dma_start3A_554, %dma_start3A_555] : memref<10000x64xf32, #tpu.memory_space<hbm>> -> memref<10000x64xf32, #tpu.memory_space<hbm>>
      tpu.enqueue_indirect_dma source(%dma_start3A_556 : memref<10000x64xf32, #tpu.memory_space<hbm>>) target(%dma_start3A_546 : memref<64x64xf32, #tpu.memory_space<vmem>>) offsets(%dma_start3A_549 : memref<64xi32, #tpu.memory_space<vmem>>) semaphore(%arg20 : memref<!tpu.dma_semaphore, #tpu.memory_space<semaphore_mem>>)
      %add3A_557 = arith.constant 2 : i32
      %add3A_558 = arith.addi %add3A_369, %add3A_557 : i32
      %mul3A_559 = arith.constant 2 : i32
      %mul3A_560 = arith.muli %mul3A_559, %add3A_558 : i32
      %dma_wait3A_561 = arith.constant 0 : i32
      %dma_wait3A_562 = arith.constant 0 : i32
      %dma_wait3A_563 = tpu.memref_slice %arg10[%dma_wait3A_561, %dma_wait3A_562] : memref<128x64xf32, #tpu.memory_space<vmem>> -> memref<64x64xf32, #tpu.memory_space<vmem>>
      %dma_wait3A_564 = arith.constant 0 : i32
      %dma_wait3A_565 = tpu.memref_slice %arg7[%mul3A_560, %dma_wait3A_564] : memref<320x64xi32, #tpu.memory_space<vmem>> -> memref<1x64xi32, #tpu.memory_space<vmem>>
      %dma_wait3A_566 = tpu.memref_squeeze %dma_wait3A_565 : memref<1x64xi32, #tpu.memory_space<vmem>> -> memref<64xi32, #tpu.memory_space<vmem>>
      %dma_wait3A_567 = arith.constant 0 : i32
      %dma_wait3A_568 = arith.constant 0 : i32
      %dma_wait3A_569 = tpu.memref_slice %arg2[%arg0, %dma_wait3A_567, %dma_wait3A_568] : memref<2x10000x64xf32, #tpu.memory_space<hbm>> -> memref<1x10000x64xf32, #tpu.memory_space<hbm>>
      %dma_wait3A_570 = tpu.memref_squeeze %dma_wait3A_569 : memref<1x10000x64xf32, #tpu.memory_space<hbm>> -> memref<10000x64xf32, #tpu.memory_space<hbm>>
      %dma_wait3A_571 = arith.constant 0 : i32
      %dma_wait3A_572 = arith.constant 0 : i32
      %dma_wait3A_573 = tpu.memref_slice %dma_wait3A_570[%dma_wait3A_571, %dma_wait3A_572] : memref<10000x64xf32, #tpu.memory_space<hbm>> -> memref<10000x64xf32, #tpu.memory_space<hbm>>
      tpu.wait_indirect_dma semaphore(%arg16 : memref<!tpu.dma_semaphore, #tpu.memory_space<semaphore_mem>>) src(%dma_wait3A_573 : memref<10000x64xf32, #tpu.memory_space<hbm>>) dst(%dma_wait3A_563 : memref<64x64xf32, #tpu.memory_space<vmem>>)
      %mul3A_574 = arith.constant 2 : i32
      %mul3A_575 = arith.muli %mul3A_574, %add3A_558 : i32
      %add3A_576 = arith.constant 1 : i32
      %add3A_577 = arith.addi %mul3A_575, %add3A_576 : i32
      %dma_wait3A_578 = arith.constant 64 : i32
      %dma_wait3A_579 = arith.constant 0 : i32
      %dma_wait3A_580 = tpu.memref_slice %arg10[%dma_wait3A_578, %dma_wait3A_579] : memref<128x64xf32, #tpu.memory_space<vmem>> -> memref<64x64xf32, #tpu.memory_space<vmem>>
      %dma_wait3A_581 = arith.constant 0 : i32
      %dma_wait3A_582 = tpu.memref_slice %arg7[%add3A_577, %dma_wait3A_581] : memref<320x64xi32, #tpu.memory_space<vmem>> -> memref<1x64xi32, #tpu.memory_space<vmem>>
      %dma_wait3A_583 = tpu.memref_squeeze %dma_wait3A_582 : memref<1x64xi32, #tpu.memory_space<vmem>> -> memref<64xi32, #tpu.memory_space<vmem>>
      %dma_wait3A_584 = arith.constant 0 : i32
      %dma_wait3A_585 = arith.constant 0 : i32
      %dma_wait3A_586 = tpu.memref_slice %arg2[%arg0, %dma_wait3A_584, %dma_wait3A_585] : memref<2x10000x64xf32, #tpu.memory_space<hbm>> -> memref<1x10000x64xf32, #tpu.memory_space<hbm>>
      %dma_wait3A_587 = tpu.memref_squeeze %dma_wait3A_586 : memref<1x10000x64xf32, #tpu.memory_space<hbm>> -> memref<10000x64xf32, #tpu.memory_space<hbm>>
      %dma_wait3A_588 = arith.constant 0 : i32
      %dma_wait3A_589 = arith.constant 0 : i32
      %dma_wait3A_590 = tpu.memref_slice %dma_wait3A_587[%dma_wait3A_588, %dma_wait3A_589] : memref<10000x64xf32, #tpu.memory_space<hbm>> -> memref<10000x64xf32, #tpu.memory_space<hbm>>
      tpu.wait_indirect_dma semaphore(%arg19 : memref<!tpu.dma_semaphore, #tpu.memory_space<semaphore_mem>>) src(%dma_wait3A_590 : memref<10000x64xf32, #tpu.memory_space<hbm>>) dst(%dma_wait3A_580 : memref<64x64xf32, #tpu.memory_space<vmem>>)
      %dma_start3A_591 = arith.constant 0 : i32
      %dma_start3A_592 = tpu.memref_slice %arg8[%add3A_558, %dma_start3A_591] : memref<160x128xi32, #tpu.memory_space<vmem>> -> memref<1x128xi32, #tpu.memory_space<vmem>>
      %dma_start3A_593 = tpu.memref_squeeze %dma_start3A_592 : memref<1x128xi32, #tpu.memory_space<vmem>> -> memref<128xi32, #tpu.memory_space<vmem>>
      %dma_start3A_594 = arith.constant 0 : i32
      %dma_start3A_595 = arith.constant 0 : i32
      %dma_start3A_596 = tpu.memref_slice %arg27[%dma_start3A_594, %dma_start3A_595] : memref<10240x64xf32, #tpu.memory_space<vmem_shared>> -> memref<10240x64xf32, #tpu.memory_space<vmem_shared>>
      tpu.enqueue_indirect_dma source(%arg10 : memref<128x64xf32, #tpu.memory_space<vmem>>) target(%dma_start3A_596 : memref<10240x64xf32, #tpu.memory_space<vmem_shared>>) offsets(%dma_start3A_593 : memref<128xi32, #tpu.memory_space<vmem>>) semaphore(%arg22 : memref<!tpu.dma_semaphore, #tpu.memory_space<semaphore_mem>>) {add = true}
      %dma_start3A_597 = arith.constant 0 : i32
      %dma_start3A_598 = tpu.memref_slice %arg8[%add3A_558, %dma_start3A_597] : memref<160x128xi32, #tpu.memory_space<vmem>> -> memref<1x128xi32, #tpu.memory_space<vmem>>
      %dma_start3A_599 = tpu.memref_squeeze %dma_start3A_598 : memref<1x128xi32, #tpu.memory_space<vmem>> -> memref<128xi32, #tpu.memory_space<vmem>>
      %dma_start3A_600 = arith.constant 0 : i32
      %dma_start3A_601 = arith.constant 0 : i32
      %dma_start3A_602 = tpu.memref_slice %arg28[%dma_start3A_600, %dma_start3A_601] : memref<10240x16xf32, #tpu.memory_space<vmem_shared>> -> memref<10240x16xf32, #tpu.memory_space<vmem_shared>>
      tpu.enqueue_indirect_dma source(%arg12 : memref<128x16xf32, #tpu.memory_space<vmem>>) target(%dma_start3A_602 : memref<10240x16xf32, #tpu.memory_space<vmem_shared>>) offsets(%dma_start3A_599 : memref<128xi32, #tpu.memory_space<vmem>>) semaphore(%arg25 : memref<!tpu.dma_semaphore, #tpu.memory_space<semaphore_mem>>) {add = true}
      %sub3A_603 = arith.constant 1 : i32
      %sub3A_604 = arith.subi %add3A_558, %sub3A_603 : i32
      %dma_wait3A_605 = arith.constant 0 : i32
      %dma_wait3A_606 = tpu.memref_slice %arg8[%sub3A_604, %dma_wait3A_605] : memref<160x128xi32, #tpu.memory_space<vmem>> -> memref<1x128xi32, #tpu.memory_space<vmem>>
      %dma_wait3A_607 = tpu.memref_squeeze %dma_wait3A_606 : memref<1x128xi32, #tpu.memory_space<vmem>> -> memref<128xi32, #tpu.memory_space<vmem>>
      %dma_wait3A_608 = arith.constant 0 : i32
      %dma_wait3A_609 = arith.constant 0 : i32
      %dma_wait3A_610 = tpu.memref_slice %arg27[%dma_wait3A_608, %dma_wait3A_609] : memref<10240x64xf32, #tpu.memory_space<vmem_shared>> -> memref<10240x64xf32, #tpu.memory_space<vmem_shared>>
      tpu.wait_indirect_dma semaphore(%arg21 : memref<!tpu.dma_semaphore, #tpu.memory_space<semaphore_mem>>) src(%arg9 : memref<128x64xf32, #tpu.memory_space<vmem>>) dst(%dma_wait3A_610 : memref<10240x64xf32, #tpu.memory_space<vmem_shared>>)
      %dma_wait3A_611 = arith.constant 0 : i32
      %dma_wait3A_612 = tpu.memref_slice %arg8[%sub3A_604, %dma_wait3A_611] : memref<160x128xi32, #tpu.memory_space<vmem>> -> memref<1x128xi32, #tpu.memory_space<vmem>>
      %dma_wait3A_613 = tpu.memref_squeeze %dma_wait3A_612 : memref<1x128xi32, #tpu.memory_space<vmem>> -> memref<128xi32, #tpu.memory_space<vmem>>
      %dma_wait3A_614 = arith.constant 0 : i32
      %dma_wait3A_615 = arith.constant 0 : i32
      %dma_wait3A_616 = tpu.memref_slice %arg28[%dma_wait3A_614, %dma_wait3A_615] : memref<10240x16xf32, #tpu.memory_space<vmem_shared>> -> memref<10240x16xf32, #tpu.memory_space<vmem_shared>>
      tpu.wait_indirect_dma semaphore(%arg24 : memref<!tpu.dma_semaphore, #tpu.memory_space<semaphore_mem>>) src(%arg12 : memref<128x16xf32, #tpu.memory_space<vmem>>) dst(%dma_wait3A_616 : memref<10240x16xf32, #tpu.memory_space<vmem_shared>>)
      %add3A_617 = arith.constant 2 : i32
      %add3A_618 = arith.addi %add3A_558, %add3A_617 : i32
      %mul3A_619 = arith.constant 2 : i32
      %mul3A_620 = arith.muli %mul3A_619, %add3A_618 : i32
      %dma_start3A_621 = arith.constant 0 : i32
      %dma_start3A_622 = arith.constant 0 : i32
      %dma_start3A_623 = tpu.memref_slice %arg9[%dma_start3A_621, %dma_start3A_622] : memref<128x64xf32, #tpu.memory_space<vmem>> -> memref<64x64xf32, #tpu.memory_space<vmem>>
      %dma_start3A_624 = arith.constant 0 : i32
      %dma_start3A_625 = tpu.memref_slice %arg7[%mul3A_620, %dma_start3A_624] : memref<320x64xi32, #tpu.memory_space<vmem>> -> memref<1x64xi32, #tpu.memory_space<vmem>>
      %dma_start3A_626 = tpu.memref_squeeze %dma_start3A_625 : memref<1x64xi32, #tpu.memory_space<vmem>> -> memref<64xi32, #tpu.memory_space<vmem>>
      %dma_start3A_627 = arith.constant 0 : i32
      %dma_start3A_628 = arith.constant 0 : i32
      %dma_start3A_629 = tpu.memref_slice %arg2[%arg0, %dma_start3A_627, %dma_start3A_628] : memref<2x10000x64xf32, #tpu.memory_space<hbm>> -> memref<1x10000x64xf32, #tpu.memory_space<hbm>>
      %dma_start3A_630 = tpu.memref_squeeze %dma_start3A_629 : memref<1x10000x64xf32, #tpu.memory_space<hbm>> -> memref<10000x64xf32, #tpu.memory_space<hbm>>
      %dma_start3A_631 = arith.constant 0 : i32
      %dma_start3A_632 = arith.constant 0 : i32
      %dma_start3A_633 = tpu.memref_slice %dma_start3A_630[%dma_start3A_631, %dma_start3A_632] : memref<10000x64xf32, #tpu.memory_space<hbm>> -> memref<10000x64xf32, #tpu.memory_space<hbm>>
      tpu.enqueue_indirect_dma source(%dma_start3A_633 : memref<10000x64xf32, #tpu.memory_space<hbm>>) target(%dma_start3A_623 : memref<64x64xf32, #tpu.memory_space<vmem>>) offsets(%dma_start3A_626 : memref<64xi32, #tpu.memory_space<vmem>>) semaphore(%arg15 : memref<!tpu.dma_semaphore, #tpu.memory_space<semaphore_mem>>)
      %mul3A_634 = arith.constant 2 : i32
      %mul3A_635 = arith.muli %mul3A_634, %add3A_618 : i32
      %add3A_636 = arith.constant 1 : i32
      %add3A_637 = arith.addi %mul3A_635, %add3A_636 : i32
      %dma_start3A_638 = arith.constant 64 : i32
      %dma_start3A_639 = arith.constant 0 : i32
      %dma_start3A_640 = tpu.memref_slice %arg9[%dma_start3A_638, %dma_start3A_639] : memref<128x64xf32, #tpu.memory_space<vmem>> -> memref<64x64xf32, #tpu.memory_space<vmem>>
      %dma_start3A_641 = arith.constant 0 : i32
      %dma_start3A_642 = tpu.memref_slice %arg7[%add3A_637, %dma_start3A_641] : memref<320x64xi32, #tpu.memory_space<vmem>> -> memref<1x64xi32, #tpu.memory_space<vmem>>
      %dma_start3A_643 = tpu.memref_squeeze %dma_start3A_642 : memref<1x64xi32, #tpu.memory_space<vmem>> -> memref<64xi32, #tpu.memory_space<vmem>>
      %dma_start3A_644 = arith.constant 0 : i32
      %dma_start3A_645 = arith.constant 0 : i32
      %dma_start3A_646 = tpu.memref_slice %arg2[%arg0, %dma_start3A_644, %dma_start3A_645] : memref<2x10000x64xf32, #tpu.memory_space<hbm>> -> memref<1x10000x64xf32, #tpu.memory_space<hbm>>
      %dma_start3A_647 = tpu.memref_squeeze %dma_start3A_646 : memref<1x10000x64xf32, #tpu.memory_space<hbm>> -> memref<10000x64xf32, #tpu.memory_space<hbm>>
      %dma_start3A_648 = arith.constant 0 : i32
      %dma_start3A_649 = arith.constant 0 : i32
      %dma_start3A_650 = tpu.memref_slice %dma_start3A_647[%dma_start3A_648, %dma_start3A_649] : memref<10000x64xf32, #tpu.memory_space<hbm>> -> memref<10000x64xf32, #tpu.memory_space<hbm>>
      tpu.enqueue_indirect_dma source(%dma_start3A_650 : memref<10000x64xf32, #tpu.memory_space<hbm>>) target(%dma_start3A_640 : memref<64x64xf32, #tpu.memory_space<vmem>>) offsets(%dma_start3A_643 : memref<64xi32, #tpu.memory_space<vmem>>) semaphore(%arg18 : memref<!tpu.dma_semaphore, #tpu.memory_space<semaphore_mem>>)
    }
    %scan3A_229 = arith.constant 52 : i32
    %dma_wait3A_230 = arith.constant 316 : i32
    %dma_wait3A_231 = arith.constant 0 : i32
    %dma_wait3A_232 = arith.constant 0 : i32
    %dma_wait3A_233 = tpu.memref_slice %arg11[%dma_wait3A_231, %dma_wait3A_232] : memref<128x64xf32, #tpu.memory_space<vmem>> -> memref<64x64xf32, #tpu.memory_space<vmem>>
    %dma_wait3A_234 = arith.constant 0 : i32
    %dma_wait3A_235 = tpu.memref_slice %arg7[%dma_wait3A_230, %dma_wait3A_234] : memref<320x64xi32, #tpu.memory_space<vmem>> -> memref<1x64xi32, #tpu.memory_space<vmem>>
    %dma_wait3A_236 = tpu.memref_squeeze %dma_wait3A_235 : memref<1x64xi32, #tpu.memory_space<vmem>> -> memref<64xi32, #tpu.memory_space<vmem>>
    %dma_wait3A_237 = arith.constant 0 : i32
    %dma_wait3A_238 = arith.constant 0 : i32
    %dma_wait3A_239 = tpu.memref_slice %arg2[%arg0, %dma_wait3A_237, %dma_wait3A_238] : memref<2x10000x64xf32, #tpu.memory_space<hbm>> -> memref<1x10000x64xf32, #tpu.memory_space<hbm>>
    %dma_wait3A_240 = tpu.memref_squeeze %dma_wait3A_239 : memref<1x10000x64xf32, #tpu.memory_space<hbm>> -> memref<10000x64xf32, #tpu.memory_space<hbm>>
    %dma_wait3A_241 = arith.constant 0 : i32
    %dma_wait3A_242 = arith.constant 0 : i32
    %dma_wait3A_243 = tpu.memref_slice %dma_wait3A_240[%dma_wait3A_241, %dma_wait3A_242] : memref<10000x64xf32, #tpu.memory_space<hbm>> -> memref<10000x64xf32, #tpu.memory_space<hbm>>
    tpu.wait_indirect_dma semaphore(%arg17 : memref<!tpu.dma_semaphore, #tpu.memory_space<semaphore_mem>>) src(%dma_wait3A_243 : memref<10000x64xf32, #tpu.memory_space<hbm>>) dst(%dma_wait3A_233 : memref<64x64xf32, #tpu.memory_space<vmem>>)
    %dma_wait3A_244 = arith.constant 317 : i32
    %dma_wait3A_245 = arith.constant 64 : i32
    %dma_wait3A_246 = arith.constant 0 : i32
    %dma_wait3A_247 = tpu.memref_slice %arg11[%dma_wait3A_245, %dma_wait3A_246] : memref<128x64xf32, #tpu.memory_space<vmem>> -> memref<64x64xf32, #tpu.memory_space<vmem>>
    %dma_wait3A_248 = arith.constant 0 : i32
    %dma_wait3A_249 = tpu.memref_slice %arg7[%dma_wait3A_244, %dma_wait3A_248] : memref<320x64xi32, #tpu.memory_space<vmem>> -> memref<1x64xi32, #tpu.memory_space<vmem>>
    %dma_wait3A_250 = tpu.memref_squeeze %dma_wait3A_249 : memref<1x64xi32, #tpu.memory_space<vmem>> -> memref<64xi32, #tpu.memory_space<vmem>>
    %dma_wait3A_251 = arith.constant 0 : i32
    %dma_wait3A_252 = arith.constant 0 : i32
    %dma_wait3A_253 = tpu.memref_slice %arg2[%arg0, %dma_wait3A_251, %dma_wait3A_252] : memref<2x10000x64xf32, #tpu.memory_space<hbm>> -> memref<1x10000x64xf32, #tpu.memory_space<hbm>>
    %dma_wait3A_254 = tpu.memref_squeeze %dma_wait3A_253 : memref<1x10000x64xf32, #tpu.memory_space<hbm>> -> memref<10000x64xf32, #tpu.memory_space<hbm>>
    %dma_wait3A_255 = arith.constant 0 : i32
    %dma_wait3A_256 = arith.constant 0 : i32
    %dma_wait3A_257 = tpu.memref_slice %dma_wait3A_254[%dma_wait3A_255, %dma_wait3A_256] : memref<10000x64xf32, #tpu.memory_space<hbm>> -> memref<10000x64xf32, #tpu.memory_space<hbm>>
    tpu.wait_indirect_dma semaphore(%arg20 : memref<!tpu.dma_semaphore, #tpu.memory_space<semaphore_mem>>) src(%dma_wait3A_257 : memref<10000x64xf32, #tpu.memory_space<hbm>>) dst(%dma_wait3A_247 : memref<64x64xf32, #tpu.memory_space<vmem>>)
    %dma_start3A_258 = arith.constant 158 : i32
    %dma_start3A_259 = arith.constant 0 : i32
    %dma_start3A_260 = tpu.memref_slice %arg8[%dma_start3A_258, %dma_start3A_259] : memref<160x128xi32, #tpu.memory_space<vmem>> -> memref<1x128xi32, #tpu.memory_space<vmem>>
    %dma_start3A_261 = tpu.memref_squeeze %dma_start3A_260 : memref<1x128xi32, #tpu.memory_space<vmem>> -> memref<128xi32, #tpu.memory_space<vmem>>
    %dma_start3A_262 = arith.constant 0 : i32
    %dma_start3A_263 = arith.constant 0 : i32
    %dma_start3A_264 = tpu.memref_slice %arg27[%dma_start3A_262, %dma_start3A_263] : memref<10240x64xf32, #tpu.memory_space<vmem_shared>> -> memref<10240x64xf32, #tpu.memory_space<vmem_shared>>
    tpu.enqueue_indirect_dma source(%arg11 : memref<128x64xf32, #tpu.memory_space<vmem>>) target(%dma_start3A_264 : memref<10240x64xf32, #tpu.memory_space<vmem_shared>>) offsets(%dma_start3A_261 : memref<128xi32, #tpu.memory_space<vmem>>) semaphore(%arg23 : memref<!tpu.dma_semaphore, #tpu.memory_space<semaphore_mem>>) {add = true}
    %dma_start3A_265 = arith.constant 158 : i32
    %dma_start3A_266 = arith.constant 0 : i32
    %dma_start3A_267 = tpu.memref_slice %arg8[%dma_start3A_265, %dma_start3A_266] : memref<160x128xi32, #tpu.memory_space<vmem>> -> memref<1x128xi32, #tpu.memory_space<vmem>>
    %dma_start3A_268 = tpu.memref_squeeze %dma_start3A_267 : memref<1x128xi32, #tpu.memory_space<vmem>> -> memref<128xi32, #tpu.memory_space<vmem>>
    %dma_start3A_269 = arith.constant 0 : i32
    %dma_start3A_270 = arith.constant 0 : i32
    %dma_start3A_271 = tpu.memref_slice %arg28[%dma_start3A_269, %dma_start3A_270] : memref<10240x16xf32, #tpu.memory_space<vmem_shared>> -> memref<10240x16xf32, #tpu.memory_space<vmem_shared>>
    tpu.enqueue_indirect_dma source(%arg12 : memref<128x16xf32, #tpu.memory_space<vmem>>) target(%dma_start3A_271 : memref<10240x16xf32, #tpu.memory_space<vmem_shared>>) offsets(%dma_start3A_268 : memref<128xi32, #tpu.memory_space<vmem>>) semaphore(%arg26 : memref<!tpu.dma_semaphore, #tpu.memory_space<semaphore_mem>>) {add = true}
    %dma_wait3A_272 = arith.constant 318 : i32
    %dma_wait3A_273 = arith.constant 0 : i32
    %dma_wait3A_274 = arith.constant 0 : i32
    %dma_wait3A_275 = tpu.memref_slice %arg9[%dma_wait3A_273, %dma_wait3A_274] : memref<128x64xf32, #tpu.memory_space<vmem>> -> memref<64x64xf32, #tpu.memory_space<vmem>>
    %dma_wait3A_276 = arith.constant 0 : i32
    %dma_wait3A_277 = tpu.memref_slice %arg7[%dma_wait3A_272, %dma_wait3A_276] : memref<320x64xi32, #tpu.memory_space<vmem>> -> memref<1x64xi32, #tpu.memory_space<vmem>>
    %dma_wait3A_278 = tpu.memref_squeeze %dma_wait3A_277 : memref<1x64xi32, #tpu.memory_space<vmem>> -> memref<64xi32, #tpu.memory_space<vmem>>
    %dma_wait3A_279 = arith.constant 0 : i32
    %dma_wait3A_280 = arith.constant 0 : i32
    %dma_wait3A_281 = tpu.memref_slice %arg2[%arg0, %dma_wait3A_279, %dma_wait3A_280] : memref<2x10000x64xf32, #tpu.memory_space<hbm>> -> memref<1x10000x64xf32, #tpu.memory_space<hbm>>
    %dma_wait3A_282 = tpu.memref_squeeze %dma_wait3A_281 : memref<1x10000x64xf32, #tpu.memory_space<hbm>> -> memref<10000x64xf32, #tpu.memory_space<hbm>>
    %dma_wait3A_283 = arith.constant 0 : i32
    %dma_wait3A_284 = arith.constant 0 : i32
    %dma_wait3A_285 = tpu.memref_slice %dma_wait3A_282[%dma_wait3A_283, %dma_wait3A_284] : memref<10000x64xf32, #tpu.memory_space<hbm>> -> memref<10000x64xf32, #tpu.memory_space<hbm>>
    tpu.wait_indirect_dma semaphore(%arg15 : memref<!tpu.dma_semaphore, #tpu.memory_space<semaphore_mem>>) src(%dma_wait3A_285 : memref<10000x64xf32, #tpu.memory_space<hbm>>) dst(%dma_wait3A_275 : memref<64x64xf32, #tpu.memory_space<vmem>>)
    %dma_wait3A_286 = arith.constant 319 : i32
    %dma_wait3A_287 = arith.constant 64 : i32
    %dma_wait3A_288 = arith.constant 0 : i32
    %dma_wait3A_289 = tpu.memref_slice %arg9[%dma_wait3A_287, %dma_wait3A_288] : memref<128x64xf32, #tpu.memory_space<vmem>> -> memref<64x64xf32, #tpu.memory_space<vmem>>
    %dma_wait3A_290 = arith.constant 0 : i32
    %dma_wait3A_291 = tpu.memref_slice %arg7[%dma_wait3A_286, %dma_wait3A_290] : memref<320x64xi32, #tpu.memory_space<vmem>> -> memref<1x64xi32, #tpu.memory_space<vmem>>
    %dma_wait3A_292 = tpu.memref_squeeze %dma_wait3A_291 : memref<1x64xi32, #tpu.memory_space<vmem>> -> memref<64xi32, #tpu.memory_space<vmem>>
    %dma_wait3A_293 = arith.constant 0 : i32
    %dma_wait3A_294 = arith.constant 0 : i32
    %dma_wait3A_295 = tpu.memref_slice %arg2[%arg0, %dma_wait3A_293, %dma_wait3A_294] : memref<2x10000x64xf32, #tpu.memory_space<hbm>> -> memref<1x10000x64xf32, #tpu.memory_space<hbm>>
    %dma_wait3A_296 = tpu.memref_squeeze %dma_wait3A_295 : memref<1x10000x64xf32, #tpu.memory_space<hbm>> -> memref<10000x64xf32, #tpu.memory_space<hbm>>
    %dma_wait3A_297 = arith.constant 0 : i32
    %dma_wait3A_298 = arith.constant 0 : i32
    %dma_wait3A_299 = tpu.memref_slice %dma_wait3A_296[%dma_wait3A_297, %dma_wait3A_298] : memref<10000x64xf32, #tpu.memory_space<hbm>> -> memref<10000x64xf32, #tpu.memory_space<hbm>>
    tpu.wait_indirect_dma semaphore(%arg18 : memref<!tpu.dma_semaphore, #tpu.memory_space<semaphore_mem>>) src(%dma_wait3A_299 : memref<10000x64xf32, #tpu.memory_space<hbm>>) dst(%dma_wait3A_289 : memref<64x64xf32, #tpu.memory_space<vmem>>)
    %dma_start3A_300 = arith.constant 159 : i32
    %dma_start3A_301 = arith.constant 0 : i32
    %dma_start3A_302 = tpu.memref_slice %arg8[%dma_start3A_300, %dma_start3A_301] : memref<160x128xi32, #tpu.memory_space<vmem>> -> memref<1x128xi32, #tpu.memory_space<vmem>>
    %dma_start3A_303 = tpu.memref_squeeze %dma_start3A_302 : memref<1x128xi32, #tpu.memory_space<vmem>> -> memref<128xi32, #tpu.memory_space<vmem>>
    %dma_start3A_304 = arith.constant 0 : i32
    %dma_start3A_305 = arith.constant 0 : i32
    %dma_start3A_306 = tpu.memref_slice %arg27[%dma_start3A_304, %dma_start3A_305] : memref<10240x64xf32, #tpu.memory_space<vmem_shared>> -> memref<10240x64xf32, #tpu.memory_space<vmem_shared>>
    tpu.enqueue_indirect_dma source(%arg9 : memref<128x64xf32, #tpu.memory_space<vmem>>) target(%dma_start3A_306 : memref<10240x64xf32, #tpu.memory_space<vmem_shared>>) offsets(%dma_start3A_303 : memref<128xi32, #tpu.memory_space<vmem>>) semaphore(%arg21 : memref<!tpu.dma_semaphore, #tpu.memory_space<semaphore_mem>>) {add = true}
    %dma_start3A_307 = arith.constant 159 : i32
    %dma_start3A_308 = arith.constant 0 : i32
    %dma_start3A_309 = tpu.memref_slice %arg8[%dma_start3A_307, %dma_start3A_308] : memref<160x128xi32, #tpu.memory_space<vmem>> -> memref<1x128xi32, #tpu.memory_space<vmem>>
    %dma_start3A_310 = tpu.memref_squeeze %dma_start3A_309 : memref<1x128xi32, #tpu.memory_space<vmem>> -> memref<128xi32, #tpu.memory_space<vmem>>
    %dma_start3A_311 = arith.constant 0 : i32
    %dma_start3A_312 = arith.constant 0 : i32
    %dma_start3A_313 = tpu.memref_slice %arg28[%dma_start3A_311, %dma_start3A_312] : memref<10240x16xf32, #tpu.memory_space<vmem_shared>> -> memref<10240x16xf32, #tpu.memory_space<vmem_shared>>
    tpu.enqueue_indirect_dma source(%arg12 : memref<128x16xf32, #tpu.memory_space<vmem>>) target(%dma_start3A_313 : memref<10240x16xf32, #tpu.memory_space<vmem_shared>>) offsets(%dma_start3A_310 : memref<128xi32, #tpu.memory_space<vmem>>) semaphore(%arg24 : memref<!tpu.dma_semaphore, #tpu.memory_space<semaphore_mem>>) {add = true}
    %dma_wait3A_314 = arith.constant 157 : i32
    %dma_wait3A_315 = arith.constant 0 : i32
    %dma_wait3A_316 = tpu.memref_slice %arg8[%dma_wait3A_314, %dma_wait3A_315] : memref<160x128xi32, #tpu.memory_space<vmem>> -> memref<1x128xi32, #tpu.memory_space<vmem>>
    %dma_wait3A_317 = tpu.memref_squeeze %dma_wait3A_316 : memref<1x128xi32, #tpu.memory_space<vmem>> -> memref<128xi32, #tpu.memory_space<vmem>>
    %dma_wait3A_318 = arith.constant 0 : i32
    %dma_wait3A_319 = arith.constant 0 : i32
    %dma_wait3A_320 = tpu.memref_slice %arg27[%dma_wait3A_318, %dma_wait3A_319] : memref<10240x64xf32, #tpu.memory_space<vmem_shared>> -> memref<10240x64xf32, #tpu.memory_space<vmem_shared>>
    tpu.wait_indirect_dma semaphore(%arg22 : memref<!tpu.dma_semaphore, #tpu.memory_space<semaphore_mem>>) src(%arg10 : memref<128x64xf32, #tpu.memory_space<vmem>>) dst(%dma_wait3A_320 : memref<10240x64xf32, #tpu.memory_space<vmem_shared>>)
    %dma_wait3A_321 = arith.constant 157 : i32
    %dma_wait3A_322 = arith.constant 0 : i32
    %dma_wait3A_323 = tpu.memref_slice %arg8[%dma_wait3A_321, %dma_wait3A_322] : memref<160x128xi32, #tpu.memory_space<vmem>> -> memref<1x128xi32, #tpu.memory_space<vmem>>
    %dma_wait3A_324 = tpu.memref_squeeze %dma_wait3A_323 : memref<1x128xi32, #tpu.memory_space<vmem>> -> memref<128xi32, #tpu.memory_space<vmem>>
    %dma_wait3A_325 = arith.constant 0 : i32
    %dma_wait3A_326 = arith.constant 0 : i32
    %dma_wait3A_327 = tpu.memref_slice %arg28[%dma_wait3A_325, %dma_wait3A_326] : memref<10240x16xf32, #tpu.memory_space<vmem_shared>> -> memref<10240x16xf32, #tpu.memory_space<vmem_shared>>
    tpu.wait_indirect_dma semaphore(%arg25 : memref<!tpu.dma_semaphore, #tpu.memory_space<semaphore_mem>>) src(%arg12 : memref<128x16xf32, #tpu.memory_space<vmem>>) dst(%dma_wait3A_327 : memref<10240x16xf32, #tpu.memory_space<vmem_shared>>)
    %dma_wait3A_328 = arith.constant 158 : i32
    %dma_wait3A_329 = arith.constant 0 : i32
    %dma_wait3A_330 = tpu.memref_slice %arg8[%dma_wait3A_328, %dma_wait3A_329] : memref<160x128xi32, #tpu.memory_space<vmem>> -> memref<1x128xi32, #tpu.memory_space<vmem>>
    %dma_wait3A_331 = tpu.memref_squeeze %dma_wait3A_330 : memref<1x128xi32, #tpu.memory_space<vmem>> -> memref<128xi32, #tpu.memory_space<vmem>>
    %dma_wait3A_332 = arith.constant 0 : i32
    %dma_wait3A_333 = arith.constant 0 : i32
    %dma_wait3A_334 = tpu.memref_slice %arg27[%dma_wait3A_332, %dma_wait3A_333] : memref<10240x64xf32, #tpu.memory_space<vmem_shared>> -> memref<10240x64xf32, #tpu.memory_space<vmem_shared>>
    tpu.wait_indirect_dma semaphore(%arg23 : memref<!tpu.dma_semaphore, #tpu.memory_space<semaphore_mem>>) src(%arg11 : memref<128x64xf32, #tpu.memory_space<vmem>>) dst(%dma_wait3A_334 : memref<10240x64xf32, #tpu.memory_space<vmem_shared>>)
    %dma_wait3A_335 = arith.constant 158 : i32
    %dma_wait3A_336 = arith.constant 0 : i32
    %dma_wait3A_337 = tpu.memref_slice %arg8[%dma_wait3A_335, %dma_wait3A_336] : memref<160x128xi32, #tpu.memory_space<vmem>> -> memref<1x128xi32, #tpu.memory_space<vmem>>
    %dma_wait3A_338 = tpu.memref_squeeze %dma_wait3A_337 : memref<1x128xi32, #tpu.memory_space<vmem>> -> memref<128xi32, #tpu.memory_space<vmem>>
    %dma_wait3A_339 = arith.constant 0 : i32
    %dma_wait3A_340 = arith.constant 0 : i32
    %dma_wait3A_341 = tpu.memref_slice %arg28[%dma_wait3A_339, %dma_wait3A_340] : memref<10240x16xf32, #tpu.memory_space<vmem_shared>> -> memref<10240x16xf32, #tpu.memory_space<vmem_shared>>
    tpu.wait_indirect_dma semaphore(%arg26 : memref<!tpu.dma_semaphore, #tpu.memory_space<semaphore_mem>>) src(%arg12 : memref<128x16xf32, #tpu.memory_space<vmem>>) dst(%dma_wait3A_341 : memref<10240x16xf32, #tpu.memory_space<vmem_shared>>)
    %dma_wait3A_342 = arith.constant 159 : i32
    %dma_wait3A_343 = arith.constant 0 : i32
    %dma_wait3A_344 = tpu.memref_slice %arg8[%dma_wait3A_342, %dma_wait3A_343] : memref<160x128xi32, #tpu.memory_space<vmem>> -> memref<1x128xi32, #tpu.memory_space<vmem>>
    %dma_wait3A_345 = tpu.memref_squeeze %dma_wait3A_344 : memref<1x128xi32, #tpu.memory_space<vmem>> -> memref<128xi32, #tpu.memory_space<vmem>>
    %dma_wait3A_346 = arith.constant 0 : i32
    %dma_wait3A_347 = arith.constant 0 : i32
    %dma_wait3A_348 = tpu.memref_slice %arg27[%dma_wait3A_346, %dma_wait3A_347] : memref<10240x64xf32, #tpu.memory_space<vmem_shared>> -> memref<10240x64xf32, #tpu.memory_space<vmem_shared>>
    tpu.wait_indirect_dma semaphore(%arg21 : memref<!tpu.dma_semaphore, #tpu.memory_space<semaphore_mem>>) src(%arg9 : memref<128x64xf32, #tpu.memory_space<vmem>>) dst(%dma_wait3A_348 : memref<10240x64xf32, #tpu.memory_space<vmem_shared>>)
    %dma_wait3A_349 = arith.constant 159 : i32
    %dma_wait3A_350 = arith.constant 0 : i32
    %dma_wait3A_351 = tpu.memref_slice %arg8[%dma_wait3A_349, %dma_wait3A_350] : memref<160x128xi32, #tpu.memory_space<vmem>> -> memref<1x128xi32, #tpu.memory_space<vmem>>
    %dma_wait3A_352 = tpu.memref_squeeze %dma_wait3A_351 : memref<1x128xi32, #tpu.memory_space<vmem>> -> memref<128xi32, #tpu.memory_space<vmem>>
    %dma_wait3A_353 = arith.constant 0 : i32
    %dma_wait3A_354 = arith.constant 0 : i32
    %dma_wait3A_355 = tpu.memref_slice %arg28[%dma_wait3A_353, %dma_wait3A_354] : memref<10240x16xf32, #tpu.memory_space<vmem_shared>> -> memref<10240x16xf32, #tpu.memory_space<vmem_shared>>
    tpu.wait_indirect_dma semaphore(%arg24 : memref<!tpu.dma_semaphore, #tpu.memory_space<semaphore_mem>>) src(%arg12 : memref<128x16xf32, #tpu.memory_space<vmem>>) dst(%dma_wait3A_355 : memref<10240x16xf32, #tpu.memory_space<vmem_shared>>)
    %barrier3A_356 = arith.constant 0 : index
    tpu.barrier barrier_id(%barrier3A_356)
    %scan3A_357 = arith.constant 0 : i32
    %scan3A_358 = arith.constant 5 : i32
    %scan3A_359 = arith.addi %scan3A_357, %scan3A_358 : i32
    %scan3A_360 = arith.constant 1 : i32
    scf.for %scan3A_362 = %scan3A_357 to %scan3A_359 step %scan3A_360  : i32 {
      %mul3A_363 = arith.constant 1 : i32
      %mul3A_364 = arith.muli %scan3A_362, %mul3A_363 : i32
      %add3A = arith.constant 0 : i32
      %add3A_365 = arith.addi %add3A, %mul3A_364 : i32
      %mul3A_366 = arith.constant 640 : i32
      %mul3A_367 = arith.muli %arg1, %mul3A_366 : i32
      %mul3A_368 = arith.constant 128 : i32
      %mul3A_369 = arith.muli %add3A_365, %mul3A_368 : i32
      %add3A_370 = arith.addi %mul3A_367, %mul3A_369 : i32
      "tpu.region"() ({
        %run_scoped3A = tpu.sem_alloc : memref<!tpu.dma_semaphore, #tpu.memory_space<semaphore_mem>>
        %dma_start3A_371 = arith.constant 0 : i32
        %dma_start3A_372 = tpu.memref_slice %arg27[%add3A_370, %dma_start3A_371] : memref<10240x64xf32, #tpu.memory_space<vmem_shared>> -> memref<128x64xf32, #tpu.memory_space<vmem_shared>>
        %dma_start3A_373 = arith.constant 0 : i32
        %dma_start3A_374 = tpu.memref_slice %arg27[%add3A_370, %dma_start3A_373] : memref<10240x64xf32, #tpu.memory_space<vmem_shared>> -> memref<128x64xf32, #tpu.memory_space<vmem_shared>>
        tpu.enqueue_dma source(%dma_start3A_374 : memref<128x64xf32, #tpu.memory_space<vmem_shared>>) target(%arg9 : memref<128x64xf32, #tpu.memory_space<vmem>>) target_semaphore(%run_scoped3A : memref<!tpu.dma_semaphore, #tpu.memory_space<semaphore_mem>>)
        %dma_wait3A_375 = arith.constant 0 : i32
        %dma_wait3A_376 = tpu.memref_slice %arg27[%add3A_370, %dma_wait3A_375] : memref<10240x64xf32, #tpu.memory_space<vmem_shared>> -> memref<128x64xf32, #tpu.memory_space<vmem_shared>>
        %dma_wait3A_377 = arith.constant 0 : i32
        %dma_wait3A_378 = tpu.memref_slice %arg27[%add3A_370, %dma_wait3A_377] : memref<10240x64xf32, #tpu.memory_space<vmem_shared>> -> memref<128x64xf32, #tpu.memory_space<vmem_shared>>
        tpu.wait_dma2 semaphore(%run_scoped3A : memref<!tpu.dma_semaphore, #tpu.memory_space<semaphore_mem>>) src(%dma_wait3A_378 : memref<128x64xf32, #tpu.memory_space<vmem_shared>>) dst(%arg9 : memref<128x64xf32, #tpu.memory_space<vmem>>)
        tpu.yield
      }) : () -> ()
      "tpu.region"() ({
        %run_scoped3A = tpu.sem_alloc : memref<!tpu.dma_semaphore, #tpu.memory_space<semaphore_mem>>
        %dma_start3A_371 = arith.constant 0 : i32
        %dma_start3A_372 = tpu.memref_slice %arg5[%arg0, %add3A_370, %dma_start3A_371] : memref<2x10240x64xf32, #tpu.memory_space<hbm>> -> memref<1x128x64xf32, #tpu.memory_space<hbm>>
        %dma_start3A_373 = tpu.memref_squeeze %dma_start3A_372 : memref<1x128x64xf32, #tpu.memory_space<hbm>> -> memref<128x64xf32, #tpu.memory_space<hbm>>
        %dma_start3A_374 = arith.constant 0 : i32
        %dma_start3A_375 = tpu.memref_slice %arg5[%arg0, %add3A_370, %dma_start3A_374] : memref<2x10240x64xf32, #tpu.memory_space<hbm>> -> memref<1x128x64xf32, #tpu.memory_space<hbm>>
        %dma_start3A_376 = tpu.memref_squeeze %dma_start3A_375 : memref<1x128x64xf32, #tpu.memory_space<hbm>> -> memref<128x64xf32, #tpu.memory_space<hbm>>
        tpu.enqueue_dma source(%arg9 : memref<128x64xf32, #tpu.memory_space<vmem>>) target(%dma_start3A_376 : memref<128x64xf32, #tpu.memory_space<hbm>>) target_semaphore(%run_scoped3A : memref<!tpu.dma_semaphore, #tpu.memory_space<semaphore_mem>>)
        %dma_wait3A_377 = arith.constant 0 : i32
        %dma_wait3A_378 = tpu.memref_slice %arg5[%arg0, %add3A_370, %dma_wait3A_377] : memref<2x10240x64xf32, #tpu.memory_space<hbm>> -> memref<1x128x64xf32, #tpu.memory_space<hbm>>
        %dma_wait3A_379 = tpu.memref_squeeze %dma_wait3A_378 : memref<1x128x64xf32, #tpu.memory_space<hbm>> -> memref<128x64xf32, #tpu.memory_space<hbm>>
        %dma_wait3A_380 = arith.constant 0 : i32
        %dma_wait3A_381 = tpu.memref_slice %arg5[%arg0, %add3A_370, %dma_wait3A_380] : memref<2x10240x64xf32, #tpu.memory_space<hbm>> -> memref<1x128x64xf32, #tpu.memory_space<hbm>>
        %dma_wait3A_382 = tpu.memref_squeeze %dma_wait3A_381 : memref<1x128x64xf32, #tpu.memory_space<hbm>> -> memref<128x64xf32, #tpu.memory_space<hbm>>
        tpu.wait_dma2 semaphore(%run_scoped3A : memref<!tpu.dma_semaphore, #tpu.memory_space<semaphore_mem>>) src(%arg9 : memref<128x64xf32, #tpu.memory_space<vmem>>) dst(%dma_wait3A_382 : memref<128x64xf32, #tpu.memory_space<hbm>>)
        tpu.yield
      }) : () -> ()
      "tpu.region"() ({
        %run_scoped3A = tpu.sem_alloc : memref<!tpu.dma_semaphore, #tpu.memory_space<semaphore_mem>>
        %dma_start3A_371 = arith.constant 0 : i32
        %dma_start3A_372 = tpu.memref_slice %arg28[%add3A_370, %dma_start3A_371] : memref<10240x16xf32, #tpu.memory_space<vmem_shared>> -> memref<128x16xf32, #tpu.memory_space<vmem_shared>>
        %dma_start3A_373 = arith.constant 0 : i32
        %dma_start3A_374 = tpu.memref_slice %arg28[%add3A_370, %dma_start3A_373] : memref<10240x16xf32, #tpu.memory_space<vmem_shared>> -> memref<128x16xf32, #tpu.memory_space<vmem_shared>>
        tpu.enqueue_dma source(%dma_start3A_374 : memref<128x16xf32, #tpu.memory_space<vmem_shared>>) target(%arg13 : memref<128x16xf32, #tpu.memory_space<vmem>>) target_semaphore(%run_scoped3A : memref<!tpu.dma_semaphore, #tpu.memory_space<semaphore_mem>>)
        %dma_wait3A_375 = arith.constant 0 : i32
        %dma_wait3A_376 = tpu.memref_slice %arg28[%add3A_370, %dma_wait3A_375] : memref<10240x16xf32, #tpu.memory_space<vmem_shared>> -> memref<128x16xf32, #tpu.memory_space<vmem_shared>>
        %dma_wait3A_377 = arith.constant 0 : i32
        %dma_wait3A_378 = tpu.memref_slice %arg28[%add3A_370, %dma_wait3A_377] : memref<10240x16xf32, #tpu.memory_space<vmem_shared>> -> memref<128x16xf32, #tpu.memory_space<vmem_shared>>
        tpu.wait_dma2 semaphore(%run_scoped3A : memref<!tpu.dma_semaphore, #tpu.memory_space<semaphore_mem>>) src(%dma_wait3A_378 : memref<128x16xf32, #tpu.memory_space<vmem_shared>>) dst(%arg13 : memref<128x16xf32, #tpu.memory_space<vmem>>)
        tpu.yield
      }) : () -> ()
      "tpu.region"() ({
        %run_scoped3A = tpu.sem_alloc : memref<!tpu.dma_semaphore, #tpu.memory_space<semaphore_mem>>
        %dma_start3A_371 = arith.constant 0 : i32
        %dma_start3A_372 = tpu.memref_slice %arg6[%arg0, %add3A_370, %dma_start3A_371] : memref<2x10240x16xf32, #tpu.memory_space<hbm>> -> memref<1x128x16xf32, #tpu.memory_space<hbm>>
        %dma_start3A_373 = tpu.memref_squeeze %dma_start3A_372 : memref<1x128x16xf32, #tpu.memory_space<hbm>> -> memref<128x16xf32, #tpu.memory_space<hbm>>
        %dma_start3A_374 = arith.constant 0 : i32
        %dma_start3A_375 = tpu.memref_slice %arg6[%arg0, %add3A_370, %dma_start3A_374] : memref<2x10240x16xf32, #tpu.memory_space<hbm>> -> memref<1x128x16xf32, #tpu.memory_space<hbm>>
        %dma_start3A_376 = tpu.memref_squeeze %dma_start3A_375 : memref<1x128x16xf32, #tpu.memory_space<hbm>> -> memref<128x16xf32, #tpu.memory_space<hbm>>
        tpu.enqueue_dma source(%arg13 : memref<128x16xf32, #tpu.memory_space<vmem>>) target(%dma_start3A_376 : memref<128x16xf32, #tpu.memory_space<hbm>>) target_semaphore(%run_scoped3A : memref<!tpu.dma_semaphore, #tpu.memory_space<semaphore_mem>>)
        %dma_wait3A_377 = arith.constant 0 : i32
        %dma_wait3A_378 = tpu.memref_slice %arg6[%arg0, %add3A_370, %dma_wait3A_377] : memref<2x10240x16xf32, #tpu.memory_space<hbm>> -> memref<1x128x16xf32, #tpu.memory_space<hbm>>
        %dma_wait3A_379 = tpu.memref_squeeze %dma_wait3A_378 : memref<1x128x16xf32, #tpu.memory_space<hbm>> -> memref<128x16xf32, #tpu.memory_space<hbm>>
        %dma_wait3A_380 = arith.constant 0 : i32
        %dma_wait3A_381 = tpu.memref_slice %arg6[%arg0, %add3A_370, %dma_wait3A_380] : memref<2x10240x16xf32, #tpu.memory_space<hbm>> -> memref<1x128x16xf32, #tpu.memory_space<hbm>>
        %dma_wait3A_382 = tpu.memref_squeeze %dma_wait3A_381 : memref<1x128x16xf32, #tpu.memory_space<hbm>> -> memref<128x16xf32, #tpu.memory_space<hbm>>
        tpu.wait_dma2 semaphore(%run_scoped3A : memref<!tpu.dma_semaphore, #tpu.memory_space<semaphore_mem>>) src(%arg13 : memref<128x16xf32, #tpu.memory_space<vmem>>) dst(%dma_wait3A_382 : memref<128x16xf32, #tpu.memory_space<hbm>>)
        tpu.yield
      }) : () -> ()
    }
    %scan3A_361 = arith.constant 5 : i32
    return
  }
}

#map = affine_map<(d0, d1) -> (0, 0, 0)>
#map1 = affine_map<(d0, d1) -> (0, 0)>
module attributes {stable_mosaic.version = 14 : i64} {
  func.func @body(%arg0: i32, %arg1: i32, %arg2: memref<2x10000x64xf32, #tpu.memory_space<hbm>>, %arg3: memref<5120x64xi32, #tpu.memory_space<hbm>>, %arg4: memref<2560x128xi32, #tpu.memory_space<hbm>>, %arg5: memref<2x10240x64xf32, #tpu.memory_space<hbm>>, %arg6: memref<2x10240x16xf32, #tpu.memory_space<hbm>>, %arg7: memref<320x64xi32, #tpu.memory_space<vmem>>, %arg8: memref<160x128xi32, #tpu.memory_space<vmem>>, %arg9: memref<128x64xf32, #tpu.memory_space<vmem>>, %arg10: memref<128x64xf32, #tpu.memory_space<vmem>>, %arg11: memref<128x64xf32, #tpu.memory_space<vmem>>, %arg12: memref<128x16xf32, #tpu.memory_space<vmem>>, %arg13: memref<128x16xf32, #tpu.memory_space<vmem>>, %arg14: memref<128x64xf32, #tpu.memory_space<vmem>>, %arg15: memref<!tpu.dma_semaphore, #tpu.memory_space<semaphore_mem>>, %arg16: memref<!tpu.dma_semaphore, #tpu.memory_space<semaphore_mem>>, %arg17: memref<!tpu.dma_semaphore, #tpu.memory_space<semaphore_mem>>, %arg18: memref<!tpu.dma_semaphore, #tpu.memory_space<semaphore_mem>>, %arg19: memref<!tpu.dma_semaphore, #tpu.memory_space<semaphore_mem>>, %arg20: memref<!tpu.dma_semaphore, #tpu.memory_space<semaphore_mem>>, %arg21: memref<!tpu.dma_semaphore, #tpu.memory_space<semaphore_mem>>, %arg22: memref<!tpu.dma_semaphore, #tpu.memory_space<semaphore_mem>>, %arg23: memref<!tpu.dma_semaphore, #tpu.memory_space<semaphore_mem>>, %arg24: memref<!tpu.dma_semaphore, #tpu.memory_space<semaphore_mem>>, %arg25: memref<!tpu.dma_semaphore, #tpu.memory_space<semaphore_mem>>, %arg26: memref<!tpu.dma_semaphore, #tpu.memory_space<semaphore_mem>>, %arg27: memref<10240x64xf32, #tpu.memory_space<vmem_shared>>, %arg28: memref<10240x16xf32, #tpu.memory_space<vmem_shared>>) attributes {dimension_semantics = [#tpu.dimension_semantics<core_parallel>, #tpu.dimension_semantics<subcore_parallel>], iteration_bounds = array<i64: 2, 16>, scalar_prefetch = 0 : i64, scratch_operands = 22 : i64, tpu.core_type = #tpu.core_type<sc_vector_subcore>, window_params = [{transform_indices = #map}, {transform_indices = #map1}, {transform_indices = #map1}, {transform_indices = #map}, {transform_indices = #map}]} {
    %broadcast_in_dim3A = arith.constant 0.000000e+00 : f32
    %broadcast_in_dim3A_0 = vector.broadcast %broadcast_in_dim3A : f32 to vector<16xf32>
    %broadcast_in_dim3A_1 = arith.constant 1.000000e+00 : f32
    %broadcast_in_dim3A_2 = vector.broadcast %broadcast_in_dim3A_1 : f32 to vector<16xf32>
    %scan3A = arith.constant 0 : i32
    %scan3A_3 = arith.constant 128 : i32
    %scan3A_4 = arith.addi %scan3A, %scan3A_3 : i32
    %scan3A_5 = arith.constant 1 : i32
    scf.for %scan3A_362 = %scan3A to %scan3A_4 step %scan3A_5  : i32 {
      %mul3A_363 = arith.constant 1 : i32
      %mul3A_364 = arith.muli %scan3A_362, %mul3A_363 : i32
      %add3A = arith.constant 0 : i32
      %add3A_365 = arith.addi %add3A, %mul3A_364 : i32
      %swap3A = arith.index_cast %add3A_365 : i32 to index
      %swap3A_366 = arith.constant 0 : index
      %swap3A_367 = tpu.vector_load %arg14[%swap3A, %swap3A_366] {strides = array<i32>} : memref<128x64xf32, #tpu.memory_space<vmem>>, vector<1x16xf32>,
      %swap3A_368 = vector.shape_cast %swap3A_367 : vector<1x16xf32> to vector<16xf32>
      %swap3A_369 = vector.shape_cast %broadcast_in_dim3A_0 : vector<16xf32> to vector<1x16xf32>
      tpu.vector_store %arg14[%swap3A, %swap3A_366], %swap3A_369 {strides = array<i32>} : memref<128x64xf32, #tpu.memory_space<vmem>>, vector<1x16xf32>,
      %swap3A_370 = arith.index_cast %add3A_365 : i32 to index
      %swap3A_371 = arith.constant 16 : index
      %swap3A_372 = tpu.vector_load %arg14[%swap3A_370, %swap3A_371] {strides = array<i32>} : memref<128x64xf32, #tpu.memory_space<vmem>>, vector<1x16xf32>,
      %swap3A_373 = vector.shape_cast %swap3A_372 : vector<1x16xf32> to vector<16xf32>
      %swap3A_374 = vector.shape_cast %broadcast_in_dim3A_0 : vector<16xf32> to vector<1x16xf32>
      tpu.vector_store %arg14[%swap3A_370, %swap3A_371], %swap3A_374 {strides = array<i32>} : memref<128x64xf32, #tpu.memory_space<vmem>>, vector<1x16xf32>,
      %swap3A_375 = arith.index_cast %add3A_365 : i32 to index
      %swap3A_376 = arith.constant 32 : index
      %swap3A_377 = tpu.vector_load %arg14[%swap3A_375, %swap3A_376] {strides = array<i32>} : memref<128x64xf32, #tpu.memory_space<vmem>>, vector<1x16xf32>,
      %swap3A_378 = vector.shape_cast %swap3A_377 : vector<1x16xf32> to vector<16xf32>
      %swap3A_379 = vector.shape_cast %broadcast_in_dim3A_0 : vector<16xf32> to vector<1x16xf32>
      tpu.vector_store %arg14[%swap3A_375, %swap3A_376], %swap3A_379 {strides = array<i32>} : memref<128x64xf32, #tpu.memory_space<vmem>>, vector<1x16xf32>,
      %swap3A_380 = arith.index_cast %add3A_365 : i32 to index
      %swap3A_381 = arith.constant 48 : index
      %swap3A_382 = tpu.vector_load %arg14[%swap3A_380, %swap3A_381] {strides = array<i32>} : memref<128x64xf32, #tpu.memory_space<vmem>>, vector<1x16xf32>,
      %swap3A_383 = vector.shape_cast %swap3A_382 : vector<1x16xf32> to vector<16xf32>
      %swap3A_384 = vector.shape_cast %broadcast_in_dim3A_0 : vector<16xf32> to vector<1x16xf32>
      tpu.vector_store %arg14[%swap3A_380, %swap3A_381], %swap3A_384 {strides = array<i32>} : memref<128x64xf32, #tpu.memory_space<vmem>>, vector<1x16xf32>,
      %swap3A_385 = arith.index_cast %add3A_365 : i32 to index
      %swap3A_386 = arith.constant 0 : index
      %swap3A_387 = tpu.vector_load %arg13[%swap3A_385, %swap3A_386] {strides = array<i32>} : memref<128x16xf32, #tpu.memory_space<vmem>>, vector<1x16xf32>,
      %swap3A_388 = vector.shape_cast %swap3A_387 : vector<1x16xf32> to vector<16xf32>
      %swap3A_389 = vector.shape_cast %broadcast_in_dim3A_0 : vector<16xf32> to vector<1x16xf32>
      tpu.vector_store %arg13[%swap3A_385, %swap3A_386], %swap3A_389 {strides = array<i32>} : memref<128x16xf32, #tpu.memory_space<vmem>>, vector<1x16xf32>,
      %swap3A_390 = arith.index_cast %add3A_365 : i32 to index
      %swap3A_391 = arith.constant 0 : index
      %swap3A_392 = tpu.vector_load %arg12[%swap3A_390, %swap3A_391] {strides = array<i32>} : memref<128x16xf32, #tpu.memory_space<vmem>>, vector<1x16xf32>,
      %swap3A_393 = vector.shape_cast %swap3A_392 : vector<1x16xf32> to vector<16xf32>
      %swap3A_394 = vector.shape_cast %broadcast_in_dim3A_2 : vector<16xf32> to vector<1x16xf32>
      tpu.vector_store %arg12[%swap3A_390, %swap3A_391], %swap3A_394 {strides = array<i32>} : memref<128x16xf32, #tpu.memory_space<vmem>>, vector<1x16xf32>,
    }
    %scan3A_6 = arith.constant 128 : i32
    %scan3A_7 = arith.constant 0 : i32
    %scan3A_8 = arith.constant 5 : i32
    %scan3A_9 = arith.addi %scan3A_7, %scan3A_8 : i32
    %scan3A_10 = arith.constant 1 : i32
    scf.for %scan3A_362 = %scan3A_7 to %scan3A_9 step %scan3A_10  : i32 {
      %mul3A_363 = arith.constant 1 : i32
      %mul3A_364 = arith.muli %scan3A_362, %mul3A_363 : i32
      %add3A = arith.constant 0 : i32
      %add3A_365 = arith.addi %add3A, %mul3A_364 : i32
      %mul3A_366 = arith.constant 640 : i32
      %mul3A_367 = arith.muli %arg1, %mul3A_366 : i32
      %mul3A_368 = arith.constant 128 : i32
      %mul3A_369 = arith.muli %add3A_365, %mul3A_368 : i32
      %add3A_370 = arith.addi %mul3A_367, %mul3A_369 : i32
      "tpu.region"() ({
        %run_scoped3A = tpu.sem_alloc : memref<!tpu.dma_semaphore, #tpu.memory_space<semaphore_mem>>
        %dma_start3A_371 = arith.constant 0 : i32
        %dma_start3A_372 = tpu.memref_slice %arg27[%add3A_370, %dma_start3A_371] : memref<10240x64xf32, #tpu.memory_space<vmem_shared>> -> memref<128x64xf32, #tpu.memory_space<vmem_shared>>
        %dma_start3A_373 = arith.constant 0 : i32
        %dma_start3A_374 = tpu.memref_slice %arg27[%add3A_370, %dma_start3A_373] : memref<10240x64xf32, #tpu.memory_space<vmem_shared>> -> memref<128x64xf32, #tpu.memory_space<vmem_shared>>
        tpu.enqueue_dma source(%arg14 : memref<128x64xf32, #tpu.memory_space<vmem>>) target(%dma_start3A_374 : memref<128x64xf32, #tpu.memory_space<vmem_shared>>) target_semaphore(%run_scoped3A : memref<!tpu.dma_semaphore, #tpu.memory_space<semaphore_mem>>)
        %dma_wait3A_375 = arith.constant 0 : i32
        %dma_wait3A_376 = tpu.memref_slice %arg27[%add3A_370, %dma_wait3A_375] : memref<10240x64xf32, #tpu.memory_space<vmem_shared>> -> memref<128x64xf32, #tpu.memory_space<vmem_shared>>
        %dma_wait3A_377 = arith.constant 0 : i32
        %dma_wait3A_378 = tpu.memref_slice %arg27[%add3A_370, %dma_wait3A_377] : memref<10240x64xf32, #tpu.memory_space<vmem_shared>> -> memref<128x64xf32, #tpu.memory_space<vmem_shared>>
        tpu.wait_dma2 semaphore(%run_scoped3A : memref<!tpu.dma_semaphore, #tpu.memory_space<semaphore_mem>>) src(%arg14 : memref<128x64xf32, #tpu.memory_space<vmem>>) dst(%dma_wait3A_378 : memref<128x64xf32, #tpu.memory_space<vmem_shared>>)
        tpu.yield
      }) : () -> ()
      "tpu.region"() ({
        %run_scoped3A = tpu.sem_alloc : memref<!tpu.dma_semaphore, #tpu.memory_space<semaphore_mem>>
        %dma_start3A_371 = arith.constant 0 : i32
        %dma_start3A_372 = tpu.memref_slice %arg28[%add3A_370, %dma_start3A_371] : memref<10240x16xf32, #tpu.memory_space<vmem_shared>> -> memref<128x16xf32, #tpu.memory_space<vmem_shared>>
        %dma_start3A_373 = arith.constant 0 : i32
        %dma_start3A_374 = tpu.memref_slice %arg28[%add3A_370, %dma_start3A_373] : memref<10240x16xf32, #tpu.memory_space<vmem_shared>> -> memref<128x16xf32, #tpu.memory_space<vmem_shared>>
        tpu.enqueue_dma source(%arg13 : memref<128x16xf32, #tpu.memory_space<vmem>>) target(%dma_start3A_374 : memref<128x16xf32, #tpu.memory_space<vmem_shared>>) target_semaphore(%run_scoped3A : memref<!tpu.dma_semaphore, #tpu.memory_space<semaphore_mem>>)
        %dma_wait3A_375 = arith.constant 0 : i32
        %dma_wait3A_376 = tpu.memref_slice %arg28[%add3A_370, %dma_wait3A_375] : memref<10240x16xf32, #tpu.memory_space<vmem_shared>> -> memref<128x16xf32, #tpu.memory_space<vmem_shared>>
        %dma_wait3A_377 = arith.constant 0 : i32
        %dma_wait3A_378 = tpu.memref_slice %arg28[%add3A_370, %dma_wait3A_377] : memref<10240x16xf32, #tpu.memory_space<vmem_shared>> -> memref<128x16xf32, #tpu.memory_space<vmem_shared>>
        tpu.wait_dma2 semaphore(%run_scoped3A : memref<!tpu.dma_semaphore, #tpu.memory_space<semaphore_mem>>) src(%arg13 : memref<128x16xf32, #tpu.memory_space<vmem>>) dst(%dma_wait3A_378 : memref<128x16xf32, #tpu.memory_space<vmem_shared>>)
        tpu.yield
      }) : () -> ()
    }
    %scan3A_11 = arith.constant 5 : i32
    %barrier3A = arith.constant 0 : index
    tpu.barrier barrier_id(%barrier3A)
    %mul3A = arith.constant 2 : i32
    %mul3A_12 = arith.muli %arg1, %mul3A : i32
    %mul3A_13 = arith.constant 160 : i32
    %mul3A_14 = arith.muli %mul3A_12, %mul3A_13 : i32
    "tpu.region"() ({
      %run_scoped3A = tpu.sem_alloc : memref<!tpu.dma_semaphore, #tpu.memory_space<semaphore_mem>>
      %dma_start3A_362 = arith.constant 0 : i32
      %dma_start3A_363 = tpu.memref_slice %arg3[%mul3A_14, %dma_start3A_362] : memref<5120x64xi32, #tpu.memory_space<hbm>> -> memref<320x64xi32, #tpu.memory_space<hbm>>
      %dma_start3A_364 = arith.constant 0 : i32
      %dma_start3A_365 = tpu.memref_slice %arg3[%mul3A_14, %dma_start3A_364] : memref<5120x64xi32, #tpu.memory_space<hbm>> -> memref<320x64xi32, #tpu.memory_space<hbm>>
      tpu.enqueue_dma source(%dma_start3A_365 : memref<320x64xi32, #tpu.memory_space<hbm>>) target(%arg7 : memref<320x64xi32, #tpu.memory_space<vmem>>) target_semaphore(%run_scoped3A : memref<!tpu.dma_semaphore, #tpu.memory_space<semaphore_mem>>)
      %dma_wait3A_366 = arith.constant 0 : i32
      %dma_wait3A_367 = tpu.memref_slice %arg3[%mul3A_14, %dma_wait3A_366] : memref<5120x64xi32, #tpu.memory_space<hbm>> -> memref<320x64xi32, #tpu.memory_space<hbm>>
      %dma_wait3A_368 = arith.constant 0 : i32
      %dma_wait3A_369 = tpu.memref_slice %arg3[%mul3A_14, %dma_wait3A_368] : memref<5120x64xi32, #tpu.memory_space<hbm>> -> memref<320x64xi32, #tpu.memory_space<hbm>>
      tpu.wait_dma2 semaphore(%run_scoped3A : memref<!tpu.dma_semaphore, #tpu.memory_space<semaphore_mem>>) src(%dma_wait3A_369 : memref<320x64xi32, #tpu.memory_space<hbm>>) dst(%arg7 : memref<320x64xi32, #tpu.memory_space<vmem>>)
      tpu.yield
    }) : () -> ()
    %mul3A_15 = arith.constant 160 : i32
    %mul3A_16 = arith.muli %arg1, %mul3A_15 : i32
    "tpu.region"() ({
      %run_scoped3A = tpu.sem_alloc : memref<!tpu.dma_semaphore, #tpu.memory_space<semaphore_mem>>
      %dma_start3A_362 = arith.constant 0 : i32
      %dma_start3A_363 = tpu.memref_slice %arg4[%mul3A_16, %dma_start3A_362] : memref<2560x128xi32, #tpu.memory_space<hbm>> -> memref<160x128xi32, #tpu.memory_space<hbm>>
      %dma_start3A_364 = arith.constant 0 : i32
      %dma_start3A_365 = tpu.memref_slice %arg4[%mul3A_16, %dma_start3A_364] : memref<2560x128xi32, #tpu.memory_space<hbm>> -> memref<160x128xi32, #tpu.memory_space<hbm>>
      tpu.enqueue_dma source(%dma_start3A_365 : memref<160x128xi32, #tpu.memory_space<hbm>>) target(%arg8 : memref<160x128xi32, #tpu.memory_space<vmem>>) target_semaphore(%run_scoped3A : memref<!tpu.dma_semaphore, #tpu.memory_space<semaphore_mem>>)
      %dma_wait3A_366 = arith.constant 0 : i32
      %dma_wait3A_367 = tpu.memref_slice %arg4[%mul3A_16, %dma_wait3A_366] : memref<2560x128xi32, #tpu.memory_space<hbm>> -> memref<160x128xi32, #tpu.memory_space<hbm>>
      %dma_wait3A_368 = arith.constant 0 : i32
      %dma_wait3A_369 = tpu.memref_slice %arg4[%mul3A_16, %dma_wait3A_368] : memref<2560x128xi32, #tpu.memory_space<hbm>> -> memref<160x128xi32, #tpu.memory_space<hbm>>
      tpu.wait_dma2 semaphore(%run_scoped3A : memref<!tpu.dma_semaphore, #tpu.memory_space<semaphore_mem>>) src(%dma_wait3A_369 : memref<160x128xi32, #tpu.memory_space<hbm>>) dst(%arg8 : memref<160x128xi32, #tpu.memory_space<vmem>>)
      tpu.yield
    }) : () -> ()
    %dma_start3A = arith.constant 0 : i32
    %dma_start3A_17 = arith.constant 0 : i32
    %dma_start3A_18 = arith.constant 0 : i32
    %dma_start3A_19 = tpu.memref_slice %arg9[%dma_start3A_17, %dma_start3A_18] : memref<128x64xf32, #tpu.memory_space<vmem>> -> memref<64x64xf32, #tpu.memory_space<vmem>>
    %dma_start3A_20 = arith.constant 0 : i32
    %dma_start3A_21 = tpu.memref_slice %arg7[%dma_start3A, %dma_start3A_20] : memref<320x64xi32, #tpu.memory_space<vmem>> -> memref<1x64xi32, #tpu.memory_space<vmem>>
    %dma_start3A_22 = tpu.memref_squeeze %dma_start3A_21 : memref<1x64xi32, #tpu.memory_space<vmem>> -> memref<64xi32, #tpu.memory_space<vmem>>
    %dma_start3A_23 = arith.constant 0 : i32
    %dma_start3A_24 = arith.constant 0 : i32
    %dma_start3A_25 = tpu.memref_slice %arg2[%arg0, %dma_start3A_23, %dma_start3A_24] : memref<2x10000x64xf32, #tpu.memory_space<hbm>> -> memref<1x10000x64xf32, #tpu.memory_space<hbm>>
    %dma_start3A_26 = tpu.memref_squeeze %dma_start3A_25 : memref<1x10000x64xf32, #tpu.memory_space<hbm>> -> memref<10000x64xf32, #tpu.memory_space<hbm>>
    %dma_start3A_27 = arith.constant 0 : i32
    %dma_start3A_28 = arith.constant 0 : i32
    %dma_start3A_29 = tpu.memref_slice %dma_start3A_26[%dma_start3A_27, %dma_start3A_28] : memref<10000x64xf32, #tpu.memory_space<hbm>> -> memref<10000x64xf32, #tpu.memory_space<hbm>>
    tpu.enqueue_indirect_dma source(%dma_start3A_29 : memref<10000x64xf32, #tpu.memory_space<hbm>>) target(%dma_start3A_19 : memref<64x64xf32, #tpu.memory_space<vmem>>) offsets(%dma_start3A_22 : memref<64xi32, #tpu.memory_space<vmem>>) semaphore(%arg15 : memref<!tpu.dma_semaphore, #tpu.memory_space<semaphore_mem>>)
    %dma_start3A_30 = arith.constant 1 : i32
    %dma_start3A_31 = arith.constant 64 : i32
    %dma_start3A_32 = arith.constant 0 : i32
    %dma_start3A_33 = tpu.memref_slice %arg9[%dma_start3A_31, %dma_start3A_32] : memref<128x64xf32, #tpu.memory_space<vmem>> -> memref<64x64xf32, #tpu.memory_space<vmem>>
    %dma_start3A_34 = arith.constant 0 : i32
    %dma_start3A_35 = tpu.memref_slice %arg7[%dma_start3A_30, %dma_start3A_34] : memref<320x64xi32, #tpu.memory_space<vmem>> -> memref<1x64xi32, #tpu.memory_space<vmem>>
    %dma_start3A_36 = tpu.memref_squeeze %dma_start3A_35 : memref<1x64xi32, #tpu.memory_space<vmem>> -> memref<64xi32, #tpu.memory_space<vmem>>
    %dma_start3A_37 = arith.constant 0 : i32
    %dma_start3A_38 = arith.constant 0 : i32
    %dma_start3A_39 = tpu.memref_slice %arg2[%arg0, %dma_start3A_37, %dma_start3A_38] : memref<2x10000x64xf32, #tpu.memory_space<hbm>> -> memref<1x10000x64xf32, #tpu.memory_space<hbm>>
    %dma_start3A_40 = tpu.memref_squeeze %dma_start3A_39 : memref<1x10000x64xf32, #tpu.memory_space<hbm>> -> memref<10000x64xf32, #tpu.memory_space<hbm>>
    %dma_start3A_41 = arith.constant 0 : i32
    %dma_start3A_42 = arith.constant 0 : i32
    %dma_start3A_43 = tpu.memref_slice %dma_start3A_40[%dma_start3A_41, %dma_start3A_42] : memref<10000x64xf32, #tpu.memory_space<hbm>> -> memref<10000x64xf32, #tpu.memory_space<hbm>>
    tpu.enqueue_indirect_dma source(%dma_start3A_43 : memref<10000x64xf32, #tpu.memory_space<hbm>>) target(%dma_start3A_33 : memref<64x64xf32, #tpu.memory_space<vmem>>) offsets(%dma_start3A_36 : memref<64xi32, #tpu.memory_space<vmem>>) semaphore(%arg18 : memref<!tpu.dma_semaphore, #tpu.memory_space<semaphore_mem>>)
    %dma_start3A_44 = arith.constant 2 : i32
    %dma_start3A_45 = arith.constant 0 : i32
    %dma_start3A_46 = arith.constant 0 : i32
    %dma_start3A_47 = tpu.memref_slice %arg10[%dma_start3A_45, %dma_start3A_46] : memref<128x64xf32, #tpu.memory_space<vmem>> -> memref<64x64xf32, #tpu.memory_space<vmem>>
    %dma_start3A_48 = arith.constant 0 : i32
    %dma_start3A_49 = tpu.memref_slice %arg7[%dma_start3A_44, %dma_start3A_48] : memref<320x64xi32, #tpu.memory_space<vmem>> -> memref<1x64xi32, #tpu.memory_space<vmem>>
    %dma_start3A_50 = tpu.memref_squeeze %dma_start3A_49 : memref<1x64xi32, #tpu.memory_space<vmem>> -> memref<64xi32, #tpu.memory_space<vmem>>
    %dma_start3A_51 = arith.constant 0 : i32
    %dma_start3A_52 = arith.constant 0 : i32
    %dma_start3A_53 = tpu.memref_slice %arg2[%arg0, %dma_start3A_51, %dma_start3A_52] : memref<2x10000x64xf32, #tpu.memory_space<hbm>> -> memref<1x10000x64xf32, #tpu.memory_space<hbm>>
    %dma_start3A_54 = tpu.memref_squeeze %dma_start3A_53 : memref<1x10000x64xf32, #tpu.memory_space<hbm>> -> memref<10000x64xf32, #tpu.memory_space<hbm>>
    %dma_start3A_55 = arith.constant 0 : i32
    %dma_start3A_56 = arith.constant 0 : i32
    %dma_start3A_57 = tpu.memref_slice %dma_start3A_54[%dma_start3A_55, %dma_start3A_56] : memref<10000x64xf32, #tpu.memory_space<hbm>> -> memref<10000x64xf32, #tpu.memory_space<hbm>>
    tpu.enqueue_indirect_dma source(%dma_start3A_57 : memref<10000x64xf32, #tpu.memory_space<hbm>>) target(%dma_start3A_47 : memref<64x64xf32, #tpu.memory_space<vmem>>) offsets(%dma_start3A_50 : memref<64xi32, #tpu.memory_space<vmem>>) semaphore(%arg16 : memref<!tpu.dma_semaphore, #tpu.memory_space<semaphore_mem>>)
    %dma_start3A_58 = arith.constant 3 : i32
    %dma_start3A_59 = arith.constant 64 : i32
    %dma_start3A_60 = arith.constant 0 : i32
    %dma_start3A_61 = tpu.memref_slice %arg10[%dma_start3A_59, %dma_start3A_60] : memref<128x64xf32, #tpu.memory_space<vmem>> -> memref<64x64xf32, #tpu.memory_space<vmem>>
    %dma_start3A_62 = arith.constant 0 : i32
    %dma_start3A_63 = tpu.memref_slice %arg7[%dma_start3A_58, %dma_start3A_62] : memref<320x64xi32, #tpu.memory_space<vmem>> -> memref<1x64xi32, #tpu.memory_space<vmem>>
    %dma_start3A_64 = tpu.memref_squeeze %dma_start3A_63 : memref<1x64xi32, #tpu.memory_space<vmem>> -> memref<64xi32, #tpu.memory_space<vmem>>
    %dma_start3A_65 = arith.constant 0 : i32
    %dma_start3A_66 = arith.constant 0 : i32
    %dma_start3A_67 = tpu.memref_slice %arg2[%arg0, %dma_start3A_65, %dma_start3A_66] : memref<2x10000x64xf32, #tpu.memory_space<hbm>> -> memref<1x10000x64xf32, #tpu.memory_space<hbm>>
    %dma_start3A_68 = tpu.memref_squeeze %dma_start3A_67 : memref<1x10000x64xf32, #tpu.memory_space<hbm>> -> memref<10000x64xf32, #tpu.memory_space<hbm>>
    %dma_start3A_69 = arith.constant 0 : i32
    %dma_start3A_70 = arith.constant 0 : i32
    %dma_start3A_71 = tpu.memref_slice %dma_start3A_68[%dma_start3A_69, %dma_start3A_70] : memref<10000x64xf32, #tpu.memory_space<hbm>> -> memref<10000x64xf32, #tpu.memory_space<hbm>>
    tpu.enqueue_indirect_dma source(%dma_start3A_71 : memref<10000x64xf32, #tpu.memory_space<hbm>>) target(%dma_start3A_61 : memref<64x64xf32, #tpu.memory_space<vmem>>) offsets(%dma_start3A_64 : memref<64xi32, #tpu.memory_space<vmem>>) semaphore(%arg19 : memref<!tpu.dma_semaphore, #tpu.memory_space<semaphore_mem>>)
    %dma_wait3A = arith.constant 0 : i32
    %dma_wait3A_72 = arith.constant 0 : i32
    %dma_wait3A_73 = arith.constant 0 : i32
    %dma_wait3A_74 = tpu.memref_slice %arg9[%dma_wait3A_72, %dma_wait3A_73] : memref<128x64xf32, #tpu.memory_space<vmem>> -> memref<64x64xf32, #tpu.memory_space<vmem>>
    %dma_wait3A_75 = arith.constant 0 : i32
    %dma_wait3A_76 = tpu.memref_slice %arg7[%dma_wait3A, %dma_wait3A_75] : memref<320x64xi32, #tpu.memory_space<vmem>> -> memref<1x64xi32, #tpu.memory_space<vmem>>
    %dma_wait3A_77 = tpu.memref_squeeze %dma_wait3A_76 : memref<1x64xi32, #tpu.memory_space<vmem>> -> memref<64xi32, #tpu.memory_space<vmem>>
    %dma_wait3A_78 = arith.constant 0 : i32
    %dma_wait3A_79 = arith.constant 0 : i32
    %dma_wait3A_80 = tpu.memref_slice %arg2[%arg0, %dma_wait3A_78, %dma_wait3A_79] : memref<2x10000x64xf32, #tpu.memory_space<hbm>> -> memref<1x10000x64xf32, #tpu.memory_space<hbm>>
    %dma_wait3A_81 = tpu.memref_squeeze %dma_wait3A_80 : memref<1x10000x64xf32, #tpu.memory_space<hbm>> -> memref<10000x64xf32, #tpu.memory_space<hbm>>
    %dma_wait3A_82 = arith.constant 0 : i32
    %dma_wait3A_83 = arith.constant 0 : i32
    %dma_wait3A_84 = tpu.memref_slice %dma_wait3A_81[%dma_wait3A_82, %dma_wait3A_83] : memref<10000x64xf32, #tpu.memory_space<hbm>> -> memref<10000x64xf32, #tpu.memory_space<hbm>>
    tpu.wait_indirect_dma semaphore(%arg15 : memref<!tpu.dma_semaphore, #tpu.memory_space<semaphore_mem>>) src(%dma_wait3A_84 : memref<10000x64xf32, #tpu.memory_space<hbm>>) dst(%dma_wait3A_74 : memref<64x64xf32, #tpu.memory_space<vmem>>)
    %dma_wait3A_85 = arith.constant 1 : i32
    %dma_wait3A_86 = arith.constant 64 : i32
    %dma_wait3A_87 = arith.constant 0 : i32
    %dma_wait3A_88 = tpu.memref_slice %arg9[%dma_wait3A_86, %dma_wait3A_87] : memref<128x64xf32, #tpu.memory_space<vmem>> -> memref<64x64xf32, #tpu.memory_space<vmem>>
    %dma_wait3A_89 = arith.constant 0 : i32
    %dma_wait3A_90 = tpu.memref_slice %arg7[%dma_wait3A_85, %dma_wait3A_89] : memref<320x64xi32, #tpu.memory_space<vmem>> -> memref<1x64xi32, #tpu.memory_space<vmem>>
    %dma_wait3A_91 = tpu.memref_squeeze %dma_wait3A_90 : memref<1x64xi32, #tpu.memory_space<vmem>> -> memref<64xi32, #tpu.memory_space<vmem>>
    %dma_wait3A_92 = arith.constant 0 : i32
    %dma_wait3A_93 = arith.constant 0 : i32
    %dma_wait3A_94 = tpu.memref_slice %arg2[%arg0, %dma_wait3A_92, %dma_wait3A_93] : memref<2x10000x64xf32, #tpu.memory_space<hbm>> -> memref<1x10000x64xf32, #tpu.memory_space<hbm>>
    %dma_wait3A_95 = tpu.memref_squeeze %dma_wait3A_94 : memref<1x10000x64xf32, #tpu.memory_space<hbm>> -> memref<10000x64xf32, #tpu.memory_space<hbm>>
    %dma_wait3A_96 = arith.constant 0 : i32
    %dma_wait3A_97 = arith.constant 0 : i32
    %dma_wait3A_98 = tpu.memref_slice %dma_wait3A_95[%dma_wait3A_96, %dma_wait3A_97] : memref<10000x64xf32, #tpu.memory_space<hbm>> -> memref<10000x64xf32, #tpu.memory_space<hbm>>
    tpu.wait_indirect_dma semaphore(%arg18 : memref<!tpu.dma_semaphore, #tpu.memory_space<semaphore_mem>>) src(%dma_wait3A_98 : memref<10000x64xf32, #tpu.memory_space<hbm>>) dst(%dma_wait3A_88 : memref<64x64xf32, #tpu.memory_space<vmem>>)
    %dma_start3A_99 = arith.constant 0 : i32
    %dma_start3A_100 = arith.constant 0 : i32
    %dma_start3A_101 = tpu.memref_slice %arg8[%dma_start3A_99, %dma_start3A_100] : memref<160x128xi32, #tpu.memory_space<vmem>> -> memref<1x128xi32, #tpu.memory_space<vmem>>
    %dma_start3A_102 = tpu.memref_squeeze %dma_start3A_101 : memref<1x128xi32, #tpu.memory_space<vmem>> -> memref<128xi32, #tpu.memory_space<vmem>>
    %dma_start3A_103 = arith.constant 0 : i32
    %dma_start3A_104 = arith.constant 0 : i32
    %dma_start3A_105 = tpu.memref_slice %arg27[%dma_start3A_103, %dma_start3A_104] : memref<10240x64xf32, #tpu.memory_space<vmem_shared>> -> memref<10240x64xf32, #tpu.memory_space<vmem_shared>>
    tpu.enqueue_indirect_dma source(%arg9 : memref<128x64xf32, #tpu.memory_space<vmem>>) target(%dma_start3A_105 : memref<10240x64xf32, #tpu.memory_space<vmem_shared>>) offsets(%dma_start3A_102 : memref<128xi32, #tpu.memory_space<vmem>>) semaphore(%arg21 : memref<!tpu.dma_semaphore, #tpu.memory_space<semaphore_mem>>) {add = true}
    %dma_start3A_106 = arith.constant 0 : i32
    %dma_start3A_107 = arith.constant 0 : i32
    %dma_start3A_108 = tpu.memref_slice %arg8[%dma_start3A_106, %dma_start3A_107] : memref<160x128xi32, #tpu.memory_space<vmem>> -> memref<1x128xi32, #tpu.memory_space<vmem>>
    %dma_start3A_109 = tpu.memref_squeeze %dma_start3A_108 : memref<1x128xi32, #tpu.memory_space<vmem>> -> memref<128xi32, #tpu.memory_space<vmem>>
    %dma_start3A_110 = arith.constant 0 : i32
    %dma_start3A_111 = arith.constant 0 : i32
    %dma_start3A_112 = tpu.memref_slice %arg28[%dma_start3A_110, %dma_start3A_111] : memref<10240x16xf32, #tpu.memory_space<vmem_shared>> -> memref<10240x16xf32, #tpu.memory_space<vmem_shared>>
    tpu.enqueue_indirect_dma source(%arg12 : memref<128x16xf32, #tpu.memory_space<vmem>>) target(%dma_start3A_112 : memref<10240x16xf32, #tpu.memory_space<vmem_shared>>) offsets(%dma_start3A_109 : memref<128xi32, #tpu.memory_space<vmem>>) semaphore(%arg24 : memref<!tpu.dma_semaphore, #tpu.memory_space<semaphore_mem>>) {add = true}
    %dma_start3A_113 = arith.constant 4 : i32
    %dma_start3A_114 = arith.constant 0 : i32
    %dma_start3A_115 = arith.constant 0 : i32
    %dma_start3A_116 = tpu.memref_slice %arg11[%dma_start3A_114, %dma_start3A_115] : memref<128x64xf32, #tpu.memory_space<vmem>> -> memref<64x64xf32, #tpu.memory_space<vmem>>
    %dma_start3A_117 = arith.constant 0 : i32
    %dma_start3A_118 = tpu.memref_slice %arg7[%dma_start3A_113, %dma_start3A_117] : memref<320x64xi32, #tpu.memory_space<vmem>> -> memref<1x64xi32, #tpu.memory_space<vmem>>
    %dma_start3A_119 = tpu.memref_squeeze %dma_start3A_118 : memref<1x64xi32, #tpu.memory_space<vmem>> -> memref<64xi32, #tpu.memory_space<vmem>>
    %dma_start3A_120 = arith.constant 0 : i32
    %dma_start3A_121 = arith.constant 0 : i32
    %dma_start3A_122 = tpu.memref_slice %arg2[%arg0, %dma_start3A_120, %dma_start3A_121] : memref<2x10000x64xf32, #tpu.memory_space<hbm>> -> memref<1x10000x64xf32, #tpu.memory_space<hbm>>
    %dma_start3A_123 = tpu.memref_squeeze %dma_start3A_122 : memref<1x10000x64xf32, #tpu.memory_space<hbm>> -> memref<10000x64xf32, #tpu.memory_space<hbm>>
    %dma_start3A_124 = arith.constant 0 : i32
    %dma_start3A_125 = arith.constant 0 : i32
    %dma_start3A_126 = tpu.memref_slice %dma_start3A_123[%dma_start3A_124, %dma_start3A_125] : memref<10000x64xf32, #tpu.memory_space<hbm>> -> memref<10000x64xf32, #tpu.memory_space<hbm>>
    tpu.enqueue_indirect_dma source(%dma_start3A_126 : memref<10000x64xf32, #tpu.memory_space<hbm>>) target(%dma_start3A_116 : memref<64x64xf32, #tpu.memory_space<vmem>>) offsets(%dma_start3A_119 : memref<64xi32, #tpu.memory_space<vmem>>) semaphore(%arg17 : memref<!tpu.dma_semaphore, #tpu.memory_space<semaphore_mem>>)
    %dma_start3A_127 = arith.constant 5 : i32
    %dma_start3A_128 = arith.constant 64 : i32
    %dma_start3A_129 = arith.constant 0 : i32
    %dma_start3A_130 = tpu.memref_slice %arg11[%dma_start3A_128, %dma_start3A_129] : memref<128x64xf32, #tpu.memory_space<vmem>> -> memref<64x64xf32, #tpu.memory_space<vmem>>
    %dma_start3A_131 = arith.constant 0 : i32
    %dma_start3A_132 = tpu.memref_slice %arg7[%dma_start3A_127, %dma_start3A_131] : memref<320x64xi32, #tpu.memory_space<vmem>> -> memref<1x64xi32, #tpu.memory_space<vmem>>
    %dma_start3A_133 = tpu.memref_squeeze %dma_start3A_132 : memref<1x64xi32, #tpu.memory_space<vmem>> -> memref<64xi32, #tpu.memory_space<vmem>>
    %dma_start3A_134 = arith.constant 0 : i32
    %dma_start3A_135 = arith.constant 0 : i32
    %dma_start3A_136 = tpu.memref_slice %arg2[%arg0, %dma_start3A_134, %dma_start3A_135] : memref<2x10000x64xf32, #tpu.memory_space<hbm>> -> memref<1x10000x64xf32, #tpu.memory_space<hbm>>
    %dma_start3A_137 = tpu.memref_squeeze %dma_start3A_136 : memref<1x10000x64xf32, #tpu.memory_space<hbm>> -> memref<10000x64xf32, #tpu.memory_space<hbm>>
    %dma_start3A_138 = arith.constant 0 : i32
    %dma_start3A_139 = arith.constant 0 : i32
    %dma_start3A_140 = tpu.memref_slice %dma_start3A_137[%dma_start3A_138, %dma_start3A_139] : memref<10000x64xf32, #tpu.memory_space<hbm>> -> memref<10000x64xf32, #tpu.memory_space<hbm>>
    tpu.enqueue_indirect_dma source(%dma_start3A_140 : memref<10000x64xf32, #tpu.memory_space<hbm>>) target(%dma_start3A_130 : memref<64x64xf32, #tpu.memory_space<vmem>>) offsets(%dma_start3A_133 : memref<64xi32, #tpu.memory_space<vmem>>) semaphore(%arg20 : memref<!tpu.dma_semaphore, #tpu.memory_space<semaphore_mem>>)
    %dma_wait3A_141 = arith.constant 2 : i32
    %dma_wait3A_142 = arith.constant 0 : i32
    %dma_wait3A_143 = arith.constant 0 : i32
    %dma_wait3A_144 = tpu.memref_slice %arg10[%dma_wait3A_142, %dma_wait3A_143] : memref<128x64xf32, #tpu.memory_space<vmem>> -> memref<64x64xf32, #tpu.memory_space<vmem>>
    %dma_wait3A_145 = arith.constant 0 : i32
    %dma_wait3A_146 = tpu.memref_slice %arg7[%dma_wait3A_141, %dma_wait3A_145] : memref<320x64xi32, #tpu.memory_space<vmem>> -> memref<1x64xi32, #tpu.memory_space<vmem>>
    %dma_wait3A_147 = tpu.memref_squeeze %dma_wait3A_146 : memref<1x64xi32, #tpu.memory_space<vmem>> -> memref<64xi32, #tpu.memory_space<vmem>>
    %dma_wait3A_148 = arith.constant 0 : i32
    %dma_wait3A_149 = arith.constant 0 : i32
    %dma_wait3A_150 = tpu.memref_slice %arg2[%arg0, %dma_wait3A_148, %dma_wait3A_149] : memref<2x10000x64xf32, #tpu.memory_space<hbm>> -> memref<1x10000x64xf32, #tpu.memory_space<hbm>>
    %dma_wait3A_151 = tpu.memref_squeeze %dma_wait3A_150 : memref<1x10000x64xf32, #tpu.memory_space<hbm>> -> memref<10000x64xf32, #tpu.memory_space<hbm>>
    %dma_wait3A_152 = arith.constant 0 : i32
    %dma_wait3A_153 = arith.constant 0 : i32
    %dma_wait3A_154 = tpu.memref_slice %dma_wait3A_151[%dma_wait3A_152, %dma_wait3A_153] : memref<10000x64xf32, #tpu.memory_space<hbm>> -> memref<10000x64xf32, #tpu.memory_space<hbm>>
    tpu.wait_indirect_dma semaphore(%arg16 : memref<!tpu.dma_semaphore, #tpu.memory_space<semaphore_mem>>) src(%dma_wait3A_154 : memref<10000x64xf32, #tpu.memory_space<hbm>>) dst(%dma_wait3A_144 : memref<64x64xf32, #tpu.memory_space<vmem>>)
    %dma_wait3A_155 = arith.constant 3 : i32
    %dma_wait3A_156 = arith.constant 64 : i32
    %dma_wait3A_157 = arith.constant 0 : i32
    %dma_wait3A_158 = tpu.memref_slice %arg10[%dma_wait3A_156, %dma_wait3A_157] : memref<128x64xf32, #tpu.memory_space<vmem>> -> memref<64x64xf32, #tpu.memory_space<vmem>>
    %dma_wait3A_159 = arith.constant 0 : i32
    %dma_wait3A_160 = tpu.memref_slice %arg7[%dma_wait3A_155, %dma_wait3A_159] : memref<320x64xi32, #tpu.memory_space<vmem>> -> memref<1x64xi32, #tpu.memory_space<vmem>>
    %dma_wait3A_161 = tpu.memref_squeeze %dma_wait3A_160 : memref<1x64xi32, #tpu.memory_space<vmem>> -> memref<64xi32, #tpu.memory_space<vmem>>
    %dma_wait3A_162 = arith.constant 0 : i32
    %dma_wait3A_163 = arith.constant 0 : i32
    %dma_wait3A_164 = tpu.memref_slice %arg2[%arg0, %dma_wait3A_162, %dma_wait3A_163] : memref<2x10000x64xf32, #tpu.memory_space<hbm>> -> memref<1x10000x64xf32, #tpu.memory_space<hbm>>
    %dma_wait3A_165 = tpu.memref_squeeze %dma_wait3A_164 : memref<1x10000x64xf32, #tpu.memory_space<hbm>> -> memref<10000x64xf32, #tpu.memory_space<hbm>>
    %dma_wait3A_166 = arith.constant 0 : i32
    %dma_wait3A_167 = arith.constant 0 : i32
    %dma_wait3A_168 = tpu.memref_slice %dma_wait3A_165[%dma_wait3A_166, %dma_wait3A_167] : memref<10000x64xf32, #tpu.memory_space<hbm>> -> memref<10000x64xf32, #tpu.memory_space<hbm>>
    tpu.wait_indirect_dma semaphore(%arg19 : memref<!tpu.dma_semaphore, #tpu.memory_space<semaphore_mem>>) src(%dma_wait3A_168 : memref<10000x64xf32, #tpu.memory_space<hbm>>) dst(%dma_wait3A_158 : memref<64x64xf32, #tpu.memory_space<vmem>>)
    %dma_start3A_169 = arith.constant 1 : i32
    %dma_start3A_170 = arith.constant 0 : i32
    %dma_start3A_171 = tpu.memref_slice %arg8[%dma_start3A_169, %dma_start3A_170] : memref<160x128xi32, #tpu.memory_space<vmem>> -> memref<1x128xi32, #tpu.memory_space<vmem>>
    %dma_start3A_172 = tpu.memref_squeeze %dma_start3A_171 : memref<1x128xi32, #tpu.memory_space<vmem>> -> memref<128xi32, #tpu.memory_space<vmem>>
    %dma_start3A_173 = arith.constant 0 : i32
    %dma_start3A_174 = arith.constant 0 : i32
    %dma_start3A_175 = tpu.memref_slice %arg27[%dma_start3A_173, %dma_start3A_174] : memref<10240x64xf32, #tpu.memory_space<vmem_shared>> -> memref<10240x64xf32, #tpu.memory_space<vmem_shared>>
    tpu.enqueue_indirect_dma source(%arg10 : memref<128x64xf32, #tpu.memory_space<vmem>>) target(%dma_start3A_175 : memref<10240x64xf32, #tpu.memory_space<vmem_shared>>) offsets(%dma_start3A_172 : memref<128xi32, #tpu.memory_space<vmem>>) semaphore(%arg22 : memref<!tpu.dma_semaphore, #tpu.memory_space<semaphore_mem>>) {add = true}
    %dma_start3A_176 = arith.constant 1 : i32
    %dma_start3A_177 = arith.constant 0 : i32
    %dma_start3A_178 = tpu.memref_slice %arg8[%dma_start3A_176, %dma_start3A_177] : memref<160x128xi32, #tpu.memory_space<vmem>> -> memref<1x128xi32, #tpu.memory_space<vmem>>
    %dma_start3A_179 = tpu.memref_squeeze %dma_start3A_178 : memref<1x128xi32, #tpu.memory_space<vmem>> -> memref<128xi32, #tpu.memory_space<vmem>>
    %dma_start3A_180 = arith.constant 0 : i32
    %dma_start3A_181 = arith.constant 0 : i32
    %dma_start3A_182 = tpu.memref_slice %arg28[%dma_start3A_180, %dma_start3A_181] : memref<10240x16xf32, #tpu.memory_space<vmem_shared>> -> memref<10240x16xf32, #tpu.memory_space<vmem_shared>>
    tpu.enqueue_indirect_dma source(%arg12 : memref<128x16xf32, #tpu.memory_space<vmem>>) target(%dma_start3A_182 : memref<10240x16xf32, #tpu.memory_space<vmem_shared>>) offsets(%dma_start3A_179 : memref<128xi32, #tpu.memory_space<vmem>>) semaphore(%arg25 : memref<!tpu.dma_semaphore, #tpu.memory_space<semaphore_mem>>) {add = true}
    %dma_wait3A_183 = arith.constant 0 : i32
    %dma_wait3A_184 = arith.constant 0 : i32
    %dma_wait3A_185 = tpu.memref_slice %arg8[%dma_wait3A_183, %dma_wait3A_184] : memref<160x128xi32, #tpu.memory_space<vmem>> -> memref<1x128xi32, #tpu.memory_space<vmem>>
    %dma_wait3A_186 = tpu.memref_squeeze %dma_wait3A_185 : memref<1x128xi32, #tpu.memory_space<vmem>> -> memref<128xi32, #tpu.memory_space<vmem>>
    %dma_wait3A_187 = arith.constant 0 : i32
    %dma_wait3A_188 = arith.constant 0 : i32
    %dma_wait3A_189 = tpu.memref_slice %arg27[%dma_wait3A_187, %dma_wait3A_188] : memref<10240x64xf32, #tpu.memory_space<vmem_shared>> -> memref<10240x64xf32, #tpu.memory_space<vmem_shared>>
    tpu.wait_indirect_dma semaphore(%arg21 : memref<!tpu.dma_semaphore, #tpu.memory_space<semaphore_mem>>) src(%arg9 : memref<128x64xf32, #tpu.memory_space<vmem>>) dst(%dma_wait3A_189 : memref<10240x64xf32, #tpu.memory_space<vmem_shared>>)
    %dma_wait3A_190 = arith.constant 0 : i32
    %dma_wait3A_191 = arith.constant 0 : i32
    %dma_wait3A_192 = tpu.memref_slice %arg8[%dma_wait3A_190, %dma_wait3A_191] : memref<160x128xi32, #tpu.memory_space<vmem>> -> memref<1x128xi32, #tpu.memory_space<vmem>>
    %dma_wait3A_193 = tpu.memref_squeeze %dma_wait3A_192 : memref<1x128xi32, #tpu.memory_space<vmem>> -> memref<128xi32, #tpu.memory_space<vmem>>
    %dma_wait3A_194 = arith.constant 0 : i32
    %dma_wait3A_195 = arith.constant 0 : i32
    %dma_wait3A_196 = tpu.memref_slice %arg28[%dma_wait3A_194, %dma_wait3A_195] : memref<10240x16xf32, #tpu.memory_space<vmem_shared>> -> memref<10240x16xf32, #tpu.memory_space<vmem_shared>>
    tpu.wait_indirect_dma semaphore(%arg24 : memref<!tpu.dma_semaphore, #tpu.memory_space<semaphore_mem>>) src(%arg12 : memref<128x16xf32, #tpu.memory_space<vmem>>) dst(%dma_wait3A_196 : memref<10240x16xf32, #tpu.memory_space<vmem_shared>>)
    %dma_start3A_197 = arith.constant 6 : i32
    %dma_start3A_198 = arith.constant 0 : i32
    %dma_start3A_199 = arith.constant 0 : i32
    %dma_start3A_200 = tpu.memref_slice %arg9[%dma_start3A_198, %dma_start3A_199] : memref<128x64xf32, #tpu.memory_space<vmem>> -> memref<64x64xf32, #tpu.memory_space<vmem>>
    %dma_start3A_201 = arith.constant 0 : i32
    %dma_start3A_202 = tpu.memref_slice %arg7[%dma_start3A_197, %dma_start3A_201] : memref<320x64xi32, #tpu.memory_space<vmem>> -> memref<1x64xi32, #tpu.memory_space<vmem>>
    %dma_start3A_203 = tpu.memref_squeeze %dma_start3A_202 : memref<1x64xi32, #tpu.memory_space<vmem>> -> memref<64xi32, #tpu.memory_space<vmem>>
    %dma_start3A_204 = arith.constant 0 : i32
    %dma_start3A_205 = arith.constant 0 : i32
    %dma_start3A_206 = tpu.memref_slice %arg2[%arg0, %dma_start3A_204, %dma_start3A_205] : memref<2x10000x64xf32, #tpu.memory_space<hbm>> -> memref<1x10000x64xf32, #tpu.memory_space<hbm>>
    %dma_start3A_207 = tpu.memref_squeeze %dma_start3A_206 : memref<1x10000x64xf32, #tpu.memory_space<hbm>> -> memref<10000x64xf32, #tpu.memory_space<hbm>>
    %dma_start3A_208 = arith.constant 0 : i32
    %dma_start3A_209 = arith.constant 0 : i32
    %dma_start3A_210 = tpu.memref_slice %dma_start3A_207[%dma_start3A_208, %dma_start3A_209] : memref<10000x64xf32, #tpu.memory_space<hbm>> -> memref<10000x64xf32, #tpu.memory_space<hbm>>
    tpu.enqueue_indirect_dma source(%dma_start3A_210 : memref<10000x64xf32, #tpu.memory_space<hbm>>) target(%dma_start3A_200 : memref<64x64xf32, #tpu.memory_space<vmem>>) offsets(%dma_start3A_203 : memref<64xi32, #tpu.memory_space<vmem>>) semaphore(%arg15 : memref<!tpu.dma_semaphore, #tpu.memory_space<semaphore_mem>>)
    %dma_start3A_211 = arith.constant 7 : i32
    %dma_start3A_212 = arith.constant 64 : i32
    %dma_start3A_213 = arith.constant 0 : i32
    %dma_start3A_214 = tpu.memref_slice %arg9[%dma_start3A_212, %dma_start3A_213] : memref<128x64xf32, #tpu.memory_space<vmem>> -> memref<64x64xf32, #tpu.memory_space<vmem>>
    %dma_start3A_215 = arith.constant 0 : i32
    %dma_start3A_216 = tpu.memref_slice %arg7[%dma_start3A_211, %dma_start3A_215] : memref<320x64xi32, #tpu.memory_space<vmem>> -> memref<1x64xi32, #tpu.memory_space<vmem>>
    %dma_start3A_217 = tpu.memref_squeeze %dma_start3A_216 : memref<1x64xi32, #tpu.memory_space<vmem>> -> memref<64xi32, #tpu.memory_space<vmem>>
    %dma_start3A_218 = arith.constant 0 : i32
    %dma_start3A_219 = arith.constant 0 : i32
    %dma_start3A_220 = tpu.memref_slice %arg2[%arg0, %dma_start3A_218, %dma_start3A_219] : memref<2x10000x64xf32, #tpu.memory_space<hbm>> -> memref<1x10000x64xf32, #tpu.memory_space<hbm>>
    %dma_start3A_221 = tpu.memref_squeeze %dma_start3A_220 : memref<1x10000x64xf32, #tpu.memory_space<hbm>> -> memref<10000x64xf32, #tpu.memory_space<hbm>>
    %dma_start3A_222 = arith.constant 0 : i32
    %dma_start3A_223 = arith.constant 0 : i32
    %dma_start3A_224 = tpu.memref_slice %dma_start3A_221[%dma_start3A_222, %dma_start3A_223] : memref<10000x64xf32, #tpu.memory_space<hbm>> -> memref<10000x64xf32, #tpu.memory_space<hbm>>
    tpu.enqueue_indirect_dma source(%dma_start3A_224 : memref<10000x64xf32, #tpu.memory_space<hbm>>) target(%dma_start3A_214 : memref<64x64xf32, #tpu.memory_space<vmem>>) offsets(%dma_start3A_217 : memref<64xi32, #tpu.memory_space<vmem>>) semaphore(%arg18 : memref<!tpu.dma_semaphore, #tpu.memory_space<semaphore_mem>>)
    %scan3A_225 = arith.constant 0 : i32
    %scan3A_226 = arith.constant 52 : i32
    %scan3A_227 = arith.addi %scan3A_225, %scan3A_226 : i32
    %scan3A_228 = arith.constant 1 : i32
    scf.for %scan3A_362 = %scan3A_225 to %scan3A_227 step %scan3A_228  : i32 {
      %mul3A_363 = arith.constant 1 : i32
      %mul3A_364 = arith.muli %scan3A_362, %mul3A_363 : i32
      %add3A = arith.constant 0 : i32
      %add3A_365 = arith.addi %add3A, %mul3A_364 : i32
      %mul3A_366 = arith.constant 3 : i32
      %mul3A_367 = arith.muli %add3A_365, %mul3A_366 : i32
      %add3A_368 = arith.constant 2 : i32
      %add3A_369 = arith.addi %add3A_368, %mul3A_367 : i32
      %add3A_370 = arith.constant 0 : i32
      %add3A_371 = arith.addi %add3A_369, %add3A_370 : i32
      %mul3A_372 = arith.constant 2 : i32
      %mul3A_373 = arith.muli %mul3A_372, %add3A_371 : i32
      %dma_wait3A_374 = arith.constant 0 : i32
      %dma_wait3A_375 = arith.constant 0 : i32
      %dma_wait3A_376 = tpu.memref_slice %arg11[%dma_wait3A_374, %dma_wait3A_375] : memref<128x64xf32, #tpu.memory_space<vmem>> -> memref<64x64xf32, #tpu.memory_space<vmem>>
      %dma_wait3A_377 = arith.constant 0 : i32
      %dma_wait3A_378 = tpu.memref_slice %arg7[%mul3A_373, %dma_wait3A_377] : memref<320x64xi32, #tpu.memory_space<vmem>> -> memref<1x64xi32, #tpu.memory_space<vmem>>
      %dma_wait3A_379 = tpu.memref_squeeze %dma_wait3A_378 : memref<1x64xi32, #tpu.memory_space<vmem>> -> memref<64xi32, #tpu.memory_space<vmem>>
      %dma_wait3A_380 = arith.constant 0 : i32
      %dma_wait3A_381 = arith.constant 0 : i32
      %dma_wait3A_382 = tpu.memref_slice %arg2[%arg0, %dma_wait3A_380, %dma_wait3A_381] : memref<2x10000x64xf32, #tpu.memory_space<hbm>> -> memref<1x10000x64xf32, #tpu.memory_space<hbm>>
      %dma_wait3A_383 = tpu.memref_squeeze %dma_wait3A_382 : memref<1x10000x64xf32, #tpu.memory_space<hbm>> -> memref<10000x64xf32, #tpu.memory_space<hbm>>
      %dma_wait3A_384 = arith.constant 0 : i32
      %dma_wait3A_385 = arith.constant 0 : i32
      %dma_wait3A_386 = tpu.memref_slice %dma_wait3A_383[%dma_wait3A_384, %dma_wait3A_385] : memref<10000x64xf32, #tpu.memory_space<hbm>> -> memref<10000x64xf32, #tpu.memory_space<hbm>>
      tpu.wait_indirect_dma semaphore(%arg17 : memref<!tpu.dma_semaphore, #tpu.memory_space<semaphore_mem>>) src(%dma_wait3A_386 : memref<10000x64xf32, #tpu.memory_space<hbm>>) dst(%dma_wait3A_376 : memref<64x64xf32, #tpu.memory_space<vmem>>)
      %mul3A_387 = arith.constant 2 : i32
      %mul3A_388 = arith.muli %mul3A_387, %add3A_371 : i32
      %add3A_389 = arith.constant 1 : i32
      %add3A_390 = arith.addi %mul3A_388, %add3A_389 : i32
      %dma_wait3A_391 = arith.constant 64 : i32
      %dma_wait3A_392 = arith.constant 0 : i32
      %dma_wait3A_393 = tpu.memref_slice %arg11[%dma_wait3A_391, %dma_wait3A_392] : memref<128x64xf32, #tpu.memory_space<vmem>> -> memref<64x64xf32, #tpu.memory_space<vmem>>
      %dma_wait3A_394 = arith.constant 0 : i32
      %dma_wait3A_395 = tpu.memref_slice %arg7[%add3A_390, %dma_wait3A_394] : memref<320x64xi32, #tpu.memory_space<vmem>> -> memref<1x64xi32, #tpu.memory_space<vmem>>
      %dma_wait3A_396 = tpu.memref_squeeze %dma_wait3A_395 : memref<1x64xi32, #tpu.memory_space<vmem>> -> memref<64xi32, #tpu.memory_space<vmem>>
      %dma_wait3A_397 = arith.constant 0 : i32
      %dma_wait3A_398 = arith.constant 0 : i32
      %dma_wait3A_399 = tpu.memref_slice %arg2[%arg0, %dma_wait3A_397, %dma_wait3A_398] : memref<2x10000x64xf32, #tpu.memory_space<hbm>> -> memref<1x10000x64xf32, #tpu.memory_space<hbm>>
      %dma_wait3A_400 = tpu.memref_squeeze %dma_wait3A_399 : memref<1x10000x64xf32, #tpu.memory_space<hbm>> -> memref<10000x64xf32, #tpu.memory_space<hbm>>
      %dma_wait3A_401 = arith.constant 0 : i32
      %dma_wait3A_402 = arith.constant 0 : i32
      %dma_wait3A_403 = tpu.memref_slice %dma_wait3A_400[%dma_wait3A_401, %dma_wait3A_402] : memref<10000x64xf32, #tpu.memory_space<hbm>> -> memref<10000x64xf32, #tpu.memory_space<hbm>>
      tpu.wait_indirect_dma semaphore(%arg20 : memref<!tpu.dma_semaphore, #tpu.memory_space<semaphore_mem>>) src(%dma_wait3A_403 : memref<10000x64xf32, #tpu.memory_space<hbm>>) dst(%dma_wait3A_393 : memref<64x64xf32, #tpu.memory_space<vmem>>)
      %dma_start3A_404 = arith.constant 0 : i32
      %dma_start3A_405 = tpu.memref_slice %arg8[%add3A_371, %dma_start3A_404] : memref<160x128xi32, #tpu.memory_space<vmem>> -> memref<1x128xi32, #tpu.memory_space<vmem>>
      %dma_start3A_406 = tpu.memref_squeeze %dma_start3A_405 : memref<1x128xi32, #tpu.memory_space<vmem>> -> memref<128xi32, #tpu.memory_space<vmem>>
      %dma_start3A_407 = arith.constant 0 : i32
      %dma_start3A_408 = arith.constant 0 : i32
      %dma_start3A_409 = tpu.memref_slice %arg27[%dma_start3A_407, %dma_start3A_408] : memref<10240x64xf32, #tpu.memory_space<vmem_shared>> -> memref<10240x64xf32, #tpu.memory_space<vmem_shared>>
      tpu.enqueue_indirect_dma source(%arg11 : memref<128x64xf32, #tpu.memory_space<vmem>>) target(%dma_start3A_409 : memref<10240x64xf32, #tpu.memory_space<vmem_shared>>) offsets(%dma_start3A_406 : memref<128xi32, #tpu.memory_space<vmem>>) semaphore(%arg23 : memref<!tpu.dma_semaphore, #tpu.memory_space<semaphore_mem>>) {add = true}
      %dma_start3A_410 = arith.constant 0 : i32
      %dma_start3A_411 = tpu.memref_slice %arg8[%add3A_371, %dma_start3A_410] : memref<160x128xi32, #tpu.memory_space<vmem>> -> memref<1x128xi32, #tpu.memory_space<vmem>>
      %dma_start3A_412 = tpu.memref_squeeze %dma_start3A_411 : memref<1x128xi32, #tpu.memory_space<vmem>> -> memref<128xi32, #tpu.memory_space<vmem>>
      %dma_start3A_413 = arith.constant 0 : i32
      %dma_start3A_414 = arith.constant 0 : i32
      %dma_start3A_415 = tpu.memref_slice %arg28[%dma_start3A_413, %dma_start3A_414] : memref<10240x16xf32, #tpu.memory_space<vmem_shared>> -> memref<10240x16xf32, #tpu.memory_space<vmem_shared>>
      tpu.enqueue_indirect_dma source(%arg12 : memref<128x16xf32, #tpu.memory_space<vmem>>) target(%dma_start3A_415 : memref<10240x16xf32, #tpu.memory_space<vmem_shared>>) offsets(%dma_start3A_412 : memref<128xi32, #tpu.memory_space<vmem>>) semaphore(%arg26 : memref<!tpu.dma_semaphore, #tpu.memory_space<semaphore_mem>>) {add = true}
      %sub3A = arith.constant 1 : i32
      %sub3A_416 = arith.subi %add3A_371, %sub3A : i32
      %dma_wait3A_417 = arith.constant 0 : i32
      %dma_wait3A_418 = tpu.memref_slice %arg8[%sub3A_416, %dma_wait3A_417] : memref<160x128xi32, #tpu.memory_space<vmem>> -> memref<1x128xi32, #tpu.memory_space<vmem>>
      %dma_wait3A_419 = tpu.memref_squeeze %dma_wait3A_418 : memref<1x128xi32, #tpu.memory_space<vmem>> -> memref<128xi32, #tpu.memory_space<vmem>>
      %dma_wait3A_420 = arith.constant 0 : i32
      %dma_wait3A_421 = arith.constant 0 : i32
      %dma_wait3A_422 = tpu.memref_slice %arg27[%dma_wait3A_420, %dma_wait3A_421] : memref<10240x64xf32, #tpu.memory_space<vmem_shared>> -> memref<10240x64xf32, #tpu.memory_space<vmem_shared>>
      tpu.wait_indirect_dma semaphore(%arg22 : memref<!tpu.dma_semaphore, #tpu.memory_space<semaphore_mem>>) src(%arg10 : memref<128x64xf32, #tpu.memory_space<vmem>>) dst(%dma_wait3A_422 : memref<10240x64xf32, #tpu.memory_space<vmem_shared>>)
      %dma_wait3A_423 = arith.constant 0 : i32
      %dma_wait3A_424 = tpu.memref_slice %arg8[%sub3A_416, %dma_wait3A_423] : memref<160x128xi32, #tpu.memory_space<vmem>> -> memref<1x128xi32, #tpu.memory_space<vmem>>
      %dma_wait3A_425 = tpu.memref_squeeze %dma_wait3A_424 : memref<1x128xi32, #tpu.memory_space<vmem>> -> memref<128xi32, #tpu.memory_space<vmem>>
      %dma_wait3A_426 = arith.constant 0 : i32
      %dma_wait3A_427 = arith.constant 0 : i32
      %dma_wait3A_428 = tpu.memref_slice %arg28[%dma_wait3A_426, %dma_wait3A_427] : memref<10240x16xf32, #tpu.memory_space<vmem_shared>> -> memref<10240x16xf32, #tpu.memory_space<vmem_shared>>
      tpu.wait_indirect_dma semaphore(%arg25 : memref<!tpu.dma_semaphore, #tpu.memory_space<semaphore_mem>>) src(%arg12 : memref<128x16xf32, #tpu.memory_space<vmem>>) dst(%dma_wait3A_428 : memref<10240x16xf32, #tpu.memory_space<vmem_shared>>)
      %add3A_429 = arith.constant 2 : i32
      %add3A_430 = arith.addi %add3A_371, %add3A_429 : i32
      %mul3A_431 = arith.constant 2 : i32
      %mul3A_432 = arith.muli %mul3A_431, %add3A_430 : i32
      %dma_start3A_433 = arith.constant 0 : i32
      %dma_start3A_434 = arith.constant 0 : i32
      %dma_start3A_435 = tpu.memref_slice %arg10[%dma_start3A_433, %dma_start3A_434] : memref<128x64xf32, #tpu.memory_space<vmem>> -> memref<64x64xf32, #tpu.memory_space<vmem>>
      %dma_start3A_436 = arith.constant 0 : i32
      %dma_start3A_437 = tpu.memref_slice %arg7[%mul3A_432, %dma_start3A_436] : memref<320x64xi32, #tpu.memory_space<vmem>> -> memref<1x64xi32, #tpu.memory_space<vmem>>
      %dma_start3A_438 = tpu.memref_squeeze %dma_start3A_437 : memref<1x64xi32, #tpu.memory_space<vmem>> -> memref<64xi32, #tpu.memory_space<vmem>>
      %dma_start3A_439 = arith.constant 0 : i32
      %dma_start3A_440 = arith.constant 0 : i32
      %dma_start3A_441 = tpu.memref_slice %arg2[%arg0, %dma_start3A_439, %dma_start3A_440] : memref<2x10000x64xf32, #tpu.memory_space<hbm>> -> memref<1x10000x64xf32, #tpu.memory_space<hbm>>
      %dma_start3A_442 = tpu.memref_squeeze %dma_start3A_441 : memref<1x10000x64xf32, #tpu.memory_space<hbm>> -> memref<10000x64xf32, #tpu.memory_space<hbm>>
      %dma_start3A_443 = arith.constant 0 : i32
      %dma_start3A_444 = arith.constant 0 : i32
      %dma_start3A_445 = tpu.memref_slice %dma_start3A_442[%dma_start3A_443, %dma_start3A_444] : memref<10000x64xf32, #tpu.memory_space<hbm>> -> memref<10000x64xf32, #tpu.memory_space<hbm>>
      tpu.enqueue_indirect_dma source(%dma_start3A_445 : memref<10000x64xf32, #tpu.memory_space<hbm>>) target(%dma_start3A_435 : memref<64x64xf32, #tpu.memory_space<vmem>>) offsets(%dma_start3A_438 : memref<64xi32, #tpu.memory_space<vmem>>) semaphore(%arg16 : memref<!tpu.dma_semaphore, #tpu.memory_space<semaphore_mem>>)
      %mul3A_446 = arith.constant 2 : i32
      %mul3A_447 = arith.muli %mul3A_446, %add3A_430 : i32
      %add3A_448 = arith.constant 1 : i32
      %add3A_449 = arith.addi %mul3A_447, %add3A_448 : i32
      %dma_start3A_450 = arith.constant 64 : i32
      %dma_start3A_451 = arith.constant 0 : i32
      %dma_start3A_452 = tpu.memref_slice %arg10[%dma_start3A_450, %dma_start3A_451] : memref<128x64xf32, #tpu.memory_space<vmem>> -> memref<64x64xf32, #tpu.memory_space<vmem>>
      %dma_start3A_453 = arith.constant 0 : i32
      %dma_start3A_454 = tpu.memref_slice %arg7[%add3A_449, %dma_start3A_453] : memref<320x64xi32, #tpu.memory_space<vmem>> -> memref<1x64xi32, #tpu.memory_space<vmem>>
      %dma_start3A_455 = tpu.memref_squeeze %dma_start3A_454 : memref<1x64xi32, #tpu.memory_space<vmem>> -> memref<64xi32, #tpu.memory_space<vmem>>
      %dma_start3A_456 = arith.constant 0 : i32
      %dma_start3A_457 = arith.constant 0 : i32
      %dma_start3A_458 = tpu.memref_slice %arg2[%arg0, %dma_start3A_456, %dma_start3A_457] : memref<2x10000x64xf32, #tpu.memory_space<hbm>> -> memref<1x10000x64xf32, #tpu.memory_space<hbm>>
      %dma_start3A_459 = tpu.memref_squeeze %dma_start3A_458 : memref<1x10000x64xf32, #tpu.memory_space<hbm>> -> memref<10000x64xf32, #tpu.memory_space<hbm>>
      %dma_start3A_460 = arith.constant 0 : i32
      %dma_start3A_461 = arith.constant 0 : i32
      %dma_start3A_462 = tpu.memref_slice %dma_start3A_459[%dma_start3A_460, %dma_start3A_461] : memref<10000x64xf32, #tpu.memory_space<hbm>> -> memref<10000x64xf32, #tpu.memory_space<hbm>>
      tpu.enqueue_indirect_dma source(%dma_start3A_462 : memref<10000x64xf32, #tpu.memory_space<hbm>>) target(%dma_start3A_452 : memref<64x64xf32, #tpu.memory_space<vmem>>) offsets(%dma_start3A_455 : memref<64xi32, #tpu.memory_space<vmem>>) semaphore(%arg19 : memref<!tpu.dma_semaphore, #tpu.memory_space<semaphore_mem>>)
      %add3A_463 = arith.constant 1 : i32
      %add3A_464 = arith.addi %add3A_369, %add3A_463 : i32
      %mul3A_465 = arith.constant 2 : i32
      %mul3A_466 = arith.muli %mul3A_465, %add3A_464 : i32
      %dma_wait3A_467 = arith.constant 0 : i32
      %dma_wait3A_468 = arith.constant 0 : i32
      %dma_wait3A_469 = tpu.memref_slice %arg9[%dma_wait3A_467, %dma_wait3A_468] : memref<128x64xf32, #tpu.memory_space<vmem>> -> memref<64x64xf32, #tpu.memory_space<vmem>>
      %dma_wait3A_470 = arith.constant 0 : i32
      %dma_wait3A_471 = tpu.memref_slice %arg7[%mul3A_466, %dma_wait3A_470] : memref<320x64xi32, #tpu.memory_space<vmem>> -> memref<1x64xi32, #tpu.memory_space<vmem>>
      %dma_wait3A_472 = tpu.memref_squeeze %dma_wait3A_471 : memref<1x64xi32, #tpu.memory_space<vmem>> -> memref<64xi32, #tpu.memory_space<vmem>>
      %dma_wait3A_473 = arith.constant 0 : i32
      %dma_wait3A_474 = arith.constant 0 : i32
      %dma_wait3A_475 = tpu.memref_slice %arg2[%arg0, %dma_wait3A_473, %dma_wait3A_474] : memref<2x10000x64xf32, #tpu.memory_space<hbm>> -> memref<1x10000x64xf32, #tpu.memory_space<hbm>>
      %dma_wait3A_476 = tpu.memref_squeeze %dma_wait3A_475 : memref<1x10000x64xf32, #tpu.memory_space<hbm>> -> memref<10000x64xf32, #tpu.memory_space<hbm>>
      %dma_wait3A_477 = arith.constant 0 : i32
      %dma_wait3A_478 = arith.constant 0 : i32
      %dma_wait3A_479 = tpu.memref_slice %dma_wait3A_476[%dma_wait3A_477, %dma_wait3A_478] : memref<10000x64xf32, #tpu.memory_space<hbm>> -> memref<10000x64xf32, #tpu.memory_space<hbm>>
      tpu.wait_indirect_dma semaphore(%arg15 : memref<!tpu.dma_semaphore, #tpu.memory_space<semaphore_mem>>) src(%dma_wait3A_479 : memref<10000x64xf32, #tpu.memory_space<hbm>>) dst(%dma_wait3A_469 : memref<64x64xf32, #tpu.memory_space<vmem>>)
      %mul3A_480 = arith.constant 2 : i32
      %mul3A_481 = arith.muli %mul3A_480, %add3A_464 : i32
      %add3A_482 = arith.constant 1 : i32
      %add3A_483 = arith.addi %mul3A_481, %add3A_482 : i32
      %dma_wait3A_484 = arith.constant 64 : i32
      %dma_wait3A_485 = arith.constant 0 : i32
      %dma_wait3A_486 = tpu.memref_slice %arg9[%dma_wait3A_484, %dma_wait3A_485] : memref<128x64xf32, #tpu.memory_space<vmem>> -> memref<64x64xf32, #tpu.memory_space<vmem>>
      %dma_wait3A_487 = arith.constant 0 : i32
      %dma_wait3A_488 = tpu.memref_slice %arg7[%add3A_483, %dma_wait3A_487] : memref<320x64xi32, #tpu.memory_space<vmem>> -> memref<1x64xi32, #tpu.memory_space<vmem>>
      %dma_wait3A_489 = tpu.memref_squeeze %dma_wait3A_488 : memref<1x64xi32, #tpu.memory_space<vmem>> -> memref<64xi32, #tpu.memory_space<vmem>>
      %dma_wait3A_490 = arith.constant 0 : i32
      %dma_wait3A_491 = arith.constant 0 : i32
      %dma_wait3A_492 = tpu.memref_slice %arg2[%arg0, %dma_wait3A_490, %dma_wait3A_491] : memref<2x10000x64xf32, #tpu.memory_space<hbm>> -> memref<1x10000x64xf32, #tpu.memory_space<hbm>>
      %dma_wait3A_493 = tpu.memref_squeeze %dma_wait3A_492 : memref<1x10000x64xf32, #tpu.memory_space<hbm>> -> memref<10000x64xf32, #tpu.memory_space<hbm>>
      %dma_wait3A_494 = arith.constant 0 : i32
      %dma_wait3A_495 = arith.constant 0 : i32
      %dma_wait3A_496 = tpu.memref_slice %dma_wait3A_493[%dma_wait3A_494, %dma_wait3A_495] : memref<10000x64xf32, #tpu.memory_space<hbm>> -> memref<10000x64xf32, #tpu.memory_space<hbm>>
      tpu.wait_indirect_dma semaphore(%arg18 : memref<!tpu.dma_semaphore, #tpu.memory_space<semaphore_mem>>) src(%dma_wait3A_496 : memref<10000x64xf32, #tpu.memory_space<hbm>>) dst(%dma_wait3A_486 : memref<64x64xf32, #tpu.memory_space<vmem>>)
      %dma_start3A_497 = arith.constant 0 : i32
      %dma_start3A_498 = tpu.memref_slice %arg8[%add3A_464, %dma_start3A_497] : memref<160x128xi32, #tpu.memory_space<vmem>> -> memref<1x128xi32, #tpu.memory_space<vmem>>
      %dma_start3A_499 = tpu.memref_squeeze %dma_start3A_498 : memref<1x128xi32, #tpu.memory_space<vmem>> -> memref<128xi32, #tpu.memory_space<vmem>>
      %dma_start3A_500 = arith.constant 0 : i32
      %dma_start3A_501 = arith.constant 0 : i32
      %dma_start3A_502 = tpu.memref_slice %arg27[%dma_start3A_500, %dma_start3A_501] : memref<10240x64xf32, #tpu.memory_space<vmem_shared>> -> memref<10240x64xf32, #tpu.memory_space<vmem_shared>>
      tpu.enqueue_indirect_dma source(%arg9 : memref<128x64xf32, #tpu.memory_space<vmem>>) target(%dma_start3A_502 : memref<10240x64xf32, #tpu.memory_space<vmem_shared>>) offsets(%dma_start3A_499 : memref<128xi32, #tpu.memory_space<vmem>>) semaphore(%arg21 : memref<!tpu.dma_semaphore, #tpu.memory_space<semaphore_mem>>) {add = true}
      %dma_start3A_503 = arith.constant 0 : i32
      %dma_start3A_504 = tpu.memref_slice %arg8[%add3A_464, %dma_start3A_503] : memref<160x128xi32, #tpu.memory_space<vmem>> -> memref<1x128xi32, #tpu.memory_space<vmem>>
      %dma_start3A_505 = tpu.memref_squeeze %dma_start3A_504 : memref<1x128xi32, #tpu.memory_space<vmem>> -> memref<128xi32, #tpu.memory_space<vmem>>
      %dma_start3A_506 = arith.constant 0 : i32
      %dma_start3A_507 = arith.constant 0 : i32
      %dma_start3A_508 = tpu.memref_slice %arg28[%dma_start3A_506, %dma_start3A_507] : memref<10240x16xf32, #tpu.memory_space<vmem_shared>> -> memref<10240x16xf32, #tpu.memory_space<vmem_shared>>
      tpu.enqueue_indirect_dma source(%arg12 : memref<128x16xf32, #tpu.memory_space<vmem>>) target(%dma_start3A_508 : memref<10240x16xf32, #tpu.memory_space<vmem_shared>>) offsets(%dma_start3A_505 : memref<128xi32, #tpu.memory_space<vmem>>) semaphore(%arg24 : memref<!tpu.dma_semaphore, #tpu.memory_space<semaphore_mem>>) {add = true}
      %sub3A_509 = arith.constant 1 : i32
      %sub3A_510 = arith.subi %add3A_464, %sub3A_509 : i32
      %dma_wait3A_511 = arith.constant 0 : i32
      %dma_wait3A_512 = tpu.memref_slice %arg8[%sub3A_510, %dma_wait3A_511] : memref<160x128xi32, #tpu.memory_space<vmem>> -> memref<1x128xi32, #tpu.memory_space<vmem>>
      %dma_wait3A_513 = tpu.memref_squeeze %dma_wait3A_512 : memref<1x128xi32, #tpu.memory_space<vmem>> -> memref<128xi32, #tpu.memory_space<vmem>>
      %dma_wait3A_514 = arith.constant 0 : i32
      %dma_wait3A_515 = arith.constant 0 : i32
      %dma_wait3A_516 = tpu.memref_slice %arg27[%dma_wait3A_514, %dma_wait3A_515] : memref<10240x64xf32, #tpu.memory_space<vmem_shared>> -> memref<10240x64xf32, #tpu.memory_space<vmem_shared>>
      tpu.wait_indirect_dma semaphore(%arg23 : memref<!tpu.dma_semaphore, #tpu.memory_space<semaphore_mem>>) src(%arg11 : memref<128x64xf32, #tpu.memory_space<vmem>>) dst(%dma_wait3A_516 : memref<10240x64xf32, #tpu.memory_space<vmem_shared>>)
      %dma_wait3A_517 = arith.constant 0 : i32
      %dma_wait3A_518 = tpu.memref_slice %arg8[%sub3A_510, %dma_wait3A_517] : memref<160x128xi32, #tpu.memory_space<vmem>> -> memref<1x128xi32, #tpu.memory_space<vmem>>
      %dma_wait3A_519 = tpu.memref_squeeze %dma_wait3A_518 : memref<1x128xi32, #tpu.memory_space<vmem>> -> memref<128xi32, #tpu.memory_space<vmem>>
      %dma_wait3A_520 = arith.constant 0 : i32
      %dma_wait3A_521 = arith.constant 0 : i32
      %dma_wait3A_522 = tpu.memref_slice %arg28[%dma_wait3A_520, %dma_wait3A_521] : memref<10240x16xf32, #tpu.memory_space<vmem_shared>> -> memref<10240x16xf32, #tpu.memory_space<vmem_shared>>
      tpu.wait_indirect_dma semaphore(%arg26 : memref<!tpu.dma_semaphore, #tpu.memory_space<semaphore_mem>>) src(%arg12 : memref<128x16xf32, #tpu.memory_space<vmem>>) dst(%dma_wait3A_522 : memref<10240x16xf32, #tpu.memory_space<vmem_shared>>)
      %add3A_523 = arith.constant 2 : i32
      %add3A_524 = arith.addi %add3A_464, %add3A_523 : i32
      %mul3A_525 = arith.constant 2 : i32
      %mul3A_526 = arith.muli %mul3A_525, %add3A_524 : i32
      %dma_start3A_527 = arith.constant 0 : i32
      %dma_start3A_528 = arith.constant 0 : i32
      %dma_start3A_529 = tpu.memref_slice %arg11[%dma_start3A_527, %dma_start3A_528] : memref<128x64xf32, #tpu.memory_space<vmem>> -> memref<64x64xf32, #tpu.memory_space<vmem>>
      %dma_start3A_530 = arith.constant 0 : i32
      %dma_start3A_531 = tpu.memref_slice %arg7[%mul3A_526, %dma_start3A_530] : memref<320x64xi32, #tpu.memory_space<vmem>> -> memref<1x64xi32, #tpu.memory_space<vmem>>
      %dma_start3A_532 = tpu.memref_squeeze %dma_start3A_531 : memref<1x64xi32, #tpu.memory_space<vmem>> -> memref<64xi32, #tpu.memory_space<vmem>>
      %dma_start3A_533 = arith.constant 0 : i32
      %dma_start3A_534 = arith.constant 0 : i32
      %dma_start3A_535 = tpu.memref_slice %arg2[%arg0, %dma_start3A_533, %dma_start3A_534] : memref<2x10000x64xf32, #tpu.memory_space<hbm>> -> memref<1x10000x64xf32, #tpu.memory_space<hbm>>
      %dma_start3A_536 = tpu.memref_squeeze %dma_start3A_535 : memref<1x10000x64xf32, #tpu.memory_space<hbm>> -> memref<10000x64xf32, #tpu.memory_space<hbm>>
      %dma_start3A_537 = arith.constant 0 : i32
      %dma_start3A_538 = arith.constant 0 : i32
      %dma_start3A_539 = tpu.memref_slice %dma_start3A_536[%dma_start3A_537, %dma_start3A_538] : memref<10000x64xf32, #tpu.memory_space<hbm>> -> memref<10000x64xf32, #tpu.memory_space<hbm>>
      tpu.enqueue_indirect_dma source(%dma_start3A_539 : memref<10000x64xf32, #tpu.memory_space<hbm>>) target(%dma_start3A_529 : memref<64x64xf32, #tpu.memory_space<vmem>>) offsets(%dma_start3A_532 : memref<64xi32, #tpu.memory_space<vmem>>) semaphore(%arg17 : memref<!tpu.dma_semaphore, #tpu.memory_space<semaphore_mem>>)
      %mul3A_540 = arith.constant 2 : i32
      %mul3A_541 = arith.muli %mul3A_540, %add3A_524 : i32
      %add3A_542 = arith.constant 1 : i32
      %add3A_543 = arith.addi %mul3A_541, %add3A_542 : i32
      %dma_start3A_544 = arith.constant 64 : i32
      %dma_start3A_545 = arith.constant 0 : i32
      %dma_start3A_546 = tpu.memref_slice %arg11[%dma_start3A_544, %dma_start3A_545] : memref<128x64xf32, #tpu.memory_space<vmem>> -> memref<64x64xf32, #tpu.memory_space<vmem>>
      %dma_start3A_547 = arith.constant 0 : i32
      %dma_start3A_548 = tpu.memref_slice %arg7[%add3A_543, %dma_start3A_547] : memref<320x64xi32, #tpu.memory_space<vmem>> -> memref<1x64xi32, #tpu.memory_space<vmem>>
      %dma_start3A_549 = tpu.memref_squeeze %dma_start3A_548 : memref<1x64xi32, #tpu.memory_space<vmem>> -> memref<64xi32, #tpu.memory_space<vmem>>
      %dma_start3A_550 = arith.constant 0 : i32
      %dma_start3A_551 = arith.constant 0 : i32
      %dma_start3A_552 = tpu.memref_slice %arg2[%arg0, %dma_start3A_550, %dma_start3A_551] : memref<2x10000x64xf32, #tpu.memory_space<hbm>> -> memref<1x10000x64xf32, #tpu.memory_space<hbm>>
      %dma_start3A_553 = tpu.memref_squeeze %dma_start3A_552 : memref<1x10000x64xf32, #tpu.memory_space<hbm>> -> memref<10000x64xf32, #tpu.memory_space<hbm>>
      %dma_start3A_554 = arith.constant 0 : i32
      %dma_start3A_555 = arith.constant 0 : i32
      %dma_start3A_556 = tpu.memref_slice %dma_start3A_553[%dma_start3A_554, %dma_start3A_555] : memref<10000x64xf32, #tpu.memory_space<hbm>> -> memref<10000x64xf32, #tpu.memory_space<hbm>>
      tpu.enqueue_indirect_dma source(%dma_start3A_556 : memref<10000x64xf32, #tpu.memory_space<hbm>>) target(%dma_start3A_546 : memref<64x64xf32, #tpu.memory_space<vmem>>) offsets(%dma_start3A_549 : memref<64xi32, #tpu.memory_space<vmem>>) semaphore(%arg20 : memref<!tpu.dma_semaphore, #tpu.memory_space<semaphore_mem>>)
      %add3A_557 = arith.constant 2 : i32
      %add3A_558 = arith.addi %add3A_369, %add3A_557 : i32
      %mul3A_559 = arith.constant 2 : i32
      %mul3A_560 = arith.muli %mul3A_559, %add3A_558 : i32
      %dma_wait3A_561 = arith.constant 0 : i32
      %dma_wait3A_562 = arith.constant 0 : i32
      %dma_wait3A_563 = tpu.memref_slice %arg10[%dma_wait3A_561, %dma_wait3A_562] : memref<128x64xf32, #tpu.memory_space<vmem>> -> memref<64x64xf32, #tpu.memory_space<vmem>>
      %dma_wait3A_564 = arith.constant 0 : i32
      %dma_wait3A_565 = tpu.memref_slice %arg7[%mul3A_560, %dma_wait3A_564] : memref<320x64xi32, #tpu.memory_space<vmem>> -> memref<1x64xi32, #tpu.memory_space<vmem>>
      %dma_wait3A_566 = tpu.memref_squeeze %dma_wait3A_565 : memref<1x64xi32, #tpu.memory_space<vmem>> -> memref<64xi32, #tpu.memory_space<vmem>>
      %dma_wait3A_567 = arith.constant 0 : i32
      %dma_wait3A_568 = arith.constant 0 : i32
      %dma_wait3A_569 = tpu.memref_slice %arg2[%arg0, %dma_wait3A_567, %dma_wait3A_568] : memref<2x10000x64xf32, #tpu.memory_space<hbm>> -> memref<1x10000x64xf32, #tpu.memory_space<hbm>>
      %dma_wait3A_570 = tpu.memref_squeeze %dma_wait3A_569 : memref<1x10000x64xf32, #tpu.memory_space<hbm>> -> memref<10000x64xf32, #tpu.memory_space<hbm>>
      %dma_wait3A_571 = arith.constant 0 : i32
      %dma_wait3A_572 = arith.constant 0 : i32
      %dma_wait3A_573 = tpu.memref_slice %dma_wait3A_570[%dma_wait3A_571, %dma_wait3A_572] : memref<10000x64xf32, #tpu.memory_space<hbm>> -> memref<10000x64xf32, #tpu.memory_space<hbm>>
      tpu.wait_indirect_dma semaphore(%arg16 : memref<!tpu.dma_semaphore, #tpu.memory_space<semaphore_mem>>) src(%dma_wait3A_573 : memref<10000x64xf32, #tpu.memory_space<hbm>>) dst(%dma_wait3A_563 : memref<64x64xf32, #tpu.memory_space<vmem>>)
      %mul3A_574 = arith.constant 2 : i32
      %mul3A_575 = arith.muli %mul3A_574, %add3A_558 : i32
      %add3A_576 = arith.constant 1 : i32
      %add3A_577 = arith.addi %mul3A_575, %add3A_576 : i32
      %dma_wait3A_578 = arith.constant 64 : i32
      %dma_wait3A_579 = arith.constant 0 : i32
      %dma_wait3A_580 = tpu.memref_slice %arg10[%dma_wait3A_578, %dma_wait3A_579] : memref<128x64xf32, #tpu.memory_space<vmem>> -> memref<64x64xf32, #tpu.memory_space<vmem>>
      %dma_wait3A_581 = arith.constant 0 : i32
      %dma_wait3A_582 = tpu.memref_slice %arg7[%add3A_577, %dma_wait3A_581] : memref<320x64xi32, #tpu.memory_space<vmem>> -> memref<1x64xi32, #tpu.memory_space<vmem>>
      %dma_wait3A_583 = tpu.memref_squeeze %dma_wait3A_582 : memref<1x64xi32, #tpu.memory_space<vmem>> -> memref<64xi32, #tpu.memory_space<vmem>>
      %dma_wait3A_584 = arith.constant 0 : i32
      %dma_wait3A_585 = arith.constant 0 : i32
      %dma_wait3A_586 = tpu.memref_slice %arg2[%arg0, %dma_wait3A_584, %dma_wait3A_585] : memref<2x10000x64xf32, #tpu.memory_space<hbm>> -> memref<1x10000x64xf32, #tpu.memory_space<hbm>>
      %dma_wait3A_587 = tpu.memref_squeeze %dma_wait3A_586 : memref<1x10000x64xf32, #tpu.memory_space<hbm>> -> memref<10000x64xf32, #tpu.memory_space<hbm>>
      %dma_wait3A_588 = arith.constant 0 : i32
      %dma_wait3A_589 = arith.constant 0 : i32
      %dma_wait3A_590 = tpu.memref_slice %dma_wait3A_587[%dma_wait3A_588, %dma_wait3A_589] : memref<10000x64xf32, #tpu.memory_space<hbm>> -> memref<10000x64xf32, #tpu.memory_space<hbm>>
      tpu.wait_indirect_dma semaphore(%arg19 : memref<!tpu.dma_semaphore, #tpu.memory_space<semaphore_mem>>) src(%dma_wait3A_590 : memref<10000x64xf32, #tpu.memory_space<hbm>>) dst(%dma_wait3A_580 : memref<64x64xf32, #tpu.memory_space<vmem>>)
      %dma_start3A_591 = arith.constant 0 : i32
      %dma_start3A_592 = tpu.memref_slice %arg8[%add3A_558, %dma_start3A_591] : memref<160x128xi32, #tpu.memory_space<vmem>> -> memref<1x128xi32, #tpu.memory_space<vmem>>
      %dma_start3A_593 = tpu.memref_squeeze %dma_start3A_592 : memref<1x128xi32, #tpu.memory_space<vmem>> -> memref<128xi32, #tpu.memory_space<vmem>>
      %dma_start3A_594 = arith.constant 0 : i32
      %dma_start3A_595 = arith.constant 0 : i32
      %dma_start3A_596 = tpu.memref_slice %arg27[%dma_start3A_594, %dma_start3A_595] : memref<10240x64xf32, #tpu.memory_space<vmem_shared>> -> memref<10240x64xf32, #tpu.memory_space<vmem_shared>>
      tpu.enqueue_indirect_dma source(%arg10 : memref<128x64xf32, #tpu.memory_space<vmem>>) target(%dma_start3A_596 : memref<10240x64xf32, #tpu.memory_space<vmem_shared>>) offsets(%dma_start3A_593 : memref<128xi32, #tpu.memory_space<vmem>>) semaphore(%arg22 : memref<!tpu.dma_semaphore, #tpu.memory_space<semaphore_mem>>) {add = true}
      %dma_start3A_597 = arith.constant 0 : i32
      %dma_start3A_598 = tpu.memref_slice %arg8[%add3A_558, %dma_start3A_597] : memref<160x128xi32, #tpu.memory_space<vmem>> -> memref<1x128xi32, #tpu.memory_space<vmem>>
      %dma_start3A_599 = tpu.memref_squeeze %dma_start3A_598 : memref<1x128xi32, #tpu.memory_space<vmem>> -> memref<128xi32, #tpu.memory_space<vmem>>
      %dma_start3A_600 = arith.constant 0 : i32
      %dma_start3A_601 = arith.constant 0 : i32
      %dma_start3A_602 = tpu.memref_slice %arg28[%dma_start3A_600, %dma_start3A_601] : memref<10240x16xf32, #tpu.memory_space<vmem_shared>> -> memref<10240x16xf32, #tpu.memory_space<vmem_shared>>
      tpu.enqueue_indirect_dma source(%arg12 : memref<128x16xf32, #tpu.memory_space<vmem>>) target(%dma_start3A_602 : memref<10240x16xf32, #tpu.memory_space<vmem_shared>>) offsets(%dma_start3A_599 : memref<128xi32, #tpu.memory_space<vmem>>) semaphore(%arg25 : memref<!tpu.dma_semaphore, #tpu.memory_space<semaphore_mem>>) {add = true}
      %sub3A_603 = arith.constant 1 : i32
      %sub3A_604 = arith.subi %add3A_558, %sub3A_603 : i32
      %dma_wait3A_605 = arith.constant 0 : i32
      %dma_wait3A_606 = tpu.memref_slice %arg8[%sub3A_604, %dma_wait3A_605] : memref<160x128xi32, #tpu.memory_space<vmem>> -> memref<1x128xi32, #tpu.memory_space<vmem>>
      %dma_wait3A_607 = tpu.memref_squeeze %dma_wait3A_606 : memref<1x128xi32, #tpu.memory_space<vmem>> -> memref<128xi32, #tpu.memory_space<vmem>>
      %dma_wait3A_608 = arith.constant 0 : i32
      %dma_wait3A_609 = arith.constant 0 : i32
      %dma_wait3A_610 = tpu.memref_slice %arg27[%dma_wait3A_608, %dma_wait3A_609] : memref<10240x64xf32, #tpu.memory_space<vmem_shared>> -> memref<10240x64xf32, #tpu.memory_space<vmem_shared>>
      tpu.wait_indirect_dma semaphore(%arg21 : memref<!tpu.dma_semaphore, #tpu.memory_space<semaphore_mem>>) src(%arg9 : memref<128x64xf32, #tpu.memory_space<vmem>>) dst(%dma_wait3A_610 : memref<10240x64xf32, #tpu.memory_space<vmem_shared>>)
      %dma_wait3A_611 = arith.constant 0 : i32
      %dma_wait3A_612 = tpu.memref_slice %arg8[%sub3A_604, %dma_wait3A_611] : memref<160x128xi32, #tpu.memory_space<vmem>> -> memref<1x128xi32, #tpu.memory_space<vmem>>
      %dma_wait3A_613 = tpu.memref_squeeze %dma_wait3A_612 : memref<1x128xi32, #tpu.memory_space<vmem>> -> memref<128xi32, #tpu.memory_space<vmem>>
      %dma_wait3A_614 = arith.constant 0 : i32
      %dma_wait3A_615 = arith.constant 0 : i32
      %dma_wait3A_616 = tpu.memref_slice %arg28[%dma_wait3A_614, %dma_wait3A_615] : memref<10240x16xf32, #tpu.memory_space<vmem_shared>> -> memref<10240x16xf32, #tpu.memory_space<vmem_shared>>
      tpu.wait_indirect_dma semaphore(%arg24 : memref<!tpu.dma_semaphore, #tpu.memory_space<semaphore_mem>>) src(%arg12 : memref<128x16xf32, #tpu.memory_space<vmem>>) dst(%dma_wait3A_616 : memref<10240x16xf32, #tpu.memory_space<vmem_shared>>)
      %add3A_617 = arith.constant 2 : i32
      %add3A_618 = arith.addi %add3A_558, %add3A_617 : i32
      %mul3A_619 = arith.constant 2 : i32
      %mul3A_620 = arith.muli %mul3A_619, %add3A_618 : i32
      %dma_start3A_621 = arith.constant 0 : i32
      %dma_start3A_622 = arith.constant 0 : i32
      %dma_start3A_623 = tpu.memref_slice %arg9[%dma_start3A_621, %dma_start3A_622] : memref<128x64xf32, #tpu.memory_space<vmem>> -> memref<64x64xf32, #tpu.memory_space<vmem>>
      %dma_start3A_624 = arith.constant 0 : i32
      %dma_start3A_625 = tpu.memref_slice %arg7[%mul3A_620, %dma_start3A_624] : memref<320x64xi32, #tpu.memory_space<vmem>> -> memref<1x64xi32, #tpu.memory_space<vmem>>
      %dma_start3A_626 = tpu.memref_squeeze %dma_start3A_625 : memref<1x64xi32, #tpu.memory_space<vmem>> -> memref<64xi32, #tpu.memory_space<vmem>>
      %dma_start3A_627 = arith.constant 0 : i32
      %dma_start3A_628 = arith.constant 0 : i32
      %dma_start3A_629 = tpu.memref_slice %arg2[%arg0, %dma_start3A_627, %dma_start3A_628] : memref<2x10000x64xf32, #tpu.memory_space<hbm>> -> memref<1x10000x64xf32, #tpu.memory_space<hbm>>
      %dma_start3A_630 = tpu.memref_squeeze %dma_start3A_629 : memref<1x10000x64xf32, #tpu.memory_space<hbm>> -> memref<10000x64xf32, #tpu.memory_space<hbm>>
      %dma_start3A_631 = arith.constant 0 : i32
      %dma_start3A_632 = arith.constant 0 : i32
      %dma_start3A_633 = tpu.memref_slice %dma_start3A_630[%dma_start3A_631, %dma_start3A_632] : memref<10000x64xf32, #tpu.memory_space<hbm>> -> memref<10000x64xf32, #tpu.memory_space<hbm>>
      tpu.enqueue_indirect_dma source(%dma_start3A_633 : memref<10000x64xf32, #tpu.memory_space<hbm>>) target(%dma_start3A_623 : memref<64x64xf32, #tpu.memory_space<vmem>>) offsets(%dma_start3A_626 : memref<64xi32, #tpu.memory_space<vmem>>) semaphore(%arg15 : memref<!tpu.dma_semaphore, #tpu.memory_space<semaphore_mem>>)
      %mul3A_634 = arith.constant 2 : i32
      %mul3A_635 = arith.muli %mul3A_634, %add3A_618 : i32
      %add3A_636 = arith.constant 1 : i32
      %add3A_637 = arith.addi %mul3A_635, %add3A_636 : i32
      %dma_start3A_638 = arith.constant 64 : i32
      %dma_start3A_639 = arith.constant 0 : i32
      %dma_start3A_640 = tpu.memref_slice %arg9[%dma_start3A_638, %dma_start3A_639] : memref<128x64xf32, #tpu.memory_space<vmem>> -> memref<64x64xf32, #tpu.memory_space<vmem>>
      %dma_start3A_641 = arith.constant 0 : i32
      %dma_start3A_642 = tpu.memref_slice %arg7[%add3A_637, %dma_start3A_641] : memref<320x64xi32, #tpu.memory_space<vmem>> -> memref<1x64xi32, #tpu.memory_space<vmem>>
      %dma_start3A_643 = tpu.memref_squeeze %dma_start3A_642 : memref<1x64xi32, #tpu.memory_space<vmem>> -> memref<64xi32, #tpu.memory_space<vmem>>
      %dma_start3A_644 = arith.constant 0 : i32
      %dma_start3A_645 = arith.constant 0 : i32
      %dma_start3A_646 = tpu.memref_slice %arg2[%arg0, %dma_start3A_644, %dma_start3A_645] : memref<2x10000x64xf32, #tpu.memory_space<hbm>> -> memref<1x10000x64xf32, #tpu.memory_space<hbm>>
      %dma_start3A_647 = tpu.memref_squeeze %dma_start3A_646 : memref<1x10000x64xf32, #tpu.memory_space<hbm>> -> memref<10000x64xf32, #tpu.memory_space<hbm>>
      %dma_start3A_648 = arith.constant 0 : i32
      %dma_start3A_649 = arith.constant 0 : i32
      %dma_start3A_650 = tpu.memref_slice %dma_start3A_647[%dma_start3A_648, %dma_start3A_649] : memref<10000x64xf32, #tpu.memory_space<hbm>> -> memref<10000x64xf32, #tpu.memory_space<hbm>>
      tpu.enqueue_indirect_dma source(%dma_start3A_650 : memref<10000x64xf32, #tpu.memory_space<hbm>>) target(%dma_start3A_640 : memref<64x64xf32, #tpu.memory_space<vmem>>) offsets(%dma_start3A_643 : memref<64xi32, #tpu.memory_space<vmem>>) semaphore(%arg18 : memref<!tpu.dma_semaphore, #tpu.memory_space<semaphore_mem>>)
    }
    %scan3A_229 = arith.constant 52 : i32
    %dma_wait3A_230 = arith.constant 316 : i32
    %dma_wait3A_231 = arith.constant 0 : i32
    %dma_wait3A_232 = arith.constant 0 : i32
    %dma_wait3A_233 = tpu.memref_slice %arg11[%dma_wait3A_231, %dma_wait3A_232] : memref<128x64xf32, #tpu.memory_space<vmem>> -> memref<64x64xf32, #tpu.memory_space<vmem>>
    %dma_wait3A_234 = arith.constant 0 : i32
    %dma_wait3A_235 = tpu.memref_slice %arg7[%dma_wait3A_230, %dma_wait3A_234] : memref<320x64xi32, #tpu.memory_space<vmem>> -> memref<1x64xi32, #tpu.memory_space<vmem>>
    %dma_wait3A_236 = tpu.memref_squeeze %dma_wait3A_235 : memref<1x64xi32, #tpu.memory_space<vmem>> -> memref<64xi32, #tpu.memory_space<vmem>>
    %dma_wait3A_237 = arith.constant 0 : i32
    %dma_wait3A_238 = arith.constant 0 : i32
    %dma_wait3A_239 = tpu.memref_slice %arg2[%arg0, %dma_wait3A_237, %dma_wait3A_238] : memref<2x10000x64xf32, #tpu.memory_space<hbm>> -> memref<1x10000x64xf32, #tpu.memory_space<hbm>>
    %dma_wait3A_240 = tpu.memref_squeeze %dma_wait3A_239 : memref<1x10000x64xf32, #tpu.memory_space<hbm>> -> memref<10000x64xf32, #tpu.memory_space<hbm>>
    %dma_wait3A_241 = arith.constant 0 : i32
    %dma_wait3A_242 = arith.constant 0 : i32
    %dma_wait3A_243 = tpu.memref_slice %dma_wait3A_240[%dma_wait3A_241, %dma_wait3A_242] : memref<10000x64xf32, #tpu.memory_space<hbm>> -> memref<10000x64xf32, #tpu.memory_space<hbm>>
    tpu.wait_indirect_dma semaphore(%arg17 : memref<!tpu.dma_semaphore, #tpu.memory_space<semaphore_mem>>) src(%dma_wait3A_243 : memref<10000x64xf32, #tpu.memory_space<hbm>>) dst(%dma_wait3A_233 : memref<64x64xf32, #tpu.memory_space<vmem>>)
    %dma_wait3A_244 = arith.constant 317 : i32
    %dma_wait3A_245 = arith.constant 64 : i32
    %dma_wait3A_246 = arith.constant 0 : i32
    %dma_wait3A_247 = tpu.memref_slice %arg11[%dma_wait3A_245, %dma_wait3A_246] : memref<128x64xf32, #tpu.memory_space<vmem>> -> memref<64x64xf32, #tpu.memory_space<vmem>>
    %dma_wait3A_248 = arith.constant 0 : i32
    %dma_wait3A_249 = tpu.memref_slice %arg7[%dma_wait3A_244, %dma_wait3A_248] : memref<320x64xi32, #tpu.memory_space<vmem>> -> memref<1x64xi32, #tpu.memory_space<vmem>>
    %dma_wait3A_250 = tpu.memref_squeeze %dma_wait3A_249 : memref<1x64xi32, #tpu.memory_space<vmem>> -> memref<64xi32, #tpu.memory_space<vmem>>
    %dma_wait3A_251 = arith.constant 0 : i32
    %dma_wait3A_252 = arith.constant 0 : i32
    %dma_wait3A_253 = tpu.memref_slice %arg2[%arg0, %dma_wait3A_251, %dma_wait3A_252] : memref<2x10000x64xf32, #tpu.memory_space<hbm>> -> memref<1x10000x64xf32, #tpu.memory_space<hbm>>
    %dma_wait3A_254 = tpu.memref_squeeze %dma_wait3A_253 : memref<1x10000x64xf32, #tpu.memory_space<hbm>> -> memref<10000x64xf32, #tpu.memory_space<hbm>>
    %dma_wait3A_255 = arith.constant 0 : i32
    %dma_wait3A_256 = arith.constant 0 : i32
    %dma_wait3A_257 = tpu.memref_slice %dma_wait3A_254[%dma_wait3A_255, %dma_wait3A_256] : memref<10000x64xf32, #tpu.memory_space<hbm>> -> memref<10000x64xf32, #tpu.memory_space<hbm>>
    tpu.wait_indirect_dma semaphore(%arg20 : memref<!tpu.dma_semaphore, #tpu.memory_space<semaphore_mem>>) src(%dma_wait3A_257 : memref<10000x64xf32, #tpu.memory_space<hbm>>) dst(%dma_wait3A_247 : memref<64x64xf32, #tpu.memory_space<vmem>>)
    %dma_start3A_258 = arith.constant 158 : i32
    %dma_start3A_259 = arith.constant 0 : i32
    %dma_start3A_260 = tpu.memref_slice %arg8[%dma_start3A_258, %dma_start3A_259] : memref<160x128xi32, #tpu.memory_space<vmem>> -> memref<1x128xi32, #tpu.memory_space<vmem>>
    %dma_start3A_261 = tpu.memref_squeeze %dma_start3A_260 : memref<1x128xi32, #tpu.memory_space<vmem>> -> memref<128xi32, #tpu.memory_space<vmem>>
    %dma_start3A_262 = arith.constant 0 : i32
    %dma_start3A_263 = arith.constant 0 : i32
    %dma_start3A_264 = tpu.memref_slice %arg27[%dma_start3A_262, %dma_start3A_263] : memref<10240x64xf32, #tpu.memory_space<vmem_shared>> -> memref<10240x64xf32, #tpu.memory_space<vmem_shared>>
    tpu.enqueue_indirect_dma source(%arg11 : memref<128x64xf32, #tpu.memory_space<vmem>>) target(%dma_start3A_264 : memref<10240x64xf32, #tpu.memory_space<vmem_shared>>) offsets(%dma_start3A_261 : memref<128xi32, #tpu.memory_space<vmem>>) semaphore(%arg23 : memref<!tpu.dma_semaphore, #tpu.memory_space<semaphore_mem>>) {add = true}
    %dma_start3A_265 = arith.constant 158 : i32
    %dma_start3A_266 = arith.constant 0 : i32
    %dma_start3A_267 = tpu.memref_slice %arg8[%dma_start3A_265, %dma_start3A_266] : memref<160x128xi32, #tpu.memory_space<vmem>> -> memref<1x128xi32, #tpu.memory_space<vmem>>
    %dma_start3A_268 = tpu.memref_squeeze %dma_start3A_267 : memref<1x128xi32, #tpu.memory_space<vmem>> -> memref<128xi32, #tpu.memory_space<vmem>>
    %dma_start3A_269 = arith.constant 0 : i32
    %dma_start3A_270 = arith.constant 0 : i32
    %dma_start3A_271 = tpu.memref_slice %arg28[%dma_start3A_269, %dma_start3A_270] : memref<10240x16xf32, #tpu.memory_space<vmem_shared>> -> memref<10240x16xf32, #tpu.memory_space<vmem_shared>>
    tpu.enqueue_indirect_dma source(%arg12 : memref<128x16xf32, #tpu.memory_space<vmem>>) target(%dma_start3A_271 : memref<10240x16xf32, #tpu.memory_space<vmem_shared>>) offsets(%dma_start3A_268 : memref<128xi32, #tpu.memory_space<vmem>>) semaphore(%arg26 : memref<!tpu.dma_semaphore, #tpu.memory_space<semaphore_mem>>) {add = true}
    %dma_wait3A_272 = arith.constant 318 : i32
    %dma_wait3A_273 = arith.constant 0 : i32
    %dma_wait3A_274 = arith.constant 0 : i32
    %dma_wait3A_275 = tpu.memref_slice %arg9[%dma_wait3A_273, %dma_wait3A_274] : memref<128x64xf32, #tpu.memory_space<vmem>> -> memref<64x64xf32, #tpu.memory_space<vmem>>
    %dma_wait3A_276 = arith.constant 0 : i32
    %dma_wait3A_277 = tpu.memref_slice %arg7[%dma_wait3A_272, %dma_wait3A_276] : memref<320x64xi32, #tpu.memory_space<vmem>> -> memref<1x64xi32, #tpu.memory_space<vmem>>
    %dma_wait3A_278 = tpu.memref_squeeze %dma_wait3A_277 : memref<1x64xi32, #tpu.memory_space<vmem>> -> memref<64xi32, #tpu.memory_space<vmem>>
    %dma_wait3A_279 = arith.constant 0 : i32
    %dma_wait3A_280 = arith.constant 0 : i32
    %dma_wait3A_281 = tpu.memref_slice %arg2[%arg0, %dma_wait3A_279, %dma_wait3A_280] : memref<2x10000x64xf32, #tpu.memory_space<hbm>> -> memref<1x10000x64xf32, #tpu.memory_space<hbm>>
    %dma_wait3A_282 = tpu.memref_squeeze %dma_wait3A_281 : memref<1x10000x64xf32, #tpu.memory_space<hbm>> -> memref<10000x64xf32, #tpu.memory_space<hbm>>
    %dma_wait3A_283 = arith.constant 0 : i32
    %dma_wait3A_284 = arith.constant 0 : i32
    %dma_wait3A_285 = tpu.memref_slice %dma_wait3A_282[%dma_wait3A_283, %dma_wait3A_284] : memref<10000x64xf32, #tpu.memory_space<hbm>> -> memref<10000x64xf32, #tpu.memory_space<hbm>>
    tpu.wait_indirect_dma semaphore(%arg15 : memref<!tpu.dma_semaphore, #tpu.memory_space<semaphore_mem>>) src(%dma_wait3A_285 : memref<10000x64xf32, #tpu.memory_space<hbm>>) dst(%dma_wait3A_275 : memref<64x64xf32, #tpu.memory_space<vmem>>)
    %dma_wait3A_286 = arith.constant 319 : i32
    %dma_wait3A_287 = arith.constant 64 : i32
    %dma_wait3A_288 = arith.constant 0 : i32
    %dma_wait3A_289 = tpu.memref_slice %arg9[%dma_wait3A_287, %dma_wait3A_288] : memref<128x64xf32, #tpu.memory_space<vmem>> -> memref<64x64xf32, #tpu.memory_space<vmem>>
    %dma_wait3A_290 = arith.constant 0 : i32
    %dma_wait3A_291 = tpu.memref_slice %arg7[%dma_wait3A_286, %dma_wait3A_290] : memref<320x64xi32, #tpu.memory_space<vmem>> -> memref<1x64xi32, #tpu.memory_space<vmem>>
    %dma_wait3A_292 = tpu.memref_squeeze %dma_wait3A_291 : memref<1x64xi32, #tpu.memory_space<vmem>> -> memref<64xi32, #tpu.memory_space<vmem>>
    %dma_wait3A_293 = arith.constant 0 : i32
    %dma_wait3A_294 = arith.constant 0 : i32
    %dma_wait3A_295 = tpu.memref_slice %arg2[%arg0, %dma_wait3A_293, %dma_wait3A_294] : memref<2x10000x64xf32, #tpu.memory_space<hbm>> -> memref<1x10000x64xf32, #tpu.memory_space<hbm>>
    %dma_wait3A_296 = tpu.memref_squeeze %dma_wait3A_295 : memref<1x10000x64xf32, #tpu.memory_space<hbm>> -> memref<10000x64xf32, #tpu.memory_space<hbm>>
    %dma_wait3A_297 = arith.constant 0 : i32
    %dma_wait3A_298 = arith.constant 0 : i32
    %dma_wait3A_299 = tpu.memref_slice %dma_wait3A_296[%dma_wait3A_297, %dma_wait3A_298] : memref<10000x64xf32, #tpu.memory_space<hbm>> -> memref<10000x64xf32, #tpu.memory_space<hbm>>
    tpu.wait_indirect_dma semaphore(%arg18 : memref<!tpu.dma_semaphore, #tpu.memory_space<semaphore_mem>>) src(%dma_wait3A_299 : memref<10000x64xf32, #tpu.memory_space<hbm>>) dst(%dma_wait3A_289 : memref<64x64xf32, #tpu.memory_space<vmem>>)
    %dma_start3A_300 = arith.constant 159 : i32
    %dma_start3A_301 = arith.constant 0 : i32
    %dma_start3A_302 = tpu.memref_slice %arg8[%dma_start3A_300, %dma_start3A_301] : memref<160x128xi32, #tpu.memory_space<vmem>> -> memref<1x128xi32, #tpu.memory_space<vmem>>
    %dma_start3A_303 = tpu.memref_squeeze %dma_start3A_302 : memref<1x128xi32, #tpu.memory_space<vmem>> -> memref<128xi32, #tpu.memory_space<vmem>>
    %dma_start3A_304 = arith.constant 0 : i32
    %dma_start3A_305 = arith.constant 0 : i32
    %dma_start3A_306 = tpu.memref_slice %arg27[%dma_start3A_304, %dma_start3A_305] : memref<10240x64xf32, #tpu.memory_space<vmem_shared>> -> memref<10240x64xf32, #tpu.memory_space<vmem_shared>>
    tpu.enqueue_indirect_dma source(%arg9 : memref<128x64xf32, #tpu.memory_space<vmem>>) target(%dma_start3A_306 : memref<10240x64xf32, #tpu.memory_space<vmem_shared>>) offsets(%dma_start3A_303 : memref<128xi32, #tpu.memory_space<vmem>>) semaphore(%arg21 : memref<!tpu.dma_semaphore, #tpu.memory_space<semaphore_mem>>) {add = true}
    %dma_start3A_307 = arith.constant 159 : i32
    %dma_start3A_308 = arith.constant 0 : i32
    %dma_start3A_309 = tpu.memref_slice %arg8[%dma_start3A_307, %dma_start3A_308] : memref<160x128xi32, #tpu.memory_space<vmem>> -> memref<1x128xi32, #tpu.memory_space<vmem>>
    %dma_start3A_310 = tpu.memref_squeeze %dma_start3A_309 : memref<1x128xi32, #tpu.memory_space<vmem>> -> memref<128xi32, #tpu.memory_space<vmem>>
    %dma_start3A_311 = arith.constant 0 : i32
    %dma_start3A_312 = arith.constant 0 : i32
    %dma_start3A_313 = tpu.memref_slice %arg28[%dma_start3A_311, %dma_start3A_312] : memref<10240x16xf32, #tpu.memory_space<vmem_shared>> -> memref<10240x16xf32, #tpu.memory_space<vmem_shared>>
    tpu.enqueue_indirect_dma source(%arg12 : memref<128x16xf32, #tpu.memory_space<vmem>>) target(%dma_start3A_313 : memref<10240x16xf32, #tpu.memory_space<vmem_shared>>) offsets(%dma_start3A_310 : memref<128xi32, #tpu.memory_space<vmem>>) semaphore(%arg24 : memref<!tpu.dma_semaphore, #tpu.memory_space<semaphore_mem>>) {add = true}
    %dma_wait3A_314 = arith.constant 157 : i32
    %dma_wait3A_315 = arith.constant 0 : i32
    %dma_wait3A_316 = tpu.memref_slice %arg8[%dma_wait3A_314, %dma_wait3A_315] : memref<160x128xi32, #tpu.memory_space<vmem>> -> memref<1x128xi32, #tpu.memory_space<vmem>>
    %dma_wait3A_317 = tpu.memref_squeeze %dma_wait3A_316 : memref<1x128xi32, #tpu.memory_space<vmem>> -> memref<128xi32, #tpu.memory_space<vmem>>
    %dma_wait3A_318 = arith.constant 0 : i32
    %dma_wait3A_319 = arith.constant 0 : i32
    %dma_wait3A_320 = tpu.memref_slice %arg27[%dma_wait3A_318, %dma_wait3A_319] : memref<10240x64xf32, #tpu.memory_space<vmem_shared>> -> memref<10240x64xf32, #tpu.memory_space<vmem_shared>>
    tpu.wait_indirect_dma semaphore(%arg22 : memref<!tpu.dma_semaphore, #tpu.memory_space<semaphore_mem>>) src(%arg10 : memref<128x64xf32, #tpu.memory_space<vmem>>) dst(%dma_wait3A_320 : memref<10240x64xf32, #tpu.memory_space<vmem_shared>>)
    %dma_wait3A_321 = arith.constant 157 : i32
    %dma_wait3A_322 = arith.constant 0 : i32
    %dma_wait3A_323 = tpu.memref_slice %arg8[%dma_wait3A_321, %dma_wait3A_322] : memref<160x128xi32, #tpu.memory_space<vmem>> -> memref<1x128xi32, #tpu.memory_space<vmem>>
    %dma_wait3A_324 = tpu.memref_squeeze %dma_wait3A_323 : memref<1x128xi32, #tpu.memory_space<vmem>> -> memref<128xi32, #tpu.memory_space<vmem>>
    %dma_wait3A_325 = arith.constant 0 : i32
    %dma_wait3A_326 = arith.constant 0 : i32
    %dma_wait3A_327 = tpu.memref_slice %arg28[%dma_wait3A_325, %dma_wait3A_326] : memref<10240x16xf32, #tpu.memory_space<vmem_shared>> -> memref<10240x16xf32, #tpu.memory_space<vmem_shared>>
    tpu.wait_indirect_dma semaphore(%arg25 : memref<!tpu.dma_semaphore, #tpu.memory_space<semaphore_mem>>) src(%arg12 : memref<128x16xf32, #tpu.memory_space<vmem>>) dst(%dma_wait3A_327 : memref<10240x16xf32, #tpu.memory_space<vmem_shared>>)
    %dma_wait3A_328 = arith.constant 158 : i32
    %dma_wait3A_329 = arith.constant 0 : i32
    %dma_wait3A_330 = tpu.memref_slice %arg8[%dma_wait3A_328, %dma_wait3A_329] : memref<160x128xi32, #tpu.memory_space<vmem>> -> memref<1x128xi32, #tpu.memory_space<vmem>>
    %dma_wait3A_331 = tpu.memref_squeeze %dma_wait3A_330 : memref<1x128xi32, #tpu.memory_space<vmem>> -> memref<128xi32, #tpu.memory_space<vmem>>
    %dma_wait3A_332 = arith.constant 0 : i32
    %dma_wait3A_333 = arith.constant 0 : i32
    %dma_wait3A_334 = tpu.memref_slice %arg27[%dma_wait3A_332, %dma_wait3A_333] : memref<10240x64xf32, #tpu.memory_space<vmem_shared>> -> memref<10240x64xf32, #tpu.memory_space<vmem_shared>>
    tpu.wait_indirect_dma semaphore(%arg23 : memref<!tpu.dma_semaphore, #tpu.memory_space<semaphore_mem>>) src(%arg11 : memref<128x64xf32, #tpu.memory_space<vmem>>) dst(%dma_wait3A_334 : memref<10240x64xf32, #tpu.memory_space<vmem_shared>>)
    %dma_wait3A_335 = arith.constant 158 : i32
    %dma_wait3A_336 = arith.constant 0 : i32
    %dma_wait3A_337 = tpu.memref_slice %arg8[%dma_wait3A_335, %dma_wait3A_336] : memref<160x128xi32, #tpu.memory_space<vmem>> -> memref<1x128xi32, #tpu.memory_space<vmem>>
    %dma_wait3A_338 = tpu.memref_squeeze %dma_wait3A_337 : memref<1x128xi32, #tpu.memory_space<vmem>> -> memref<128xi32, #tpu.memory_space<vmem>>
    %dma_wait3A_339 = arith.constant 0 : i32
    %dma_wait3A_340 = arith.constant 0 : i32
    %dma_wait3A_341 = tpu.memref_slice %arg28[%dma_wait3A_339, %dma_wait3A_340] : memref<10240x16xf32, #tpu.memory_space<vmem_shared>> -> memref<10240x16xf32, #tpu.memory_space<vmem_shared>>
    tpu.wait_indirect_dma semaphore(%arg26 : memref<!tpu.dma_semaphore, #tpu.memory_space<semaphore_mem>>) src(%arg12 : memref<128x16xf32, #tpu.memory_space<vmem>>) dst(%dma_wait3A_341 : memref<10240x16xf32, #tpu.memory_space<vmem_shared>>)
    %dma_wait3A_342 = arith.constant 159 : i32
    %dma_wait3A_343 = arith.constant 0 : i32
    %dma_wait3A_344 = tpu.memref_slice %arg8[%dma_wait3A_342, %dma_wait3A_343] : memref<160x128xi32, #tpu.memory_space<vmem>> -> memref<1x128xi32, #tpu.memory_space<vmem>>
    %dma_wait3A_345 = tpu.memref_squeeze %dma_wait3A_344 : memref<1x128xi32, #tpu.memory_space<vmem>> -> memref<128xi32, #tpu.memory_space<vmem>>
    %dma_wait3A_346 = arith.constant 0 : i32
    %dma_wait3A_347 = arith.constant 0 : i32
    %dma_wait3A_348 = tpu.memref_slice %arg27[%dma_wait3A_346, %dma_wait3A_347] : memref<10240x64xf32, #tpu.memory_space<vmem_shared>> -> memref<10240x64xf32, #tpu.memory_space<vmem_shared>>
    tpu.wait_indirect_dma semaphore(%arg21 : memref<!tpu.dma_semaphore, #tpu.memory_space<semaphore_mem>>) src(%arg9 : memref<128x64xf32, #tpu.memory_space<vmem>>) dst(%dma_wait3A_348 : memref<10240x64xf32, #tpu.memory_space<vmem_shared>>)
    %dma_wait3A_349 = arith.constant 159 : i32
    %dma_wait3A_350 = arith.constant 0 : i32
    %dma_wait3A_351 = tpu.memref_slice %arg8[%dma_wait3A_349, %dma_wait3A_350] : memref<160x128xi32, #tpu.memory_space<vmem>> -> memref<1x128xi32, #tpu.memory_space<vmem>>
    %dma_wait3A_352 = tpu.memref_squeeze %dma_wait3A_351 : memref<1x128xi32, #tpu.memory_space<vmem>> -> memref<128xi32, #tpu.memory_space<vmem>>
    %dma_wait3A_353 = arith.constant 0 : i32
    %dma_wait3A_354 = arith.constant 0 : i32
    %dma_wait3A_355 = tpu.memref_slice %arg28[%dma_wait3A_353, %dma_wait3A_354] : memref<10240x16xf32, #tpu.memory_space<vmem_shared>> -> memref<10240x16xf32, #tpu.memory_space<vmem_shared>>
    tpu.wait_indirect_dma semaphore(%arg24 : memref<!tpu.dma_semaphore, #tpu.memory_space<semaphore_mem>>) src(%arg12 : memref<128x16xf32, #tpu.memory_space<vmem>>) dst(%dma_wait3A_355 : memref<10240x16xf32, #tpu.memory_space<vmem_shared>>)
    %barrier3A_356 = arith.constant 0 : index
    tpu.barrier barrier_id(%barrier3A_356)
    %scan3A_357 = arith.constant 0 : i32
    %scan3A_358 = arith.constant 5 : i32
    %scan3A_359 = arith.addi %scan3A_357, %scan3A_358 : i32
    %scan3A_360 = arith.constant 1 : i32
    scf.for %scan3A_362 = %scan3A_357 to %scan3A_359 step %scan3A_360  : i32 {
      %mul3A_363 = arith.constant 1 : i32
      %mul3A_364 = arith.muli %scan3A_362, %mul3A_363 : i32
      %add3A = arith.constant 0 : i32
      %add3A_365 = arith.addi %add3A, %mul3A_364 : i32
      %mul3A_366 = arith.constant 640 : i32
      %mul3A_367 = arith.muli %arg1, %mul3A_366 : i32
      %mul3A_368 = arith.constant 128 : i32
      %mul3A_369 = arith.muli %add3A_365, %mul3A_368 : i32
      %add3A_370 = arith.addi %mul3A_367, %mul3A_369 : i32
      "tpu.region"() ({
        %run_scoped3A = tpu.sem_alloc : memref<!tpu.dma_semaphore, #tpu.memory_space<semaphore_mem>>
        %dma_start3A_371 = arith.constant 0 : i32
        %dma_start3A_372 = tpu.memref_slice %arg27[%add3A_370, %dma_start3A_371] : memref<10240x64xf32, #tpu.memory_space<vmem_shared>> -> memref<128x64xf32, #tpu.memory_space<vmem_shared>>
        %dma_start3A_373 = arith.constant 0 : i32
        %dma_start3A_374 = tpu.memref_slice %arg27[%add3A_370, %dma_start3A_373] : memref<10240x64xf32, #tpu.memory_space<vmem_shared>> -> memref<128x64xf32, #tpu.memory_space<vmem_shared>>
        tpu.enqueue_dma source(%dma_start3A_374 : memref<128x64xf32, #tpu.memory_space<vmem_shared>>) target(%arg9 : memref<128x64xf32, #tpu.memory_space<vmem>>) target_semaphore(%run_scoped3A : memref<!tpu.dma_semaphore, #tpu.memory_space<semaphore_mem>>)
        %dma_wait3A_375 = arith.constant 0 : i32
        %dma_wait3A_376 = tpu.memref_slice %arg27[%add3A_370, %dma_wait3A_375] : memref<10240x64xf32, #tpu.memory_space<vmem_shared>> -> memref<128x64xf32, #tpu.memory_space<vmem_shared>>
        %dma_wait3A_377 = arith.constant 0 : i32
        %dma_wait3A_378 = tpu.memref_slice %arg27[%add3A_370, %dma_wait3A_377] : memref<10240x64xf32, #tpu.memory_space<vmem_shared>> -> memref<128x64xf32, #tpu.memory_space<vmem_shared>>
        tpu.wait_dma2 semaphore(%run_scoped3A : memref<!tpu.dma_semaphore, #tpu.memory_space<semaphore_mem>>) src(%dma_wait3A_378 : memref<128x64xf32, #tpu.memory_space<vmem_shared>>) dst(%arg9 : memref<128x64xf32, #tpu.memory_space<vmem>>)
        tpu.yield
      }) : () -> ()
      "tpu.region"() ({
        %run_scoped3A = tpu.sem_alloc : memref<!tpu.dma_semaphore, #tpu.memory_space<semaphore_mem>>
        %dma_start3A_371 = arith.constant 0 : i32
        %dma_start3A_372 = tpu.memref_slice %arg5[%arg0, %add3A_370, %dma_start3A_371] : memref<2x10240x64xf32, #tpu.memory_space<hbm>> -> memref<1x128x64xf32, #tpu.memory_space<hbm>>
        %dma_start3A_373 = tpu.memref_squeeze %dma_start3A_372 : memref<1x128x64xf32, #tpu.memory_space<hbm>> -> memref<128x64xf32, #tpu.memory_space<hbm>>
        %dma_start3A_374 = arith.constant 0 : i32
        %dma_start3A_375 = tpu.memref_slice %arg5[%arg0, %add3A_370, %dma_start3A_374] : memref<2x10240x64xf32, #tpu.memory_space<hbm>> -> memref<1x128x64xf32, #tpu.memory_space<hbm>>
        %dma_start3A_376 = tpu.memref_squeeze %dma_start3A_375 : memref<1x128x64xf32, #tpu.memory_space<hbm>> -> memref<128x64xf32, #tpu.memory_space<hbm>>
        tpu.enqueue_dma source(%arg9 : memref<128x64xf32, #tpu.memory_space<vmem>>) target(%dma_start3A_376 : memref<128x64xf32, #tpu.memory_space<hbm>>) target_semaphore(%run_scoped3A : memref<!tpu.dma_semaphore, #tpu.memory_space<semaphore_mem>>)
        %dma_wait3A_377 = arith.constant 0 : i32
        %dma_wait3A_378 = tpu.memref_slice %arg5[%arg0, %add3A_370, %dma_wait3A_377] : memref<2x10240x64xf32, #tpu.memory_space<hbm>> -> memref<1x128x64xf32, #tpu.memory_space<hbm>>
        %dma_wait3A_379 = tpu.memref_squeeze %dma_wait3A_378 : memref<1x128x64xf32, #tpu.memory_space<hbm>> -> memref<128x64xf32, #tpu.memory_space<hbm>>
        %dma_wait3A_380 = arith.constant 0 : i32
        %dma_wait3A_381 = tpu.memref_slice %arg5[%arg0, %add3A_370, %dma_wait3A_380] : memref<2x10240x64xf32, #tpu.memory_space<hbm>> -> memref<1x128x64xf32, #tpu.memory_space<hbm>>
        %dma_wait3A_382 = tpu.memref_squeeze %dma_wait3A_381 : memref<1x128x64xf32, #tpu.memory_space<hbm>> -> memref<128x64xf32, #tpu.memory_space<hbm>>
        tpu.wait_dma2 semaphore(%run_scoped3A : memref<!tpu.dma_semaphore, #tpu.memory_space<semaphore_mem>>) src(%arg9 : memref<128x64xf32, #tpu.memory_space<vmem>>) dst(%dma_wait3A_382 : memref<128x64xf32, #tpu.memory_space<hbm>>)
        tpu.yield
      }) : () -> ()
      "tpu.region"() ({
        %run_scoped3A = tpu.sem_alloc : memref<!tpu.dma_semaphore, #tpu.memory_space<semaphore_mem>>
        %dma_start3A_371 = arith.constant 0 : i32
        %dma_start3A_372 = tpu.memref_slice %arg28[%add3A_370, %dma_start3A_371] : memref<10240x16xf32, #tpu.memory_space<vmem_shared>> -> memref<128x16xf32, #tpu.memory_space<vmem_shared>>
        %dma_start3A_373 = arith.constant 0 : i32
        %dma_start3A_374 = tpu.memref_slice %arg28[%add3A_370, %dma_start3A_373] : memref<10240x16xf32, #tpu.memory_space<vmem_shared>> -> memref<128x16xf32, #tpu.memory_space<vmem_shared>>
        tpu.enqueue_dma source(%dma_start3A_374 : memref<128x16xf32, #tpu.memory_space<vmem_shared>>) target(%arg13 : memref<128x16xf32, #tpu.memory_space<vmem>>) target_semaphore(%run_scoped3A : memref<!tpu.dma_semaphore, #tpu.memory_space<semaphore_mem>>)
        %dma_wait3A_375 = arith.constant 0 : i32
        %dma_wait3A_376 = tpu.memref_slice %arg28[%add3A_370, %dma_wait3A_375] : memref<10240x16xf32, #tpu.memory_space<vmem_shared>> -> memref<128x16xf32, #tpu.memory_space<vmem_shared>>
        %dma_wait3A_377 = arith.constant 0 : i32
        %dma_wait3A_378 = tpu.memref_slice %arg28[%add3A_370, %dma_wait3A_377] : memref<10240x16xf32, #tpu.memory_space<vmem_shared>> -> memref<128x16xf32, #tpu.memory_space<vmem_shared>>
        tpu.wait_dma2 semaphore(%run_scoped3A : memref<!tpu.dma_semaphore, #tpu.memory_space<semaphore_mem>>) src(%dma_wait3A_378 : memref<128x16xf32, #tpu.memory_space<vmem_shared>>) dst(%arg13 : memref<128x16xf32, #tpu.memory_space<vmem>>)
        tpu.yield
      }) : () -> ()
      "tpu.region"() ({
        %run_scoped3A = tpu.sem_alloc : memref<!tpu.dma_semaphore, #tpu.memory_space<semaphore_mem>>
        %dma_start3A_371 = arith.constant 0 : i32
        %dma_start3A_372 = tpu.memref_slice %arg6[%arg0, %add3A_370, %dma_start3A_371] : memref<2x10240x16xf32, #tpu.memory_space<hbm>> -> memref<1x128x16xf32, #tpu.memory_space<hbm>>
        %dma_start3A_373 = tpu.memref_squeeze %dma_start3A_372 : memref<1x128x16xf32, #tpu.memory_space<hbm>> -> memref<128x16xf32, #tpu.memory_space<hbm>>
        %dma_start3A_374 = arith.constant 0 : i32
        %dma_start3A_375 = tpu.memref_slice %arg6[%arg0, %add3A_370, %dma_start3A_374] : memref<2x10240x16xf32, #tpu.memory_space<hbm>> -> memref<1x128x16xf32, #tpu.memory_space<hbm>>
        %dma_start3A_376 = tpu.memref_squeeze %dma_start3A_375 : memref<1x128x16xf32, #tpu.memory_space<hbm>> -> memref<128x16xf32, #tpu.memory_space<hbm>>
        tpu.enqueue_dma source(%arg13 : memref<128x16xf32, #tpu.memory_space<vmem>>) target(%dma_start3A_376 : memref<128x16xf32, #tpu.memory_space<hbm>>) target_semaphore(%run_scoped3A : memref<!tpu.dma_semaphore, #tpu.memory_space<semaphore_mem>>)
        %dma_wait3A_377 = arith.constant 0 : i32
        %dma_wait3A_378 = tpu.memref_slice %arg6[%arg0, %add3A_370, %dma_wait3A_377] : memref<2x10240x16xf32, #tpu.memory_space<hbm>> -> memref<1x128x16xf32, #tpu.memory_space<hbm>>
        %dma_wait3A_379 = tpu.memref_squeeze %dma_wait3A_378 : memref<1x128x16xf32, #tpu.memory_space<hbm>> -> memref<128x16xf32, #tpu.memory_space<hbm>>
        %dma_wait3A_380 = arith.constant 0 : i32
        %dma_wait3A_381 = tpu.memref_slice %arg6[%arg0, %add3A_370, %dma_wait3A_380] : memref<2x10240x16xf32, #tpu.memory_space<hbm>> -> memref<1x128x16xf32, #tpu.memory_space<hbm>>
        %dma_wait3A_382 = tpu.memref_squeeze %dma_wait3A_381 : memref<1x128x16xf32, #tpu.memory_space<hbm>> -> memref<128x16xf32, #tpu.memory_space<hbm>>
        tpu.wait_dma2 semaphore(%run_scoped3A : memref<!tpu.dma_semaphore, #tpu.memory_space<semaphore_mem>>) src(%arg13 : memref<128x16xf32, #tpu.memory_space<vmem>>) dst(%dma_wait3A_382 : memref<128x16xf32, #tpu.memory_space<hbm>>)
        tpu.yield
      }) : () -> ()
    }
    %scan3A_361 = arith.constant 5 : i32
    return
  }
}

#map = affine_map<(d0, d1) -> (0, 0, 0)>
#map1 = affine_map<(d0, d1) -> (0, 0)>
module attributes {stable_mosaic.version = 14 : i64} {
  func.func @body(%arg0: i32, %arg1: i32, %arg2: memref<2x10000x64xf32, #tpu.memory_space<hbm>>, %arg3: memref<5120x64xi32, #tpu.memory_space<hbm>>, %arg4: memref<2560x128xi32, #tpu.memory_space<hbm>>, %arg5: memref<2x10240x64xf32, #tpu.memory_space<hbm>>, %arg6: memref<2x10240x16xf32, #tpu.memory_space<hbm>>, %arg7: memref<320x64xi32, #tpu.memory_space<vmem>>, %arg8: memref<160x128xi32, #tpu.memory_space<vmem>>, %arg9: memref<128x64xf32, #tpu.memory_space<vmem>>, %arg10: memref<128x64xf32, #tpu.memory_space<vmem>>, %arg11: memref<128x64xf32, #tpu.memory_space<vmem>>, %arg12: memref<128x16xf32, #tpu.memory_space<vmem>>, %arg13: memref<128x16xf32, #tpu.memory_space<vmem>>, %arg14: memref<128x64xf32, #tpu.memory_space<vmem>>, %arg15: memref<!tpu.dma_semaphore, #tpu.memory_space<semaphore_mem>>, %arg16: memref<!tpu.dma_semaphore, #tpu.memory_space<semaphore_mem>>, %arg17: memref<!tpu.dma_semaphore, #tpu.memory_space<semaphore_mem>>, %arg18: memref<!tpu.dma_semaphore, #tpu.memory_space<semaphore_mem>>, %arg19: memref<!tpu.dma_semaphore, #tpu.memory_space<semaphore_mem>>, %arg20: memref<!tpu.dma_semaphore, #tpu.memory_space<semaphore_mem>>, %arg21: memref<!tpu.dma_semaphore, #tpu.memory_space<semaphore_mem>>, %arg22: memref<!tpu.dma_semaphore, #tpu.memory_space<semaphore_mem>>, %arg23: memref<!tpu.dma_semaphore, #tpu.memory_space<semaphore_mem>>, %arg24: memref<!tpu.dma_semaphore, #tpu.memory_space<semaphore_mem>>, %arg25: memref<!tpu.dma_semaphore, #tpu.memory_space<semaphore_mem>>, %arg26: memref<!tpu.dma_semaphore, #tpu.memory_space<semaphore_mem>>, %arg27: memref<10240x64xf32, #tpu.memory_space<vmem_shared>>, %arg28: memref<10240x16xf32, #tpu.memory_space<vmem_shared>>) attributes {dimension_semantics = [#tpu.dimension_semantics<core_parallel>, #tpu.dimension_semantics<subcore_parallel>], iteration_bounds = array<i64: 2, 16>, scalar_prefetch = 0 : i64, scratch_operands = 22 : i64, tpu.core_type = #tpu.core_type<sc_vector_subcore>, window_params = [{transform_indices = #map}, {transform_indices = #map1}, {transform_indices = #map1}, {transform_indices = #map}, {transform_indices = #map}]} {
    %broadcast_in_dim3A = arith.constant 0.000000e+00 : f32
    %broadcast_in_dim3A_0 = vector.broadcast %broadcast_in_dim3A : f32 to vector<16xf32>
    %broadcast_in_dim3A_1 = arith.constant 1.000000e+00 : f32
    %broadcast_in_dim3A_2 = vector.broadcast %broadcast_in_dim3A_1 : f32 to vector<16xf32>
    %scan3A = arith.constant 0 : i32
    %scan3A_3 = arith.constant 128 : i32
    %scan3A_4 = arith.addi %scan3A, %scan3A_3 : i32
    %scan3A_5 = arith.constant 1 : i32
    scf.for %scan3A_362 = %scan3A to %scan3A_4 step %scan3A_5  : i32 {
      %mul3A_363 = arith.constant 1 : i32
      %mul3A_364 = arith.muli %scan3A_362, %mul3A_363 : i32
      %add3A = arith.constant 0 : i32
      %add3A_365 = arith.addi %add3A, %mul3A_364 : i32
      %swap3A = arith.index_cast %add3A_365 : i32 to index
      %swap3A_366 = arith.constant 0 : index
      %swap3A_367 = tpu.vector_load %arg14[%swap3A, %swap3A_366] {strides = array<i32>} : memref<128x64xf32, #tpu.memory_space<vmem>>, vector<1x16xf32>,
      %swap3A_368 = vector.shape_cast %swap3A_367 : vector<1x16xf32> to vector<16xf32>
      %swap3A_369 = vector.shape_cast %broadcast_in_dim3A_0 : vector<16xf32> to vector<1x16xf32>
      tpu.vector_store %arg14[%swap3A, %swap3A_366], %swap3A_369 {strides = array<i32>} : memref<128x64xf32, #tpu.memory_space<vmem>>, vector<1x16xf32>,
      %swap3A_370 = arith.index_cast %add3A_365 : i32 to index
      %swap3A_371 = arith.constant 16 : index
      %swap3A_372 = tpu.vector_load %arg14[%swap3A_370, %swap3A_371] {strides = array<i32>} : memref<128x64xf32, #tpu.memory_space<vmem>>, vector<1x16xf32>,
      %swap3A_373 = vector.shape_cast %swap3A_372 : vector<1x16xf32> to vector<16xf32>
      %swap3A_374 = vector.shape_cast %broadcast_in_dim3A_0 : vector<16xf32> to vector<1x16xf32>
      tpu.vector_store %arg14[%swap3A_370, %swap3A_371], %swap3A_374 {strides = array<i32>} : memref<128x64xf32, #tpu.memory_space<vmem>>, vector<1x16xf32>,
      %swap3A_375 = arith.index_cast %add3A_365 : i32 to index
      %swap3A_376 = arith.constant 32 : index
      %swap3A_377 = tpu.vector_load %arg14[%swap3A_375, %swap3A_376] {strides = array<i32>} : memref<128x64xf32, #tpu.memory_space<vmem>>, vector<1x16xf32>,
      %swap3A_378 = vector.shape_cast %swap3A_377 : vector<1x16xf32> to vector<16xf32>
      %swap3A_379 = vector.shape_cast %broadcast_in_dim3A_0 : vector<16xf32> to vector<1x16xf32>
      tpu.vector_store %arg14[%swap3A_375, %swap3A_376], %swap3A_379 {strides = array<i32>} : memref<128x64xf32, #tpu.memory_space<vmem>>, vector<1x16xf32>,
      %swap3A_380 = arith.index_cast %add3A_365 : i32 to index
      %swap3A_381 = arith.constant 48 : index
      %swap3A_382 = tpu.vector_load %arg14[%swap3A_380, %swap3A_381] {strides = array<i32>} : memref<128x64xf32, #tpu.memory_space<vmem>>, vector<1x16xf32>,
      %swap3A_383 = vector.shape_cast %swap3A_382 : vector<1x16xf32> to vector<16xf32>
      %swap3A_384 = vector.shape_cast %broadcast_in_dim3A_0 : vector<16xf32> to vector<1x16xf32>
      tpu.vector_store %arg14[%swap3A_380, %swap3A_381], %swap3A_384 {strides = array<i32>} : memref<128x64xf32, #tpu.memory_space<vmem>>, vector<1x16xf32>,
      %swap3A_385 = arith.index_cast %add3A_365 : i32 to index
      %swap3A_386 = arith.constant 0 : index
      %swap3A_387 = tpu.vector_load %arg13[%swap3A_385, %swap3A_386] {strides = array<i32>} : memref<128x16xf32, #tpu.memory_space<vmem>>, vector<1x16xf32>,
      %swap3A_388 = vector.shape_cast %swap3A_387 : vector<1x16xf32> to vector<16xf32>
      %swap3A_389 = vector.shape_cast %broadcast_in_dim3A_0 : vector<16xf32> to vector<1x16xf32>
      tpu.vector_store %arg13[%swap3A_385, %swap3A_386], %swap3A_389 {strides = array<i32>} : memref<128x16xf32, #tpu.memory_space<vmem>>, vector<1x16xf32>,
      %swap3A_390 = arith.index_cast %add3A_365 : i32 to index
      %swap3A_391 = arith.constant 0 : index
      %swap3A_392 = tpu.vector_load %arg12[%swap3A_390, %swap3A_391] {strides = array<i32>} : memref<128x16xf32, #tpu.memory_space<vmem>>, vector<1x16xf32>,
      %swap3A_393 = vector.shape_cast %swap3A_392 : vector<1x16xf32> to vector<16xf32>
      %swap3A_394 = vector.shape_cast %broadcast_in_dim3A_2 : vector<16xf32> to vector<1x16xf32>
      tpu.vector_store %arg12[%swap3A_390, %swap3A_391], %swap3A_394 {strides = array<i32>} : memref<128x16xf32, #tpu.memory_space<vmem>>, vector<1x16xf32>,
    }
    %scan3A_6 = arith.constant 128 : i32
    %scan3A_7 = arith.constant 0 : i32
    %scan3A_8 = arith.constant 5 : i32
    %scan3A_9 = arith.addi %scan3A_7, %scan3A_8 : i32
    %scan3A_10 = arith.constant 1 : i32
    scf.for %scan3A_362 = %scan3A_7 to %scan3A_9 step %scan3A_10  : i32 {
      %mul3A_363 = arith.constant 1 : i32
      %mul3A_364 = arith.muli %scan3A_362, %mul3A_363 : i32
      %add3A = arith.constant 0 : i32
      %add3A_365 = arith.addi %add3A, %mul3A_364 : i32
      %mul3A_366 = arith.constant 640 : i32
      %mul3A_367 = arith.muli %arg1, %mul3A_366 : i32
      %mul3A_368 = arith.constant 128 : i32
      %mul3A_369 = arith.muli %add3A_365, %mul3A_368 : i32
      %add3A_370 = arith.addi %mul3A_367, %mul3A_369 : i32
      "tpu.region"() ({
        %run_scoped3A = tpu.sem_alloc : memref<!tpu.dma_semaphore, #tpu.memory_space<semaphore_mem>>
        %dma_start3A_371 = arith.constant 0 : i32
        %dma_start3A_372 = tpu.memref_slice %arg27[%add3A_370, %dma_start3A_371] : memref<10240x64xf32, #tpu.memory_space<vmem_shared>> -> memref<128x64xf32, #tpu.memory_space<vmem_shared>>
        %dma_start3A_373 = arith.constant 0 : i32
        %dma_start3A_374 = tpu.memref_slice %arg27[%add3A_370, %dma_start3A_373] : memref<10240x64xf32, #tpu.memory_space<vmem_shared>> -> memref<128x64xf32, #tpu.memory_space<vmem_shared>>
        tpu.enqueue_dma source(%arg14 : memref<128x64xf32, #tpu.memory_space<vmem>>) target(%dma_start3A_374 : memref<128x64xf32, #tpu.memory_space<vmem_shared>>) target_semaphore(%run_scoped3A : memref<!tpu.dma_semaphore, #tpu.memory_space<semaphore_mem>>)
        %dma_wait3A_375 = arith.constant 0 : i32
        %dma_wait3A_376 = tpu.memref_slice %arg27[%add3A_370, %dma_wait3A_375] : memref<10240x64xf32, #tpu.memory_space<vmem_shared>> -> memref<128x64xf32, #tpu.memory_space<vmem_shared>>
        %dma_wait3A_377 = arith.constant 0 : i32
        %dma_wait3A_378 = tpu.memref_slice %arg27[%add3A_370, %dma_wait3A_377] : memref<10240x64xf32, #tpu.memory_space<vmem_shared>> -> memref<128x64xf32, #tpu.memory_space<vmem_shared>>
        tpu.wait_dma2 semaphore(%run_scoped3A : memref<!tpu.dma_semaphore, #tpu.memory_space<semaphore_mem>>) src(%arg14 : memref<128x64xf32, #tpu.memory_space<vmem>>) dst(%dma_wait3A_378 : memref<128x64xf32, #tpu.memory_space<vmem_shared>>)
        tpu.yield
      }) : () -> ()
      "tpu.region"() ({
        %run_scoped3A = tpu.sem_alloc : memref<!tpu.dma_semaphore, #tpu.memory_space<semaphore_mem>>
        %dma_start3A_371 = arith.constant 0 : i32
        %dma_start3A_372 = tpu.memref_slice %arg28[%add3A_370, %dma_start3A_371] : memref<10240x16xf32, #tpu.memory_space<vmem_shared>> -> memref<128x16xf32, #tpu.memory_space<vmem_shared>>
        %dma_start3A_373 = arith.constant 0 : i32
        %dma_start3A_374 = tpu.memref_slice %arg28[%add3A_370, %dma_start3A_373] : memref<10240x16xf32, #tpu.memory_space<vmem_shared>> -> memref<128x16xf32, #tpu.memory_space<vmem_shared>>
        tpu.enqueue_dma source(%arg13 : memref<128x16xf32, #tpu.memory_space<vmem>>) target(%dma_start3A_374 : memref<128x16xf32, #tpu.memory_space<vmem_shared>>) target_semaphore(%run_scoped3A : memref<!tpu.dma_semaphore, #tpu.memory_space<semaphore_mem>>)
        %dma_wait3A_375 = arith.constant 0 : i32
        %dma_wait3A_376 = tpu.memref_slice %arg28[%add3A_370, %dma_wait3A_375] : memref<10240x16xf32, #tpu.memory_space<vmem_shared>> -> memref<128x16xf32, #tpu.memory_space<vmem_shared>>
        %dma_wait3A_377 = arith.constant 0 : i32
        %dma_wait3A_378 = tpu.memref_slice %arg28[%add3A_370, %dma_wait3A_377] : memref<10240x16xf32, #tpu.memory_space<vmem_shared>> -> memref<128x16xf32, #tpu.memory_space<vmem_shared>>
        tpu.wait_dma2 semaphore(%run_scoped3A : memref<!tpu.dma_semaphore, #tpu.memory_space<semaphore_mem>>) src(%arg13 : memref<128x16xf32, #tpu.memory_space<vmem>>) dst(%dma_wait3A_378 : memref<128x16xf32, #tpu.memory_space<vmem_shared>>)
        tpu.yield
      }) : () -> ()
    }
    %scan3A_11 = arith.constant 5 : i32
    %barrier3A = arith.constant 0 : index
    tpu.barrier barrier_id(%barrier3A)
    %mul3A = arith.constant 2 : i32
    %mul3A_12 = arith.muli %arg1, %mul3A : i32
    %mul3A_13 = arith.constant 160 : i32
    %mul3A_14 = arith.muli %mul3A_12, %mul3A_13 : i32
    "tpu.region"() ({
      %run_scoped3A = tpu.sem_alloc : memref<!tpu.dma_semaphore, #tpu.memory_space<semaphore_mem>>
      %dma_start3A_362 = arith.constant 0 : i32
      %dma_start3A_363 = tpu.memref_slice %arg3[%mul3A_14, %dma_start3A_362] : memref<5120x64xi32, #tpu.memory_space<hbm>> -> memref<320x64xi32, #tpu.memory_space<hbm>>
      %dma_start3A_364 = arith.constant 0 : i32
      %dma_start3A_365 = tpu.memref_slice %arg3[%mul3A_14, %dma_start3A_364] : memref<5120x64xi32, #tpu.memory_space<hbm>> -> memref<320x64xi32, #tpu.memory_space<hbm>>
      tpu.enqueue_dma source(%dma_start3A_365 : memref<320x64xi32, #tpu.memory_space<hbm>>) target(%arg7 : memref<320x64xi32, #tpu.memory_space<vmem>>) target_semaphore(%run_scoped3A : memref<!tpu.dma_semaphore, #tpu.memory_space<semaphore_mem>>)
      %dma_wait3A_366 = arith.constant 0 : i32
      %dma_wait3A_367 = tpu.memref_slice %arg3[%mul3A_14, %dma_wait3A_366] : memref<5120x64xi32, #tpu.memory_space<hbm>> -> memref<320x64xi32, #tpu.memory_space<hbm>>
      %dma_wait3A_368 = arith.constant 0 : i32
      %dma_wait3A_369 = tpu.memref_slice %arg3[%mul3A_14, %dma_wait3A_368] : memref<5120x64xi32, #tpu.memory_space<hbm>> -> memref<320x64xi32, #tpu.memory_space<hbm>>
      tpu.wait_dma2 semaphore(%run_scoped3A : memref<!tpu.dma_semaphore, #tpu.memory_space<semaphore_mem>>) src(%dma_wait3A_369 : memref<320x64xi32, #tpu.memory_space<hbm>>) dst(%arg7 : memref<320x64xi32, #tpu.memory_space<vmem>>)
      tpu.yield
    }) : () -> ()
    %mul3A_15 = arith.constant 160 : i32
    %mul3A_16 = arith.muli %arg1, %mul3A_15 : i32
    "tpu.region"() ({
      %run_scoped3A = tpu.sem_alloc : memref<!tpu.dma_semaphore, #tpu.memory_space<semaphore_mem>>
      %dma_start3A_362 = arith.constant 0 : i32
      %dma_start3A_363 = tpu.memref_slice %arg4[%mul3A_16, %dma_start3A_362] : memref<2560x128xi32, #tpu.memory_space<hbm>> -> memref<160x128xi32, #tpu.memory_space<hbm>>
      %dma_start3A_364 = arith.constant 0 : i32
      %dma_start3A_365 = tpu.memref_slice %arg4[%mul3A_16, %dma_start3A_364] : memref<2560x128xi32, #tpu.memory_space<hbm>> -> memref<160x128xi32, #tpu.memory_space<hbm>>
      tpu.enqueue_dma source(%dma_start3A_365 : memref<160x128xi32, #tpu.memory_space<hbm>>) target(%arg8 : memref<160x128xi32, #tpu.memory_space<vmem>>) target_semaphore(%run_scoped3A : memref<!tpu.dma_semaphore, #tpu.memory_space<semaphore_mem>>)
      %dma_wait3A_366 = arith.constant 0 : i32
      %dma_wait3A_367 = tpu.memref_slice %arg4[%mul3A_16, %dma_wait3A_366] : memref<2560x128xi32, #tpu.memory_space<hbm>> -> memref<160x128xi32, #tpu.memory_space<hbm>>
      %dma_wait3A_368 = arith.constant 0 : i32
      %dma_wait3A_369 = tpu.memref_slice %arg4[%mul3A_16, %dma_wait3A_368] : memref<2560x128xi32, #tpu.memory_space<hbm>> -> memref<160x128xi32, #tpu.memory_space<hbm>>
      tpu.wait_dma2 semaphore(%run_scoped3A : memref<!tpu.dma_semaphore, #tpu.memory_space<semaphore_mem>>) src(%dma_wait3A_369 : memref<160x128xi32, #tpu.memory_space<hbm>>) dst(%arg8 : memref<160x128xi32, #tpu.memory_space<vmem>>)
      tpu.yield
    }) : () -> ()
    %dma_start3A = arith.constant 0 : i32
    %dma_start3A_17 = arith.constant 0 : i32
    %dma_start3A_18 = arith.constant 0 : i32
    %dma_start3A_19 = tpu.memref_slice %arg9[%dma_start3A_17, %dma_start3A_18] : memref<128x64xf32, #tpu.memory_space<vmem>> -> memref<64x64xf32, #tpu.memory_space<vmem>>
    %dma_start3A_20 = arith.constant 0 : i32
    %dma_start3A_21 = tpu.memref_slice %arg7[%dma_start3A, %dma_start3A_20] : memref<320x64xi32, #tpu.memory_space<vmem>> -> memref<1x64xi32, #tpu.memory_space<vmem>>
    %dma_start3A_22 = tpu.memref_squeeze %dma_start3A_21 : memref<1x64xi32, #tpu.memory_space<vmem>> -> memref<64xi32, #tpu.memory_space<vmem>>
    %dma_start3A_23 = arith.constant 0 : i32
    %dma_start3A_24 = arith.constant 0 : i32
    %dma_start3A_25 = tpu.memref_slice %arg2[%arg0, %dma_start3A_23, %dma_start3A_24] : memref<2x10000x64xf32, #tpu.memory_space<hbm>> -> memref<1x10000x64xf32, #tpu.memory_space<hbm>>
    %dma_start3A_26 = tpu.memref_squeeze %dma_start3A_25 : memref<1x10000x64xf32, #tpu.memory_space<hbm>> -> memref<10000x64xf32, #tpu.memory_space<hbm>>
    %dma_start3A_27 = arith.constant 0 : i32
    %dma_start3A_28 = arith.constant 0 : i32
    %dma_start3A_29 = tpu.memref_slice %dma_start3A_26[%dma_start3A_27, %dma_start3A_28] : memref<10000x64xf32, #tpu.memory_space<hbm>> -> memref<10000x64xf32, #tpu.memory_space<hbm>>
    tpu.enqueue_indirect_dma source(%dma_start3A_29 : memref<10000x64xf32, #tpu.memory_space<hbm>>) target(%dma_start3A_19 : memref<64x64xf32, #tpu.memory_space<vmem>>) offsets(%dma_start3A_22 : memref<64xi32, #tpu.memory_space<vmem>>) semaphore(%arg15 : memref<!tpu.dma_semaphore, #tpu.memory_space<semaphore_mem>>)
    %dma_start3A_30 = arith.constant 1 : i32
    %dma_start3A_31 = arith.constant 64 : i32
    %dma_start3A_32 = arith.constant 0 : i32
    %dma_start3A_33 = tpu.memref_slice %arg9[%dma_start3A_31, %dma_start3A_32] : memref<128x64xf32, #tpu.memory_space<vmem>> -> memref<64x64xf32, #tpu.memory_space<vmem>>
    %dma_start3A_34 = arith.constant 0 : i32
    %dma_start3A_35 = tpu.memref_slice %arg7[%dma_start3A_30, %dma_start3A_34] : memref<320x64xi32, #tpu.memory_space<vmem>> -> memref<1x64xi32, #tpu.memory_space<vmem>>
    %dma_start3A_36 = tpu.memref_squeeze %dma_start3A_35 : memref<1x64xi32, #tpu.memory_space<vmem>> -> memref<64xi32, #tpu.memory_space<vmem>>
    %dma_start3A_37 = arith.constant 0 : i32
    %dma_start3A_38 = arith.constant 0 : i32
    %dma_start3A_39 = tpu.memref_slice %arg2[%arg0, %dma_start3A_37, %dma_start3A_38] : memref<2x10000x64xf32, #tpu.memory_space<hbm>> -> memref<1x10000x64xf32, #tpu.memory_space<hbm>>
    %dma_start3A_40 = tpu.memref_squeeze %dma_start3A_39 : memref<1x10000x64xf32, #tpu.memory_space<hbm>> -> memref<10000x64xf32, #tpu.memory_space<hbm>>
    %dma_start3A_41 = arith.constant 0 : i32
    %dma_start3A_42 = arith.constant 0 : i32
    %dma_start3A_43 = tpu.memref_slice %dma_start3A_40[%dma_start3A_41, %dma_start3A_42] : memref<10000x64xf32, #tpu.memory_space<hbm>> -> memref<10000x64xf32, #tpu.memory_space<hbm>>
    tpu.enqueue_indirect_dma source(%dma_start3A_43 : memref<10000x64xf32, #tpu.memory_space<hbm>>) target(%dma_start3A_33 : memref<64x64xf32, #tpu.memory_space<vmem>>) offsets(%dma_start3A_36 : memref<64xi32, #tpu.memory_space<vmem>>) semaphore(%arg18 : memref<!tpu.dma_semaphore, #tpu.memory_space<semaphore_mem>>)
    %dma_start3A_44 = arith.constant 2 : i32
    %dma_start3A_45 = arith.constant 0 : i32
    %dma_start3A_46 = arith.constant 0 : i32
    %dma_start3A_47 = tpu.memref_slice %arg10[%dma_start3A_45, %dma_start3A_46] : memref<128x64xf32, #tpu.memory_space<vmem>> -> memref<64x64xf32, #tpu.memory_space<vmem>>
    %dma_start3A_48 = arith.constant 0 : i32
    %dma_start3A_49 = tpu.memref_slice %arg7[%dma_start3A_44, %dma_start3A_48] : memref<320x64xi32, #tpu.memory_space<vmem>> -> memref<1x64xi32, #tpu.memory_space<vmem>>
    %dma_start3A_50 = tpu.memref_squeeze %dma_start3A_49 : memref<1x64xi32, #tpu.memory_space<vmem>> -> memref<64xi32, #tpu.memory_space<vmem>>
    %dma_start3A_51 = arith.constant 0 : i32
    %dma_start3A_52 = arith.constant 0 : i32
    %dma_start3A_53 = tpu.memref_slice %arg2[%arg0, %dma_start3A_51, %dma_start3A_52] : memref<2x10000x64xf32, #tpu.memory_space<hbm>> -> memref<1x10000x64xf32, #tpu.memory_space<hbm>>
    %dma_start3A_54 = tpu.memref_squeeze %dma_start3A_53 : memref<1x10000x64xf32, #tpu.memory_space<hbm>> -> memref<10000x64xf32, #tpu.memory_space<hbm>>
    %dma_start3A_55 = arith.constant 0 : i32
    %dma_start3A_56 = arith.constant 0 : i32
    %dma_start3A_57 = tpu.memref_slice %dma_start3A_54[%dma_start3A_55, %dma_start3A_56] : memref<10000x64xf32, #tpu.memory_space<hbm>> -> memref<10000x64xf32, #tpu.memory_space<hbm>>
    tpu.enqueue_indirect_dma source(%dma_start3A_57 : memref<10000x64xf32, #tpu.memory_space<hbm>>) target(%dma_start3A_47 : memref<64x64xf32, #tpu.memory_space<vmem>>) offsets(%dma_start3A_50 : memref<64xi32, #tpu.memory_space<vmem>>) semaphore(%arg16 : memref<!tpu.dma_semaphore, #tpu.memory_space<semaphore_mem>>)
    %dma_start3A_58 = arith.constant 3 : i32
    %dma_start3A_59 = arith.constant 64 : i32
    %dma_start3A_60 = arith.constant 0 : i32
    %dma_start3A_61 = tpu.memref_slice %arg10[%dma_start3A_59, %dma_start3A_60] : memref<128x64xf32, #tpu.memory_space<vmem>> -> memref<64x64xf32, #tpu.memory_space<vmem>>
    %dma_start3A_62 = arith.constant 0 : i32
    %dma_start3A_63 = tpu.memref_slice %arg7[%dma_start3A_58, %dma_start3A_62] : memref<320x64xi32, #tpu.memory_space<vmem>> -> memref<1x64xi32, #tpu.memory_space<vmem>>
    %dma_start3A_64 = tpu.memref_squeeze %dma_start3A_63 : memref<1x64xi32, #tpu.memory_space<vmem>> -> memref<64xi32, #tpu.memory_space<vmem>>
    %dma_start3A_65 = arith.constant 0 : i32
    %dma_start3A_66 = arith.constant 0 : i32
    %dma_start3A_67 = tpu.memref_slice %arg2[%arg0, %dma_start3A_65, %dma_start3A_66] : memref<2x10000x64xf32, #tpu.memory_space<hbm>> -> memref<1x10000x64xf32, #tpu.memory_space<hbm>>
    %dma_start3A_68 = tpu.memref_squeeze %dma_start3A_67 : memref<1x10000x64xf32, #tpu.memory_space<hbm>> -> memref<10000x64xf32, #tpu.memory_space<hbm>>
    %dma_start3A_69 = arith.constant 0 : i32
    %dma_start3A_70 = arith.constant 0 : i32
    %dma_start3A_71 = tpu.memref_slice %dma_start3A_68[%dma_start3A_69, %dma_start3A_70] : memref<10000x64xf32, #tpu.memory_space<hbm>> -> memref<10000x64xf32, #tpu.memory_space<hbm>>
    tpu.enqueue_indirect_dma source(%dma_start3A_71 : memref<10000x64xf32, #tpu.memory_space<hbm>>) target(%dma_start3A_61 : memref<64x64xf32, #tpu.memory_space<vmem>>) offsets(%dma_start3A_64 : memref<64xi32, #tpu.memory_space<vmem>>) semaphore(%arg19 : memref<!tpu.dma_semaphore, #tpu.memory_space<semaphore_mem>>)
    %dma_wait3A = arith.constant 0 : i32
    %dma_wait3A_72 = arith.constant 0 : i32
    %dma_wait3A_73 = arith.constant 0 : i32
    %dma_wait3A_74 = tpu.memref_slice %arg9[%dma_wait3A_72, %dma_wait3A_73] : memref<128x64xf32, #tpu.memory_space<vmem>> -> memref<64x64xf32, #tpu.memory_space<vmem>>
    %dma_wait3A_75 = arith.constant 0 : i32
    %dma_wait3A_76 = tpu.memref_slice %arg7[%dma_wait3A, %dma_wait3A_75] : memref<320x64xi32, #tpu.memory_space<vmem>> -> memref<1x64xi32, #tpu.memory_space<vmem>>
    %dma_wait3A_77 = tpu.memref_squeeze %dma_wait3A_76 : memref<1x64xi32, #tpu.memory_space<vmem>> -> memref<64xi32, #tpu.memory_space<vmem>>
    %dma_wait3A_78 = arith.constant 0 : i32
    %dma_wait3A_79 = arith.constant 0 : i32
    %dma_wait3A_80 = tpu.memref_slice %arg2[%arg0, %dma_wait3A_78, %dma_wait3A_79] : memref<2x10000x64xf32, #tpu.memory_space<hbm>> -> memref<1x10000x64xf32, #tpu.memory_space<hbm>>
    %dma_wait3A_81 = tpu.memref_squeeze %dma_wait3A_80 : memref<1x10000x64xf32, #tpu.memory_space<hbm>> -> memref<10000x64xf32, #tpu.memory_space<hbm>>
    %dma_wait3A_82 = arith.constant 0 : i32
    %dma_wait3A_83 = arith.constant 0 : i32
    %dma_wait3A_84 = tpu.memref_slice %dma_wait3A_81[%dma_wait3A_82, %dma_wait3A_83] : memref<10000x64xf32, #tpu.memory_space<hbm>> -> memref<10000x64xf32, #tpu.memory_space<hbm>>
    tpu.wait_indirect_dma semaphore(%arg15 : memref<!tpu.dma_semaphore, #tpu.memory_space<semaphore_mem>>) src(%dma_wait3A_84 : memref<10000x64xf32, #tpu.memory_space<hbm>>) dst(%dma_wait3A_74 : memref<64x64xf32, #tpu.memory_space<vmem>>)
    %dma_wait3A_85 = arith.constant 1 : i32
    %dma_wait3A_86 = arith.constant 64 : i32
    %dma_wait3A_87 = arith.constant 0 : i32
    %dma_wait3A_88 = tpu.memref_slice %arg9[%dma_wait3A_86, %dma_wait3A_87] : memref<128x64xf32, #tpu.memory_space<vmem>> -> memref<64x64xf32, #tpu.memory_space<vmem>>
    %dma_wait3A_89 = arith.constant 0 : i32
    %dma_wait3A_90 = tpu.memref_slice %arg7[%dma_wait3A_85, %dma_wait3A_89] : memref<320x64xi32, #tpu.memory_space<vmem>> -> memref<1x64xi32, #tpu.memory_space<vmem>>
    %dma_wait3A_91 = tpu.memref_squeeze %dma_wait3A_90 : memref<1x64xi32, #tpu.memory_space<vmem>> -> memref<64xi32, #tpu.memory_space<vmem>>
    %dma_wait3A_92 = arith.constant 0 : i32
    %dma_wait3A_93 = arith.constant 0 : i32
    %dma_wait3A_94 = tpu.memref_slice %arg2[%arg0, %dma_wait3A_92, %dma_wait3A_93] : memref<2x10000x64xf32, #tpu.memory_space<hbm>> -> memref<1x10000x64xf32, #tpu.memory_space<hbm>>
    %dma_wait3A_95 = tpu.memref_squeeze %dma_wait3A_94 : memref<1x10000x64xf32, #tpu.memory_space<hbm>> -> memref<10000x64xf32, #tpu.memory_space<hbm>>
    %dma_wait3A_96 = arith.constant 0 : i32
    %dma_wait3A_97 = arith.constant 0 : i32
    %dma_wait3A_98 = tpu.memref_slice %dma_wait3A_95[%dma_wait3A_96, %dma_wait3A_97] : memref<10000x64xf32, #tpu.memory_space<hbm>> -> memref<10000x64xf32, #tpu.memory_space<hbm>>
    tpu.wait_indirect_dma semaphore(%arg18 : memref<!tpu.dma_semaphore, #tpu.memory_space<semaphore_mem>>) src(%dma_wait3A_98 : memref<10000x64xf32, #tpu.memory_space<hbm>>) dst(%dma_wait3A_88 : memref<64x64xf32, #tpu.memory_space<vmem>>)
    %dma_start3A_99 = arith.constant 0 : i32
    %dma_start3A_100 = arith.constant 0 : i32
    %dma_start3A_101 = tpu.memref_slice %arg8[%dma_start3A_99, %dma_start3A_100] : memref<160x128xi32, #tpu.memory_space<vmem>> -> memref<1x128xi32, #tpu.memory_space<vmem>>
    %dma_start3A_102 = tpu.memref_squeeze %dma_start3A_101 : memref<1x128xi32, #tpu.memory_space<vmem>> -> memref<128xi32, #tpu.memory_space<vmem>>
    %dma_start3A_103 = arith.constant 0 : i32
    %dma_start3A_104 = arith.constant 0 : i32
    %dma_start3A_105 = tpu.memref_slice %arg27[%dma_start3A_103, %dma_start3A_104] : memref<10240x64xf32, #tpu.memory_space<vmem_shared>> -> memref<10240x64xf32, #tpu.memory_space<vmem_shared>>
    tpu.enqueue_indirect_dma source(%arg9 : memref<128x64xf32, #tpu.memory_space<vmem>>) target(%dma_start3A_105 : memref<10240x64xf32, #tpu.memory_space<vmem_shared>>) offsets(%dma_start3A_102 : memref<128xi32, #tpu.memory_space<vmem>>) semaphore(%arg21 : memref<!tpu.dma_semaphore, #tpu.memory_space<semaphore_mem>>) {add = true}
    %dma_start3A_106 = arith.constant 0 : i32
    %dma_start3A_107 = arith.constant 0 : i32
    %dma_start3A_108 = tpu.memref_slice %arg8[%dma_start3A_106, %dma_start3A_107] : memref<160x128xi32, #tpu.memory_space<vmem>> -> memref<1x128xi32, #tpu.memory_space<vmem>>
    %dma_start3A_109 = tpu.memref_squeeze %dma_start3A_108 : memref<1x128xi32, #tpu.memory_space<vmem>> -> memref<128xi32, #tpu.memory_space<vmem>>
    %dma_start3A_110 = arith.constant 0 : i32
    %dma_start3A_111 = arith.constant 0 : i32
    %dma_start3A_112 = tpu.memref_slice %arg28[%dma_start3A_110, %dma_start3A_111] : memref<10240x16xf32, #tpu.memory_space<vmem_shared>> -> memref<10240x16xf32, #tpu.memory_space<vmem_shared>>
    tpu.enqueue_indirect_dma source(%arg12 : memref<128x16xf32, #tpu.memory_space<vmem>>) target(%dma_start3A_112 : memref<10240x16xf32, #tpu.memory_space<vmem_shared>>) offsets(%dma_start3A_109 : memref<128xi32, #tpu.memory_space<vmem>>) semaphore(%arg24 : memref<!tpu.dma_semaphore, #tpu.memory_space<semaphore_mem>>) {add = true}
    %dma_start3A_113 = arith.constant 4 : i32
    %dma_start3A_114 = arith.constant 0 : i32
    %dma_start3A_115 = arith.constant 0 : i32
    %dma_start3A_116 = tpu.memref_slice %arg11[%dma_start3A_114, %dma_start3A_115] : memref<128x64xf32, #tpu.memory_space<vmem>> -> memref<64x64xf32, #tpu.memory_space<vmem>>
    %dma_start3A_117 = arith.constant 0 : i32
    %dma_start3A_118 = tpu.memref_slice %arg7[%dma_start3A_113, %dma_start3A_117] : memref<320x64xi32, #tpu.memory_space<vmem>> -> memref<1x64xi32, #tpu.memory_space<vmem>>
    %dma_start3A_119 = tpu.memref_squeeze %dma_start3A_118 : memref<1x64xi32, #tpu.memory_space<vmem>> -> memref<64xi32, #tpu.memory_space<vmem>>
    %dma_start3A_120 = arith.constant 0 : i32
    %dma_start3A_121 = arith.constant 0 : i32
    %dma_start3A_122 = tpu.memref_slice %arg2[%arg0, %dma_start3A_120, %dma_start3A_121] : memref<2x10000x64xf32, #tpu.memory_space<hbm>> -> memref<1x10000x64xf32, #tpu.memory_space<hbm>>
    %dma_start3A_123 = tpu.memref_squeeze %dma_start3A_122 : memref<1x10000x64xf32, #tpu.memory_space<hbm>> -> memref<10000x64xf32, #tpu.memory_space<hbm>>
    %dma_start3A_124 = arith.constant 0 : i32
    %dma_start3A_125 = arith.constant 0 : i32
    %dma_start3A_126 = tpu.memref_slice %dma_start3A_123[%dma_start3A_124, %dma_start3A_125] : memref<10000x64xf32, #tpu.memory_space<hbm>> -> memref<10000x64xf32, #tpu.memory_space<hbm>>
    tpu.enqueue_indirect_dma source(%dma_start3A_126 : memref<10000x64xf32, #tpu.memory_space<hbm>>) target(%dma_start3A_116 : memref<64x64xf32, #tpu.memory_space<vmem>>) offsets(%dma_start3A_119 : memref<64xi32, #tpu.memory_space<vmem>>) semaphore(%arg17 : memref<!tpu.dma_semaphore, #tpu.memory_space<semaphore_mem>>)
    %dma_start3A_127 = arith.constant 5 : i32
    %dma_start3A_128 = arith.constant 64 : i32
    %dma_start3A_129 = arith.constant 0 : i32
    %dma_start3A_130 = tpu.memref_slice %arg11[%dma_start3A_128, %dma_start3A_129] : memref<128x64xf32, #tpu.memory_space<vmem>> -> memref<64x64xf32, #tpu.memory_space<vmem>>
    %dma_start3A_131 = arith.constant 0 : i32
    %dma_start3A_132 = tpu.memref_slice %arg7[%dma_start3A_127, %dma_start3A_131] : memref<320x64xi32, #tpu.memory_space<vmem>> -> memref<1x64xi32, #tpu.memory_space<vmem>>
    %dma_start3A_133 = tpu.memref_squeeze %dma_start3A_132 : memref<1x64xi32, #tpu.memory_space<vmem>> -> memref<64xi32, #tpu.memory_space<vmem>>
    %dma_start3A_134 = arith.constant 0 : i32
    %dma_start3A_135 = arith.constant 0 : i32
    %dma_start3A_136 = tpu.memref_slice %arg2[%arg0, %dma_start3A_134, %dma_start3A_135] : memref<2x10000x64xf32, #tpu.memory_space<hbm>> -> memref<1x10000x64xf32, #tpu.memory_space<hbm>>
    %dma_start3A_137 = tpu.memref_squeeze %dma_start3A_136 : memref<1x10000x64xf32, #tpu.memory_space<hbm>> -> memref<10000x64xf32, #tpu.memory_space<hbm>>
    %dma_start3A_138 = arith.constant 0 : i32
    %dma_start3A_139 = arith.constant 0 : i32
    %dma_start3A_140 = tpu.memref_slice %dma_start3A_137[%dma_start3A_138, %dma_start3A_139] : memref<10000x64xf32, #tpu.memory_space<hbm>> -> memref<10000x64xf32, #tpu.memory_space<hbm>>
    tpu.enqueue_indirect_dma source(%dma_start3A_140 : memref<10000x64xf32, #tpu.memory_space<hbm>>) target(%dma_start3A_130 : memref<64x64xf32, #tpu.memory_space<vmem>>) offsets(%dma_start3A_133 : memref<64xi32, #tpu.memory_space<vmem>>) semaphore(%arg20 : memref<!tpu.dma_semaphore, #tpu.memory_space<semaphore_mem>>)
    %dma_wait3A_141 = arith.constant 2 : i32
    %dma_wait3A_142 = arith.constant 0 : i32
    %dma_wait3A_143 = arith.constant 0 : i32
    %dma_wait3A_144 = tpu.memref_slice %arg10[%dma_wait3A_142, %dma_wait3A_143] : memref<128x64xf32, #tpu.memory_space<vmem>> -> memref<64x64xf32, #tpu.memory_space<vmem>>
    %dma_wait3A_145 = arith.constant 0 : i32
    %dma_wait3A_146 = tpu.memref_slice %arg7[%dma_wait3A_141, %dma_wait3A_145] : memref<320x64xi32, #tpu.memory_space<vmem>> -> memref<1x64xi32, #tpu.memory_space<vmem>>
    %dma_wait3A_147 = tpu.memref_squeeze %dma_wait3A_146 : memref<1x64xi32, #tpu.memory_space<vmem>> -> memref<64xi32, #tpu.memory_space<vmem>>
    %dma_wait3A_148 = arith.constant 0 : i32
    %dma_wait3A_149 = arith.constant 0 : i32
    %dma_wait3A_150 = tpu.memref_slice %arg2[%arg0, %dma_wait3A_148, %dma_wait3A_149] : memref<2x10000x64xf32, #tpu.memory_space<hbm>> -> memref<1x10000x64xf32, #tpu.memory_space<hbm>>
    %dma_wait3A_151 = tpu.memref_squeeze %dma_wait3A_150 : memref<1x10000x64xf32, #tpu.memory_space<hbm>> -> memref<10000x64xf32, #tpu.memory_space<hbm>>
    %dma_wait3A_152 = arith.constant 0 : i32
    %dma_wait3A_153 = arith.constant 0 : i32
    %dma_wait3A_154 = tpu.memref_slice %dma_wait3A_151[%dma_wait3A_152, %dma_wait3A_153] : memref<10000x64xf32, #tpu.memory_space<hbm>> -> memref<10000x64xf32, #tpu.memory_space<hbm>>
    tpu.wait_indirect_dma semaphore(%arg16 : memref<!tpu.dma_semaphore, #tpu.memory_space<semaphore_mem>>) src(%dma_wait3A_154 : memref<10000x64xf32, #tpu.memory_space<hbm>>) dst(%dma_wait3A_144 : memref<64x64xf32, #tpu.memory_space<vmem>>)
    %dma_wait3A_155 = arith.constant 3 : i32
    %dma_wait3A_156 = arith.constant 64 : i32
    %dma_wait3A_157 = arith.constant 0 : i32
    %dma_wait3A_158 = tpu.memref_slice %arg10[%dma_wait3A_156, %dma_wait3A_157] : memref<128x64xf32, #tpu.memory_space<vmem>> -> memref<64x64xf32, #tpu.memory_space<vmem>>
    %dma_wait3A_159 = arith.constant 0 : i32
    %dma_wait3A_160 = tpu.memref_slice %arg7[%dma_wait3A_155, %dma_wait3A_159] : memref<320x64xi32, #tpu.memory_space<vmem>> -> memref<1x64xi32, #tpu.memory_space<vmem>>
    %dma_wait3A_161 = tpu.memref_squeeze %dma_wait3A_160 : memref<1x64xi32, #tpu.memory_space<vmem>> -> memref<64xi32, #tpu.memory_space<vmem>>
    %dma_wait3A_162 = arith.constant 0 : i32
    %dma_wait3A_163 = arith.constant 0 : i32
    %dma_wait3A_164 = tpu.memref_slice %arg2[%arg0, %dma_wait3A_162, %dma_wait3A_163] : memref<2x10000x64xf32, #tpu.memory_space<hbm>> -> memref<1x10000x64xf32, #tpu.memory_space<hbm>>
    %dma_wait3A_165 = tpu.memref_squeeze %dma_wait3A_164 : memref<1x10000x64xf32, #tpu.memory_space<hbm>> -> memref<10000x64xf32, #tpu.memory_space<hbm>>
    %dma_wait3A_166 = arith.constant 0 : i32
    %dma_wait3A_167 = arith.constant 0 : i32
    %dma_wait3A_168 = tpu.memref_slice %dma_wait3A_165[%dma_wait3A_166, %dma_wait3A_167] : memref<10000x64xf32, #tpu.memory_space<hbm>> -> memref<10000x64xf32, #tpu.memory_space<hbm>>
    tpu.wait_indirect_dma semaphore(%arg19 : memref<!tpu.dma_semaphore, #tpu.memory_space<semaphore_mem>>) src(%dma_wait3A_168 : memref<10000x64xf32, #tpu.memory_space<hbm>>) dst(%dma_wait3A_158 : memref<64x64xf32, #tpu.memory_space<vmem>>)
    %dma_start3A_169 = arith.constant 1 : i32
    %dma_start3A_170 = arith.constant 0 : i32
    %dma_start3A_171 = tpu.memref_slice %arg8[%dma_start3A_169, %dma_start3A_170] : memref<160x128xi32, #tpu.memory_space<vmem>> -> memref<1x128xi32, #tpu.memory_space<vmem>>
    %dma_start3A_172 = tpu.memref_squeeze %dma_start3A_171 : memref<1x128xi32, #tpu.memory_space<vmem>> -> memref<128xi32, #tpu.memory_space<vmem>>
    %dma_start3A_173 = arith.constant 0 : i32
    %dma_start3A_174 = arith.constant 0 : i32
    %dma_start3A_175 = tpu.memref_slice %arg27[%dma_start3A_173, %dma_start3A_174] : memref<10240x64xf32, #tpu.memory_space<vmem_shared>> -> memref<10240x64xf32, #tpu.memory_space<vmem_shared>>
    tpu.enqueue_indirect_dma source(%arg10 : memref<128x64xf32, #tpu.memory_space<vmem>>) target(%dma_start3A_175 : memref<10240x64xf32, #tpu.memory_space<vmem_shared>>) offsets(%dma_start3A_172 : memref<128xi32, #tpu.memory_space<vmem>>) semaphore(%arg22 : memref<!tpu.dma_semaphore, #tpu.memory_space<semaphore_mem>>) {add = true}
    %dma_start3A_176 = arith.constant 1 : i32
    %dma_start3A_177 = arith.constant 0 : i32
    %dma_start3A_178 = tpu.memref_slice %arg8[%dma_start3A_176, %dma_start3A_177] : memref<160x128xi32, #tpu.memory_space<vmem>> -> memref<1x128xi32, #tpu.memory_space<vmem>>
    %dma_start3A_179 = tpu.memref_squeeze %dma_start3A_178 : memref<1x128xi32, #tpu.memory_space<vmem>> -> memref<128xi32, #tpu.memory_space<vmem>>
    %dma_start3A_180 = arith.constant 0 : i32
    %dma_start3A_181 = arith.constant 0 : i32
    %dma_start3A_182 = tpu.memref_slice %arg28[%dma_start3A_180, %dma_start3A_181] : memref<10240x16xf32, #tpu.memory_space<vmem_shared>> -> memref<10240x16xf32, #tpu.memory_space<vmem_shared>>
    tpu.enqueue_indirect_dma source(%arg12 : memref<128x16xf32, #tpu.memory_space<vmem>>) target(%dma_start3A_182 : memref<10240x16xf32, #tpu.memory_space<vmem_shared>>) offsets(%dma_start3A_179 : memref<128xi32, #tpu.memory_space<vmem>>) semaphore(%arg25 : memref<!tpu.dma_semaphore, #tpu.memory_space<semaphore_mem>>) {add = true}
    %dma_wait3A_183 = arith.constant 0 : i32
    %dma_wait3A_184 = arith.constant 0 : i32
    %dma_wait3A_185 = tpu.memref_slice %arg8[%dma_wait3A_183, %dma_wait3A_184] : memref<160x128xi32, #tpu.memory_space<vmem>> -> memref<1x128xi32, #tpu.memory_space<vmem>>
    %dma_wait3A_186 = tpu.memref_squeeze %dma_wait3A_185 : memref<1x128xi32, #tpu.memory_space<vmem>> -> memref<128xi32, #tpu.memory_space<vmem>>
    %dma_wait3A_187 = arith.constant 0 : i32
    %dma_wait3A_188 = arith.constant 0 : i32
    %dma_wait3A_189 = tpu.memref_slice %arg27[%dma_wait3A_187, %dma_wait3A_188] : memref<10240x64xf32, #tpu.memory_space<vmem_shared>> -> memref<10240x64xf32, #tpu.memory_space<vmem_shared>>
    tpu.wait_indirect_dma semaphore(%arg21 : memref<!tpu.dma_semaphore, #tpu.memory_space<semaphore_mem>>) src(%arg9 : memref<128x64xf32, #tpu.memory_space<vmem>>) dst(%dma_wait3A_189 : memref<10240x64xf32, #tpu.memory_space<vmem_shared>>)
    %dma_wait3A_190 = arith.constant 0 : i32
    %dma_wait3A_191 = arith.constant 0 : i32
    %dma_wait3A_192 = tpu.memref_slice %arg8[%dma_wait3A_190, %dma_wait3A_191] : memref<160x128xi32, #tpu.memory_space<vmem>> -> memref<1x128xi32, #tpu.memory_space<vmem>>
    %dma_wait3A_193 = tpu.memref_squeeze %dma_wait3A_192 : memref<1x128xi32, #tpu.memory_space<vmem>> -> memref<128xi32, #tpu.memory_space<vmem>>
    %dma_wait3A_194 = arith.constant 0 : i32
    %dma_wait3A_195 = arith.constant 0 : i32
    %dma_wait3A_196 = tpu.memref_slice %arg28[%dma_wait3A_194, %dma_wait3A_195] : memref<10240x16xf32, #tpu.memory_space<vmem_shared>> -> memref<10240x16xf32, #tpu.memory_space<vmem_shared>>
    tpu.wait_indirect_dma semaphore(%arg24 : memref<!tpu.dma_semaphore, #tpu.memory_space<semaphore_mem>>) src(%arg12 : memref<128x16xf32, #tpu.memory_space<vmem>>) dst(%dma_wait3A_196 : memref<10240x16xf32, #tpu.memory_space<vmem_shared>>)
    %dma_start3A_197 = arith.constant 6 : i32
    %dma_start3A_198 = arith.constant 0 : i32
    %dma_start3A_199 = arith.constant 0 : i32
    %dma_start3A_200 = tpu.memref_slice %arg9[%dma_start3A_198, %dma_start3A_199] : memref<128x64xf32, #tpu.memory_space<vmem>> -> memref<64x64xf32, #tpu.memory_space<vmem>>
    %dma_start3A_201 = arith.constant 0 : i32
    %dma_start3A_202 = tpu.memref_slice %arg7[%dma_start3A_197, %dma_start3A_201] : memref<320x64xi32, #tpu.memory_space<vmem>> -> memref<1x64xi32, #tpu.memory_space<vmem>>
    %dma_start3A_203 = tpu.memref_squeeze %dma_start3A_202 : memref<1x64xi32, #tpu.memory_space<vmem>> -> memref<64xi32, #tpu.memory_space<vmem>>
    %dma_start3A_204 = arith.constant 0 : i32
    %dma_start3A_205 = arith.constant 0 : i32
    %dma_start3A_206 = tpu.memref_slice %arg2[%arg0, %dma_start3A_204, %dma_start3A_205] : memref<2x10000x64xf32, #tpu.memory_space<hbm>> -> memref<1x10000x64xf32, #tpu.memory_space<hbm>>
    %dma_start3A_207 = tpu.memref_squeeze %dma_start3A_206 : memref<1x10000x64xf32, #tpu.memory_space<hbm>> -> memref<10000x64xf32, #tpu.memory_space<hbm>>
    %dma_start3A_208 = arith.constant 0 : i32
    %dma_start3A_209 = arith.constant 0 : i32
    %dma_start3A_210 = tpu.memref_slice %dma_start3A_207[%dma_start3A_208, %dma_start3A_209] : memref<10000x64xf32, #tpu.memory_space<hbm>> -> memref<10000x64xf32, #tpu.memory_space<hbm>>
    tpu.enqueue_indirect_dma source(%dma_start3A_210 : memref<10000x64xf32, #tpu.memory_space<hbm>>) target(%dma_start3A_200 : memref<64x64xf32, #tpu.memory_space<vmem>>) offsets(%dma_start3A_203 : memref<64xi32, #tpu.memory_space<vmem>>) semaphore(%arg15 : memref<!tpu.dma_semaphore, #tpu.memory_space<semaphore_mem>>)
    %dma_start3A_211 = arith.constant 7 : i32
    %dma_start3A_212 = arith.constant 64 : i32
    %dma_start3A_213 = arith.constant 0 : i32
    %dma_start3A_214 = tpu.memref_slice %arg9[%dma_start3A_212, %dma_start3A_213] : memref<128x64xf32, #tpu.memory_space<vmem>> -> memref<64x64xf32, #tpu.memory_space<vmem>>
    %dma_start3A_215 = arith.constant 0 : i32
    %dma_start3A_216 = tpu.memref_slice %arg7[%dma_start3A_211, %dma_start3A_215] : memref<320x64xi32, #tpu.memory_space<vmem>> -> memref<1x64xi32, #tpu.memory_space<vmem>>
    %dma_start3A_217 = tpu.memref_squeeze %dma_start3A_216 : memref<1x64xi32, #tpu.memory_space<vmem>> -> memref<64xi32, #tpu.memory_space<vmem>>
    %dma_start3A_218 = arith.constant 0 : i32
    %dma_start3A_219 = arith.constant 0 : i32
    %dma_start3A_220 = tpu.memref_slice %arg2[%arg0, %dma_start3A_218, %dma_start3A_219] : memref<2x10000x64xf32, #tpu.memory_space<hbm>> -> memref<1x10000x64xf32, #tpu.memory_space<hbm>>
    %dma_start3A_221 = tpu.memref_squeeze %dma_start3A_220 : memref<1x10000x64xf32, #tpu.memory_space<hbm>> -> memref<10000x64xf32, #tpu.memory_space<hbm>>
    %dma_start3A_222 = arith.constant 0 : i32
    %dma_start3A_223 = arith.constant 0 : i32
    %dma_start3A_224 = tpu.memref_slice %dma_start3A_221[%dma_start3A_222, %dma_start3A_223] : memref<10000x64xf32, #tpu.memory_space<hbm>> -> memref<10000x64xf32, #tpu.memory_space<hbm>>
    tpu.enqueue_indirect_dma source(%dma_start3A_224 : memref<10000x64xf32, #tpu.memory_space<hbm>>) target(%dma_start3A_214 : memref<64x64xf32, #tpu.memory_space<vmem>>) offsets(%dma_start3A_217 : memref<64xi32, #tpu.memory_space<vmem>>) semaphore(%arg18 : memref<!tpu.dma_semaphore, #tpu.memory_space<semaphore_mem>>)
    %scan3A_225 = arith.constant 0 : i32
    %scan3A_226 = arith.constant 52 : i32
    %scan3A_227 = arith.addi %scan3A_225, %scan3A_226 : i32
    %scan3A_228 = arith.constant 1 : i32
    scf.for %scan3A_362 = %scan3A_225 to %scan3A_227 step %scan3A_228  : i32 {
      %mul3A_363 = arith.constant 1 : i32
      %mul3A_364 = arith.muli %scan3A_362, %mul3A_363 : i32
      %add3A = arith.constant 0 : i32
      %add3A_365 = arith.addi %add3A, %mul3A_364 : i32
      %mul3A_366 = arith.constant 3 : i32
      %mul3A_367 = arith.muli %add3A_365, %mul3A_366 : i32
      %add3A_368 = arith.constant 2 : i32
      %add3A_369 = arith.addi %add3A_368, %mul3A_367 : i32
      %add3A_370 = arith.constant 0 : i32
      %add3A_371 = arith.addi %add3A_369, %add3A_370 : i32
      %mul3A_372 = arith.constant 2 : i32
      %mul3A_373 = arith.muli %mul3A_372, %add3A_371 : i32
      %dma_wait3A_374 = arith.constant 0 : i32
      %dma_wait3A_375 = arith.constant 0 : i32
      %dma_wait3A_376 = tpu.memref_slice %arg11[%dma_wait3A_374, %dma_wait3A_375] : memref<128x64xf32, #tpu.memory_space<vmem>> -> memref<64x64xf32, #tpu.memory_space<vmem>>
      %dma_wait3A_377 = arith.constant 0 : i32
      %dma_wait3A_378 = tpu.memref_slice %arg7[%mul3A_373, %dma_wait3A_377] : memref<320x64xi32, #tpu.memory_space<vmem>> -> memref<1x64xi32, #tpu.memory_space<vmem>>
      %dma_wait3A_379 = tpu.memref_squeeze %dma_wait3A_378 : memref<1x64xi32, #tpu.memory_space<vmem>> -> memref<64xi32, #tpu.memory_space<vmem>>
      %dma_wait3A_380 = arith.constant 0 : i32
      %dma_wait3A_381 = arith.constant 0 : i32
      %dma_wait3A_382 = tpu.memref_slice %arg2[%arg0, %dma_wait3A_380, %dma_wait3A_381] : memref<2x10000x64xf32, #tpu.memory_space<hbm>> -> memref<1x10000x64xf32, #tpu.memory_space<hbm>>
      %dma_wait3A_383 = tpu.memref_squeeze %dma_wait3A_382 : memref<1x10000x64xf32, #tpu.memory_space<hbm>> -> memref<10000x64xf32, #tpu.memory_space<hbm>>
      %dma_wait3A_384 = arith.constant 0 : i32
      %dma_wait3A_385 = arith.constant 0 : i32
      %dma_wait3A_386 = tpu.memref_slice %dma_wait3A_383[%dma_wait3A_384, %dma_wait3A_385] : memref<10000x64xf32, #tpu.memory_space<hbm>> -> memref<10000x64xf32, #tpu.memory_space<hbm>>
      tpu.wait_indirect_dma semaphore(%arg17 : memref<!tpu.dma_semaphore, #tpu.memory_space<semaphore_mem>>) src(%dma_wait3A_386 : memref<10000x64xf32, #tpu.memory_space<hbm>>) dst(%dma_wait3A_376 : memref<64x64xf32, #tpu.memory_space<vmem>>)
      %mul3A_387 = arith.constant 2 : i32
      %mul3A_388 = arith.muli %mul3A_387, %add3A_371 : i32
      %add3A_389 = arith.constant 1 : i32
      %add3A_390 = arith.addi %mul3A_388, %add3A_389 : i32
      %dma_wait3A_391 = arith.constant 64 : i32
      %dma_wait3A_392 = arith.constant 0 : i32
      %dma_wait3A_393 = tpu.memref_slice %arg11[%dma_wait3A_391, %dma_wait3A_392] : memref<128x64xf32, #tpu.memory_space<vmem>> -> memref<64x64xf32, #tpu.memory_space<vmem>>
      %dma_wait3A_394 = arith.constant 0 : i32
      %dma_wait3A_395 = tpu.memref_slice %arg7[%add3A_390, %dma_wait3A_394] : memref<320x64xi32, #tpu.memory_space<vmem>> -> memref<1x64xi32, #tpu.memory_space<vmem>>
      %dma_wait3A_396 = tpu.memref_squeeze %dma_wait3A_395 : memref<1x64xi32, #tpu.memory_space<vmem>> -> memref<64xi32, #tpu.memory_space<vmem>>
      %dma_wait3A_397 = arith.constant 0 : i32
      %dma_wait3A_398 = arith.constant 0 : i32
      %dma_wait3A_399 = tpu.memref_slice %arg2[%arg0, %dma_wait3A_397, %dma_wait3A_398] : memref<2x10000x64xf32, #tpu.memory_space<hbm>> -> memref<1x10000x64xf32, #tpu.memory_space<hbm>>
      %dma_wait3A_400 = tpu.memref_squeeze %dma_wait3A_399 : memref<1x10000x64xf32, #tpu.memory_space<hbm>> -> memref<10000x64xf32, #tpu.memory_space<hbm>>
      %dma_wait3A_401 = arith.constant 0 : i32
      %dma_wait3A_402 = arith.constant 0 : i32
      %dma_wait3A_403 = tpu.memref_slice %dma_wait3A_400[%dma_wait3A_401, %dma_wait3A_402] : memref<10000x64xf32, #tpu.memory_space<hbm>> -> memref<10000x64xf32, #tpu.memory_space<hbm>>
      tpu.wait_indirect_dma semaphore(%arg20 : memref<!tpu.dma_semaphore, #tpu.memory_space<semaphore_mem>>) src(%dma_wait3A_403 : memref<10000x64xf32, #tpu.memory_space<hbm>>) dst(%dma_wait3A_393 : memref<64x64xf32, #tpu.memory_space<vmem>>)
      %dma_start3A_404 = arith.constant 0 : i32
      %dma_start3A_405 = tpu.memref_slice %arg8[%add3A_371, %dma_start3A_404] : memref<160x128xi32, #tpu.memory_space<vmem>> -> memref<1x128xi32, #tpu.memory_space<vmem>>
      %dma_start3A_406 = tpu.memref_squeeze %dma_start3A_405 : memref<1x128xi32, #tpu.memory_space<vmem>> -> memref<128xi32, #tpu.memory_space<vmem>>
      %dma_start3A_407 = arith.constant 0 : i32
      %dma_start3A_408 = arith.constant 0 : i32
      %dma_start3A_409 = tpu.memref_slice %arg27[%dma_start3A_407, %dma_start3A_408] : memref<10240x64xf32, #tpu.memory_space<vmem_shared>> -> memref<10240x64xf32, #tpu.memory_space<vmem_shared>>
      tpu.enqueue_indirect_dma source(%arg11 : memref<128x64xf32, #tpu.memory_space<vmem>>) target(%dma_start3A_409 : memref<10240x64xf32, #tpu.memory_space<vmem_shared>>) offsets(%dma_start3A_406 : memref<128xi32, #tpu.memory_space<vmem>>) semaphore(%arg23 : memref<!tpu.dma_semaphore, #tpu.memory_space<semaphore_mem>>) {add = true}
      %dma_start3A_410 = arith.constant 0 : i32
      %dma_start3A_411 = tpu.memref_slice %arg8[%add3A_371, %dma_start3A_410] : memref<160x128xi32, #tpu.memory_space<vmem>> -> memref<1x128xi32, #tpu.memory_space<vmem>>
      %dma_start3A_412 = tpu.memref_squeeze %dma_start3A_411 : memref<1x128xi32, #tpu.memory_space<vmem>> -> memref<128xi32, #tpu.memory_space<vmem>>
      %dma_start3A_413 = arith.constant 0 : i32
      %dma_start3A_414 = arith.constant 0 : i32
      %dma_start3A_415 = tpu.memref_slice %arg28[%dma_start3A_413, %dma_start3A_414] : memref<10240x16xf32, #tpu.memory_space<vmem_shared>> -> memref<10240x16xf32, #tpu.memory_space<vmem_shared>>
      tpu.enqueue_indirect_dma source(%arg12 : memref<128x16xf32, #tpu.memory_space<vmem>>) target(%dma_start3A_415 : memref<10240x16xf32, #tpu.memory_space<vmem_shared>>) offsets(%dma_start3A_412 : memref<128xi32, #tpu.memory_space<vmem>>) semaphore(%arg26 : memref<!tpu.dma_semaphore, #tpu.memory_space<semaphore_mem>>) {add = true}
      %sub3A = arith.constant 1 : i32
      %sub3A_416 = arith.subi %add3A_371, %sub3A : i32
      %dma_wait3A_417 = arith.constant 0 : i32
      %dma_wait3A_418 = tpu.memref_slice %arg8[%sub3A_416, %dma_wait3A_417] : memref<160x128xi32, #tpu.memory_space<vmem>> -> memref<1x128xi32, #tpu.memory_space<vmem>>
      %dma_wait3A_419 = tpu.memref_squeeze %dma_wait3A_418 : memref<1x128xi32, #tpu.memory_space<vmem>> -> memref<128xi32, #tpu.memory_space<vmem>>
      %dma_wait3A_420 = arith.constant 0 : i32
      %dma_wait3A_421 = arith.constant 0 : i32
      %dma_wait3A_422 = tpu.memref_slice %arg27[%dma_wait3A_420, %dma_wait3A_421] : memref<10240x64xf32, #tpu.memory_space<vmem_shared>> -> memref<10240x64xf32, #tpu.memory_space<vmem_shared>>
      tpu.wait_indirect_dma semaphore(%arg22 : memref<!tpu.dma_semaphore, #tpu.memory_space<semaphore_mem>>) src(%arg10 : memref<128x64xf32, #tpu.memory_space<vmem>>) dst(%dma_wait3A_422 : memref<10240x64xf32, #tpu.memory_space<vmem_shared>>)
      %dma_wait3A_423 = arith.constant 0 : i32
      %dma_wait3A_424 = tpu.memref_slice %arg8[%sub3A_416, %dma_wait3A_423] : memref<160x128xi32, #tpu.memory_space<vmem>> -> memref<1x128xi32, #tpu.memory_space<vmem>>
      %dma_wait3A_425 = tpu.memref_squeeze %dma_wait3A_424 : memref<1x128xi32, #tpu.memory_space<vmem>> -> memref<128xi32, #tpu.memory_space<vmem>>
      %dma_wait3A_426 = arith.constant 0 : i32
      %dma_wait3A_427 = arith.constant 0 : i32
      %dma_wait3A_428 = tpu.memref_slice %arg28[%dma_wait3A_426, %dma_wait3A_427] : memref<10240x16xf32, #tpu.memory_space<vmem_shared>> -> memref<10240x16xf32, #tpu.memory_space<vmem_shared>>
      tpu.wait_indirect_dma semaphore(%arg25 : memref<!tpu.dma_semaphore, #tpu.memory_space<semaphore_mem>>) src(%arg12 : memref<128x16xf32, #tpu.memory_space<vmem>>) dst(%dma_wait3A_428 : memref<10240x16xf32, #tpu.memory_space<vmem_shared>>)
      %add3A_429 = arith.constant 2 : i32
      %add3A_430 = arith.addi %add3A_371, %add3A_429 : i32
      %mul3A_431 = arith.constant 2 : i32
      %mul3A_432 = arith.muli %mul3A_431, %add3A_430 : i32
      %dma_start3A_433 = arith.constant 0 : i32
      %dma_start3A_434 = arith.constant 0 : i32
      %dma_start3A_435 = tpu.memref_slice %arg10[%dma_start3A_433, %dma_start3A_434] : memref<128x64xf32, #tpu.memory_space<vmem>> -> memref<64x64xf32, #tpu.memory_space<vmem>>
      %dma_start3A_436 = arith.constant 0 : i32
      %dma_start3A_437 = tpu.memref_slice %arg7[%mul3A_432, %dma_start3A_436] : memref<320x64xi32, #tpu.memory_space<vmem>> -> memref<1x64xi32, #tpu.memory_space<vmem>>
      %dma_start3A_438 = tpu.memref_squeeze %dma_start3A_437 : memref<1x64xi32, #tpu.memory_space<vmem>> -> memref<64xi32, #tpu.memory_space<vmem>>
      %dma_start3A_439 = arith.constant 0 : i32
      %dma_start3A_440 = arith.constant 0 : i32
      %dma_start3A_441 = tpu.memref_slice %arg2[%arg0, %dma_start3A_439, %dma_start3A_440] : memref<2x10000x64xf32, #tpu.memory_space<hbm>> -> memref<1x10000x64xf32, #tpu.memory_space<hbm>>
      %dma_start3A_442 = tpu.memref_squeeze %dma_start3A_441 : memref<1x10000x64xf32, #tpu.memory_space<hbm>> -> memref<10000x64xf32, #tpu.memory_space<hbm>>
      %dma_start3A_443 = arith.constant 0 : i32
      %dma_start3A_444 = arith.constant 0 : i32
      %dma_start3A_445 = tpu.memref_slice %dma_start3A_442[%dma_start3A_443, %dma_start3A_444] : memref<10000x64xf32, #tpu.memory_space<hbm>> -> memref<10000x64xf32, #tpu.memory_space<hbm>>
      tpu.enqueue_indirect_dma source(%dma_start3A_445 : memref<10000x64xf32, #tpu.memory_space<hbm>>) target(%dma_start3A_435 : memref<64x64xf32, #tpu.memory_space<vmem>>) offsets(%dma_start3A_438 : memref<64xi32, #tpu.memory_space<vmem>>) semaphore(%arg16 : memref<!tpu.dma_semaphore, #tpu.memory_space<semaphore_mem>>)
      %mul3A_446 = arith.constant 2 : i32
      %mul3A_447 = arith.muli %mul3A_446, %add3A_430 : i32
      %add3A_448 = arith.constant 1 : i32
      %add3A_449 = arith.addi %mul3A_447, %add3A_448 : i32
      %dma_start3A_450 = arith.constant 64 : i32
      %dma_start3A_451 = arith.constant 0 : i32
      %dma_start3A_452 = tpu.memref_slice %arg10[%dma_start3A_450, %dma_start3A_451] : memref<128x64xf32, #tpu.memory_space<vmem>> -> memref<64x64xf32, #tpu.memory_space<vmem>>
      %dma_start3A_453 = arith.constant 0 : i32
      %dma_start3A_454 = tpu.memref_slice %arg7[%add3A_449, %dma_start3A_453] : memref<320x64xi32, #tpu.memory_space<vmem>> -> memref<1x64xi32, #tpu.memory_space<vmem>>
      %dma_start3A_455 = tpu.memref_squeeze %dma_start3A_454 : memref<1x64xi32, #tpu.memory_space<vmem>> -> memref<64xi32, #tpu.memory_space<vmem>>
      %dma_start3A_456 = arith.constant 0 : i32
      %dma_start3A_457 = arith.constant 0 : i32
      %dma_start3A_458 = tpu.memref_slice %arg2[%arg0, %dma_start3A_456, %dma_start3A_457] : memref<2x10000x64xf32, #tpu.memory_space<hbm>> -> memref<1x10000x64xf32, #tpu.memory_space<hbm>>
      %dma_start3A_459 = tpu.memref_squeeze %dma_start3A_458 : memref<1x10000x64xf32, #tpu.memory_space<hbm>> -> memref<10000x64xf32, #tpu.memory_space<hbm>>
      %dma_start3A_460 = arith.constant 0 : i32
      %dma_start3A_461 = arith.constant 0 : i32
      %dma_start3A_462 = tpu.memref_slice %dma_start3A_459[%dma_start3A_460, %dma_start3A_461] : memref<10000x64xf32, #tpu.memory_space<hbm>> -> memref<10000x64xf32, #tpu.memory_space<hbm>>
      tpu.enqueue_indirect_dma source(%dma_start3A_462 : memref<10000x64xf32, #tpu.memory_space<hbm>>) target(%dma_start3A_452 : memref<64x64xf32, #tpu.memory_space<vmem>>) offsets(%dma_start3A_455 : memref<64xi32, #tpu.memory_space<vmem>>) semaphore(%arg19 : memref<!tpu.dma_semaphore, #tpu.memory_space<semaphore_mem>>)
      %add3A_463 = arith.constant 1 : i32
      %add3A_464 = arith.addi %add3A_369, %add3A_463 : i32
      %mul3A_465 = arith.constant 2 : i32
      %mul3A_466 = arith.muli %mul3A_465, %add3A_464 : i32
      %dma_wait3A_467 = arith.constant 0 : i32
      %dma_wait3A_468 = arith.constant 0 : i32
      %dma_wait3A_469 = tpu.memref_slice %arg9[%dma_wait3A_467, %dma_wait3A_468] : memref<128x64xf32, #tpu.memory_space<vmem>> -> memref<64x64xf32, #tpu.memory_space<vmem>>
      %dma_wait3A_470 = arith.constant 0 : i32
      %dma_wait3A_471 = tpu.memref_slice %arg7[%mul3A_466, %dma_wait3A_470] : memref<320x64xi32, #tpu.memory_space<vmem>> -> memref<1x64xi32, #tpu.memory_space<vmem>>
      %dma_wait3A_472 = tpu.memref_squeeze %dma_wait3A_471 : memref<1x64xi32, #tpu.memory_space<vmem>> -> memref<64xi32, #tpu.memory_space<vmem>>
      %dma_wait3A_473 = arith.constant 0 : i32
      %dma_wait3A_474 = arith.constant 0 : i32
      %dma_wait3A_475 = tpu.memref_slice %arg2[%arg0, %dma_wait3A_473, %dma_wait3A_474] : memref<2x10000x64xf32, #tpu.memory_space<hbm>> -> memref<1x10000x64xf32, #tpu.memory_space<hbm>>
      %dma_wait3A_476 = tpu.memref_squeeze %dma_wait3A_475 : memref<1x10000x64xf32, #tpu.memory_space<hbm>> -> memref<10000x64xf32, #tpu.memory_space<hbm>>
      %dma_wait3A_477 = arith.constant 0 : i32
      %dma_wait3A_478 = arith.constant 0 : i32
      %dma_wait3A_479 = tpu.memref_slice %dma_wait3A_476[%dma_wait3A_477, %dma_wait3A_478] : memref<10000x64xf32, #tpu.memory_space<hbm>> -> memref<10000x64xf32, #tpu.memory_space<hbm>>
      tpu.wait_indirect_dma semaphore(%arg15 : memref<!tpu.dma_semaphore, #tpu.memory_space<semaphore_mem>>) src(%dma_wait3A_479 : memref<10000x64xf32, #tpu.memory_space<hbm>>) dst(%dma_wait3A_469 : memref<64x64xf32, #tpu.memory_space<vmem>>)
      %mul3A_480 = arith.constant 2 : i32
      %mul3A_481 = arith.muli %mul3A_480, %add3A_464 : i32
      %add3A_482 = arith.constant 1 : i32
      %add3A_483 = arith.addi %mul3A_481, %add3A_482 : i32
      %dma_wait3A_484 = arith.constant 64 : i32
      %dma_wait3A_485 = arith.constant 0 : i32
      %dma_wait3A_486 = tpu.memref_slice %arg9[%dma_wait3A_484, %dma_wait3A_485] : memref<128x64xf32, #tpu.memory_space<vmem>> -> memref<64x64xf32, #tpu.memory_space<vmem>>
      %dma_wait3A_487 = arith.constant 0 : i32
      %dma_wait3A_488 = tpu.memref_slice %arg7[%add3A_483, %dma_wait3A_487] : memref<320x64xi32, #tpu.memory_space<vmem>> -> memref<1x64xi32, #tpu.memory_space<vmem>>
      %dma_wait3A_489 = tpu.memref_squeeze %dma_wait3A_488 : memref<1x64xi32, #tpu.memory_space<vmem>> -> memref<64xi32, #tpu.memory_space<vmem>>
      %dma_wait3A_490 = arith.constant 0 : i32
      %dma_wait3A_491 = arith.constant 0 : i32
      %dma_wait3A_492 = tpu.memref_slice %arg2[%arg0, %dma_wait3A_490, %dma_wait3A_491] : memref<2x10000x64xf32, #tpu.memory_space<hbm>> -> memref<1x10000x64xf32, #tpu.memory_space<hbm>>
      %dma_wait3A_493 = tpu.memref_squeeze %dma_wait3A_492 : memref<1x10000x64xf32, #tpu.memory_space<hbm>> -> memref<10000x64xf32, #tpu.memory_space<hbm>>
      %dma_wait3A_494 = arith.constant 0 : i32
      %dma_wait3A_495 = arith.constant 0 : i32
      %dma_wait3A_496 = tpu.memref_slice %dma_wait3A_493[%dma_wait3A_494, %dma_wait3A_495] : memref<10000x64xf32, #tpu.memory_space<hbm>> -> memref<10000x64xf32, #tpu.memory_space<hbm>>
      tpu.wait_indirect_dma semaphore(%arg18 : memref<!tpu.dma_semaphore, #tpu.memory_space<semaphore_mem>>) src(%dma_wait3A_496 : memref<10000x64xf32, #tpu.memory_space<hbm>>) dst(%dma_wait3A_486 : memref<64x64xf32, #tpu.memory_space<vmem>>)
      %dma_start3A_497 = arith.constant 0 : i32
      %dma_start3A_498 = tpu.memref_slice %arg8[%add3A_464, %dma_start3A_497] : memref<160x128xi32, #tpu.memory_space<vmem>> -> memref<1x128xi32, #tpu.memory_space<vmem>>
      %dma_start3A_499 = tpu.memref_squeeze %dma_start3A_498 : memref<1x128xi32, #tpu.memory_space<vmem>> -> memref<128xi32, #tpu.memory_space<vmem>>
      %dma_start3A_500 = arith.constant 0 : i32
      %dma_start3A_501 = arith.constant 0 : i32
      %dma_start3A_502 = tpu.memref_slice %arg27[%dma_start3A_500, %dma_start3A_501] : memref<10240x64xf32, #tpu.memory_space<vmem_shared>> -> memref<10240x64xf32, #tpu.memory_space<vmem_shared>>
      tpu.enqueue_indirect_dma source(%arg9 : memref<128x64xf32, #tpu.memory_space<vmem>>) target(%dma_start3A_502 : memref<10240x64xf32, #tpu.memory_space<vmem_shared>>) offsets(%dma_start3A_499 : memref<128xi32, #tpu.memory_space<vmem>>) semaphore(%arg21 : memref<!tpu.dma_semaphore, #tpu.memory_space<semaphore_mem>>) {add = true}
      %dma_start3A_503 = arith.constant 0 : i32
      %dma_start3A_504 = tpu.memref_slice %arg8[%add3A_464, %dma_start3A_503] : memref<160x128xi32, #tpu.memory_space<vmem>> -> memref<1x128xi32, #tpu.memory_space<vmem>>
      %dma_start3A_505 = tpu.memref_squeeze %dma_start3A_504 : memref<1x128xi32, #tpu.memory_space<vmem>> -> memref<128xi32, #tpu.memory_space<vmem>>
      %dma_start3A_506 = arith.constant 0 : i32
      %dma_start3A_507 = arith.constant 0 : i32
      %dma_start3A_508 = tpu.memref_slice %arg28[%dma_start3A_506, %dma_start3A_507] : memref<10240x16xf32, #tpu.memory_space<vmem_shared>> -> memref<10240x16xf32, #tpu.memory_space<vmem_shared>>
      tpu.enqueue_indirect_dma source(%arg12 : memref<128x16xf32, #tpu.memory_space<vmem>>) target(%dma_start3A_508 : memref<10240x16xf32, #tpu.memory_space<vmem_shared>>) offsets(%dma_start3A_505 : memref<128xi32, #tpu.memory_space<vmem>>) semaphore(%arg24 : memref<!tpu.dma_semaphore, #tpu.memory_space<semaphore_mem>>) {add = true}
      %sub3A_509 = arith.constant 1 : i32
      %sub3A_510 = arith.subi %add3A_464, %sub3A_509 : i32
      %dma_wait3A_511 = arith.constant 0 : i32
      %dma_wait3A_512 = tpu.memref_slice %arg8[%sub3A_510, %dma_wait3A_511] : memref<160x128xi32, #tpu.memory_space<vmem>> -> memref<1x128xi32, #tpu.memory_space<vmem>>
      %dma_wait3A_513 = tpu.memref_squeeze %dma_wait3A_512 : memref<1x128xi32, #tpu.memory_space<vmem>> -> memref<128xi32, #tpu.memory_space<vmem>>
      %dma_wait3A_514 = arith.constant 0 : i32
      %dma_wait3A_515 = arith.constant 0 : i32
      %dma_wait3A_516 = tpu.memref_slice %arg27[%dma_wait3A_514, %dma_wait3A_515] : memref<10240x64xf32, #tpu.memory_space<vmem_shared>> -> memref<10240x64xf32, #tpu.memory_space<vmem_shared>>
      tpu.wait_indirect_dma semaphore(%arg23 : memref<!tpu.dma_semaphore, #tpu.memory_space<semaphore_mem>>) src(%arg11 : memref<128x64xf32, #tpu.memory_space<vmem>>) dst(%dma_wait3A_516 : memref<10240x64xf32, #tpu.memory_space<vmem_shared>>)
      %dma_wait3A_517 = arith.constant 0 : i32
      %dma_wait3A_518 = tpu.memref_slice %arg8[%sub3A_510, %dma_wait3A_517] : memref<160x128xi32, #tpu.memory_space<vmem>> -> memref<1x128xi32, #tpu.memory_space<vmem>>
      %dma_wait3A_519 = tpu.memref_squeeze %dma_wait3A_518 : memref<1x128xi32, #tpu.memory_space<vmem>> -> memref<128xi32, #tpu.memory_space<vmem>>
      %dma_wait3A_520 = arith.constant 0 : i32
      %dma_wait3A_521 = arith.constant 0 : i32
      %dma_wait3A_522 = tpu.memref_slice %arg28[%dma_wait3A_520, %dma_wait3A_521] : memref<10240x16xf32, #tpu.memory_space<vmem_shared>> -> memref<10240x16xf32, #tpu.memory_space<vmem_shared>>
      tpu.wait_indirect_dma semaphore(%arg26 : memref<!tpu.dma_semaphore, #tpu.memory_space<semaphore_mem>>) src(%arg12 : memref<128x16xf32, #tpu.memory_space<vmem>>) dst(%dma_wait3A_522 : memref<10240x16xf32, #tpu.memory_space<vmem_shared>>)
      %add3A_523 = arith.constant 2 : i32
      %add3A_524 = arith.addi %add3A_464, %add3A_523 : i32
      %mul3A_525 = arith.constant 2 : i32
      %mul3A_526 = arith.muli %mul3A_525, %add3A_524 : i32
      %dma_start3A_527 = arith.constant 0 : i32
      %dma_start3A_528 = arith.constant 0 : i32
      %dma_start3A_529 = tpu.memref_slice %arg11[%dma_start3A_527, %dma_start3A_528] : memref<128x64xf32, #tpu.memory_space<vmem>> -> memref<64x64xf32, #tpu.memory_space<vmem>>
      %dma_start3A_530 = arith.constant 0 : i32
      %dma_start3A_531 = tpu.memref_slice %arg7[%mul3A_526, %dma_start3A_530] : memref<320x64xi32, #tpu.memory_space<vmem>> -> memref<1x64xi32, #tpu.memory_space<vmem>>
      %dma_start3A_532 = tpu.memref_squeeze %dma_start3A_531 : memref<1x64xi32, #tpu.memory_space<vmem>> -> memref<64xi32, #tpu.memory_space<vmem>>
      %dma_start3A_533 = arith.constant 0 : i32
      %dma_start3A_534 = arith.constant 0 : i32
      %dma_start3A_535 = tpu.memref_slice %arg2[%arg0, %dma_start3A_533, %dma_start3A_534] : memref<2x10000x64xf32, #tpu.memory_space<hbm>> -> memref<1x10000x64xf32, #tpu.memory_space<hbm>>
      %dma_start3A_536 = tpu.memref_squeeze %dma_start3A_535 : memref<1x10000x64xf32, #tpu.memory_space<hbm>> -> memref<10000x64xf32, #tpu.memory_space<hbm>>
      %dma_start3A_537 = arith.constant 0 : i32
      %dma_start3A_538 = arith.constant 0 : i32
      %dma_start3A_539 = tpu.memref_slice %dma_start3A_536[%dma_start3A_537, %dma_start3A_538] : memref<10000x64xf32, #tpu.memory_space<hbm>> -> memref<10000x64xf32, #tpu.memory_space<hbm>>
      tpu.enqueue_indirect_dma source(%dma_start3A_539 : memref<10000x64xf32, #tpu.memory_space<hbm>>) target(%dma_start3A_529 : memref<64x64xf32, #tpu.memory_space<vmem>>) offsets(%dma_start3A_532 : memref<64xi32, #tpu.memory_space<vmem>>) semaphore(%arg17 : memref<!tpu.dma_semaphore, #tpu.memory_space<semaphore_mem>>)
      %mul3A_540 = arith.constant 2 : i32
      %mul3A_541 = arith.muli %mul3A_540, %add3A_524 : i32
      %add3A_542 = arith.constant 1 : i32
      %add3A_543 = arith.addi %mul3A_541, %add3A_542 : i32
      %dma_start3A_544 = arith.constant 64 : i32
      %dma_start3A_545 = arith.constant 0 : i32
      %dma_start3A_546 = tpu.memref_slice %arg11[%dma_start3A_544, %dma_start3A_545] : memref<128x64xf32, #tpu.memory_space<vmem>> -> memref<64x64xf32, #tpu.memory_space<vmem>>
      %dma_start3A_547 = arith.constant 0 : i32
      %dma_start3A_548 = tpu.memref_slice %arg7[%add3A_543, %dma_start3A_547] : memref<320x64xi32, #tpu.memory_space<vmem>> -> memref<1x64xi32, #tpu.memory_space<vmem>>
      %dma_start3A_549 = tpu.memref_squeeze %dma_start3A_548 : memref<1x64xi32, #tpu.memory_space<vmem>> -> memref<64xi32, #tpu.memory_space<vmem>>
      %dma_start3A_550 = arith.constant 0 : i32
      %dma_start3A_551 = arith.constant 0 : i32
      %dma_start3A_552 = tpu.memref_slice %arg2[%arg0, %dma_start3A_550, %dma_start3A_551] : memref<2x10000x64xf32, #tpu.memory_space<hbm>> -> memref<1x10000x64xf32, #tpu.memory_space<hbm>>
      %dma_start3A_553 = tpu.memref_squeeze %dma_start3A_552 : memref<1x10000x64xf32, #tpu.memory_space<hbm>> -> memref<10000x64xf32, #tpu.memory_space<hbm>>
      %dma_start3A_554 = arith.constant 0 : i32
      %dma_start3A_555 = arith.constant 0 : i32
      %dma_start3A_556 = tpu.memref_slice %dma_start3A_553[%dma_start3A_554, %dma_start3A_555] : memref<10000x64xf32, #tpu.memory_space<hbm>> -> memref<10000x64xf32, #tpu.memory_space<hbm>>
      tpu.enqueue_indirect_dma source(%dma_start3A_556 : memref<10000x64xf32, #tpu.memory_space<hbm>>) target(%dma_start3A_546 : memref<64x64xf32, #tpu.memory_space<vmem>>) offsets(%dma_start3A_549 : memref<64xi32, #tpu.memory_space<vmem>>) semaphore(%arg20 : memref<!tpu.dma_semaphore, #tpu.memory_space<semaphore_mem>>)
      %add3A_557 = arith.constant 2 : i32
      %add3A_558 = arith.addi %add3A_369, %add3A_557 : i32
      %mul3A_559 = arith.constant 2 : i32
      %mul3A_560 = arith.muli %mul3A_559, %add3A_558 : i32
      %dma_wait3A_561 = arith.constant 0 : i32
      %dma_wait3A_562 = arith.constant 0 : i32
      %dma_wait3A_563 = tpu.memref_slice %arg10[%dma_wait3A_561, %dma_wait3A_562] : memref<128x64xf32, #tpu.memory_space<vmem>> -> memref<64x64xf32, #tpu.memory_space<vmem>>
      %dma_wait3A_564 = arith.constant 0 : i32
      %dma_wait3A_565 = tpu.memref_slice %arg7[%mul3A_560, %dma_wait3A_564] : memref<320x64xi32, #tpu.memory_space<vmem>> -> memref<1x64xi32, #tpu.memory_space<vmem>>
      %dma_wait3A_566 = tpu.memref_squeeze %dma_wait3A_565 : memref<1x64xi32, #tpu.memory_space<vmem>> -> memref<64xi32, #tpu.memory_space<vmem>>
      %dma_wait3A_567 = arith.constant 0 : i32
      %dma_wait3A_568 = arith.constant 0 : i32
      %dma_wait3A_569 = tpu.memref_slice %arg2[%arg0, %dma_wait3A_567, %dma_wait3A_568] : memref<2x10000x64xf32, #tpu.memory_space<hbm>> -> memref<1x10000x64xf32, #tpu.memory_space<hbm>>
      %dma_wait3A_570 = tpu.memref_squeeze %dma_wait3A_569 : memref<1x10000x64xf32, #tpu.memory_space<hbm>> -> memref<10000x64xf32, #tpu.memory_space<hbm>>
      %dma_wait3A_571 = arith.constant 0 : i32
      %dma_wait3A_572 = arith.constant 0 : i32
      %dma_wait3A_573 = tpu.memref_slice %dma_wait3A_570[%dma_wait3A_571, %dma_wait3A_572] : memref<10000x64xf32, #tpu.memory_space<hbm>> -> memref<10000x64xf32, #tpu.memory_space<hbm>>
      tpu.wait_indirect_dma semaphore(%arg16 : memref<!tpu.dma_semaphore, #tpu.memory_space<semaphore_mem>>) src(%dma_wait3A_573 : memref<10000x64xf32, #tpu.memory_space<hbm>>) dst(%dma_wait3A_563 : memref<64x64xf32, #tpu.memory_space<vmem>>)
      %mul3A_574 = arith.constant 2 : i32
      %mul3A_575 = arith.muli %mul3A_574, %add3A_558 : i32
      %add3A_576 = arith.constant 1 : i32
      %add3A_577 = arith.addi %mul3A_575, %add3A_576 : i32
      %dma_wait3A_578 = arith.constant 64 : i32
      %dma_wait3A_579 = arith.constant 0 : i32
      %dma_wait3A_580 = tpu.memref_slice %arg10[%dma_wait3A_578, %dma_wait3A_579] : memref<128x64xf32, #tpu.memory_space<vmem>> -> memref<64x64xf32, #tpu.memory_space<vmem>>
      %dma_wait3A_581 = arith.constant 0 : i32
      %dma_wait3A_582 = tpu.memref_slice %arg7[%add3A_577, %dma_wait3A_581] : memref<320x64xi32, #tpu.memory_space<vmem>> -> memref<1x64xi32, #tpu.memory_space<vmem>>
      %dma_wait3A_583 = tpu.memref_squeeze %dma_wait3A_582 : memref<1x64xi32, #tpu.memory_space<vmem>> -> memref<64xi32, #tpu.memory_space<vmem>>
      %dma_wait3A_584 = arith.constant 0 : i32
      %dma_wait3A_585 = arith.constant 0 : i32
      %dma_wait3A_586 = tpu.memref_slice %arg2[%arg0, %dma_wait3A_584, %dma_wait3A_585] : memref<2x10000x64xf32, #tpu.memory_space<hbm>> -> memref<1x10000x64xf32, #tpu.memory_space<hbm>>
      %dma_wait3A_587 = tpu.memref_squeeze %dma_wait3A_586 : memref<1x10000x64xf32, #tpu.memory_space<hbm>> -> memref<10000x64xf32, #tpu.memory_space<hbm>>
      %dma_wait3A_588 = arith.constant 0 : i32
      %dma_wait3A_589 = arith.constant 0 : i32
      %dma_wait3A_590 = tpu.memref_slice %dma_wait3A_587[%dma_wait3A_588, %dma_wait3A_589] : memref<10000x64xf32, #tpu.memory_space<hbm>> -> memref<10000x64xf32, #tpu.memory_space<hbm>>
      tpu.wait_indirect_dma semaphore(%arg19 : memref<!tpu.dma_semaphore, #tpu.memory_space<semaphore_mem>>) src(%dma_wait3A_590 : memref<10000x64xf32, #tpu.memory_space<hbm>>) dst(%dma_wait3A_580 : memref<64x64xf32, #tpu.memory_space<vmem>>)
      %dma_start3A_591 = arith.constant 0 : i32
      %dma_start3A_592 = tpu.memref_slice %arg8[%add3A_558, %dma_start3A_591] : memref<160x128xi32, #tpu.memory_space<vmem>> -> memref<1x128xi32, #tpu.memory_space<vmem>>
      %dma_start3A_593 = tpu.memref_squeeze %dma_start3A_592 : memref<1x128xi32, #tpu.memory_space<vmem>> -> memref<128xi32, #tpu.memory_space<vmem>>
      %dma_start3A_594 = arith.constant 0 : i32
      %dma_start3A_595 = arith.constant 0 : i32
      %dma_start3A_596 = tpu.memref_slice %arg27[%dma_start3A_594, %dma_start3A_595] : memref<10240x64xf32, #tpu.memory_space<vmem_shared>> -> memref<10240x64xf32, #tpu.memory_space<vmem_shared>>
      tpu.enqueue_indirect_dma source(%arg10 : memref<128x64xf32, #tpu.memory_space<vmem>>) target(%dma_start3A_596 : memref<10240x64xf32, #tpu.memory_space<vmem_shared>>) offsets(%dma_start3A_593 : memref<128xi32, #tpu.memory_space<vmem>>) semaphore(%arg22 : memref<!tpu.dma_semaphore, #tpu.memory_space<semaphore_mem>>) {add = true}
      %dma_start3A_597 = arith.constant 0 : i32
      %dma_start3A_598 = tpu.memref_slice %arg8[%add3A_558, %dma_start3A_597] : memref<160x128xi32, #tpu.memory_space<vmem>> -> memref<1x128xi32, #tpu.memory_space<vmem>>
      %dma_start3A_599 = tpu.memref_squeeze %dma_start3A_598 : memref<1x128xi32, #tpu.memory_space<vmem>> -> memref<128xi32, #tpu.memory_space<vmem>>
      %dma_start3A_600 = arith.constant 0 : i32
      %dma_start3A_601 = arith.constant 0 : i32
      %dma_start3A_602 = tpu.memref_slice %arg28[%dma_start3A_600, %dma_start3A_601] : memref<10240x16xf32, #tpu.memory_space<vmem_shared>> -> memref<10240x16xf32, #tpu.memory_space<vmem_shared>>
      tpu.enqueue_indirect_dma source(%arg12 : memref<128x16xf32, #tpu.memory_space<vmem>>) target(%dma_start3A_602 : memref<10240x16xf32, #tpu.memory_space<vmem_shared>>) offsets(%dma_start3A_599 : memref<128xi32, #tpu.memory_space<vmem>>) semaphore(%arg25 : memref<!tpu.dma_semaphore, #tpu.memory_space<semaphore_mem>>) {add = true}
      %sub3A_603 = arith.constant 1 : i32
      %sub3A_604 = arith.subi %add3A_558, %sub3A_603 : i32
      %dma_wait3A_605 = arith.constant 0 : i32
      %dma_wait3A_606 = tpu.memref_slice %arg8[%sub3A_604, %dma_wait3A_605] : memref<160x128xi32, #tpu.memory_space<vmem>> -> memref<1x128xi32, #tpu.memory_space<vmem>>
      %dma_wait3A_607 = tpu.memref_squeeze %dma_wait3A_606 : memref<1x128xi32, #tpu.memory_space<vmem>> -> memref<128xi32, #tpu.memory_space<vmem>>
      %dma_wait3A_608 = arith.constant 0 : i32
      %dma_wait3A_609 = arith.constant 0 : i32
      %dma_wait3A_610 = tpu.memref_slice %arg27[%dma_wait3A_608, %dma_wait3A_609] : memref<10240x64xf32, #tpu.memory_space<vmem_shared>> -> memref<10240x64xf32, #tpu.memory_space<vmem_shared>>
      tpu.wait_indirect_dma semaphore(%arg21 : memref<!tpu.dma_semaphore, #tpu.memory_space<semaphore_mem>>) src(%arg9 : memref<128x64xf32, #tpu.memory_space<vmem>>) dst(%dma_wait3A_610 : memref<10240x64xf32, #tpu.memory_space<vmem_shared>>)
      %dma_wait3A_611 = arith.constant 0 : i32
      %dma_wait3A_612 = tpu.memref_slice %arg8[%sub3A_604, %dma_wait3A_611] : memref<160x128xi32, #tpu.memory_space<vmem>> -> memref<1x128xi32, #tpu.memory_space<vmem>>
      %dma_wait3A_613 = tpu.memref_squeeze %dma_wait3A_612 : memref<1x128xi32, #tpu.memory_space<vmem>> -> memref<128xi32, #tpu.memory_space<vmem>>
      %dma_wait3A_614 = arith.constant 0 : i32
      %dma_wait3A_615 = arith.constant 0 : i32
      %dma_wait3A_616 = tpu.memref_slice %arg28[%dma_wait3A_614, %dma_wait3A_615] : memref<10240x16xf32, #tpu.memory_space<vmem_shared>> -> memref<10240x16xf32, #tpu.memory_space<vmem_shared>>
      tpu.wait_indirect_dma semaphore(%arg24 : memref<!tpu.dma_semaphore, #tpu.memory_space<semaphore_mem>>) src(%arg12 : memref<128x16xf32, #tpu.memory_space<vmem>>) dst(%dma_wait3A_616 : memref<10240x16xf32, #tpu.memory_space<vmem_shared>>)
      %add3A_617 = arith.constant 2 : i32
      %add3A_618 = arith.addi %add3A_558, %add3A_617 : i32
      %mul3A_619 = arith.constant 2 : i32
      %mul3A_620 = arith.muli %mul3A_619, %add3A_618 : i32
      %dma_start3A_621 = arith.constant 0 : i32
      %dma_start3A_622 = arith.constant 0 : i32
      %dma_start3A_623 = tpu.memref_slice %arg9[%dma_start3A_621, %dma_start3A_622] : memref<128x64xf32, #tpu.memory_space<vmem>> -> memref<64x64xf32, #tpu.memory_space<vmem>>
      %dma_start3A_624 = arith.constant 0 : i32
      %dma_start3A_625 = tpu.memref_slice %arg7[%mul3A_620, %dma_start3A_624] : memref<320x64xi32, #tpu.memory_space<vmem>> -> memref<1x64xi32, #tpu.memory_space<vmem>>
      %dma_start3A_626 = tpu.memref_squeeze %dma_start3A_625 : memref<1x64xi32, #tpu.memory_space<vmem>> -> memref<64xi32, #tpu.memory_space<vmem>>
      %dma_start3A_627 = arith.constant 0 : i32
      %dma_start3A_628 = arith.constant 0 : i32
      %dma_start3A_629 = tpu.memref_slice %arg2[%arg0, %dma_start3A_627, %dma_start3A_628] : memref<2x10000x64xf32, #tpu.memory_space<hbm>> -> memref<1x10000x64xf32, #tpu.memory_space<hbm>>
      %dma_start3A_630 = tpu.memref_squeeze %dma_start3A_629 : memref<1x10000x64xf32, #tpu.memory_space<hbm>> -> memref<10000x64xf32, #tpu.memory_space<hbm>>
      %dma_start3A_631 = arith.constant 0 : i32
      %dma_start3A_632 = arith.constant 0 : i32
      %dma_start3A_633 = tpu.memref_slice %dma_start3A_630[%dma_start3A_631, %dma_start3A_632] : memref<10000x64xf32, #tpu.memory_space<hbm>> -> memref<10000x64xf32, #tpu.memory_space<hbm>>
      tpu.enqueue_indirect_dma source(%dma_start3A_633 : memref<10000x64xf32, #tpu.memory_space<hbm>>) target(%dma_start3A_623 : memref<64x64xf32, #tpu.memory_space<vmem>>) offsets(%dma_start3A_626 : memref<64xi32, #tpu.memory_space<vmem>>) semaphore(%arg15 : memref<!tpu.dma_semaphore, #tpu.memory_space<semaphore_mem>>)
      %mul3A_634 = arith.constant 2 : i32
      %mul3A_635 = arith.muli %mul3A_634, %add3A_618 : i32
      %add3A_636 = arith.constant 1 : i32
      %add3A_637 = arith.addi %mul3A_635, %add3A_636 : i32
      %dma_start3A_638 = arith.constant 64 : i32
      %dma_start3A_639 = arith.constant 0 : i32
      %dma_start3A_640 = tpu.memref_slice %arg9[%dma_start3A_638, %dma_start3A_639] : memref<128x64xf32, #tpu.memory_space<vmem>> -> memref<64x64xf32, #tpu.memory_space<vmem>>
      %dma_start3A_641 = arith.constant 0 : i32
      %dma_start3A_642 = tpu.memref_slice %arg7[%add3A_637, %dma_start3A_641] : memref<320x64xi32, #tpu.memory_space<vmem>> -> memref<1x64xi32, #tpu.memory_space<vmem>>
      %dma_start3A_643 = tpu.memref_squeeze %dma_start3A_642 : memref<1x64xi32, #tpu.memory_space<vmem>> -> memref<64xi32, #tpu.memory_space<vmem>>
      %dma_start3A_644 = arith.constant 0 : i32
      %dma_start3A_645 = arith.constant 0 : i32
      %dma_start3A_646 = tpu.memref_slice %arg2[%arg0, %dma_start3A_644, %dma_start3A_645] : memref<2x10000x64xf32, #tpu.memory_space<hbm>> -> memref<1x10000x64xf32, #tpu.memory_space<hbm>>
      %dma_start3A_647 = tpu.memref_squeeze %dma_start3A_646 : memref<1x10000x64xf32, #tpu.memory_space<hbm>> -> memref<10000x64xf32, #tpu.memory_space<hbm>>
      %dma_start3A_648 = arith.constant 0 : i32
      %dma_start3A_649 = arith.constant 0 : i32
      %dma_start3A_650 = tpu.memref_slice %dma_start3A_647[%dma_start3A_648, %dma_start3A_649] : memref<10000x64xf32, #tpu.memory_space<hbm>> -> memref<10000x64xf32, #tpu.memory_space<hbm>>
      tpu.enqueue_indirect_dma source(%dma_start3A_650 : memref<10000x64xf32, #tpu.memory_space<hbm>>) target(%dma_start3A_640 : memref<64x64xf32, #tpu.memory_space<vmem>>) offsets(%dma_start3A_643 : memref<64xi32, #tpu.memory_space<vmem>>) semaphore(%arg18 : memref<!tpu.dma_semaphore, #tpu.memory_space<semaphore_mem>>)
    }
    %scan3A_229 = arith.constant 52 : i32
    %dma_wait3A_230 = arith.constant 316 : i32
    %dma_wait3A_231 = arith.constant 0 : i32
    %dma_wait3A_232 = arith.constant 0 : i32
    %dma_wait3A_233 = tpu.memref_slice %arg11[%dma_wait3A_231, %dma_wait3A_232] : memref<128x64xf32, #tpu.memory_space<vmem>> -> memref<64x64xf32, #tpu.memory_space<vmem>>
    %dma_wait3A_234 = arith.constant 0 : i32
    %dma_wait3A_235 = tpu.memref_slice %arg7[%dma_wait3A_230, %dma_wait3A_234] : memref<320x64xi32, #tpu.memory_space<vmem>> -> memref<1x64xi32, #tpu.memory_space<vmem>>
    %dma_wait3A_236 = tpu.memref_squeeze %dma_wait3A_235 : memref<1x64xi32, #tpu.memory_space<vmem>> -> memref<64xi32, #tpu.memory_space<vmem>>
    %dma_wait3A_237 = arith.constant 0 : i32
    %dma_wait3A_238 = arith.constant 0 : i32
    %dma_wait3A_239 = tpu.memref_slice %arg2[%arg0, %dma_wait3A_237, %dma_wait3A_238] : memref<2x10000x64xf32, #tpu.memory_space<hbm>> -> memref<1x10000x64xf32, #tpu.memory_space<hbm>>
    %dma_wait3A_240 = tpu.memref_squeeze %dma_wait3A_239 : memref<1x10000x64xf32, #tpu.memory_space<hbm>> -> memref<10000x64xf32, #tpu.memory_space<hbm>>
    %dma_wait3A_241 = arith.constant 0 : i32
    %dma_wait3A_242 = arith.constant 0 : i32
    %dma_wait3A_243 = tpu.memref_slice %dma_wait3A_240[%dma_wait3A_241, %dma_wait3A_242] : memref<10000x64xf32, #tpu.memory_space<hbm>> -> memref<10000x64xf32, #tpu.memory_space<hbm>>
    tpu.wait_indirect_dma semaphore(%arg17 : memref<!tpu.dma_semaphore, #tpu.memory_space<semaphore_mem>>) src(%dma_wait3A_243 : memref<10000x64xf32, #tpu.memory_space<hbm>>) dst(%dma_wait3A_233 : memref<64x64xf32, #tpu.memory_space<vmem>>)
    %dma_wait3A_244 = arith.constant 317 : i32
    %dma_wait3A_245 = arith.constant 64 : i32
    %dma_wait3A_246 = arith.constant 0 : i32
    %dma_wait3A_247 = tpu.memref_slice %arg11[%dma_wait3A_245, %dma_wait3A_246] : memref<128x64xf32, #tpu.memory_space<vmem>> -> memref<64x64xf32, #tpu.memory_space<vmem>>
    %dma_wait3A_248 = arith.constant 0 : i32
    %dma_wait3A_249 = tpu.memref_slice %arg7[%dma_wait3A_244, %dma_wait3A_248] : memref<320x64xi32, #tpu.memory_space<vmem>> -> memref<1x64xi32, #tpu.memory_space<vmem>>
    %dma_wait3A_250 = tpu.memref_squeeze %dma_wait3A_249 : memref<1x64xi32, #tpu.memory_space<vmem>> -> memref<64xi32, #tpu.memory_space<vmem>>
    %dma_wait3A_251 = arith.constant 0 : i32
    %dma_wait3A_252 = arith.constant 0 : i32
    %dma_wait3A_253 = tpu.memref_slice %arg2[%arg0, %dma_wait3A_251, %dma_wait3A_252] : memref<2x10000x64xf32, #tpu.memory_space<hbm>> -> memref<1x10000x64xf32, #tpu.memory_space<hbm>>
    %dma_wait3A_254 = tpu.memref_squeeze %dma_wait3A_253 : memref<1x10000x64xf32, #tpu.memory_space<hbm>> -> memref<10000x64xf32, #tpu.memory_space<hbm>>
    %dma_wait3A_255 = arith.constant 0 : i32
    %dma_wait3A_256 = arith.constant 0 : i32
    %dma_wait3A_257 = tpu.memref_slice %dma_wait3A_254[%dma_wait3A_255, %dma_wait3A_256] : memref<10000x64xf32, #tpu.memory_space<hbm>> -> memref<10000x64xf32, #tpu.memory_space<hbm>>
    tpu.wait_indirect_dma semaphore(%arg20 : memref<!tpu.dma_semaphore, #tpu.memory_space<semaphore_mem>>) src(%dma_wait3A_257 : memref<10000x64xf32, #tpu.memory_space<hbm>>) dst(%dma_wait3A_247 : memref<64x64xf32, #tpu.memory_space<vmem>>)
    %dma_start3A_258 = arith.constant 158 : i32
    %dma_start3A_259 = arith.constant 0 : i32
    %dma_start3A_260 = tpu.memref_slice %arg8[%dma_start3A_258, %dma_start3A_259] : memref<160x128xi32, #tpu.memory_space<vmem>> -> memref<1x128xi32, #tpu.memory_space<vmem>>
    %dma_start3A_261 = tpu.memref_squeeze %dma_start3A_260 : memref<1x128xi32, #tpu.memory_space<vmem>> -> memref<128xi32, #tpu.memory_space<vmem>>
    %dma_start3A_262 = arith.constant 0 : i32
    %dma_start3A_263 = arith.constant 0 : i32
    %dma_start3A_264 = tpu.memref_slice %arg27[%dma_start3A_262, %dma_start3A_263] : memref<10240x64xf32, #tpu.memory_space<vmem_shared>> -> memref<10240x64xf32, #tpu.memory_space<vmem_shared>>
    tpu.enqueue_indirect_dma source(%arg11 : memref<128x64xf32, #tpu.memory_space<vmem>>) target(%dma_start3A_264 : memref<10240x64xf32, #tpu.memory_space<vmem_shared>>) offsets(%dma_start3A_261 : memref<128xi32, #tpu.memory_space<vmem>>) semaphore(%arg23 : memref<!tpu.dma_semaphore, #tpu.memory_space<semaphore_mem>>) {add = true}
    %dma_start3A_265 = arith.constant 158 : i32
    %dma_start3A_266 = arith.constant 0 : i32
    %dma_start3A_267 = tpu.memref_slice %arg8[%dma_start3A_265, %dma_start3A_266] : memref<160x128xi32, #tpu.memory_space<vmem>> -> memref<1x128xi32, #tpu.memory_space<vmem>>
    %dma_start3A_268 = tpu.memref_squeeze %dma_start3A_267 : memref<1x128xi32, #tpu.memory_space<vmem>> -> memref<128xi32, #tpu.memory_space<vmem>>
    %dma_start3A_269 = arith.constant 0 : i32
    %dma_start3A_270 = arith.constant 0 : i32
    %dma_start3A_271 = tpu.memref_slice %arg28[%dma_start3A_269, %dma_start3A_270] : memref<10240x16xf32, #tpu.memory_space<vmem_shared>> -> memref<10240x16xf32, #tpu.memory_space<vmem_shared>>
    tpu.enqueue_indirect_dma source(%arg12 : memref<128x16xf32, #tpu.memory_space<vmem>>) target(%dma_start3A_271 : memref<10240x16xf32, #tpu.memory_space<vmem_shared>>) offsets(%dma_start3A_268 : memref<128xi32, #tpu.memory_space<vmem>>) semaphore(%arg26 : memref<!tpu.dma_semaphore, #tpu.memory_space<semaphore_mem>>) {add = true}
    %dma_wait3A_272 = arith.constant 318 : i32
    %dma_wait3A_273 = arith.constant 0 : i32
    %dma_wait3A_274 = arith.constant 0 : i32
    %dma_wait3A_275 = tpu.memref_slice %arg9[%dma_wait3A_273, %dma_wait3A_274] : memref<128x64xf32, #tpu.memory_space<vmem>> -> memref<64x64xf32, #tpu.memory_space<vmem>>
    %dma_wait3A_276 = arith.constant 0 : i32
    %dma_wait3A_277 = tpu.memref_slice %arg7[%dma_wait3A_272, %dma_wait3A_276] : memref<320x64xi32, #tpu.memory_space<vmem>> -> memref<1x64xi32, #tpu.memory_space<vmem>>
    %dma_wait3A_278 = tpu.memref_squeeze %dma_wait3A_277 : memref<1x64xi32, #tpu.memory_space<vmem>> -> memref<64xi32, #tpu.memory_space<vmem>>
    %dma_wait3A_279 = arith.constant 0 : i32
    %dma_wait3A_280 = arith.constant 0 : i32
    %dma_wait3A_281 = tpu.memref_slice %arg2[%arg0, %dma_wait3A_279, %dma_wait3A_280] : memref<2x10000x64xf32, #tpu.memory_space<hbm>> -> memref<1x10000x64xf32, #tpu.memory_space<hbm>>
    %dma_wait3A_282 = tpu.memref_squeeze %dma_wait3A_281 : memref<1x10000x64xf32, #tpu.memory_space<hbm>> -> memref<10000x64xf32, #tpu.memory_space<hbm>>
    %dma_wait3A_283 = arith.constant 0 : i32
    %dma_wait3A_284 = arith.constant 0 : i32
    %dma_wait3A_285 = tpu.memref_slice %dma_wait3A_282[%dma_wait3A_283, %dma_wait3A_284] : memref<10000x64xf32, #tpu.memory_space<hbm>> -> memref<10000x64xf32, #tpu.memory_space<hbm>>
    tpu.wait_indirect_dma semaphore(%arg15 : memref<!tpu.dma_semaphore, #tpu.memory_space<semaphore_mem>>) src(%dma_wait3A_285 : memref<10000x64xf32, #tpu.memory_space<hbm>>) dst(%dma_wait3A_275 : memref<64x64xf32, #tpu.memory_space<vmem>>)
    %dma_wait3A_286 = arith.constant 319 : i32
    %dma_wait3A_287 = arith.constant 64 : i32
    %dma_wait3A_288 = arith.constant 0 : i32
    %dma_wait3A_289 = tpu.memref_slice %arg9[%dma_wait3A_287, %dma_wait3A_288] : memref<128x64xf32, #tpu.memory_space<vmem>> -> memref<64x64xf32, #tpu.memory_space<vmem>>
    %dma_wait3A_290 = arith.constant 0 : i32
    %dma_wait3A_291 = tpu.memref_slice %arg7[%dma_wait3A_286, %dma_wait3A_290] : memref<320x64xi32, #tpu.memory_space<vmem>> -> memref<1x64xi32, #tpu.memory_space<vmem>>
    %dma_wait3A_292 = tpu.memref_squeeze %dma_wait3A_291 : memref<1x64xi32, #tpu.memory_space<vmem>> -> memref<64xi32, #tpu.memory_space<vmem>>
    %dma_wait3A_293 = arith.constant 0 : i32
    %dma_wait3A_294 = arith.constant 0 : i32
    %dma_wait3A_295 = tpu.memref_slice %arg2[%arg0, %dma_wait3A_293, %dma_wait3A_294] : memref<2x10000x64xf32, #tpu.memory_space<hbm>> -> memref<1x10000x64xf32, #tpu.memory_space<hbm>>
    %dma_wait3A_296 = tpu.memref_squeeze %dma_wait3A_295 : memref<1x10000x64xf32, #tpu.memory_space<hbm>> -> memref<10000x64xf32, #tpu.memory_space<hbm>>
    %dma_wait3A_297 = arith.constant 0 : i32
    %dma_wait3A_298 = arith.constant 0 : i32
    %dma_wait3A_299 = tpu.memref_slice %dma_wait3A_296[%dma_wait3A_297, %dma_wait3A_298] : memref<10000x64xf32, #tpu.memory_space<hbm>> -> memref<10000x64xf32, #tpu.memory_space<hbm>>
    tpu.wait_indirect_dma semaphore(%arg18 : memref<!tpu.dma_semaphore, #tpu.memory_space<semaphore_mem>>) src(%dma_wait3A_299 : memref<10000x64xf32, #tpu.memory_space<hbm>>) dst(%dma_wait3A_289 : memref<64x64xf32, #tpu.memory_space<vmem>>)
    %dma_start3A_300 = arith.constant 159 : i32
    %dma_start3A_301 = arith.constant 0 : i32
    %dma_start3A_302 = tpu.memref_slice %arg8[%dma_start3A_300, %dma_start3A_301] : memref<160x128xi32, #tpu.memory_space<vmem>> -> memref<1x128xi32, #tpu.memory_space<vmem>>
    %dma_start3A_303 = tpu.memref_squeeze %dma_start3A_302 : memref<1x128xi32, #tpu.memory_space<vmem>> -> memref<128xi32, #tpu.memory_space<vmem>>
    %dma_start3A_304 = arith.constant 0 : i32
    %dma_start3A_305 = arith.constant 0 : i32
    %dma_start3A_306 = tpu.memref_slice %arg27[%dma_start3A_304, %dma_start3A_305] : memref<10240x64xf32, #tpu.memory_space<vmem_shared>> -> memref<10240x64xf32, #tpu.memory_space<vmem_shared>>
    tpu.enqueue_indirect_dma source(%arg9 : memref<128x64xf32, #tpu.memory_space<vmem>>) target(%dma_start3A_306 : memref<10240x64xf32, #tpu.memory_space<vmem_shared>>) offsets(%dma_start3A_303 : memref<128xi32, #tpu.memory_space<vmem>>) semaphore(%arg21 : memref<!tpu.dma_semaphore, #tpu.memory_space<semaphore_mem>>) {add = true}
    %dma_start3A_307 = arith.constant 159 : i32
    %dma_start3A_308 = arith.constant 0 : i32
    %dma_start3A_309 = tpu.memref_slice %arg8[%dma_start3A_307, %dma_start3A_308] : memref<160x128xi32, #tpu.memory_space<vmem>> -> memref<1x128xi32, #tpu.memory_space<vmem>>
    %dma_start3A_310 = tpu.memref_squeeze %dma_start3A_309 : memref<1x128xi32, #tpu.memory_space<vmem>> -> memref<128xi32, #tpu.memory_space<vmem>>
    %dma_start3A_311 = arith.constant 0 : i32
    %dma_start3A_312 = arith.constant 0 : i32
    %dma_start3A_313 = tpu.memref_slice %arg28[%dma_start3A_311, %dma_start3A_312] : memref<10240x16xf32, #tpu.memory_space<vmem_shared>> -> memref<10240x16xf32, #tpu.memory_space<vmem_shared>>
    tpu.enqueue_indirect_dma source(%arg12 : memref<128x16xf32, #tpu.memory_space<vmem>>) target(%dma_start3A_313 : memref<10240x16xf32, #tpu.memory_space<vmem_shared>>) offsets(%dma_start3A_310 : memref<128xi32, #tpu.memory_space<vmem>>) semaphore(%arg24 : memref<!tpu.dma_semaphore, #tpu.memory_space<semaphore_mem>>) {add = true}
    %dma_wait3A_314 = arith.constant 157 : i32
    %dma_wait3A_315 = arith.constant 0 : i32
    %dma_wait3A_316 = tpu.memref_slice %arg8[%dma_wait3A_314, %dma_wait3A_315] : memref<160x128xi32, #tpu.memory_space<vmem>> -> memref<1x128xi32, #tpu.memory_space<vmem>>
    %dma_wait3A_317 = tpu.memref_squeeze %dma_wait3A_316 : memref<1x128xi32, #tpu.memory_space<vmem>> -> memref<128xi32, #tpu.memory_space<vmem>>
    %dma_wait3A_318 = arith.constant 0 : i32
    %dma_wait3A_319 = arith.constant 0 : i32
    %dma_wait3A_320 = tpu.memref_slice %arg27[%dma_wait3A_318, %dma_wait3A_319] : memref<10240x64xf32, #tpu.memory_space<vmem_shared>> -> memref<10240x64xf32, #tpu.memory_space<vmem_shared>>
    tpu.wait_indirect_dma semaphore(%arg22 : memref<!tpu.dma_semaphore, #tpu.memory_space<semaphore_mem>>) src(%arg10 : memref<128x64xf32, #tpu.memory_space<vmem>>) dst(%dma_wait3A_320 : memref<10240x64xf32, #tpu.memory_space<vmem_shared>>)
    %dma_wait3A_321 = arith.constant 157 : i32
    %dma_wait3A_322 = arith.constant 0 : i32
    %dma_wait3A_323 = tpu.memref_slice %arg8[%dma_wait3A_321, %dma_wait3A_322] : memref<160x128xi32, #tpu.memory_space<vmem>> -> memref<1x128xi32, #tpu.memory_space<vmem>>
    %dma_wait3A_324 = tpu.memref_squeeze %dma_wait3A_323 : memref<1x128xi32, #tpu.memory_space<vmem>> -> memref<128xi32, #tpu.memory_space<vmem>>
    %dma_wait3A_325 = arith.constant 0 : i32
    %dma_wait3A_326 = arith.constant 0 : i32
    %dma_wait3A_327 = tpu.memref_slice %arg28[%dma_wait3A_325, %dma_wait3A_326] : memref<10240x16xf32, #tpu.memory_space<vmem_shared>> -> memref<10240x16xf32, #tpu.memory_space<vmem_shared>>
    tpu.wait_indirect_dma semaphore(%arg25 : memref<!tpu.dma_semaphore, #tpu.memory_space<semaphore_mem>>) src(%arg12 : memref<128x16xf32, #tpu.memory_space<vmem>>) dst(%dma_wait3A_327 : memref<10240x16xf32, #tpu.memory_space<vmem_shared>>)
    %dma_wait3A_328 = arith.constant 158 : i32
    %dma_wait3A_329 = arith.constant 0 : i32
    %dma_wait3A_330 = tpu.memref_slice %arg8[%dma_wait3A_328, %dma_wait3A_329] : memref<160x128xi32, #tpu.memory_space<vmem>> -> memref<1x128xi32, #tpu.memory_space<vmem>>
    %dma_wait3A_331 = tpu.memref_squeeze %dma_wait3A_330 : memref<1x128xi32, #tpu.memory_space<vmem>> -> memref<128xi32, #tpu.memory_space<vmem>>
    %dma_wait3A_332 = arith.constant 0 : i32
    %dma_wait3A_333 = arith.constant 0 : i32
    %dma_wait3A_334 = tpu.memref_slice %arg27[%dma_wait3A_332, %dma_wait3A_333] : memref<10240x64xf32, #tpu.memory_space<vmem_shared>> -> memref<10240x64xf32, #tpu.memory_space<vmem_shared>>
    tpu.wait_indirect_dma semaphore(%arg23 : memref<!tpu.dma_semaphore, #tpu.memory_space<semaphore_mem>>) src(%arg11 : memref<128x64xf32, #tpu.memory_space<vmem>>) dst(%dma_wait3A_334 : memref<10240x64xf32, #tpu.memory_space<vmem_shared>>)
    %dma_wait3A_335 = arith.constant 158 : i32
    %dma_wait3A_336 = arith.constant 0 : i32
    %dma_wait3A_337 = tpu.memref_slice %arg8[%dma_wait3A_335, %dma_wait3A_336] : memref<160x128xi32, #tpu.memory_space<vmem>> -> memref<1x128xi32, #tpu.memory_space<vmem>>
    %dma_wait3A_338 = tpu.memref_squeeze %dma_wait3A_337 : memref<1x128xi32, #tpu.memory_space<vmem>> -> memref<128xi32, #tpu.memory_space<vmem>>
    %dma_wait3A_339 = arith.constant 0 : i32
    %dma_wait3A_340 = arith.constant 0 : i32
    %dma_wait3A_341 = tpu.memref_slice %arg28[%dma_wait3A_339, %dma_wait3A_340] : memref<10240x16xf32, #tpu.memory_space<vmem_shared>> -> memref<10240x16xf32, #tpu.memory_space<vmem_shared>>
    tpu.wait_indirect_dma semaphore(%arg26 : memref<!tpu.dma_semaphore, #tpu.memory_space<semaphore_mem>>) src(%arg12 : memref<128x16xf32, #tpu.memory_space<vmem>>) dst(%dma_wait3A_341 : memref<10240x16xf32, #tpu.memory_space<vmem_shared>>)
    %dma_wait3A_342 = arith.constant 159 : i32
    %dma_wait3A_343 = arith.constant 0 : i32
    %dma_wait3A_344 = tpu.memref_slice %arg8[%dma_wait3A_342, %dma_wait3A_343] : memref<160x128xi32, #tpu.memory_space<vmem>> -> memref<1x128xi32, #tpu.memory_space<vmem>>
    %dma_wait3A_345 = tpu.memref_squeeze %dma_wait3A_344 : memref<1x128xi32, #tpu.memory_space<vmem>> -> memref<128xi32, #tpu.memory_space<vmem>>
    %dma_wait3A_346 = arith.constant 0 : i32
    %dma_wait3A_347 = arith.constant 0 : i32
    %dma_wait3A_348 = tpu.memref_slice %arg27[%dma_wait3A_346, %dma_wait3A_347] : memref<10240x64xf32, #tpu.memory_space<vmem_shared>> -> memref<10240x64xf32, #tpu.memory_space<vmem_shared>>
    tpu.wait_indirect_dma semaphore(%arg21 : memref<!tpu.dma_semaphore, #tpu.memory_space<semaphore_mem>>) src(%arg9 : memref<128x64xf32, #tpu.memory_space<vmem>>) dst(%dma_wait3A_348 : memref<10240x64xf32, #tpu.memory_space<vmem_shared>>)
    %dma_wait3A_349 = arith.constant 159 : i32
    %dma_wait3A_350 = arith.constant 0 : i32
    %dma_wait3A_351 = tpu.memref_slice %arg8[%dma_wait3A_349, %dma_wait3A_350] : memref<160x128xi32, #tpu.memory_space<vmem>> -> memref<1x128xi32, #tpu.memory_space<vmem>>
    %dma_wait3A_352 = tpu.memref_squeeze %dma_wait3A_351 : memref<1x128xi32, #tpu.memory_space<vmem>> -> memref<128xi32, #tpu.memory_space<vmem>>
    %dma_wait3A_353 = arith.constant 0 : i32
    %dma_wait3A_354 = arith.constant 0 : i32
    %dma_wait3A_355 = tpu.memref_slice %arg28[%dma_wait3A_353, %dma_wait3A_354] : memref<10240x16xf32, #tpu.memory_space<vmem_shared>> -> memref<10240x16xf32, #tpu.memory_space<vmem_shared>>
    tpu.wait_indirect_dma semaphore(%arg24 : memref<!tpu.dma_semaphore, #tpu.memory_space<semaphore_mem>>) src(%arg12 : memref<128x16xf32, #tpu.memory_space<vmem>>) dst(%dma_wait3A_355 : memref<10240x16xf32, #tpu.memory_space<vmem_shared>>)
    %barrier3A_356 = arith.constant 0 : index
    tpu.barrier barrier_id(%barrier3A_356)
    %scan3A_357 = arith.constant 0 : i32
    %scan3A_358 = arith.constant 5 : i32
    %scan3A_359 = arith.addi %scan3A_357, %scan3A_358 : i32
    %scan3A_360 = arith.constant 1 : i32
    scf.for %scan3A_362 = %scan3A_357 to %scan3A_359 step %scan3A_360  : i32 {
      %mul3A_363 = arith.constant 1 : i32
      %mul3A_364 = arith.muli %scan3A_362, %mul3A_363 : i32
      %add3A = arith.constant 0 : i32
      %add3A_365 = arith.addi %add3A, %mul3A_364 : i32
      %mul3A_366 = arith.constant 640 : i32
      %mul3A_367 = arith.muli %arg1, %mul3A_366 : i32
      %mul3A_368 = arith.constant 128 : i32
      %mul3A_369 = arith.muli %add3A_365, %mul3A_368 : i32
      %add3A_370 = arith.addi %mul3A_367, %mul3A_369 : i32
      "tpu.region"() ({
        %run_scoped3A = tpu.sem_alloc : memref<!tpu.dma_semaphore, #tpu.memory_space<semaphore_mem>>
        %dma_start3A_371 = arith.constant 0 : i32
        %dma_start3A_372 = tpu.memref_slice %arg27[%add3A_370, %dma_start3A_371] : memref<10240x64xf32, #tpu.memory_space<vmem_shared>> -> memref<128x64xf32, #tpu.memory_space<vmem_shared>>
        %dma_start3A_373 = arith.constant 0 : i32
        %dma_start3A_374 = tpu.memref_slice %arg27[%add3A_370, %dma_start3A_373] : memref<10240x64xf32, #tpu.memory_space<vmem_shared>> -> memref<128x64xf32, #tpu.memory_space<vmem_shared>>
        tpu.enqueue_dma source(%dma_start3A_374 : memref<128x64xf32, #tpu.memory_space<vmem_shared>>) target(%arg9 : memref<128x64xf32, #tpu.memory_space<vmem>>) target_semaphore(%run_scoped3A : memref<!tpu.dma_semaphore, #tpu.memory_space<semaphore_mem>>)
        %dma_wait3A_375 = arith.constant 0 : i32
        %dma_wait3A_376 = tpu.memref_slice %arg27[%add3A_370, %dma_wait3A_375] : memref<10240x64xf32, #tpu.memory_space<vmem_shared>> -> memref<128x64xf32, #tpu.memory_space<vmem_shared>>
        %dma_wait3A_377 = arith.constant 0 : i32
        %dma_wait3A_378 = tpu.memref_slice %arg27[%add3A_370, %dma_wait3A_377] : memref<10240x64xf32, #tpu.memory_space<vmem_shared>> -> memref<128x64xf32, #tpu.memory_space<vmem_shared>>
        tpu.wait_dma2 semaphore(%run_scoped3A : memref<!tpu.dma_semaphore, #tpu.memory_space<semaphore_mem>>) src(%dma_wait3A_378 : memref<128x64xf32, #tpu.memory_space<vmem_shared>>) dst(%arg9 : memref<128x64xf32, #tpu.memory_space<vmem>>)
        tpu.yield
      }) : () -> ()
      "tpu.region"() ({
        %run_scoped3A = tpu.sem_alloc : memref<!tpu.dma_semaphore, #tpu.memory_space<semaphore_mem>>
        %dma_start3A_371 = arith.constant 0 : i32
        %dma_start3A_372 = tpu.memref_slice %arg5[%arg0, %add3A_370, %dma_start3A_371] : memref<2x10240x64xf32, #tpu.memory_space<hbm>> -> memref<1x128x64xf32, #tpu.memory_space<hbm>>
        %dma_start3A_373 = tpu.memref_squeeze %dma_start3A_372 : memref<1x128x64xf32, #tpu.memory_space<hbm>> -> memref<128x64xf32, #tpu.memory_space<hbm>>
        %dma_start3A_374 = arith.constant 0 : i32
        %dma_start3A_375 = tpu.memref_slice %arg5[%arg0, %add3A_370, %dma_start3A_374] : memref<2x10240x64xf32, #tpu.memory_space<hbm>> -> memref<1x128x64xf32, #tpu.memory_space<hbm>>
        %dma_start3A_376 = tpu.memref_squeeze %dma_start3A_375 : memref<1x128x64xf32, #tpu.memory_space<hbm>> -> memref<128x64xf32, #tpu.memory_space<hbm>>
        tpu.enqueue_dma source(%arg9 : memref<128x64xf32, #tpu.memory_space<vmem>>) target(%dma_start3A_376 : memref<128x64xf32, #tpu.memory_space<hbm>>) target_semaphore(%run_scoped3A : memref<!tpu.dma_semaphore, #tpu.memory_space<semaphore_mem>>)
        %dma_wait3A_377 = arith.constant 0 : i32
        %dma_wait3A_378 = tpu.memref_slice %arg5[%arg0, %add3A_370, %dma_wait3A_377] : memref<2x10240x64xf32, #tpu.memory_space<hbm>> -> memref<1x128x64xf32, #tpu.memory_space<hbm>>
        %dma_wait3A_379 = tpu.memref_squeeze %dma_wait3A_378 : memref<1x128x64xf32, #tpu.memory_space<hbm>> -> memref<128x64xf32, #tpu.memory_space<hbm>>
        %dma_wait3A_380 = arith.constant 0 : i32
        %dma_wait3A_381 = tpu.memref_slice %arg5[%arg0, %add3A_370, %dma_wait3A_380] : memref<2x10240x64xf32, #tpu.memory_space<hbm>> -> memref<1x128x64xf32, #tpu.memory_space<hbm>>
        %dma_wait3A_382 = tpu.memref_squeeze %dma_wait3A_381 : memref<1x128x64xf32, #tpu.memory_space<hbm>> -> memref<128x64xf32, #tpu.memory_space<hbm>>
        tpu.wait_dma2 semaphore(%run_scoped3A : memref<!tpu.dma_semaphore, #tpu.memory_space<semaphore_mem>>) src(%arg9 : memref<128x64xf32, #tpu.memory_space<vmem>>) dst(%dma_wait3A_382 : memref<128x64xf32, #tpu.memory_space<hbm>>)
        tpu.yield
      }) : () -> ()
      "tpu.region"() ({
        %run_scoped3A = tpu.sem_alloc : memref<!tpu.dma_semaphore, #tpu.memory_space<semaphore_mem>>
        %dma_start3A_371 = arith.constant 0 : i32
        %dma_start3A_372 = tpu.memref_slice %arg28[%add3A_370, %dma_start3A_371] : memref<10240x16xf32, #tpu.memory_space<vmem_shared>> -> memref<128x16xf32, #tpu.memory_space<vmem_shared>>
        %dma_start3A_373 = arith.constant 0 : i32
        %dma_start3A_374 = tpu.memref_slice %arg28[%add3A_370, %dma_start3A_373] : memref<10240x16xf32, #tpu.memory_space<vmem_shared>> -> memref<128x16xf32, #tpu.memory_space<vmem_shared>>
        tpu.enqueue_dma source(%dma_start3A_374 : memref<128x16xf32, #tpu.memory_space<vmem_shared>>) target(%arg13 : memref<128x16xf32, #tpu.memory_space<vmem>>) target_semaphore(%run_scoped3A : memref<!tpu.dma_semaphore, #tpu.memory_space<semaphore_mem>>)
        %dma_wait3A_375 = arith.constant 0 : i32
        %dma_wait3A_376 = tpu.memref_slice %arg28[%add3A_370, %dma_wait3A_375] : memref<10240x16xf32, #tpu.memory_space<vmem_shared>> -> memref<128x16xf32, #tpu.memory_space<vmem_shared>>
        %dma_wait3A_377 = arith.constant 0 : i32
        %dma_wait3A_378 = tpu.memref_slice %arg28[%add3A_370, %dma_wait3A_377] : memref<10240x16xf32, #tpu.memory_space<vmem_shared>> -> memref<128x16xf32, #tpu.memory_space<vmem_shared>>
        tpu.wait_dma2 semaphore(%run_scoped3A : memref<!tpu.dma_semaphore, #tpu.memory_space<semaphore_mem>>) src(%dma_wait3A_378 : memref<128x16xf32, #tpu.memory_space<vmem_shared>>) dst(%arg13 : memref<128x16xf32, #tpu.memory_space<vmem>>)
        tpu.yield
      }) : () -> ()
      "tpu.region"() ({
        %run_scoped3A = tpu.sem_alloc : memref<!tpu.dma_semaphore, #tpu.memory_space<semaphore_mem>>
        %dma_start3A_371 = arith.constant 0 : i32
        %dma_start3A_372 = tpu.memref_slice %arg6[%arg0, %add3A_370, %dma_start3A_371] : memref<2x10240x16xf32, #tpu.memory_space<hbm>> -> memref<1x128x16xf32, #tpu.memory_space<hbm>>
        %dma_start3A_373 = tpu.memref_squeeze %dma_start3A_372 : memref<1x128x16xf32, #tpu.memory_space<hbm>> -> memref<128x16xf32, #tpu.memory_space<hbm>>
        %dma_start3A_374 = arith.constant 0 : i32
        %dma_start3A_375 = tpu.memref_slice %arg6[%arg0, %add3A_370, %dma_start3A_374] : memref<2x10240x16xf32, #tpu.memory_space<hbm>> -> memref<1x128x16xf32, #tpu.memory_space<hbm>>
        %dma_start3A_376 = tpu.memref_squeeze %dma_start3A_375 : memref<1x128x16xf32, #tpu.memory_space<hbm>> -> memref<128x16xf32, #tpu.memory_space<hbm>>
        tpu.enqueue_dma source(%arg13 : memref<128x16xf32, #tpu.memory_space<vmem>>) target(%dma_start3A_376 : memref<128x16xf32, #tpu.memory_space<hbm>>) target_semaphore(%run_scoped3A : memref<!tpu.dma_semaphore, #tpu.memory_space<semaphore_mem>>)
        %dma_wait3A_377 = arith.constant 0 : i32
        %dma_wait3A_378 = tpu.memref_slice %arg6[%arg0, %add3A_370, %dma_wait3A_377] : memref<2x10240x16xf32, #tpu.memory_space<hbm>> -> memref<1x128x16xf32, #tpu.memory_space<hbm>>
        %dma_wait3A_379 = tpu.memref_squeeze %dma_wait3A_378 : memref<1x128x16xf32, #tpu.memory_space<hbm>> -> memref<128x16xf32, #tpu.memory_space<hbm>>
        %dma_wait3A_380 = arith.constant 0 : i32
        %dma_wait3A_381 = tpu.memref_slice %arg6[%arg0, %add3A_370, %dma_wait3A_380] : memref<2x10240x16xf32, #tpu.memory_space<hbm>> -> memref<1x128x16xf32, #tpu.memory_space<hbm>>
        %dma_wait3A_382 = tpu.memref_squeeze %dma_wait3A_381 : memref<1x128x16xf32, #tpu.memory_space<hbm>> -> memref<128x16xf32, #tpu.memory_space<hbm>>
        tpu.wait_dma2 semaphore(%run_scoped3A : memref<!tpu.dma_semaphore, #tpu.memory_space<semaphore_mem>>) src(%arg13 : memref<128x16xf32, #tpu.memory_space<vmem>>) dst(%dma_wait3A_382 : memref<128x16xf32, #tpu.memory_space<hbm>>)
        tpu.yield
      }) : () -> ()
    }
    %scan3A_361 = arith.constant 5 : i32
    return
  }
}

module attributes {stable_mosaic.version = 14 : i64} {
  func.func @_tc_body(%arg0: i32, %arg1: memref<1000x128xf32, #tpu.memory_space<vmem>>, %arg2: memref<2x1000x64xf32, #tpu.memory_space<vmem>>, %arg3: memref<1x1000x16xf32, #tpu.memory_space<vmem>>, %arg4: memref<128x128xf32, #tpu.memory_space<vmem>>, %arg5: memref<128x128xf32, #tpu.memory_space<vmem>>, %arg6: memref<1x128xf32, #tpu.memory_space<vmem>>, %arg7: memref<1000x128xf32, #tpu.memory_space<vmem>>) attributes {dimension_semantics = [#tpu.dimension_semantics<arbitrary>], iteration_bounds = array<i64: 10>, scalar_prefetch = 0 : i64, scratch_operands = 0 : i64, tpu.core_type = #tpu.core_type<tc>, window_params = [{transform_indices = @transform_0, window_bounds = array<i64: 1000, 128>}, {transform_indices = @transform_1, window_bounds = array<i64: 2, 1000, 64>}, {transform_indices = @transform_2, window_bounds = array<i64: 1, 1000, 16>}, {pipeline_mode = #tpu.pipeline_mode<synchronous>, transform_indices = @transform_3, window_bounds = array<i64: 128, 128>}, {pipeline_mode = #tpu.pipeline_mode<synchronous>, transform_indices = @transform_4, window_bounds = array<i64: 128, 128>}, {pipeline_mode = #tpu.pipeline_mode<synchronous>, transform_indices = @transform_5, window_bounds = array<i64: 1, 128>}, {transform_indices = @transform_6, window_bounds = array<i64: 1000, 128>}]} {
    %get3A = arith.constant 0 : index
    %get3A_0 = arith.constant 0 : index
    %get3A_1 = vector.load %arg1[%get3A, %get3A_0] : memref<1000x128xf32, #tpu.memory_space<vmem>>, vector<1000x128xf32>
    %get3A_2 = arith.constant 0 : index
    %get3A_3 = arith.constant 0 : index
    %get3A_4 = arith.constant 0 : index
    %get3A_5 = vector.load %arg2[%get3A_2, %get3A_3, %get3A_4] : memref<2x1000x64xf32, #tpu.memory_space<vmem>>, vector<1x1000x64xf32>
    %get3A_6 = vector.shape_cast %get3A_5 : vector<1x1000x64xf32> to vector<1000x64xf32>
    %get3A_7 = arith.constant 1 : index
    %get3A_8 = arith.constant 0 : index
    %get3A_9 = arith.constant 0 : index
    %get3A_10 = vector.load %arg2[%get3A_7, %get3A_8, %get3A_9] : memref<2x1000x64xf32, #tpu.memory_space<vmem>>, vector<1x1000x64xf32>
    %get3A_11 = vector.shape_cast %get3A_10 : vector<1x1000x64xf32> to vector<1000x64xf32>
    %concatenate3A = tpu.concatenate %get3A_6, %get3A_11 in 1 : vector<1000x64xf32>, vector<1000x64xf32> -> vector<1000x128xf32>
    %get3A_12 = arith.constant 0 : index
    %get3A_13 = arith.constant 0 : index
    %get3A_14 = arith.constant 0 : index
    %get3A_15 = vector.load %arg3[%get3A_12, %get3A_13, %get3A_14] : memref<1x1000x16xf32, #tpu.memory_space<vmem>>, vector<1x1000x1xf32>
    %get3A_16 = vector.shape_cast %get3A_15 : vector<1x1000x1xf32> to vector<1000x1xf32>
    %max3A = arith.constant 1.000000e+00 : f32
    %max3A_17 = vector.broadcast %max3A : f32 to vector<1000x1xf32>
    %max3A_18 = arith.maximumf %get3A_16, %max3A_17 : vector<1000x1xf32>
    %div3A = arith.constant 1.000000e+00 : f32
    %div3A_19 = vector.broadcast %div3A : f32 to vector<1000x1xf32>
    %div3A_20 = arith.divf %div3A_19, %max3A_18 : vector<1000x1xf32>
    %get3A_21 = arith.constant 0 : index
    %get3A_22 = arith.constant 0 : index
    %get3A_23 = vector.load %arg4[%get3A_21, %get3A_22] : memref<128x128xf32, #tpu.memory_space<vmem>>, vector<128x128xf32>
    %dot_general3A = arith.constant dense<0.000000e+00> : vector<1000x128xf32>
    %dot_general3A_24 = tpu.matmul %get3A_1, %get3A_23, %dot_general3A {dimension_numbers = #tpu.dot_dimension_numbers<[1], [0], [0], [1], [0, 0, 1, 1], [], []>, transpose_lhs_hint = false} : vector<1000x128xf32>, vector<128x128xf32>, vector<1000x128xf32> -> vector<1000x128xf32>
    %mul3A = vector.broadcast %div3A_20 : vector<1000x1xf32> to vector<1000x128xf32>
    %mul3A_25 = arith.mulf %concatenate3A, %mul3A : vector<1000x128xf32>
    %get3A_26 = arith.constant 0 : index
    %get3A_27 = arith.constant 0 : index
    %get3A_28 = vector.load %arg5[%get3A_26, %get3A_27] : memref<128x128xf32, #tpu.memory_space<vmem>>, vector<128x128xf32>
    %dot_general3A_29 = arith.constant dense<0.000000e+00> : vector<1000x128xf32>
    %dot_general3A_30 = tpu.matmul %mul3A_25, %get3A_28, %dot_general3A_29 {dimension_numbers = #tpu.dot_dimension_numbers<[1], [0], [0], [1], [0, 0, 1, 1], [], []>, transpose_lhs_hint = false} : vector<1000x128xf32>, vector<128x128xf32>, vector<1000x128xf32> -> vector<1000x128xf32>
    %add3A = arith.addf %dot_general3A_24, %dot_general3A_30 : vector<1000x128xf32>
    %get3A_31 = arith.constant 0 : index
    %get3A_32 = arith.constant 0 : index
    %get3A_33 = vector.load %arg6[%get3A_31, %get3A_32] : memref<1x128xf32, #tpu.memory_space<vmem>>, vector<1x128xf32>
    %add3A_34 = vector.broadcast %get3A_33 : vector<1x128xf32> to vector<1000x128xf32>
    %add3A_35 = arith.addf %add3A, %add3A_34 : vector<1000x128xf32>
    %max3A_36 = arith.constant 0.000000e+00 : f32
    %max3A_37 = vector.broadcast %max3A_36 : f32 to vector<1000x128xf32>
    %max3A_38 = arith.maximumf %add3A_35, %max3A_37 : vector<1000x128xf32>
    %swap3A = arith.constant 0 : index
    %swap3A_39 = arith.constant 0 : index
    %swap3A_40 = vector.load %arg7[%swap3A, %swap3A_39] : memref<1000x128xf32, #tpu.memory_space<vmem>>, vector<1000x128xf32>
    tpu.vector_store %arg7[%swap3A, %swap3A_39], %max3A_38 {strides = array<i32>} : memref<1000x128xf32, #tpu.memory_space<vmem>>, vector<1000x128xf32>,
    return
  }
  func.func @transform_0(%arg0: i32) -> (i32, i32) {
    %c0_i32 = arith.constant 0 : i32
    %c0_i32_0 = arith.constant 0 : i32
    return %arg0, %c0_i32 : i32, i32
  }
  func.func @transform_1(%arg0: i32) -> (i32, i32, i32) {
    %c0_i32 = arith.constant 0 : i32
    %c0_i32_0 = arith.constant 0 : i32
    %c0_i32_1 = arith.constant 0 : i32
    return %c0_i32, %arg0, %c0_i32_0 : i32, i32, i32
  }
  func.func @transform_2(%arg0: i32) -> (i32, i32, i32) {
    %c0_i32 = arith.constant 0 : i32
    %c0_i32_0 = arith.constant 0 : i32
    %c0_i32_1 = arith.constant 0 : i32
    return %c0_i32, %arg0, %c0_i32_0 : i32, i32, i32
  }
  func.func @transform_3(%arg0: i32) -> (i32, i32) {
    %c0_i32 = arith.constant 0 : i32
    %c0_i32_0 = arith.constant 0 : i32
    %c0_i32_1 = arith.constant 0 : i32
    return %c0_i32, %c0_i32_0 : i32, i32
  }
  func.func @transform_4(%arg0: i32) -> (i32, i32) {
    %c0_i32 = arith.constant 0 : i32
    %c0_i32_0 = arith.constant 0 : i32
    %c0_i32_1 = arith.constant 0 : i32
    return %c0_i32, %c0_i32_0 : i32, i32
  }
  func.func @transform_5(%arg0: i32) -> (i32, i32) {
    %c0_i32 = arith.constant 0 : i32
    %c0_i32_0 = arith.constant 0 : i32
    %c0_i32_1 = arith.constant 0 : i32
    return %c0_i32, %c0_i32_0 : i32, i32
  }
  func.func @transform_6(%arg0: i32) -> (i32, i32) {
    %c0_i32 = arith.constant 0 : i32
    %c0_i32_0 = arith.constant 0 : i32
    return %arg0, %c0_i32 : i32, i32
  }
}

module attributes {stable_mosaic.version = 14 : i64} {
  func.func @_tc_body(%arg0: i32, %arg1: memref<1000x128xf32, #tpu.memory_space<vmem>>, %arg2: memref<2x1000x64xf32, #tpu.memory_space<vmem>>, %arg3: memref<1x1000x16xf32, #tpu.memory_space<vmem>>, %arg4: memref<128x64xf32, #tpu.memory_space<vmem>>, %arg5: memref<128x64xf32, #tpu.memory_space<vmem>>, %arg6: memref<1x64xf32, #tpu.memory_space<vmem>>, %arg7: memref<1000x64xf32, #tpu.memory_space<vmem>>) attributes {dimension_semantics = [#tpu.dimension_semantics<arbitrary>], iteration_bounds = array<i64: 10>, scalar_prefetch = 0 : i64, scratch_operands = 0 : i64, tpu.core_type = #tpu.core_type<tc>, window_params = [{transform_indices = @transform_0, window_bounds = array<i64: 1000, 128>}, {transform_indices = @transform_1, window_bounds = array<i64: 2, 1000, 64>}, {transform_indices = @transform_2, window_bounds = array<i64: 1, 1000, 16>}, {pipeline_mode = #tpu.pipeline_mode<synchronous>, transform_indices = @transform_3, window_bounds = array<i64: 128, 64>}, {pipeline_mode = #tpu.pipeline_mode<synchronous>, transform_indices = @transform_4, window_bounds = array<i64: 128, 64>}, {pipeline_mode = #tpu.pipeline_mode<synchronous>, transform_indices = @transform_5, window_bounds = array<i64: 1, 64>}, {transform_indices = @transform_6, window_bounds = array<i64: 1000, 64>}]} {
    %get3A = arith.constant 0 : index
    %get3A_0 = arith.constant 0 : index
    %get3A_1 = vector.load %arg1[%get3A, %get3A_0] : memref<1000x128xf32, #tpu.memory_space<vmem>>, vector<1000x128xf32>
    %get3A_2 = arith.constant 0 : index
    %get3A_3 = arith.constant 0 : index
    %get3A_4 = arith.constant 0 : index
    %get3A_5 = vector.load %arg2[%get3A_2, %get3A_3, %get3A_4] : memref<2x1000x64xf32, #tpu.memory_space<vmem>>, vector<1x1000x64xf32>
    %get3A_6 = vector.shape_cast %get3A_5 : vector<1x1000x64xf32> to vector<1000x64xf32>
    %get3A_7 = arith.constant 1 : index
    %get3A_8 = arith.constant 0 : index
    %get3A_9 = arith.constant 0 : index
    %get3A_10 = vector.load %arg2[%get3A_7, %get3A_8, %get3A_9] : memref<2x1000x64xf32, #tpu.memory_space<vmem>>, vector<1x1000x64xf32>
    %get3A_11 = vector.shape_cast %get3A_10 : vector<1x1000x64xf32> to vector<1000x64xf32>
    %concatenate3A = tpu.concatenate %get3A_6, %get3A_11 in 1 : vector<1000x64xf32>, vector<1000x64xf32> -> vector<1000x128xf32>
    %get3A_12 = arith.constant 0 : index
    %get3A_13 = arith.constant 0 : index
    %get3A_14 = arith.constant 0 : index
    %get3A_15 = vector.load %arg3[%get3A_12, %get3A_13, %get3A_14] : memref<1x1000x16xf32, #tpu.memory_space<vmem>>, vector<1x1000x1xf32>
    %get3A_16 = vector.shape_cast %get3A_15 : vector<1x1000x1xf32> to vector<1000x1xf32>
    %max3A = arith.constant 1.000000e+00 : f32
    %max3A_17 = vector.broadcast %max3A : f32 to vector<1000x1xf32>
    %max3A_18 = arith.maximumf %get3A_16, %max3A_17 : vector<1000x1xf32>
    %div3A = arith.constant 1.000000e+00 : f32
    %div3A_19 = vector.broadcast %div3A : f32 to vector<1000x1xf32>
    %div3A_20 = arith.divf %div3A_19, %max3A_18 : vector<1000x1xf32>
    %get3A_21 = arith.constant 0 : index
    %get3A_22 = arith.constant 0 : index
    %get3A_23 = vector.load %arg4[%get3A_21, %get3A_22] : memref<128x64xf32, #tpu.memory_space<vmem>>, vector<128x64xf32>
    %dot_general3A = arith.constant dense<0.000000e+00> : vector<1000x64xf32>
    %dot_general3A_24 = tpu.matmul %get3A_1, %get3A_23, %dot_general3A {dimension_numbers = #tpu.dot_dimension_numbers<[1], [0], [0], [1], [0, 0, 1, 1], [], []>, transpose_lhs_hint = false} : vector<1000x128xf32>, vector<128x64xf32>, vector<1000x64xf32> -> vector<1000x64xf32>
    %mul3A = vector.broadcast %div3A_20 : vector<1000x1xf32> to vector<1000x128xf32>
    %mul3A_25 = arith.mulf %concatenate3A, %mul3A : vector<1000x128xf32>
    %get3A_26 = arith.constant 0 : index
    %get3A_27 = arith.constant 0 : index
    %get3A_28 = vector.load %arg5[%get3A_26, %get3A_27] : memref<128x64xf32, #tpu.memory_space<vmem>>, vector<128x64xf32>
    %dot_general3A_29 = arith.constant dense<0.000000e+00> : vector<1000x64xf32>
    %dot_general3A_30 = tpu.matmul %mul3A_25, %get3A_28, %dot_general3A_29 {dimension_numbers = #tpu.dot_dimension_numbers<[1], [0], [0], [1], [0, 0, 1, 1], [], []>, transpose_lhs_hint = false} : vector<1000x128xf32>, vector<128x64xf32>, vector<1000x64xf32> -> vector<1000x64xf32>
    %add3A = arith.addf %dot_general3A_24, %dot_general3A_30 : vector<1000x64xf32>
    %get3A_31 = arith.constant 0 : index
    %get3A_32 = arith.constant 0 : index
    %get3A_33 = vector.load %arg6[%get3A_31, %get3A_32] : memref<1x64xf32, #tpu.memory_space<vmem>>, vector<1x64xf32>
    %add3A_34 = vector.broadcast %get3A_33 : vector<1x64xf32> to vector<1000x64xf32>
    %add3A_35 = arith.addf %add3A, %add3A_34 : vector<1000x64xf32>
    %swap3A = arith.constant 0 : index
    %swap3A_36 = arith.constant 0 : index
    %swap3A_37 = vector.load %arg7[%swap3A, %swap3A_36] : memref<1000x64xf32, #tpu.memory_space<vmem>>, vector<1000x64xf32>
    tpu.vector_store %arg7[%swap3A, %swap3A_36], %add3A_35 {strides = array<i32>} : memref<1000x64xf32, #tpu.memory_space<vmem>>, vector<1000x64xf32>,
    return
  }
  func.func @transform_0(%arg0: i32) -> (i32, i32) {
    %c0_i32 = arith.constant 0 : i32
    %c0_i32_0 = arith.constant 0 : i32
    return %arg0, %c0_i32 : i32, i32
  }
  func.func @transform_1(%arg0: i32) -> (i32, i32, i32) {
    %c0_i32 = arith.constant 0 : i32
    %c0_i32_0 = arith.constant 0 : i32
    %c0_i32_1 = arith.constant 0 : i32
    return %c0_i32, %arg0, %c0_i32_0 : i32, i32, i32
  }
  func.func @transform_2(%arg0: i32) -> (i32, i32, i32) {
    %c0_i32 = arith.constant 0 : i32
    %c0_i32_0 = arith.constant 0 : i32
    %c0_i32_1 = arith.constant 0 : i32
    return %c0_i32, %arg0, %c0_i32_0 : i32, i32, i32
  }
  func.func @transform_3(%arg0: i32) -> (i32, i32) {
    %c0_i32 = arith.constant 0 : i32
    %c0_i32_0 = arith.constant 0 : i32
    %c0_i32_1 = arith.constant 0 : i32
    return %c0_i32, %c0_i32_0 : i32, i32
  }
  func.func @transform_4(%arg0: i32) -> (i32, i32) {
    %c0_i32 = arith.constant 0 : i32
    %c0_i32_0 = arith.constant 0 : i32
    %c0_i32_1 = arith.constant 0 : i32
    return %c0_i32, %c0_i32_0 : i32, i32
  }
  func.func @transform_5(%arg0: i32) -> (i32, i32) {
    %c0_i32 = arith.constant 0 : i32
    %c0_i32_0 = arith.constant 0 : i32
    %c0_i32_1 = arith.constant 0 : i32
    return %c0_i32, %c0_i32_0 : i32, i32
  }
  func.func @transform_6(%arg0: i32) -> (i32, i32) {
    %c0_i32 = arith.constant 0 : i32
    %c0_i32_0 = arith.constant 0 : i32
    return %arg0, %c0_i32 : i32, i32
  }
}

</mosaic_0001>

<sc_bundles>
// kernel: kernel.11.cloned.1.call-start
scs
__scs_entry_jumppad:
0x0: {  	(pc) =	sbr.rel $0x88, $3  }
0x1: {  	(tag) =	ssettag $0x0;
	lr =	simm.s32 $0x1  }
0x2: {  	[smem:$0x3F96] =	sst lr;
	_ =	strace $0xD0000000  }
0x3: {  	_ = 	snop  }
0x4: {  	_ = 	snop  }
0x5: {  	_ = 	snop  }
0x6: {  	_ = 	snop  }
0x7: {  	_ = 	snop  }
__scs_overlays_trampoline_lowered:
0x8: {  	[smem:$0x3FA5] =	sst s0  }
0x9: {  	[smem:$0x3FA6] =	sst s1  }
0xa: {  	[smem:$0x3FA7] =	sst s2  }
0xb: {  	[smem:$0x3FA8] =	sst s3  }
0xc: {  	[smem:$0x3FA9] =	sst s4  }
0xd: {  	[smem:$0x3FAA] =	sst s5  }
0xe: {  	[smem:$0x3FAB] =	sst s6  }
0xf: {  	[smem:$0x3FAC] =	sst s7  }
0x10: {  	[smem:$0x3FAD] =	sst s8  }
0x11: {  	[smem:$0x3FAE] =	sst s9;
	s0 =	simm.s32 @!p0 $0x0  }
0x12: {  	s1 =	sld [smem:$0x3F94];
	s0 =	simm.s32 @p0 $0x1  }
0x13: {  	[smem:$0x3FAF] =	sst s0;
	s0 =	simm.s32 @!p1 $0x0  }
0x14: {  	s2 =	sld [smem:$0x3F93];
	s0 =	simm.s32 @p1 $0x1  }
0x15: {  	[smem:$0x3FB0] =	sst s0;
	s0 =	simm.s32 @!p2 $0x0  }
0x16: {  	s3 =	sld [smem:$0x3FDB];
	s0 =	simm.s32 @p2 $0x1  }
0x17: {  	s4 =	simm.s32 $0x1BF5;
	[smem:$0x3FB2] =	sst s0  }
0x18: {  	s0 =	sld [smem:$0x3F95];
	_ =	swait.ge [sflag:s4], $0x0  }
0x19: {  	s7 =	sld [smem:$0x3F96]  }
0x1a: {  	s8 =	sadd.s32 $0xFFFFE003, lr  }
0x1b: {  	s9 =	sadd.s32 $0xFFFFFEF7, lr;
	s5 =	simm.s32 $0xFFFFFFFF;
	p2 =	slt.u32 s8, $0xFFFFF086  }
0x1c: {  	p1 =	slt.u32 s9, $0xF7A;
	s5 =	simm.s32 @!p2 $0x0  }
0x1d: {  	s5 =	simm.s32 @p1 $0x1;
	p0 =	seq.s32 s7, s2  }
0x1e: {  	s7 =	smul.u32 @!p0 $0xF7A, s2;
	p2 =	seq.s32 @!p0 s5, $0x0  }
0x1f: {  	s9 =	smul.u32 $0xF7A, s1;
	s8 =	simm.s32 @!p0 $0x1BF5;
	p2 =	por !p2, p0  }
0x20: {  	[sflag:s8] =	ssyncset.s32 @!p0 $0xFFFFF086;
	s6 =	sadd.s32 @!p0 s3, s7;
	s7 =	simm.s32 @!p0 $0x108  }
0x21: {  	s3 =	sadd.s32 s3, s9;
	s6 =	sadd.s32 @!p0 $0x88, s6;
	s7 =	simm.s32 @p2 $0x1082  }
0x22: {  	[simem:s7], [sflag:s8] =	dma.local @!p0 [hbm:s6], $0xF7A  }
0x23: {  	s9 =	sor.u32 $0xD0000000, s2;
	s6 =	simm.s32 $0x108;
	_ =	swait.ge @!p0 [sflag:s8], $0x0  }
0x24: {  	s3 =	sadd.s32 $0x88, s3;
	s6 =	simm.s32 @!p1 $0x1082;
	[sflag:s4] =	ssyncset.s32 $0xFFFFF086  }
0x25: {  	[simem:s6], [sflag:s4] =	dma.local [hbm:s3], $0xF7A  }
0x26: {  	[smem:$0x3F96] =	sst s1;
	(tag) =	ssettag s2;
	_ =	strace s9  }
0x27: {  	s1 =	sld [smem:$0x3FA6]  }
0x28: {  	s2 =	sld [smem:$0x3FA7]  }
0x29: {  	s4 =	sld [smem:$0x3FA9]  }
0x2a: {  	p0 =	seq.s32 s5, $0x0;
	s5 =	sld [smem:$0x3FAA]  }
0x2b: {  	s6 =	sld [smem:$0x3FAB]  }
0x2c: {  	s7 =	sld [smem:$0x3FAC]  }
0x2d: {  	s3 =	simm.s32 $0x108;
	s8 =	sld [smem:$0x3FAD]  }
0x2e: {  	s3 =	simm.s32 @!p0 $0x1082;
	s9 =	sld [smem:$0x3FAE]  }
0x2f: {  	lr =	sadd.s32 s0, s3;
	s0 =	sld [smem:$0x3FA5]  }
0x30: {  	s3 =	sld [smem:$0x3FA8]  }
0x31: {  	[smem:$0x3FB1] =	sst s10  }
0x32: {  	s10 =	sld [smem:$0x3FAF];
	_ =	sdelay $0x3  }
0x33: {  	p0 =	seq.s32 s10, $0x1;
	s10 =	sld [smem:$0x3FB1];
	_ =	sdelay $0x3  }
0x34: {  	[smem:$0x3FB1] =	sst s10  }
0x35: {  	s10 =	sld [smem:$0x3FB0];
	_ =	sdelay $0x3  }
0x36: {  	p1 =	seq.s32 s10, $0x1;
	s10 =	sld [smem:$0x3FB1];
	_ =	sdelay $0x3  }
0x37: {  	[smem:$0x3FB1] =	sst s10  }
0x38: {  	s10 =	sld [smem:$0x3FB2]  }
0x39: {  	_ = 	snop;
	(pc) =	sbr.ind lr, $3  }
0x3a: {  	_ = 	snop  }
0x3b: {  	_ = 	snop  }
0x3c: {  	p2 =	seq.s32 s10, $0x1;
	s10 =	sld [smem:$0x3FB1]  }
0x3d: {  	_ =	shalt  }
0x3e: {  	_ =	shalt  }
0x3f: {  	_ =	shalt  }
0x40: {  	_ =	shalt  }
0x41: {  	_ =	shalt  }
0x42: {  	_ =	shalt  }
0x43: {  	_ =	shalt  }
0x44: {  	_ =	shalt  }
0x45: {  	_ =	shalt  }
0x46: {  	_ =	shalt  }
0x47: {  	_ =	shalt  }
0x48: {  	_ =	shalt  }
0x49: {  	_ =	shalt  }
0x4a: {  	_ =	shalt  }
0x4b: {  	_ =	shalt  }
0x4c: {  	_ =	shalt  }
0x4d: {  	_ =	shalt  }
0x4e: {  	_ =	shalt  }
0x4f: {  	_ =	shalt  }
0x50: {  	_ =	shalt  }
0x51: {  	_ =	shalt  }
0x52: {  	_ =	shalt  }
0x53: {  	_ =	shalt  }
0x54: {  	_ =	shalt  }
0x55: {  	_ =	shalt  }
0x56: {  	_ =	shalt  }
0x57: {  	_ =	shalt  }
0x58: {  	_ =	shalt  }
0x59: {  	_ =	shalt  }
0x5a: {  	_ =	shalt  }
0x5b: {  	_ =	shalt  }
0x5c: {  	_ =	shalt  }
0x5d: {  	_ =	shalt  }
0x5e: {  	_ =	shalt  }
0x5f: {  	_ =	shalt  }
0x60: {  	_ =	shalt  }
0x61: {  	_ =	shalt  }
0x62: {  	_ =	shalt  }
0x63: {  	_ =	shalt  }
0x64: {  	_ =	shalt  }
0x65: {  	_ =	shalt  }
0x66: {  	_ =	shalt  }
0x67: {  	_ =	shalt  }
0x68: {  	_ =	shalt  }
0x69: {  	_ =	shalt  }
0x6a: {  	_ =	shalt  }
0x6b: {  	_ =	shalt  }
0x6c: {  	_ =	shalt  }
0x6d: {  	_ =	shalt  }
0x6e: {  	_ =	shalt  }
0x6f: {  	_ =	shalt  }
0x70: {  	_ =	shalt  }
0x71: {  	_ =	shalt  }
0x72: {  	_ =	shalt  }
0x73: {  	_ =	shalt  }
0x74: {  	_ =	shalt  }
0x75: {  	_ =	shalt  }
0x76: {  	_ =	shalt  }
0x77: {  	_ =	shalt  }
0x78: {  	_ =	shalt  }
0x79: {  	_ =	shalt  }
0x7a: {  	_ =	shalt  }
0x7b: {  	_ =	shalt  }
0x7c: {  	_ =	shalt  }
0x7d: {  	_ =	shalt  }
0x7e: {  	_ =	shalt  }
0x7f: {  	_ =	shalt  }
0x80: {  	_ =	shalt  }
0x81: {  	_ =	shalt  }
0x82: {  	_ =	shalt  }
0x83: {  	_ =	shalt  }
0x84: {  	_ =	shalt  }
0x85: {  	_ =	shalt  }
0x86: {  	_ =	shalt  }
0x87: {  	_ =	shalt  }
.Lfunc_end0:
.L_simem_size_0:
called_computation.1_lowered:
.L_overlay_start_0:
0x88: {  	s2 =	sld [smem:$0x3FD9]  }
0x89: {  	s3 =	sld [smem:$0x3FFE];
	_ =	sdelay $0x1  }
0x8a: {  	s1 =	srdreg.scid  }
0x8b: {  	s0 =	sand.u32 $0x1, s1  }
0x8c: {  	s17 =	sshll.u32 s0, $0xA;
	s2 =	sadd.s32 s3, s2  }
0x8d: {  	s2 =	sadd.s32 s2, s17  }
0x8e: {  	[smem:$0x3FBD] =	sst s2  }
0x8f: {  	_ = 	snop  }
0x90: {  	s2 =	sld [smem:$0x3FD0];
	(tm) =	ssettm $0x1  }
0x91: {  	s18 =	sld [smem:$0x3FFB];
	_ =	sdelay $0x3  }
0x92: {  	_ =	strace s18  }
0x93: {  	s3 =	sld [smem:$0x3FFC];
	_ =	sdelay $0x3  }
0x94: {  	_ =	strace s3  }
0x95: {  	s3 =	sld [smem:$0x3FFD];
	_ =	sdelay $0x3  }
0x96: {  	_ =	strace s3  }
0x97: {  	_ =	strace $0x8FFFFFFF  }
0x98: {  	s19 =	sld [smem:$0x3FDB];
	_ =	sdelay $0x1  }
0x99: {  	s4 =	simm.s32 $_scs_section_size  }
0x9a: {  	s5 =	simm.s32 $_size__tile_overlayer_lowered;
	s6 =	simm.s32 $_tile_overlayer_lowered  }
0x9b: {  	s22 =	simm.s32 $0x1BFF;
	s21 =	sshll.u32 s6, $0x1;
	s3 =	sadd.s32 s4, s19  }
0x9c: {  	s7 =	simm.s32 $0x0;
	s20 =	sshll.u32 s5, $0x1;
	s5 =	sadd.s32 s21, s3  }
0x9d: {  	[timem:s7], [sflag:s22] =	dma.local [hbm:s5], s20  }
0x9e: {  	_ =	swait.ge [sflag:s22], s20  }
0x9f: {  	s4 =	ssub.s32 $0x0, s20;
	[sflag:s22] =	ssyncset.done $0x0  }
0xa0: {  	[sflag:s22] =	ssyncadd.s32 s4;
	_ =	sdelay $0x1  }
0xa1: {  	s23 =	simm.s32 $0x1B8B  }
0xa2: {  	_ =	swait.ge [sflag:s23], $0x1  }
0xa3: {  	[sflag:s23] =	ssyncset.done $0x0  }
0xa4: {  	s25 =	simm.s32 $0x1B8E;
	s24 =	sld [smem:$0x3FFE];
	[sflag:s23] =	ssyncadd.s32 $0xFFFFFFFF  }
0xa5: {  	s26 =	simm.s32 $execute0_lowered;
	[smem:$0x3FD2] =	sst s25  }
0xa6: {  	s5 =	sshll.u32 s26, $0x1;
	_ =	strace $0x80000049;
	[dreg:$0x1] =	wrdreg $0xFFFFFFFF  }
0xa7: {  	s28 =	simm.s32 $_size_execute0_lowered;
	s3 =	sadd.s32 s3, s5;
	[dreg:$0x0] =	wrdreg $0x0  }
0xa8: {  	s5 =	sshll.u32 s28, $0x1;
	[dreg:$0x2] =	wrdreg s3  }
0xa9: {  	[dreg:$0x3] =	wrdreg s5  }
0xaa: {  	[dreg:$0x4] =	wrdreg $0xC0  }
0xab: {  	_ =	task [dreg:s7], $0x5FFFF  }
0xac: {  	[dreg:$0x1] =	wrdreg $0xFFFFFFFF  }
0xad: {  	[dreg:$0x0] =	wrdreg $0x60  }
0xae: {  	[dreg:$0x2] =	wrdreg s24  }
0xaf: {  	[dreg:$0x3] =	wrdreg s2  }
0xb0: {  	[dreg:$0x4] =	wrdreg $0x130000  }
0xb1: {  	[dreg:$0x5] =	wrdreg $0x1D0000  }
0xb2: {  	[dreg:$0x6] =	wrdreg $0x9  }
0xb3: {  	_ =	task.clear_ibuf [dreg:s7], $0x7FFFF;
	_ =	strace $0x90000049  }
0xb4: {  	s29 =	simm.s32 $0x9;
	_ =	strace $0x8000004B  }
0xb5: {  	_ =	swait.ge [sflag:s29], $0x1  }
0xb6: {  	[sflag:s29] =	ssyncadd.s32 $0xFFFFFFFF  }
0xb7: {  	_ =	strace $0x9000004B  }
0xb8: {  	_ =	sfence  }
0xb9: {  	s30 =	sld [smem:$0x0];
	_ =	sdelay $0x2  }
0xba: {  	s31 =	sshll.u32 s1, $0xD;
	s1 =	sshrl.u32 s1, $0x2  }
0xbb: {  	s3 =	sand.u32 $0x4000, s31;
	s1 =	sadd.s32 s1, s30  }
0xbc: {  	s0 =	sor.u32 s3, s0;
	s1 =	sshll.u32 s1, $0x11  }
0xbd: {  	s0 =	sor.u32 s1, s0  }
0xbe: {  	s0 =	sadd.s32 $0x8F2B, s0  }
0xbf: {  	[sflag:s0] =	ssyncadd.remote.s32 $0x1  }
0xc0: {  	_ =	sfence.sel $0xFFFF  }
0xc1: {  	[dreg:$0x0] =	wrdreg $0xFFFFFFFF;
	(pc) =	sbr.abs _section_cstart, $3  }
0xc2: {  	[dreg:$0x1] =	wrdreg $0xFFFFFFFF  }
0xc3: {  	_ =	task.clear_ibuf [dreg:s7], $0x2FFFF;
	_ =	strace $0x9FFFFFFF  }
0xc4: {  	(tm) =	ssettm $0x7FFFFFFF  }
0xc5: {  	_ =	shalt  }
tec
execute0_lowered:
.L_overlay_start_1:
0x0: {  	(tag) =	ssettag $0x1  }
0x1: {  	s0 =	srdreg.scid;
	s3 =	rddreg [dreg:$0x0]  }
0x2: {  	s1 =	stileid.u32;
	s5 =	rddreg [dreg:$0x1];
	s6 =	simm.s32 $0x0  }
0x3: {  	s28 =	simm.s32 $0x5;
	s31 =	simm.s32 $0x7;
	s4 =	smul.u32 $0xA00, s1  }
0x4: {  	s30 =	simm.s32 $0xB;
	s0 =	sand.u32 $0x1, s0;
	s9 =	smul.u32 $0x280, s1  }
0x5: {  	[smem:$0x7FF] =	sst s6;
	s7 =	sadd.s32 $0x3D800, s3;
	s2 =	smul.u32 $0x13880, s0  }
0x6: {  	s8 =	ssub.s32 $0x2, s0;
	s11 =	smul.u32 $0xA0000, s0;
	s6 =	sadd.s32 s4, s3  }
0x7: {  	s10 =	sshrl.u32 s8, $0x1;
	s12 =	sadd.s32 $0x80, s9;
	s19 =	sadd.s32 s5, s4  }
0x8: {  	s4 =	smul.u32 $0xA000, s1;
	s13 =	sadd.s32 $0x100, s9;
	s14 =	sadd.s32 $0x180, s9  }
0x9: {  	s9 =	sadd.s32 $0x200, s9;
	s2 =	sadd.s32 s2, s3;
	s3 =	sadd.s32 $0x33800, s3  }
0xa: {  	s8 =	ssub.s32 s8, s10;
	s10 =	smul.u32 $0x28000, s0;
	[dreg:$0x5] =	wrdreg s19  }
0xb: {  	s5 =	sshll.u32 s12, $0x6;
	s0 =	smul.u32 $0x2800, s1;
	s15 =	sshll.u32 s13, $0x6  }
0xc: {  	s16 =	sshll.u32 s14, $0x6;
	s19 =	sshll.u32 s9, $0x6;
	s17 =	sadd.s32 s11, s4  }
0xd: {  	s13 =	sshll.u32 s13, $0x4;
	s21 =	sadd.s32 s11, s5;
	s17 =	sshrl.u32 s17, $0x3  }
0xe: {  	s18 =	sadd.s32 s10, s0;
	s22 =	sshrl.u32 s21, $0x3;
	s17 =	sadd.s32 s7, s17  }
0xf: {  	s20 =	sshrl.u32 s18, $0x3;
	s18 =	sshll.u32 s12, $0x4;
	s12 =	sadd.s32 s7, s22  }
0x10: {  	[dreg:$0x6] =	wrdreg s17;
	s17 =	sadd.s32 s3, s20;
	s20 =	sadd.s32 s11, s15  }
0x11: {  	s26 =	sadd.s32 s11, s16;
	[dreg:$0x8] =	wrdreg s12;
	s25 =	sshrl.u32 s20, $0x3  }
0x12: {  	s29 =	sadd.s32 s10, s13;
	[dreg:$0x7] =	wrdreg s17;
	s17 =	sadd.s32 s7, s25  }
0x13: {  	s11 =	sadd.s32 s11, s19;
	[dreg:$0x9] =	wrdreg s17;
	s17 =	sshrl.u32 s26, $0x3  }
0x14: {  	s12 =	rddreg [dreg:$0x2];
	s11 =	sshrl.u32 s11, $0x3;
	s17 =	sadd.s32 s7, s17  }
0x15: {  	s7 =	sadd.s32 s7, s11;
	s11 =	sshll.u32 s14, $0x4;
	s14 =	rddreg [dreg:$0x3]  }
0x16: {  	s23 =	sadd.s32 s10, s18;
	[dreg:$0xb] =	wrdreg s7;
	s7 =	sshrl.u32 s29, $0x3  }
0x17: {  	s24 =	sshrl.u32 s23, $0x3;
	[dreg:$0xa] =	wrdreg s17;
	s7 =	sadd.s32 s3, s7  }
0x18: {  	s20 =	sadd.s32 s10, s11;
	[dreg:$0xd] =	wrdreg s7;
	s7 =	sshll.u32 s9, $0x4  }
0x19: {  	s17 =	sadd.s32 s3, s24;
	s9 =	sshrl.u32 s20, $0x3;
	s10 =	sadd.s32 s10, s7  }
0x1a: {  	[dreg:$0xc] =	wrdreg s17;
	s9 =	sadd.s32 s3, s9;
	s21 =	sshrl.u32 s10, $0x3  }
0x1b: {  	s22 =	smul.u32 $0x28000, s1;
	[dreg:$0xe] =	wrdreg s9;
	s3 =	sadd.s32 s3, s21  }
0x1c: {  	s23 =	sadd.s32 $0x29800, s6;
	s25 =	sadd.s32 s4, s12;
	[dreg:$0xf] =	wrdreg s3  }
0x1d: {  	s26 =	sshrl.u32 s4, $0x2;
	_ =	strace $0x8000004A;
	[dreg:$0x10] =	wrdreg s23  }
0x1e: {  	s24 =	sshrl.u32 s22, $0x2;
	s29 =	smax.u32 s8, $0x1;
	[dreg:$0x11] =	wrdreg s25  }
0x1f: {  	s17 =	sadd.s32 $0x2600, s2;
	s2 =	sadd.s32 s24, s12;
	[dreg:$0x12] =	wrdreg s29  }
0x20: {  	s6 =	sshrl.u32 s15, $0x2;
	s3 =	sadd.s32 s26, s14;
	[dreg:$0x13] =	wrdreg s2  }
0x21: {  	s4 =	sadd.s32 s5, s12;
	s5 =	sshrl.u32 s5, $0x2;
	[dreg:$0x14] =	wrdreg s3  }
0x22: {  	s8 =	sadd.s32 s5, s14;
	s22 =	sadd.s32 s19, s12;
	[dreg:$0x15] =	wrdreg s4  }
0x23: {  	s0 =	sadd.s32 s0, s14;
	s9 =	sadd.s32 s15, s12;
	[dreg:$0x16] =	wrdreg s8  }
0x24: {  	s5 =	simm.s32 $0xD;
	s10 =	sadd.s32 s6, s14;
	[dreg:$0x17] =	wrdreg s9  }
0x25: {  	s15 =	sadd.s32 s16, s12;
	s16 =	sshrl.u32 s16, $0x2;
	[dreg:$0x18] =	wrdreg s10  }
0x26: {  	s24 =	sadd.s32 s18, s14;
	s21 =	sadd.s32 s16, s14;
	[dreg:$0x19] =	wrdreg s15  }
0x27: {  	s18 =	simm.s32 $0x1;
	s20 =	sshrl.u32 s19, $0x2;
	[dreg:$0x1a] =	wrdreg s21  }
0x28: {  	s19 =	simm.s32 $0x4;
	s6 =	simm.s32 $0x10800;
	[dreg:$0x1b] =	wrdreg s22  }
0x29: {  	s16 =	simm.s32 $0xD000;
	s26 =	sadd.s32 s11, s14;
	[dreg:$0x1d] =	wrdreg s0  }
0x2a: {  	s11 =	simm.s32 $0xA;
	s23 =	sadd.s32 s20, s14;
	[dreg:$0x1e] =	wrdreg s24  }
0x2b: {  	s25 =	sadd.s32 s13, s14;
	[smem:$0x7FC] =	sst s26;
	s29 =	sadd.s32 s7, s14  }
0x2c: {  	s8 =	simm.s32 $0x40;
	s9 =	simm.s32 $0xA000;
	s10 =	simm.s32 $0xB000  }
0x2d: {  	s13 =	simm.s32 $0x80;
	s15 =	simm.s32 $0xC000;
	s20 =	simm.s32 $0x10000  }
0x2e: {  	s21 =	simm.s32 $0xE000;
	s0 =	simm.s32 $0x3;
	s2 =	simm.s32 $0x6  }
0x2f: {  	s3 =	simm.s32 $0x8;
	s7 =	simm.s32 $0x9;
	[dreg:$0x1c] =	wrdreg s23  }
0x30: {  	s22 =	simm.s32 $0xC;
	s24 =	simm.s32 $0x0;
	[dreg:$0x1f] =	wrdreg s25  }
0x31: {  	v0 =	vimm.f32 $0.0e+00;
	v1 =	vimm.f32 $1.000000000e+00;
	[smem:$0x7FD] =	sst s29;
	s23 =	simm.s32 $0xF000;
	s25 =	simm.s32 $0x2  }
.LBB2_1:
0x32: {  	s26 =	simm.s32 $0x11020  }
0x33: {  	[tilespmem:s26+$0xFFFFFFE0] =	vst v0  }
0x34: {  	[tilespmem:s26+$0x10] =	vst v0  }
0x35: {  	[tilespmem:s26+$0x0] =	vst v0  }
0x36: {  	s29 =	simm.s32 $0x40;
	s4 =	simm.s32 $0x0;
	[tilespmem:s26+$0xFFFFFFF0] =	vst v0  }
.LBB2_2:
0x37: {  	p0 =	sne.s32 s29, $0x1FC0  }
0x38: {  	[tilespmem:s4+$0x10800] =	vst v0;
	s26 =	sadd.s32 $0x40, s26;
	s1 =	smov.u32 s29;
	s29 =	sadd.s32 $0x40, s29  }
.Ltmp0:
0x39: {  	[tilespmem:s4+$0x10000] =	vst v1;
	(pc) =	sbr.rel @p0 .LBB2_2-.Ltmp0, $4  }
0x3a: {  	[tilespmem:s26+$0xFFFFFFE0] =	vst v0  }
0x3b: {  	[tilespmem:s26+$0x10] =	vst v0  }
0x3c: {  	[tilespmem:s26+$0x0] =	vst v0  }
0x3d: {  	s4 =	sshra.s32 s1, $0x2;
	[tilespmem:s26+$0xFFFFFFF0] =	vst v0  }
0x3e: {  	[tilespmem:s4+$0x10800] =	vst v0  }
0x3f: {  	[tilespmem:s4+$0x10000] =	vst v1;
	s1 =	rddreg [dreg:$0x13];
	s4 =	simm.s32 $0x11000  }
0x40: {  	[spmem:s1] =	stream.linear.scatter [tilespmem:s4], [sflag:$0xD], $0x2000, $0x38;
	[tilespmem:$0x1F800] =	vst v63  }
0x41: {  	_ =	swait.ge [sflag:s5], $0x2000  }
0x42: {  	[sflag:s5] =	ssyncset.done $0x0  }
0x43: {  	s26 =	rddreg [dreg:$0x14];
	[sflag:s5] =	ssyncadd.s32 $0xFFFFE000  }
0x44: {  	[spmem:s26] =	stream.linear.scatter [tilespmem:s6], [sflag:$0xD], $0x800, $0x38;
	[tilespmem:$0x1F800] =	vst v63  }
0x45: {  	_ =	swait.ge [sflag:s5], $0x800  }
0x46: {  	[sflag:s5] =	ssyncset.done $0x0  }
0x47: {  	s29 =	rddreg [dreg:$0x15];
	[sflag:s5] =	ssyncadd.s32 $0xFFFFF800  }
0x48: {  	[spmem:s29] =	stream.linear.scatter [tilespmem:s4], [sflag:$0xD], $0x2000, $0x38;
	[tilespmem:$0x1F800] =	vst v63  }
0x49: {  	_ =	swait.ge [sflag:s5], $0x2000  }
0x4a: {  	[sflag:s5] =	ssyncset.done $0x0  }
0x4b: {  	s26 =	rddreg [dreg:$0x16];
	[sflag:s5] =	ssyncadd.s32 $0xFFFFE000  }
0x4c: {  	[spmem:s26] =	stream.linear.scatter [tilespmem:s6], [sflag:$0xD], $0x800, $0x38;
	[tilespmem:$0x1F800] =	vst v63  }
0x4d: {  	_ =	swait.ge [sflag:s5], $0x800  }
0x4e: {  	[sflag:s5] =	ssyncset.done $0x0  }
0x4f: {  	s29 =	rddreg [dreg:$0x17];
	[sflag:s5] =	ssyncadd.s32 $0xFFFFF800  }
0x50: {  	[spmem:s29] =	stream.linear.scatter [tilespmem:s4], [sflag:$0xD], $0x2000, $0x38;
	[tilespmem:$0x1F800] =	vst v63  }
0x51: {  	_ =	swait.ge [sflag:s5], $0x2000  }
0x52: {  	[sflag:s5] =	ssyncset.done $0x0  }
0x53: {  	s26 =	rddreg [dreg:$0x18];
	[sflag:s5] =	ssyncadd.s32 $0xFFFFE000  }
0x54: {  	[spmem:s26] =	stream.linear.scatter [tilespmem:s6], [sflag:$0xD], $0x800, $0x38;
	[tilespmem:$0x1F800] =	vst v63  }
0x55: {  	_ =	swait.ge [sflag:s5], $0x800  }
0x56: {  	[sflag:s5] =	ssyncset.done $0x0  }
0x57: {  	s29 =	rddreg [dreg:$0x19];
	[sflag:s5] =	ssyncadd.s32 $0xFFFFF800  }
0x58: {  	[spmem:s29] =	stream.linear.scatter [tilespmem:s4], [sflag:$0xD], $0x2000, $0x38;
	[tilespmem:$0x1F800] =	vst v63  }
0x59: {  	_ =	swait.ge [sflag:s5], $0x2000  }
0x5a: {  	[sflag:s5] =	ssyncset.done $0x0  }
0x5b: {  	s26 =	rddreg [dreg:$0x1a];
	[sflag:s5] =	ssyncadd.s32 $0xFFFFE000  }
0x5c: {  	[spmem:s26] =	stream.linear.scatter [tilespmem:s6], [sflag:$0xD], $0x800, $0x38;
	[tilespmem:$0x1F800] =	vst v63  }
0x5d: {  	_ =	swait.ge [sflag:s5], $0x800  }
0x5e: {  	[sflag:s5] =	ssyncset.done $0x0  }
0x5f: {  	s29 =	rddreg [dreg:$0x1b];
	[sflag:s5] =	ssyncadd.s32 $0xFFFFF800  }
0x60: {  	[spmem:s29] =	stream.linear.scatter [tilespmem:s4], [sflag:$0xD], $0x2000, $0x38;
	[tilespmem:$0x1F800] =	vst v63  }
0x61: {  	_ =	swait.ge [sflag:s5], $0x2000  }
0x62: {  	[sflag:s5] =	ssyncset.done $0x0  }
0x63: {  	s4 =	rddreg [dreg:$0x1c];
	[sflag:s5] =	ssyncadd.s32 $0xFFFFE000  }
0x64: {  	[spmem:s4] =	stream.linear.scatter [tilespmem:s6], [sflag:$0xD], $0x800, $0x38;
	[tilespmem:$0x1F800] =	vst v63  }
0x65: {  	_ =	swait.ge [sflag:s5], $0x800  }
0x66: {  	[sflag:s5] =	ssyncset.done $0x0  }
0x67: {  	[sflag:s5] =	ssyncadd.s32 $0xFFFFF800  }
0x68: {  	[bflag:$0x0] =	sbarrier.arrive $0xFFFF  }
0x69: {  	s1 =	simm.s32 $0x0;
	s26 =	rddreg [dreg:$0x5]  }
0x6a: {  	[tilespmem:s1], [sflag:$0xD] =	stream.linear.gather [hbm4b:s26+s1], $0x5000, $0x38;
	[tilespmem:$0x1F800] =	vst v63  }
0x6b: {  	_ =	swait.ge [sflag:s5], $0x5000  }
0x6c: {  	[sflag:s5] =	ssyncset.done $0x0  }
0x6d: {  	s26 =	simm.s32 $0x5000;
	s29 =	rddreg [dreg:$0x10];
	[sflag:s5] =	ssyncadd.s32 $0xFFFFB000  }
0x6e: {  	[tilespmem:s26], [sflag:$0xD] =	stream.linear.gather [hbm4b:s29+s1], $0x5000, $0x38;
	[tilespmem:$0x1F800] =	vst v63  }
0x6f: {  	_ =	swait.ge [sflag:s5], $0x5000  }
0x70: {  	[sflag:s5] =	ssyncset.done $0x0  }
0x71: {  	[sflag:s5] =	ssyncadd.s32 $0xFFFFB000  }
0x72: {  	[tilespmem:s9], [sflag:$0x1] =	stream.indirect.gather [hbm4b:s17+s8], $0x40, s1, s8, $0xb8;
	[tilespmem:$0x1F800] =	vst v63  }
0x73: {  	_ = 	snop  }
0x74: {  	[tilespmem:s10], [sflag:$0x4] =	stream.indirect.gather [hbm4b:s17+s8], $0x40, s8, s8, $0xb8;
	[tilespmem:$0x1F800] =	vst v63  }
0x75: {  	_ = 	snop  }
0x76: {  	[tilespmem:s15], [sflag:$0x2] =	stream.indirect.gather [hbm4b:s17+s8], $0x40, s13, s8, $0xb8;
	[tilespmem:$0x1F800] =	vst v63  }
0x77: {  	s4 =	simm.s32 $0xC0  }
0x78: {  	[tilespmem:s16], [sflag:$0x5] =	stream.indirect.gather [hbm4b:s17+s8], $0x40, s4, s8, $0xb8;
	[tilespmem:$0x1F800] =	vst v63  }
0x79: {  	_ =	swait.ge [sflag:s18], $0x1000  }
0x7a: {  	[sflag:s18] =	ssyncset.done $0x0  }
0x7b: {  	[sflag:s18] =	ssyncadd.s32 $0xFFFFF000  }
0x7c: {  	_ =	swait.ge [sflag:s19], $0x1000  }
0x7d: {  	[sflag:s19] =	ssyncset.done $0x0  }
0x7e: {  	[sflag:s19] =	ssyncadd.s32 $0xFFFFF000  }
0x7f: {  	[spmem:s12] =	stream.indirect.scatter.add.f32 [tilespmem:s9], [sflag:$0x7], $0x40, s26, s13, $0xb8;
	[tilespmem:$0x1F800] =	vst v63  }
0x80: {  	_ = 	snop  }
0x81: {  	[spmem:s14] =	stream.indirect.scatter.add.f32 [tilespmem:s20], [sflag:$0xA], $0x10, s26, s13, $0xb8;
	[tilespmem:$0x1F800] =	vst v63  }
0x82: {  	s29 =	simm.s32 $0x100  }
0x83: {  	[tilespmem:s21], [sflag:$0x3] =	stream.indirect.gather [hbm4b:s17+s8], $0x40, s29, s8, $0xb8;
	[tilespmem:$0x1F800] =	vst v63  }
0x84: {  	s4 =	simm.s32 $0x140  }
0x85: {  	[tilespmem:s23], [sflag:$0x6] =	stream.indirect.gather [hbm4b:s17+s8], $0x40, s4, s8, $0xb8;
	[tilespmem:$0x1F800] =	vst v63  }
0x86: {  	_ =	swait.ge [sflag:s25], $0x1000  }
0x87: {  	[sflag:s25] =	ssyncset.done $0x0  }
0x88: {  	[sflag:s25] =	ssyncadd.s32 $0xFFFFF000  }
0x89: {  	_ =	swait.ge [sflag:s28], $0x1000  }
0x8a: {  	[sflag:s28] =	ssyncset.done $0x0  }
0x8b: {  	s26 =	simm.s32 $0x5080;
	[sflag:s28] =	ssyncadd.s32 $0xFFFFF000  }
0x8c: {  	[spmem:s12] =	stream.indirect.scatter.add.f32 [tilespmem:s15], [sflag:$0x8], $0x40, s26, s13, $0xb8;
	[tilespmem:$0x1F800] =	vst v63  }
0x8d: {  	_ = 	snop  }
0x8e: {  	[spmem:s14] =	stream.indirect.scatter.add.f32 [tilespmem:s20], [sflag:$0xB], $0x10, s26, s13, $0xb8;
	[tilespmem:$0x1F800] =	vst v63  }
0x8f: {  	_ =	swait.ge [sflag:s31], $0x2000  }
0x90: {  	[sflag:s31] =	ssyncset.done $0x0  }
0x91: {  	[sflag:s31] =	ssyncadd.s32 $0xFFFFE000  }
0x92: {  	_ =	swait.ge [sflag:s11], $0x800  }
0x93: {  	[sflag:s11] =	ssyncset.done $0x0  }
0x94: {  	s29 =	simm.s32 $0x180;
	[sflag:s11] =	ssyncadd.s32 $0xFFFFF800  }
0x95: {  	[tilespmem:s9], [sflag:$0x1] =	stream.indirect.gather [hbm4b:s17+s8], $0x40, s29, s8, $0xb8;
	[tilespmem:$0x1F800] =	vst v63  }
0x96: {  	s4 =	simm.s32 $0x1C0  }
0x97: {  	[tilespmem:s10], [sflag:$0x4] =	stream.indirect.gather [hbm4b:s17+s8], $0x40, s4, s8, $0xb8;
	[tilespmem:$0x1F800] =	vst v63  }
0x98: {  	_ =	swait.ge [sflag:s0], $0x1000  }
0x99: {  	[sflag:s0] =	ssyncset.done $0x0  }
0x9a: {  	[sflag:s0] =	ssyncadd.s32 $0xFFFFF000  }
0x9b: {  	_ =	swait.ge [sflag:s2], $0x1000  }
0x9c: {  	[sflag:s2] =	ssyncset.done $0x0  }
0x9d: {  	s26 =	simm.s32 $0x5100;
	[sflag:s2] =	ssyncadd.s32 $0xFFFFF000  }
0x9e: {  	[spmem:s12] =	stream.indirect.scatter.add.f32 [tilespmem:s21], [sflag:$0x9], $0x40, s26, s13, $0xb8;
	[tilespmem:$0x1F800] =	vst v63  }
0x9f: {  	_ = 	snop  }
0xa0: {  	[spmem:s14] =	stream.indirect.scatter.add.f32 [tilespmem:s20], [sflag:$0xC], $0x10, s26, s13, $0xb8;
	[tilespmem:$0x1F800] =	vst v63  }
0xa1: {  	_ =	swait.ge [sflag:s3], $0x2000  }
0xa2: {  	[sflag:s3] =	ssyncset.done $0x0  }
0xa3: {  	[sflag:s3] =	ssyncadd.s32 $0xFFFFE000  }
0xa4: {  	_ =	swait.ge [sflag:s30], $0x800  }
0xa5: {  	[sflag:s30] =	ssyncset.done $0x0  }
0xa6: {  	s29 =	simm.s32 $0x200;
	[sflag:s30] =	ssyncadd.s32 $0xFFFFF800  }
0xa7: {  	[tilespmem:s15], [sflag:$0x2] =	stream.indirect.gather [hbm4b:s17+s8], $0x40, s29, s8, $0xb8;
	[tilespmem:$0x1F800] =	vst v63  }
0xa8: {  	s4 =	simm.s32 $0x240  }
0xa9: {  	[tilespmem:s16], [sflag:$0x5] =	stream.indirect.gather [hbm4b:s17+s8], $0x40, s4, s8, $0xb8;
	[tilespmem:$0x1F800] =	vst v63  }
0xaa: {  	_ =	swait.ge [sflag:s18], $0x1000  }
0xab: {  	[sflag:s18] =	ssyncset.done $0x0  }
0xac: {  	[sflag:s18] =	ssyncadd.s32 $0xFFFFF000  }
0xad: {  	_ =	swait.ge [sflag:s19], $0x1000  }
0xae: {  	[sflag:s19] =	ssyncset.done $0x0  }
0xaf: {  	s26 =	simm.s32 $0x5180;
	[sflag:s19] =	ssyncadd.s32 $0xFFFFF000  }
0xb0: {  	[spmem:s12] =	stream.indirect.scatter.add.f32 [tilespmem:s9], [sflag:$0x7], $0x40, s26, s13, $0xb8;
	[tilespmem:$0x1F800] =	vst v63  }
0xb1: {  	_ = 	snop  }
0xb2: {  	[spmem:s14] =	stream.indirect.scatter.add.f32 [tilespmem:s20], [sflag:$0xA], $0x10, s26, s13, $0xb8;
	[tilespmem:$0x1F800] =	vst v63  }
0xb3: {  	_ =	swait.ge [sflag:s7], $0x2000  }
0xb4: {  	[sflag:s7] =	ssyncset.done $0x0  }
0xb5: {  	[sflag:s7] =	ssyncadd.s32 $0xFFFFE000  }
0xb6: {  	_ =	swait.ge [sflag:s22], $0x800  }
0xb7: {  	[sflag:s22] =	ssyncset.done $0x0  }
0xb8: {  	s29 =	simm.s32 $0x280;
	[sflag:s22] =	ssyncadd.s32 $0xFFFFF800  }
0xb9: {  	[tilespmem:s21], [sflag:$0x3] =	stream.indirect.gather [hbm4b:s17+s8], $0x40, s29, s8, $0xb8;
	[tilespmem:$0x1F800] =	vst v63  }
0xba: {  	s4 =	simm.s32 $0x2C0  }
0xbb: {  	[tilespmem:s23], [sflag:$0x6] =	stream.indirect.gather [hbm4b:s17+s8], $0x40, s4, s8, $0xb8;
	[tilespmem:$0x1F800] =	vst v63  }
0xbc: {  	_ =	swait.ge [sflag:s25], $0x1000  }
0xbd: {  	[sflag:s25] =	ssyncset.done $0x0  }
0xbe: {  	[sflag:s25] =	ssyncadd.s32 $0xFFFFF000  }
0xbf: {  	_ =	swait.ge [sflag:s28], $0x1000  }
0xc0: {  	[sflag:s28] =	ssyncset.done $0x0  }
0xc1: {  	s26 =	simm.s32 $0x5200;
	[sflag:s28] =	ssyncadd.s32 $0xFFFFF000  }
0xc2: {  	[spmem:s12] =	stream.indirect.scatter.add.f32 [tilespmem:s15], [sflag:$0x8], $0x40, s26, s13, $0xb8;
	[tilespmem:$0x1F800] =	vst v63  }
0xc3: {  	_ = 	snop  }
0xc4: {  	[spmem:s14] =	stream.indirect.scatter.add.f32 [tilespmem:s20], [sflag:$0xB], $0x10, s26, s13, $0xb8;
	[tilespmem:$0x1F800] =	vst v63  }
0xc5: {  	_ =	swait.ge [sflag:s31], $0x2000  }
0xc6: {  	[sflag:s31] =	ssyncset.done $0x0  }
0xc7: {  	[sflag:s31] =	ssyncadd.s32 $0xFFFFE000  }
0xc8: {  	_ =	swait.ge [sflag:s11], $0x800  }
0xc9: {  	s29 =	simm.s32 $0x300;
	[sflag:s11] =	ssyncset.done $0x0  }
0xca: {  	s4 =	simm.s32 $0x340;
	s26 =	simm.s32 $0x600;
	[sflag:s11] =	ssyncadd.s32 $0xFFFFF800  }
0xcb: {  	[tilespmem:s9], [sflag:$0x1] =	stream.indirect.gather [hbm4b:s17+s8], $0x40, s29, s8, $0xb8;
	[tilespmem:$0x1F800] =	vst v63  }
.LBB2_4:
0xcc: {  	[tilespmem:s10], [sflag:$0x4] =	stream.indirect.gather [hbm4b:s17+s8], $0x40, s4, s8, $0xb8;
	[tilespmem:$0x1F800] =	vst v63  }
0xcd: {  	s1 =	smov.u32 s26  }
0xce: {  	p0 =	sne.s32 s26, $0x13200;
	s26 =	sadd.s32 $0x600, s26;
	_ =	swait.ge [sflag:s0], $0x1000  }
0xcf: {  	[sflag:s0] =	ssyncset.done $0x0  }
0xd0: {  	[sflag:s0] =	ssyncadd.s32 $0xFFFFF000  }
0xd1: {  	_ =	swait.ge [sflag:s2], $0x1000  }
0xd2: {  	s29 =	sshra.s32 s1, $0x2;
	[sflag:s2] =	ssyncset.done $0x0  }
0xd3: {  	s1 =	sadd.s32 $0x5100, s29;
	[sflag:s2] =	ssyncadd.s32 $0xFFFFF000  }
0xd4: {  	[spmem:s12] =	stream.indirect.scatter.add.f32 [tilespmem:s21], [sflag:$0x9], $0x40, s1, s13, $0xb8;
	[tilespmem:$0x1F800] =	vst v63  }
0xd5: {  	_ = 	snop  }
0xd6: {  	[spmem:s14] =	stream.indirect.scatter.add.f32 [tilespmem:s20], [sflag:$0xC], $0x10, s1, s13, $0xb8;
	[tilespmem:$0x1F800] =	vst v63  }
0xd7: {  	_ =	swait.ge [sflag:s3], $0x2000  }
0xd8: {  	[sflag:s3] =	ssyncset.done $0x0  }
0xd9: {  	[sflag:s3] =	ssyncadd.s32 $0xFFFFE000  }
0xda: {  	_ =	swait.ge [sflag:s30], $0x800  }
0xdb: {  	[sflag:s30] =	ssyncset.done $0x0  }
0xdc: {  	s1 =	sadd.s32 $0x200, s29;
	[sflag:s30] =	ssyncadd.s32 $0xFFFFF800  }
0xdd: {  	[tilespmem:s15], [sflag:$0x2] =	stream.indirect.gather [hbm4b:s17+s8], $0x40, s1, s8, $0xb8;
	[tilespmem:$0x1F800] =	vst v63  }
0xde: {  	s1 =	sadd.s32 $0x240, s29  }
0xdf: {  	[tilespmem:s16], [sflag:$0x5] =	stream.indirect.gather [hbm4b:s17+s8], $0x40, s1, s8, $0xb8;
	[tilespmem:$0x1F800] =	vst v63  }
0xe0: {  	_ =	swait.ge [sflag:s18], $0x1000  }
0xe1: {  	[sflag:s18] =	ssyncset.done $0x0  }
0xe2: {  	[sflag:s18] =	ssyncadd.s32 $0xFFFFF000  }
0xe3: {  	_ =	swait.ge [sflag:s19], $0x1000  }
0xe4: {  	[sflag:s19] =	ssyncset.done $0x0  }
0xe5: {  	s1 =	sadd.s32 $0x5180, s29;
	[sflag:s19] =	ssyncadd.s32 $0xFFFFF000  }
0xe6: {  	[spmem:s12] =	stream.indirect.scatter.add.f32 [tilespmem:s9], [sflag:$0x7], $0x40, s1, s13, $0xb8;
	[tilespmem:$0x1F800] =	vst v63  }
0xe7: {  	_ = 	snop  }
0xe8: {  	[spmem:s14] =	stream.indirect.scatter.add.f32 [tilespmem:s20], [sflag:$0xA], $0x10, s1, s13, $0xb8;
	[tilespmem:$0x1F800] =	vst v63  }
0xe9: {  	_ =	swait.ge [sflag:s7], $0x2000  }
0xea: {  	[sflag:s7] =	ssyncset.done $0x0  }
0xeb: {  	[sflag:s7] =	ssyncadd.s32 $0xFFFFE000  }
0xec: {  	_ =	swait.ge [sflag:s22], $0x800  }
0xed: {  	[sflag:s22] =	ssyncset.done $0x0  }
0xee: {  	s1 =	sadd.s32 $0x280, s29;
	[sflag:s22] =	ssyncadd.s32 $0xFFFFF800  }
0xef: {  	[tilespmem:s21], [sflag:$0x3] =	stream.indirect.gather [hbm4b:s17+s8], $0x40, s1, s8, $0xb8;
	[tilespmem:$0x1F800] =	vst v63  }
0xf0: {  	s1 =	sadd.s32 $0x2C0, s29  }
0xf1: {  	[tilespmem:s23], [sflag:$0x6] =	stream.indirect.gather [hbm4b:s17+s8], $0x40, s1, s8, $0xb8;
	[tilespmem:$0x1F800] =	vst v63  }
0xf2: {  	_ =	swait.ge [sflag:s25], $0x1000  }
0xf3: {  	[sflag:s25] =	ssyncset.done $0x0  }
0xf4: {  	[sflag:s25] =	ssyncadd.s32 $0xFFFFF000  }
0xf5: {  	_ =	swait.ge [sflag:s28], $0x1000  }
0xf6: {  	[sflag:s28] =	ssyncset.done $0x0  }
0xf7: {  	s1 =	sadd.s32 $0x5200, s29;
	[sflag:s28] =	ssyncadd.s32 $0xFFFFF000  }
0xf8: {  	[spmem:s12] =	stream.indirect.scatter.add.f32 [tilespmem:s15], [sflag:$0x8], $0x40, s1, s13, $0xb8;
	[tilespmem:$0x1F800] =	vst v63  }
0xf9: {  	_ = 	snop  }
0xfa: {  	[spmem:s14] =	stream.indirect.scatter.add.f32 [tilespmem:s20], [sflag:$0xB], $0x10, s1, s13, $0xb8;
	[tilespmem:$0x1F800] =	vst v63  }
0xfb: {  	_ =	swait.ge [sflag:s31], $0x2000  }
0xfc: {  	[sflag:s31] =	ssyncset.done $0x0  }
0xfd: {  	[sflag:s31] =	ssyncadd.s32 $0xFFFFE000  }
.Ltmp1:
0xfe: {  	_ =	swait.ge [sflag:s11], $0x800;
	(pc) =	sbr.rel @p0 .LBB2_4-.Ltmp1, $4  }
0xff: {  	[sflag:s11] =	ssyncset.done $0x0  }
0x100: {  	s1 =	sadd.s32 $0x300, s29;
	[sflag:s11] =	ssyncadd.s32 $0xFFFFF800  }
0x101: {  	[tilespmem:s9], [sflag:$0x1] =	stream.indirect.gather [hbm4b:s17+s8], $0x40, s1, s8, $0xb8;
	[tilespmem:$0x1F800] =	vst v63  }
0x102: {  	s4 =	sadd.s32 $0x340, s29  }
0x103: {  	[tilespmem:s10], [sflag:$0x4] =	stream.indirect.gather [hbm4b:s17+s8], $0x40, s4, s8, $0xb8;
	[tilespmem:$0x1F800] =	vst v63  }
0x104: {  	_ =	swait.ge [sflag:s0], $0x1000  }
0x105: {  	[sflag:s0] =	ssyncset.done $0x0  }
0x106: {  	[sflag:s0] =	ssyncadd.s32 $0xFFFFF000  }
0x107: {  	_ =	swait.ge [sflag:s2], $0x1000  }
0x108: {  	[sflag:s2] =	ssyncset.done $0x0  }
0x109: {  	s1 =	simm.s32 $0x9F00;
	[sflag:s2] =	ssyncadd.s32 $0xFFFFF000  }
0x10a: {  	[spmem:s12] =	stream.indirect.scatter.add.f32 [tilespmem:s21], [sflag:$0x9], $0x40, s1, s13, $0xb8;
	[tilespmem:$0x1F800] =	vst v63  }
0x10b: {  	_ = 	snop  }
0x10c: {  	[spmem:s14] =	stream.indirect.scatter.add.f32 [tilespmem:s20], [sflag:$0xC], $0x10, s1, s13, $0xb8;
	[tilespmem:$0x1F800] =	vst v63  }
0x10d: {  	_ =	swait.ge [sflag:s18], $0x1000  }
0x10e: {  	[sflag:s18] =	ssyncset.done $0x0  }
0x10f: {  	[sflag:s18] =	ssyncadd.s32 $0xFFFFF000  }
0x110: {  	_ =	swait.ge [sflag:s19], $0x1000  }
0x111: {  	[sflag:s19] =	ssyncset.done $0x0  }
0x112: {  	s29 =	simm.s32 $0x9F80;
	[sflag:s19] =	ssyncadd.s32 $0xFFFFF000  }
0x113: {  	[spmem:s12] =	stream.indirect.scatter.add.f32 [tilespmem:s9], [sflag:$0x7], $0x40, s29, s13, $0xb8;
	[tilespmem:$0x1F800] =	vst v63  }
0x114: {  	_ = 	snop  }
0x115: {  	[spmem:s14] =	stream.indirect.scatter.add.f32 [tilespmem:s20], [sflag:$0xA], $0x10, s29, s13, $0xb8;
	[tilespmem:$0x1F800] =	vst v63  }
0x116: {  	_ =	swait.ge [sflag:s3], $0x2000  }
0x117: {  	[sflag:s3] =	ssyncset.done $0x0  }
0x118: {  	[sflag:s3] =	ssyncadd.s32 $0xFFFFE000  }
0x119: {  	_ =	swait.ge [sflag:s30], $0x800  }
0x11a: {  	[sflag:s30] =	ssyncset.done $0x0  }
0x11b: {  	[sflag:s30] =	ssyncadd.s32 $0xFFFFF800  }
0x11c: {  	_ =	swait.ge [sflag:s7], $0x2000  }
0x11d: {  	[sflag:s7] =	ssyncset.done $0x0  }
0x11e: {  	[sflag:s7] =	ssyncadd.s32 $0xFFFFE000  }
0x11f: {  	_ =	swait.ge [sflag:s22], $0x800  }
0x120: {  	[sflag:s22] =	ssyncset.done $0x0  }
0x121: {  	[sflag:s22] =	ssyncadd.s32 $0xFFFFF800  }
0x122: {  	_ =	swait.ge [sflag:s31], $0x2000  }
0x123: {  	[sflag:s31] =	ssyncset.done $0x0  }
0x124: {  	[sflag:s31] =	ssyncadd.s32 $0xFFFFE000  }
0x125: {  	_ =	swait.ge [sflag:s11], $0x800  }
0x126: {  	[sflag:s11] =	ssyncset.done $0x0  }
0x127: {  	[sflag:s11] =	ssyncadd.s32 $0xFFFFF800  }
0x128: {  	[bflag:$0x0] =	sbarrier.arrive $0xFFFF  }
0x129: {  	s4 =	rddreg [dreg:$0x11]  }
0x12a: {  	[tilespmem:s9], [sflag:$0xD] =	stream.linear.gather [spmem:s4], $0x2000, $0x38;
	[tilespmem:$0x1F800] =	vst v63  }
0x12b: {  	_ =	swait.ge [sflag:s5], $0x2000  }
0x12c: {  	[sflag:s5] =	ssyncset.done $0x0  }
0x12d: {  	s1 =	simm.s32 $0x0;
	s26 =	rddreg [dreg:$0x6];
	[sflag:s5] =	ssyncadd.s32 $0xFFFFE000  }
0x12e: {  	[hbm4b:s26+s1] =	stream.linear.scatter [tilespmem:s9], [sflag:$0xD], $0x2000, $0x38;
	[tilespmem:$0x1F800] =	vst v63  }
0x12f: {  	_ =	swait.ge [sflag:s5], $0x2000  }
0x130: {  	[sflag:s5] =	ssyncset.done $0x0  }
0x131: {  	s29 =	rddreg [dreg:$0x1d];
	[sflag:s5] =	ssyncadd.s32 $0xFFFFE000  }
0x132: {  	[tilespmem:s6], [sflag:$0xD] =	stream.linear.gather [spmem:s29], $0x800, $0x38;
	[tilespmem:$0x1F800] =	vst v63  }
0x133: {  	_ =	swait.ge [sflag:s5], $0x800  }
0x134: {  	[sflag:s5] =	ssyncset.done $0x0  }
0x135: {  	s26 =	rddreg [dreg:$0x7];
	[sflag:s5] =	ssyncadd.s32 $0xFFFFF800  }
0x136: {  	[hbm4b:s26+s1] =	stream.linear.scatter [tilespmem:s6], [sflag:$0xD], $0x800, $0x38;
	[tilespmem:$0x1F800] =	vst v63  }
0x137: {  	_ =	swait.ge [sflag:s5], $0x800  }
0x138: {  	[sflag:s5] =	ssyncset.done $0x0  }
0x139: {  	s29 =	rddreg [dreg:$0x15];
	[sflag:s5] =	ssyncadd.s32 $0xFFFFF800  }
0x13a: {  	[tilespmem:s9], [sflag:$0xD] =	stream.linear.gather [spmem:s29], $0x2000, $0x38;
	[tilespmem:$0x1F800] =	vst v63  }
0x13b: {  	_ =	swait.ge [sflag:s5], $0x2000  }
0x13c: {  	[sflag:s5] =	ssyncset.done $0x0  }
0x13d: {  	s26 =	rddreg [dreg:$0x8];
	[sflag:s5] =	ssyncadd.s32 $0xFFFFE000  }
0x13e: {  	[hbm4b:s26+s1] =	stream.linear.scatter [tilespmem:s9], [sflag:$0xD], $0x2000, $0x38;
	[tilespmem:$0x1F800] =	vst v63  }
0x13f: {  	_ =	swait.ge [sflag:s5], $0x2000  }
0x140: {  	[sflag:s5] =	ssyncset.done $0x0  }
0x141: {  	s29 =	rddreg [dreg:$0x1e];
	[sflag:s5] =	ssyncadd.s32 $0xFFFFE000  }
0x142: {  	[tilespmem:s6], [sflag:$0xD] =	stream.linear.gather [spmem:s29], $0x800, $0x38;
	[tilespmem:$0x1F800] =	vst v63  }
0x143: {  	_ =	swait.ge [sflag:s5], $0x800  }
0x144: {  	[sflag:s5] =	ssyncset.done $0x0  }
0x145: {  	s26 =	rddreg [dreg:$0xc];
	[sflag:s5] =	ssyncadd.s32 $0xFFFFF800  }
0x146: {  	[hbm4b:s26+s1] =	stream.linear.scatter [tilespmem:s6], [sflag:$0xD], $0x800, $0x38;
	[tilespmem:$0x1F800] =	vst v63  }
0x147: {  	_ =	swait.ge [sflag:s5], $0x800  }
0x148: {  	[sflag:s5] =	ssyncset.done $0x0  }
0x149: {  	s29 =	rddreg [dreg:$0x17];
	[sflag:s5] =	ssyncadd.s32 $0xFFFFF800  }
0x14a: {  	[tilespmem:s9], [sflag:$0xD] =	stream.linear.gather [spmem:s29], $0x2000, $0x38;
	[tilespmem:$0x1F800] =	vst v63  }
0x14b: {  	_ =	swait.ge [sflag:s5], $0x2000  }
0x14c: {  	[sflag:s5] =	ssyncset.done $0x0  }
0x14d: {  	s26 =	rddreg [dreg:$0x9];
	[sflag:s5] =	ssyncadd.s32 $0xFFFFE000  }
0x14e: {  	[hbm4b:s26+s1] =	stream.linear.scatter [tilespmem:s9], [sflag:$0xD], $0x2000, $0x38;
	[tilespmem:$0x1F800] =	vst v63  }
0x14f: {  	_ =	swait.ge [sflag:s5], $0x2000  }
0x150: {  	[sflag:s5] =	ssyncset.done $0x0  }
0x151: {  	s29 =	rddreg [dreg:$0x1f];
	[sflag:s5] =	ssyncadd.s32 $0xFFFFE000  }
0x152: {  	[tilespmem:s6], [sflag:$0xD] =	stream.linear.gather [spmem:s29], $0x800, $0x38;
	[tilespmem:$0x1F800] =	vst v63  }
0x153: {  	_ =	swait.ge [sflag:s5], $0x800  }
0x154: {  	[sflag:s5] =	ssyncset.done $0x0  }
0x155: {  	s26 =	rddreg [dreg:$0xd];
	[sflag:s5] =	ssyncadd.s32 $0xFFFFF800  }
0x156: {  	[hbm4b:s26+s1] =	stream.linear.scatter [tilespmem:s6], [sflag:$0xD], $0x800, $0x38;
	[tilespmem:$0x1F800] =	vst v63  }
0x157: {  	_ =	swait.ge [sflag:s5], $0x800  }
0x158: {  	[sflag:s5] =	ssyncset.done $0x0  }
0x159: {  	s29 =	rddreg [dreg:$0x19];
	[sflag:s5] =	ssyncadd.s32 $0xFFFFF800  }
0x15a: {  	[tilespmem:s9], [sflag:$0xD] =	stream.linear.gather [spmem:s29], $0x2000, $0x38;
	[tilespmem:$0x1F800] =	vst v63  }
0x15b: {  	_ =	swait.ge [sflag:s5], $0x2000  }
0x15c: {  	[sflag:s5] =	ssyncset.done $0x0  }
0x15d: {  	s26 =	rddreg [dreg:$0xa];
	[sflag:s5] =	ssyncadd.s32 $0xFFFFE000  }
0x15e: {  	[hbm4b:s26+s1] =	stream.linear.scatter [tilespmem:s9], [sflag:$0xD], $0x2000, $0x38;
	[tilespmem:$0x1F800] =	vst v63  }
0x15f: {  	_ =	swait.ge [sflag:s5], $0x2000  }
0x160: {  	s29 =	sld [smem:$0x7FC]  }
0x161: {  	[sflag:s5] =	ssyncset.done $0x0  }
0x162: {  	[sflag:s5] =	ssyncadd.s32 $0xFFFFE000  }
0x163: {  	[tilespmem:s6], [sflag:$0xD] =	stream.linear.gather [spmem:s29], $0x800, $0x38;
	[tilespmem:$0x1F800] =	vst v63  }
0x164: {  	_ =	swait.ge [sflag:s5], $0x800  }
0x165: {  	[sflag:s5] =	ssyncset.done $0x0  }
0x166: {  	s26 =	rddreg [dreg:$0xe];
	[sflag:s5] =	ssyncadd.s32 $0xFFFFF800  }
0x167: {  	[hbm4b:s26+s1] =	stream.linear.scatter [tilespmem:s6], [sflag:$0xD], $0x800, $0x38;
	[tilespmem:$0x1F800] =	vst v63  }
0x168: {  	_ =	swait.ge [sflag:s5], $0x800  }
0x169: {  	[sflag:s5] =	ssyncset.done $0x0  }
0x16a: {  	s29 =	rddreg [dreg:$0x1b];
	[sflag:s5] =	ssyncadd.s32 $0xFFFFF800  }
0x16b: {  	[tilespmem:s9], [sflag:$0xD] =	stream.linear.gather [spmem:s29], $0x2000, $0x38;
	[tilespmem:$0x1F800] =	vst v63  }
0x16c: {  	_ =	swait.ge [sflag:s5], $0x2000  }
0x16d: {  	[sflag:s5] =	ssyncset.done $0x0  }
0x16e: {  	s26 =	rddreg [dreg:$0xb];
	[sflag:s5] =	ssyncadd.s32 $0xFFFFE000  }
0x16f: {  	[hbm4b:s26+s1] =	stream.linear.scatter [tilespmem:s9], [sflag:$0xD], $0x2000, $0x38;
	[tilespmem:$0x1F800] =	vst v63  }
0x170: {  	_ =	swait.ge [sflag:s5], $0x2000  }
0x171: {  	s29 =	sld [smem:$0x7FD]  }
0x172: {  	[sflag:s5] =	ssyncset.done $0x0  }
0x173: {  	[sflag:s5] =	ssyncadd.s32 $0xFFFFE000  }
0x174: {  	[tilespmem:s6], [sflag:$0xD] =	stream.linear.gather [spmem:s29], $0x800, $0x38;
	[tilespmem:$0x1F800] =	vst v63  }
0x175: {  	_ =	swait.ge [sflag:s5], $0x800  }
0x176: {  	[sflag:s5] =	ssyncset.done $0x0  }
0x177: {  	s26 =	rddreg [dreg:$0xf];
	[sflag:s5] =	ssyncadd.s32 $0xFFFFF800  }
0x178: {  	[hbm4b:s26+s1] =	stream.linear.scatter [tilespmem:s6], [sflag:$0xD], $0x800, $0x38;
	[tilespmem:$0x1F800] =	vst v63  }
0x179: {  	_ =	swait.ge [sflag:s5], $0x800  }
0x17a: {  	s24 =	sadd.s32 $0x1, s24;
	s29 =	rddreg [dreg:$0x12]  }
0x17b: {  	p0 =	sne.s32 s24, s29  }
.Ltmp2:
0x17c: {  	_ = 	snop;
	(pc) =	sbr.rel @p0 .LBB2_1-.Ltmp2, $3  }
0x17d: {  	_ =	sdelay $0x1  }
0x17e: {  	[sflag:s5] =	ssyncset.done $0x0  }
0x17f: {  	[sflag:s5] =	ssyncadd.s32 $0xFFFFF800  }
0x180: {  	_ =	sfence.sel $0x180000  }
0x181: {  	[bflag:$0x0] =	sbarrier.arrive $0xFFFF  }
0x182: {  	_ =	strace $0x9000004A  }
0x183: {  	s0 =	stileid.u32;
	[bflag:$0x2] =	sbarrier.arrive $0xFFFF  }
0x184: {  	p0 =	sne.s32 s0, $0x0;
	s0 =	rddreg [dreg:$0x4]  }
0x185: {  	s0 =	sadd.s32 @!p0 $0x100000, s0  }
0x186: {  	[sflag:s0] =	ssyncadd.tile.s32 @!p0 $0x1;
	_ =	shalt  }
.Lfunc_end2:
_tile_overlayer_lowered:
.L_overlay_start_2:
0x187: {  	(tag) =	ssettag $0x2  }
0x188: {  	s0 =	rddreg [dreg:$0x0];
	s2 =	stileid.u32  }
0x189: {  	s1 =	rddreg [dreg:$0x1];
	p0 =	sne.s32 s2, $0x0  }
0x18a: {  	s3 =	rddreg [dreg:$0x2];
	[bflag:$0x3] =	sbarrier.arrive $0xFFFF;
	s2 =	simm.s32 @!p0 $0x1C0D  }
0x18b: {  	[timem:s3], [sflag:s2] =	dma.local @!p0 [hbm:s0], s1  }
0x18c: {  	s0 =	simm.s32 @!p0 $0xD  }
0x18d: {  	_ =	swait.ge @!p0 [sflag:s0], s1  }
0x18e: {  	s1 =	ssub.s32 @!p0 $0x0, s1;
	[sflag:s0] =	ssyncset.done @!p0 $0x0  }
0x18f: {  	[sflag:s0] =	ssyncadd.s32 @!p0 s1  }
0x190: {  	[bflag:$0x3] =	sbarrier.arrive $0xFFFF  }
0x191: {  	_ =	shalt  }

// kernel: kernel.14.cloned.1.call-start
scs
__scs_entry_jumppad:
0x0: {  	(pc) =	sbr.rel $0x88, $3  }
0x1: {  	(tag) =	ssettag $0x0;
	lr =	simm.s32 $0x1  }
0x2: {  	[smem:$0x3F96] =	sst lr;
	_ =	strace $0xD0000000  }
0x3: {  	_ = 	snop  }
0x4: {  	_ = 	snop  }
0x5: {  	_ = 	snop  }
0x6: {  	_ = 	snop  }
0x7: {  	_ = 	snop  }
__scs_overlays_trampoline_lowered:
0x8: {  	[smem:$0x3FA5] =	sst s0  }
0x9: {  	[smem:$0x3FA6] =	sst s1  }
0xa: {  	[smem:$0x3FA7] =	sst s2  }
0xb: {  	[smem:$0x3FA8] =	sst s3  }
0xc: {  	[smem:$0x3FA9] =	sst s4  }
0xd: {  	[smem:$0x3FAA] =	sst s5  }
0xe: {  	[smem:$0x3FAB] =	sst s6  }
0xf: {  	[smem:$0x3FAC] =	sst s7  }
0x10: {  	[smem:$0x3FAD] =	sst s8  }
0x11: {  	[smem:$0x3FAE] =	sst s9;
	s0 =	simm.s32 @!p0 $0x0  }
0x12: {  	s1 =	sld [smem:$0x3F94];
	s0 =	simm.s32 @p0 $0x1  }
0x13: {  	[smem:$0x3FAF] =	sst s0;
	s0 =	simm.s32 @!p1 $0x0  }
0x14: {  	s2 =	sld [smem:$0x3F93];
	s0 =	simm.s32 @p1 $0x1  }
0x15: {  	[smem:$0x3FB0] =	sst s0;
	s0 =	simm.s32 @!p2 $0x0  }
0x16: {  	s3 =	sld [smem:$0x3FDB];
	s0 =	simm.s32 @p2 $0x1  }
0x17: {  	s4 =	simm.s32 $0x1BF5;
	[smem:$0x3FB2] =	sst s0  }
0x18: {  	s0 =	sld [smem:$0x3F95];
	_ =	swait.ge [sflag:s4], $0x0  }
0x19: {  	s7 =	sld [smem:$0x3F96]  }
0x1a: {  	s8 =	sadd.s32 $0xFFFFE003, lr  }
0x1b: {  	s9 =	sadd.s32 $0xFFFFFEF7, lr;
	s5 =	simm.s32 $0xFFFFFFFF;
	p2 =	slt.u32 s8, $0xFFFFF086  }
0x1c: {  	p1 =	slt.u32 s9, $0xF7A;
	s5 =	simm.s32 @!p2 $0x0  }
0x1d: {  	s5 =	simm.s32 @p1 $0x1;
	p0 =	seq.s32 s7, s2  }
0x1e: {  	s7 =	smul.u32 @!p0 $0xF7A, s2;
	p2 =	seq.s32 @!p0 s5, $0x0  }
0x1f: {  	s9 =	smul.u32 $0xF7A, s1;
	s8 =	simm.s32 @!p0 $0x1BF5;
	p2 =	por !p2, p0  }
0x20: {  	[sflag:s8] =	ssyncset.s32 @!p0 $0xFFFFF086;
	s6 =	sadd.s32 @!p0 s3, s7;
	s7 =	simm.s32 @!p0 $0x108  }
0x21: {  	s3 =	sadd.s32 s3, s9;
	s6 =	sadd.s32 @!p0 $0x88, s6;
	s7 =	simm.s32 @p2 $0x1082  }
0x22: {  	[simem:s7], [sflag:s8] =	dma.local @!p0 [hbm:s6], $0xF7A  }
0x23: {  	s9 =	sor.u32 $0xD0000000, s2;
	s6 =	simm.s32 $0x108;
	_ =	swait.ge @!p0 [sflag:s8], $0x0  }
0x24: {  	s3 =	sadd.s32 $0x88, s3;
	s6 =	simm.s32 @!p1 $0x1082;
	[sflag:s4] =	ssyncset.s32 $0xFFFFF086  }
0x25: {  	[simem:s6], [sflag:s4] =	dma.local [hbm:s3], $0xF7A  }
0x26: {  	[smem:$0x3F96] =	sst s1;
	(tag) =	ssettag s2;
	_ =	strace s9  }
0x27: {  	s1 =	sld [smem:$0x3FA6]  }
0x28: {  	s2 =	sld [smem:$0x3FA7]  }
0x29: {  	s4 =	sld [smem:$0x3FA9]  }
0x2a: {  	p0 =	seq.s32 s5, $0x0;
	s5 =	sld [smem:$0x3FAA]  }
0x2b: {  	s6 =	sld [smem:$0x3FAB]  }
0x2c: {  	s7 =	sld [smem:$0x3FAC]  }
0x2d: {  	s3 =	simm.s32 $0x108;
	s8 =	sld [smem:$0x3FAD]  }
0x2e: {  	s3 =	simm.s32 @!p0 $0x1082;
	s9 =	sld [smem:$0x3FAE]  }
0x2f: {  	lr =	sadd.s32 s0, s3;
	s0 =	sld [smem:$0x3FA5]  }
0x30: {  	s3 =	sld [smem:$0x3FA8]  }
0x31: {  	[smem:$0x3FB1] =	sst s10  }
0x32: {  	s10 =	sld [smem:$0x3FAF];
	_ =	sdelay $0x3  }
0x33: {  	p0 =	seq.s32 s10, $0x1;
	s10 =	sld [smem:$0x3FB1];
	_ =	sdelay $0x3  }
0x34: {  	[smem:$0x3FB1] =	sst s10  }
0x35: {  	s10 =	sld [smem:$0x3FB0];
	_ =	sdelay $0x3  }
0x36: {  	p1 =	seq.s32 s10, $0x1;
	s10 =	sld [smem:$0x3FB1];
	_ =	sdelay $0x3  }
0x37: {  	[smem:$0x3FB1] =	sst s10  }
0x38: {  	s10 =	sld [smem:$0x3FB2]  }
0x39: {  	_ = 	snop;
	(pc) =	sbr.ind lr, $3  }
0x3a: {  	_ = 	snop  }
0x3b: {  	_ = 	snop  }
0x3c: {  	p2 =	seq.s32 s10, $0x1;
	s10 =	sld [smem:$0x3FB1]  }
0x3d: {  	_ =	shalt  }
0x3e: {  	_ =	shalt  }
0x3f: {  	_ =	shalt  }
0x40: {  	_ =	shalt  }
0x41: {  	_ =	shalt  }
0x42: {  	_ =	shalt  }
0x43: {  	_ =	shalt  }
0x44: {  	_ =	shalt  }
0x45: {  	_ =	shalt  }
0x46: {  	_ =	shalt  }
0x47: {  	_ =	shalt  }
0x48: {  	_ =	shalt  }
0x49: {  	_ =	shalt  }
0x4a: {  	_ =	shalt  }
0x4b: {  	_ =	shalt  }
0x4c: {  	_ =	shalt  }
0x4d: {  	_ =	shalt  }
0x4e: {  	_ =	shalt  }
0x4f: {  	_ =	shalt  }
0x50: {  	_ =	shalt  }
0x51: {  	_ =	shalt  }
0x52: {  	_ =	shalt  }
0x53: {  	_ =	shalt  }
0x54: {  	_ =	shalt  }
0x55: {  	_ =	shalt  }
0x56: {  	_ =	shalt  }
0x57: {  	_ =	shalt  }
0x58: {  	_ =	shalt  }
0x59: {  	_ =	shalt  }
0x5a: {  	_ =	shalt  }
0x5b: {  	_ =	shalt  }
0x5c: {  	_ =	shalt  }
0x5d: {  	_ =	shalt  }
0x5e: {  	_ =	shalt  }
0x5f: {  	_ =	shalt  }
0x60: {  	_ =	shalt  }
0x61: {  	_ =	shalt  }
0x62: {  	_ =	shalt  }
0x63: {  	_ =	shalt  }
0x64: {  	_ =	shalt  }
0x65: {  	_ =	shalt  }
0x66: {  	_ =	shalt  }
0x67: {  	_ =	shalt  }
0x68: {  	_ =	shalt  }
0x69: {  	_ =	shalt  }
0x6a: {  	_ =	shalt  }
0x6b: {  	_ =	shalt  }
0x6c: {  	_ =	shalt  }
0x6d: {  	_ =	shalt  }
0x6e: {  	_ =	shalt  }
0x6f: {  	_ =	shalt  }
0x70: {  	_ =	shalt  }
0x71: {  	_ =	shalt  }
0x72: {  	_ =	shalt  }
0x73: {  	_ =	shalt  }
0x74: {  	_ =	shalt  }
0x75: {  	_ =	shalt  }
0x76: {  	_ =	shalt  }
0x77: {  	_ =	shalt  }
0x78: {  	_ =	shalt  }
0x79: {  	_ =	shalt  }
0x7a: {  	_ =	shalt  }
0x7b: {  	_ =	shalt  }
0x7c: {  	_ =	shalt  }
0x7d: {  	_ =	shalt  }
0x7e: {  	_ =	shalt  }
0x7f: {  	_ =	shalt  }
0x80: {  	_ =	shalt  }
0x81: {  	_ =	shalt  }
0x82: {  	_ =	shalt  }
0x83: {  	_ =	shalt  }
0x84: {  	_ =	shalt  }
0x85: {  	_ =	shalt  }
0x86: {  	_ =	shalt  }
0x87: {  	_ =	shalt  }
.Lfunc_end0:
.L_simem_size_0:
called_computation.2_lowered:
.L_overlay_start_0:
0x88: {  	s2 =	sld [smem:$0x3FD9]  }
0x89: {  	s3 =	sld [smem:$0x3FFE];
	_ =	sdelay $0x1  }
0x8a: {  	s1 =	srdreg.scid  }
0x8b: {  	s0 =	sand.u32 $0x1, s1  }
0x8c: {  	s17 =	sshll.u32 s0, $0xA;
	s2 =	sadd.s32 s3, s2  }
0x8d: {  	s2 =	sadd.s32 s2, s17  }
0x8e: {  	[smem:$0x3FBD] =	sst s2  }
0x8f: {  	_ = 	snop  }
0x90: {  	s2 =	sld [smem:$0x3FD0];
	(tm) =	ssettm $0x1  }
0x91: {  	s18 =	sld [smem:$0x3FFB];
	_ =	sdelay $0x3  }
0x92: {  	_ =	strace s18  }
0x93: {  	s3 =	sld [smem:$0x3FFC];
	_ =	sdelay $0x3  }
0x94: {  	_ =	strace s3  }
0x95: {  	s3 =	sld [smem:$0x3FFD];
	_ =	sdelay $0x3  }
0x96: {  	_ =	strace s3  }
0x97: {  	_ =	strace $0x8FFFFFFF  }
0x98: {  	s19 =	sld [smem:$0x3FDB];
	_ =	sdelay $0x1  }
0x99: {  	s4 =	simm.s32 $_scs_section_size  }
0x9a: {  	s5 =	simm.s32 $_size__tile_overlayer_lowered;
	s6 =	simm.s32 $_tile_overlayer_lowered  }
0x9b: {  	s22 =	simm.s32 $0x1BFF;
	s21 =	sshll.u32 s6, $0x1;
	s3 =	sadd.s32 s4, s19  }
0x9c: {  	s7 =	simm.s32 $0x0;
	s20 =	sshll.u32 s5, $0x1;
	s5 =	sadd.s32 s21, s3  }
0x9d: {  	[timem:s7], [sflag:s22] =	dma.local [hbm:s5], s20  }
0x9e: {  	_ =	swait.ge [sflag:s22], s20  }
0x9f: {  	s4 =	ssub.s32 $0x0, s20;
	[sflag:s22] =	ssyncset.done $0x0  }
0xa0: {  	[sflag:s22] =	ssyncadd.s32 s4;
	_ =	sdelay $0x1  }
0xa1: {  	s23 =	simm.s32 $0x1B8B  }
0xa2: {  	_ =	swait.ge [sflag:s23], $0x1  }
0xa3: {  	[sflag:s23] =	ssyncset.done $0x0  }
0xa4: {  	s25 =	simm.s32 $0x1B8E;
	s24 =	sld [smem:$0x3FFE];
	[sflag:s23] =	ssyncadd.s32 $0xFFFFFFFF  }
0xa5: {  	s26 =	simm.s32 $execute0_lowered;
	[smem:$0x3FD2] =	sst s25  }
0xa6: {  	s5 =	sshll.u32 s26, $0x1;
	_ =	strace $0x8000004C;
	[dreg:$0x1] =	wrdreg $0xFFFFFFFF  }
0xa7: {  	s28 =	simm.s32 $_size_execute0_lowered;
	s3 =	sadd.s32 s3, s5;
	[dreg:$0x0] =	wrdreg $0x0  }
0xa8: {  	s5 =	sshll.u32 s28, $0x1;
	[dreg:$0x2] =	wrdreg s3  }
0xa9: {  	[dreg:$0x3] =	wrdreg s5  }
0xaa: {  	[dreg:$0x4] =	wrdreg $0xC0  }
0xab: {  	_ =	task [dreg:s7], $0x5FFFF  }
0xac: {  	[dreg:$0x1] =	wrdreg $0xFFFFFFFF  }
0xad: {  	[dreg:$0x0] =	wrdreg $0x60  }
0xae: {  	[dreg:$0x2] =	wrdreg s24  }
0xaf: {  	[dreg:$0x3] =	wrdreg s2  }
0xb0: {  	[dreg:$0x4] =	wrdreg $0x130000  }
0xb1: {  	[dreg:$0x5] =	wrdreg $0x1D0000  }
0xb2: {  	[dreg:$0x6] =	wrdreg $0x9  }
0xb3: {  	_ =	task.clear_ibuf [dreg:s7], $0x7FFFF;
	_ =	strace $0x9000004C  }
0xb4: {  	s29 =	simm.s32 $0x9;
	_ =	strace $0x8000004E  }
0xb5: {  	_ =	swait.ge [sflag:s29], $0x1  }
0xb6: {  	[sflag:s29] =	ssyncadd.s32 $0xFFFFFFFF  }
0xb7: {  	_ =	strace $0x9000004E  }
0xb8: {  	_ =	sfence  }
0xb9: {  	s30 =	sld [smem:$0x0];
	_ =	sdelay $0x2  }
0xba: {  	s31 =	sshll.u32 s1, $0xD;
	s1 =	sshrl.u32 s1, $0x2  }
0xbb: {  	s3 =	sand.u32 $0x4000, s31;
	s1 =	sadd.s32 s1, s30  }
0xbc: {  	s0 =	sor.u32 s3, s0;
	s1 =	sshll.u32 s1, $0x11  }
0xbd: {  	s0 =	sor.u32 s1, s0  }
0xbe: {  	s0 =	sadd.s32 $0x8F2B, s0  }
0xbf: {  	[sflag:s0] =	ssyncadd.remote.s32 $0x1  }
0xc0: {  	_ =	sfence.sel $0xFFFF  }
0xc1: {  	[dreg:$0x0] =	wrdreg $0xFFFFFFFF;
	(pc) =	sbr.abs _section_cstart, $3  }
0xc2: {  	[dreg:$0x1] =	wrdreg $0xFFFFFFFF  }
0xc3: {  	_ =	task.clear_ibuf [dreg:s7], $0x2FFFF;
	_ =	strace $0x9FFFFFFF  }
0xc4: {  	(tm) =	ssettm $0x7FFFFFFF  }
0xc5: {  	_ =	shalt  }
tec
execute0_lowered:
.L_overlay_start_1:
0x0: {  	(tag) =	ssettag $0x1  }
0x1: {  	s0 =	srdreg.scid;
	s3 =	rddreg [dreg:$0x0]  }
0x2: {  	s1 =	stileid.u32;
	s5 =	rddreg [dreg:$0x1];
	s6 =	simm.s32 $0x0  }
0x3: {  	s28 =	simm.s32 $0x5;
	s31 =	simm.s32 $0x7;
	s4 =	smul.u32 $0xA00, s1  }
0x4: {  	s30 =	simm.s32 $0xB;
	s0 =	sand.u32 $0x1, s0;
	s9 =	smul.u32 $0x280, s1  }
0x5: {  	[smem:$0x7FF] =	sst s6;
	s7 =	sadd.s32 $0x3D800, s3;
	s2 =	smul.u32 $0x13880, s0  }
0x6: {  	s8 =	ssub.s32 $0x2, s0;
	s11 =	smul.u32 $0xA0000, s0;
	s6 =	sadd.s32 s4, s3  }
0x7: {  	s10 =	sshrl.u32 s8, $0x1;
	s12 =	sadd.s32 $0x80, s9;
	s19 =	sadd.s32 s5, s4  }
0x8: {  	s4 =	smul.u32 $0xA000, s1;
	s13 =	sadd.s32 $0x100, s9;
	s14 =	sadd.s32 $0x180, s9  }
0x9: {  	s9 =	sadd.s32 $0x200, s9;
	s2 =	sadd.s32 s2, s3;
	s3 =	sadd.s32 $0x33800, s3  }
0xa: {  	s8 =	ssub.s32 s8, s10;
	s10 =	smul.u32 $0x28000, s0;
	[dreg:$0x5] =	wrdreg s19  }
0xb: {  	s5 =	sshll.u32 s12, $0x6;
	s0 =	smul.u32 $0x2800, s1;
	s15 =	sshll.u32 s13, $0x6  }
0xc: {  	s16 =	sshll.u32 s14, $0x6;
	s19 =	sshll.u32 s9, $0x6;
	s17 =	sadd.s32 s11, s4  }
0xd: {  	s13 =	sshll.u32 s13, $0x4;
	s21 =	sadd.s32 s11, s5;
	s17 =	sshrl.u32 s17, $0x3  }
0xe: {  	s18 =	sadd.s32 s10, s0;
	s22 =	sshrl.u32 s21, $0x3;
	s17 =	sadd.s32 s7, s17  }
0xf: {  	s20 =	sshrl.u32 s18, $0x3;
	s18 =	sshll.u32 s12, $0x4;
	s12 =	sadd.s32 s7, s22  }
0x10: {  	[dreg:$0x6] =	wrdreg s17;
	s17 =	sadd.s32 s3, s20;
	s20 =	sadd.s32 s11, s15  }
0x11: {  	s26 =	sadd.s32 s11, s16;
	[dreg:$0x8] =	wrdreg s12;
	s25 =	sshrl.u32 s20, $0x3  }
0x12: {  	s29 =	sadd.s32 s10, s13;
	[dreg:$0x7] =	wrdreg s17;
	s17 =	sadd.s32 s7, s25  }
0x13: {  	s11 =	sadd.s32 s11, s19;
	[dreg:$0x9] =	wrdreg s17;
	s17 =	sshrl.u32 s26, $0x3  }
0x14: {  	s12 =	rddreg [dreg:$0x2];
	s11 =	sshrl.u32 s11, $0x3;
	s17 =	sadd.s32 s7, s17  }
0x15: {  	s7 =	sadd.s32 s7, s11;
	s11 =	sshll.u32 s14, $0x4;
	s14 =	rddreg [dreg:$0x3]  }
0x16: {  	s23 =	sadd.s32 s10, s18;
	[dreg:$0xb] =	wrdreg s7;
	s7 =	sshrl.u32 s29, $0x3  }
0x17: {  	s24 =	sshrl.u32 s23, $0x3;
	[dreg:$0xa] =	wrdreg s17;
	s7 =	sadd.s32 s3, s7  }
0x18: {  	s20 =	sadd.s32 s10, s11;
	[dreg:$0xd] =	wrdreg s7;
	s7 =	sshll.u32 s9, $0x4  }
0x19: {  	s17 =	sadd.s32 s3, s24;
	s9 =	sshrl.u32 s20, $0x3;
	s10 =	sadd.s32 s10, s7  }
0x1a: {  	[dreg:$0xc] =	wrdreg s17;
	s9 =	sadd.s32 s3, s9;
	s21 =	sshrl.u32 s10, $0x3  }
0x1b: {  	s22 =	smul.u32 $0x28000, s1;
	[dreg:$0xe] =	wrdreg s9;
	s3 =	sadd.s32 s3, s21  }
0x1c: {  	s23 =	sadd.s32 $0x29800, s6;
	s25 =	sadd.s32 s4, s12;
	[dreg:$0xf] =	wrdreg s3  }
0x1d: {  	s26 =	sshrl.u32 s4, $0x2;
	_ =	strace $0x8000004D;
	[dreg:$0x10] =	wrdreg s23  }
0x1e: {  	s24 =	sshrl.u32 s22, $0x2;
	s29 =	smax.u32 s8, $0x1;
	[dreg:$0x11] =	wrdreg s25  }
0x1f: {  	s17 =	sadd.s32 $0x2600, s2;
	s2 =	sadd.s32 s24, s12;
	[dreg:$0x12] =	wrdreg s29  }
0x20: {  	s6 =	sshrl.u32 s15, $0x2;
	s3 =	sadd.s32 s26, s14;
	[dreg:$0x13] =	wrdreg s2  }
0x21: {  	s4 =	sadd.s32 s5, s12;
	s5 =	sshrl.u32 s5, $0x2;
	[dreg:$0x14] =	wrdreg s3  }
0x22: {  	s8 =	sadd.s32 s5, s14;
	s22 =	sadd.s32 s19, s12;
	[dreg:$0x15] =	wrdreg s4  }
0x23: {  	s0 =	sadd.s32 s0, s14;
	s9 =	sadd.s32 s15, s12;
	[dreg:$0x16] =	wrdreg s8  }
0x24: {  	s5 =	simm.s32 $0xD;
	s10 =	sadd.s32 s6, s14;
	[dreg:$0x17] =	wrdreg s9  }
0x25: {  	s15 =	sadd.s32 s16, s12;
	s16 =	sshrl.u32 s16, $0x2;
	[dreg:$0x18] =	wrdreg s10  }
0x26: {  	s24 =	sadd.s32 s18, s14;
	s21 =	sadd.s32 s16, s14;
	[dreg:$0x19] =	wrdreg s15  }
0x27: {  	s18 =	simm.s32 $0x1;
	s20 =	sshrl.u32 s19, $0x2;
	[dreg:$0x1a] =	wrdreg s21  }
0x28: {  	s19 =	simm.s32 $0x4;
	s6 =	simm.s32 $0x10800;
	[dreg:$0x1b] =	wrdreg s22  }
0x29: {  	s16 =	simm.s32 $0xD000;
	s26 =	sadd.s32 s11, s14;
	[dreg:$0x1d] =	wrdreg s0  }
0x2a: {  	s11 =	simm.s32 $0xA;
	s23 =	sadd.s32 s20, s14;
	[dreg:$0x1e] =	wrdreg s24  }
0x2b: {  	s25 =	sadd.s32 s13, s14;
	[smem:$0x7FC] =	sst s26;
	s29 =	sadd.s32 s7, s14  }
0x2c: {  	s8 =	simm.s32 $0x40;
	s9 =	simm.s32 $0xA000;
	s10 =	simm.s32 $0xB000  }
0x2d: {  	s13 =	simm.s32 $0x80;
	s15 =	simm.s32 $0xC000;
	s20 =	simm.s32 $0x10000  }
0x2e: {  	s21 =	simm.s32 $0xE000;
	s0 =	simm.s32 $0x3;
	s2 =	simm.s32 $0x6  }
0x2f: {  	s3 =	simm.s32 $0x8;
	s7 =	simm.s32 $0x9;
	[dreg:$0x1c] =	wrdreg s23  }
0x30: {  	s22 =	simm.s32 $0xC;
	s24 =	simm.s32 $0x0;
	[dreg:$0x1f] =	wrdreg s25  }
0x31: {  	v0 =	vimm.f32 $0.0e+00;
	v1 =	vimm.f32 $1.000000000e+00;
	[smem:$0x7FD] =	sst s29;
	s23 =	simm.s32 $0xF000;
	s25 =	simm.s32 $0x2  }
.LBB2_1:
0x32: {  	s26 =	simm.s32 $0x11020  }
0x33: {  	[tilespmem:s26+$0xFFFFFFE0] =	vst v0  }
0x34: {  	[tilespmem:s26+$0x10] =	vst v0  }
0x35: {  	[tilespmem:s26+$0x0] =	vst v0  }
0x36: {  	s29 =	simm.s32 $0x40;
	s4 =	simm.s32 $0x0;
	[tilespmem:s26+$0xFFFFFFF0] =	vst v0  }
.LBB2_2:
0x37: {  	p0 =	sne.s32 s29, $0x1FC0  }
0x38: {  	[tilespmem:s4+$0x10800] =	vst v0;
	s26 =	sadd.s32 $0x40, s26;
	s1 =	smov.u32 s29;
	s29 =	sadd.s32 $0x40, s29  }
.Ltmp0:
0x39: {  	[tilespmem:s4+$0x10000] =	vst v1;
	(pc) =	sbr.rel @p0 .LBB2_2-.Ltmp0, $4  }
0x3a: {  	[tilespmem:s26+$0xFFFFFFE0] =	vst v0  }
0x3b: {  	[tilespmem:s26+$0x10] =	vst v0  }
0x3c: {  	[tilespmem:s26+$0x0] =	vst v0  }
0x3d: {  	s4 =	sshra.s32 s1, $0x2;
	[tilespmem:s26+$0xFFFFFFF0] =	vst v0  }
0x3e: {  	[tilespmem:s4+$0x10800] =	vst v0  }
0x3f: {  	[tilespmem:s4+$0x10000] =	vst v1;
	s1 =	rddreg [dreg:$0x13];
	s4 =	simm.s32 $0x11000  }
0x40: {  	[spmem:s1] =	stream.linear.scatter [tilespmem:s4], [sflag:$0xD], $0x2000, $0x38;
	[tilespmem:$0x1F800] =	vst v63  }
0x41: {  	_ =	swait.ge [sflag:s5], $0x2000  }
0x42: {  	[sflag:s5] =	ssyncset.done $0x0  }
0x43: {  	s26 =	rddreg [dreg:$0x14];
	[sflag:s5] =	ssyncadd.s32 $0xFFFFE000  }
0x44: {  	[spmem:s26] =	stream.linear.scatter [tilespmem:s6], [sflag:$0xD], $0x800, $0x38;
	[tilespmem:$0x1F800] =	vst v63  }
0x45: {  	_ =	swait.ge [sflag:s5], $0x800  }
0x46: {  	[sflag:s5] =	ssyncset.done $0x0  }
0x47: {  	s29 =	rddreg [dreg:$0x15];
	[sflag:s5] =	ssyncadd.s32 $0xFFFFF800  }
0x48: {  	[spmem:s29] =	stream.linear.scatter [tilespmem:s4], [sflag:$0xD], $0x2000, $0x38;
	[tilespmem:$0x1F800] =	vst v63  }
0x49: {  	_ =	swait.ge [sflag:s5], $0x2000  }
0x4a: {  	[sflag:s5] =	ssyncset.done $0x0  }
0x4b: {  	s26 =	rddreg [dreg:$0x16];
	[sflag:s5] =	ssyncadd.s32 $0xFFFFE000  }
0x4c: {  	[spmem:s26] =	stream.linear.scatter [tilespmem:s6], [sflag:$0xD], $0x800, $0x38;
	[tilespmem:$0x1F800] =	vst v63  }
0x4d: {  	_ =	swait.ge [sflag:s5], $0x800  }
0x4e: {  	[sflag:s5] =	ssyncset.done $0x0  }
0x4f: {  	s29 =	rddreg [dreg:$0x17];
	[sflag:s5] =	ssyncadd.s32 $0xFFFFF800  }
0x50: {  	[spmem:s29] =	stream.linear.scatter [tilespmem:s4], [sflag:$0xD], $0x2000, $0x38;
	[tilespmem:$0x1F800] =	vst v63  }
0x51: {  	_ =	swait.ge [sflag:s5], $0x2000  }
0x52: {  	[sflag:s5] =	ssyncset.done $0x0  }
0x53: {  	s26 =	rddreg [dreg:$0x18];
	[sflag:s5] =	ssyncadd.s32 $0xFFFFE000  }
0x54: {  	[spmem:s26] =	stream.linear.scatter [tilespmem:s6], [sflag:$0xD], $0x800, $0x38;
	[tilespmem:$0x1F800] =	vst v63  }
0x55: {  	_ =	swait.ge [sflag:s5], $0x800  }
0x56: {  	[sflag:s5] =	ssyncset.done $0x0  }
0x57: {  	s29 =	rddreg [dreg:$0x19];
	[sflag:s5] =	ssyncadd.s32 $0xFFFFF800  }
0x58: {  	[spmem:s29] =	stream.linear.scatter [tilespmem:s4], [sflag:$0xD], $0x2000, $0x38;
	[tilespmem:$0x1F800] =	vst v63  }
0x59: {  	_ =	swait.ge [sflag:s5], $0x2000  }
0x5a: {  	[sflag:s5] =	ssyncset.done $0x0  }
0x5b: {  	s26 =	rddreg [dreg:$0x1a];
	[sflag:s5] =	ssyncadd.s32 $0xFFFFE000  }
0x5c: {  	[spmem:s26] =	stream.linear.scatter [tilespmem:s6], [sflag:$0xD], $0x800, $0x38;
	[tilespmem:$0x1F800] =	vst v63  }
0x5d: {  	_ =	swait.ge [sflag:s5], $0x800  }
0x5e: {  	[sflag:s5] =	ssyncset.done $0x0  }
0x5f: {  	s29 =	rddreg [dreg:$0x1b];
	[sflag:s5] =	ssyncadd.s32 $0xFFFFF800  }
0x60: {  	[spmem:s29] =	stream.linear.scatter [tilespmem:s4], [sflag:$0xD], $0x2000, $0x38;
	[tilespmem:$0x1F800] =	vst v63  }
0x61: {  	_ =	swait.ge [sflag:s5], $0x2000  }
0x62: {  	[sflag:s5] =	ssyncset.done $0x0  }
0x63: {  	s4 =	rddreg [dreg:$0x1c];
	[sflag:s5] =	ssyncadd.s32 $0xFFFFE000  }
0x64: {  	[spmem:s4] =	stream.linear.scatter [tilespmem:s6], [sflag:$0xD], $0x800, $0x38;
	[tilespmem:$0x1F800] =	vst v63  }
0x65: {  	_ =	swait.ge [sflag:s5], $0x800  }
0x66: {  	[sflag:s5] =	ssyncset.done $0x0  }
0x67: {  	[sflag:s5] =	ssyncadd.s32 $0xFFFFF800  }
0x68: {  	[bflag:$0x0] =	sbarrier.arrive $0xFFFF  }
0x69: {  	s1 =	simm.s32 $0x0;
	s26 =	rddreg [dreg:$0x5]  }
0x6a: {  	[tilespmem:s1], [sflag:$0xD] =	stream.linear.gather [hbm4b:s26+s1], $0x5000, $0x38;
	[tilespmem:$0x1F800] =	vst v63  }
0x6b: {  	_ =	swait.ge [sflag:s5], $0x5000  }
0x6c: {  	[sflag:s5] =	ssyncset.done $0x0  }
0x6d: {  	s26 =	simm.s32 $0x5000;
	s29 =	rddreg [dreg:$0x10];
	[sflag:s5] =	ssyncadd.s32 $0xFFFFB000  }
0x6e: {  	[tilespmem:s26], [sflag:$0xD] =	stream.linear.gather [hbm4b:s29+s1], $0x5000, $0x38;
	[tilespmem:$0x1F800] =	vst v63  }
0x6f: {  	_ =	swait.ge [sflag:s5], $0x5000  }
0x70: {  	[sflag:s5] =	ssyncset.done $0x0  }
0x71: {  	[sflag:s5] =	ssyncadd.s32 $0xFFFFB000  }
0x72: {  	[tilespmem:s9], [sflag:$0x1] =	stream.indirect.gather [hbm4b:s17+s8], $0x40, s1, s8, $0xb8;
	[tilespmem:$0x1F800] =	vst v63  }
0x73: {  	_ = 	snop  }
0x74: {  	[tilespmem:s10], [sflag:$0x4] =	stream.indirect.gather [hbm4b:s17+s8], $0x40, s8, s8, $0xb8;
	[tilespmem:$0x1F800] =	vst v63  }
0x75: {  	_ = 	snop  }
0x76: {  	[tilespmem:s15], [sflag:$0x2] =	stream.indirect.gather [hbm4b:s17+s8], $0x40, s13, s8, $0xb8;
	[tilespmem:$0x1F800] =	vst v63  }
0x77: {  	s4 =	simm.s32 $0xC0  }
0x78: {  	[tilespmem:s16], [sflag:$0x5] =	stream.indirect.gather [hbm4b:s17+s8], $0x40, s4, s8, $0xb8;
	[tilespmem:$0x1F800] =	vst v63  }
0x79: {  	_ =	swait.ge [sflag:s18], $0x1000  }
0x7a: {  	[sflag:s18] =	ssyncset.done $0x0  }
0x7b: {  	[sflag:s18] =	ssyncadd.s32 $0xFFFFF000  }
0x7c: {  	_ =	swait.ge [sflag:s19], $0x1000  }
0x7d: {  	[sflag:s19] =	ssyncset.done $0x0  }
0x7e: {  	[sflag:s19] =	ssyncadd.s32 $0xFFFFF000  }
0x7f: {  	[spmem:s12] =	stream.indirect.scatter.add.f32 [tilespmem:s9], [sflag:$0x7], $0x40, s26, s13, $0xb8;
	[tilespmem:$0x1F800] =	vst v63  }
0x80: {  	_ = 	snop  }
0x81: {  	[spmem:s14] =	stream.indirect.scatter.add.f32 [tilespmem:s20], [sflag:$0xA], $0x10, s26, s13, $0xb8;
	[tilespmem:$0x1F800] =	vst v63  }
0x82: {  	s29 =	simm.s32 $0x100  }
0x83: {  	[tilespmem:s21], [sflag:$0x3] =	stream.indirect.gather [hbm4b:s17+s8], $0x40, s29, s8, $0xb8;
	[tilespmem:$0x1F800] =	vst v63  }
0x84: {  	s4 =	simm.s32 $0x140  }
0x85: {  	[tilespmem:s23], [sflag:$0x6] =	stream.indirect.gather [hbm4b:s17+s8], $0x40, s4, s8, $0xb8;
	[tilespmem:$0x1F800] =	vst v63  }
0x86: {  	_ =	swait.ge [sflag:s25], $0x1000  }
0x87: {  	[sflag:s25] =	ssyncset.done $0x0  }
0x88: {  	[sflag:s25] =	ssyncadd.s32 $0xFFFFF000  }
0x89: {  	_ =	swait.ge [sflag:s28], $0x1000  }
0x8a: {  	[sflag:s28] =	ssyncset.done $0x0  }
0x8b: {  	s26 =	simm.s32 $0x5080;
	[sflag:s28] =	ssyncadd.s32 $0xFFFFF000  }
0x8c: {  	[spmem:s12] =	stream.indirect.scatter.add.f32 [tilespmem:s15], [sflag:$0x8], $0x40, s26, s13, $0xb8;
	[tilespmem:$0x1F800] =	vst v63  }
0x8d: {  	_ = 	snop  }
0x8e: {  	[spmem:s14] =	stream.indirect.scatter.add.f32 [tilespmem:s20], [sflag:$0xB], $0x10, s26, s13, $0xb8;
	[tilespmem:$0x1F800] =	vst v63  }
0x8f: {  	_ =	swait.ge [sflag:s31], $0x2000  }
0x90: {  	[sflag:s31] =	ssyncset.done $0x0  }
0x91: {  	[sflag:s31] =	ssyncadd.s32 $0xFFFFE000  }
0x92: {  	_ =	swait.ge [sflag:s11], $0x800  }
0x93: {  	[sflag:s11] =	ssyncset.done $0x0  }
0x94: {  	s29 =	simm.s32 $0x180;
	[sflag:s11] =	ssyncadd.s32 $0xFFFFF800  }
0x95: {  	[tilespmem:s9], [sflag:$0x1] =	stream.indirect.gather [hbm4b:s17+s8], $0x40, s29, s8, $0xb8;
	[tilespmem:$0x1F800] =	vst v63  }
0x96: {  	s4 =	simm.s32 $0x1C0  }
0x97: {  	[tilespmem:s10], [sflag:$0x4] =	stream.indirect.gather [hbm4b:s17+s8], $0x40, s4, s8, $0xb8;
	[tilespmem:$0x1F800] =	vst v63  }
0x98: {  	_ =	swait.ge [sflag:s0], $0x1000  }
0x99: {  	[sflag:s0] =	ssyncset.done $0x0  }
0x9a: {  	[sflag:s0] =	ssyncadd.s32 $0xFFFFF000  }
0x9b: {  	_ =	swait.ge [sflag:s2], $0x1000  }
0x9c: {  	[sflag:s2] =	ssyncset.done $0x0  }
0x9d: {  	s26 =	simm.s32 $0x5100;
	[sflag:s2] =	ssyncadd.s32 $0xFFFFF000  }
0x9e: {  	[spmem:s12] =	stream.indirect.scatter.add.f32 [tilespmem:s21], [sflag:$0x9], $0x40, s26, s13, $0xb8;
	[tilespmem:$0x1F800] =	vst v63  }
0x9f: {  	_ = 	snop  }
0xa0: {  	[spmem:s14] =	stream.indirect.scatter.add.f32 [tilespmem:s20], [sflag:$0xC], $0x10, s26, s13, $0xb8;
	[tilespmem:$0x1F800] =	vst v63  }
0xa1: {  	_ =	swait.ge [sflag:s3], $0x2000  }
0xa2: {  	[sflag:s3] =	ssyncset.done $0x0  }
0xa3: {  	[sflag:s3] =	ssyncadd.s32 $0xFFFFE000  }
0xa4: {  	_ =	swait.ge [sflag:s30], $0x800  }
0xa5: {  	[sflag:s30] =	ssyncset.done $0x0  }
0xa6: {  	s29 =	simm.s32 $0x200;
	[sflag:s30] =	ssyncadd.s32 $0xFFFFF800  }
0xa7: {  	[tilespmem:s15], [sflag:$0x2] =	stream.indirect.gather [hbm4b:s17+s8], $0x40, s29, s8, $0xb8;
	[tilespmem:$0x1F800] =	vst v63  }
0xa8: {  	s4 =	simm.s32 $0x240  }
0xa9: {  	[tilespmem:s16], [sflag:$0x5] =	stream.indirect.gather [hbm4b:s17+s8], $0x40, s4, s8, $0xb8;
	[tilespmem:$0x1F800] =	vst v63  }
0xaa: {  	_ =	swait.ge [sflag:s18], $0x1000  }
0xab: {  	[sflag:s18] =	ssyncset.done $0x0  }
0xac: {  	[sflag:s18] =	ssyncadd.s32 $0xFFFFF000  }
0xad: {  	_ =	swait.ge [sflag:s19], $0x1000  }
0xae: {  	[sflag:s19] =	ssyncset.done $0x0  }
0xaf: {  	s26 =	simm.s32 $0x5180;
	[sflag:s19] =	ssyncadd.s32 $0xFFFFF000  }
0xb0: {  	[spmem:s12] =	stream.indirect.scatter.add.f32 [tilespmem:s9], [sflag:$0x7], $0x40, s26, s13, $0xb8;
	[tilespmem:$0x1F800] =	vst v63  }
0xb1: {  	_ = 	snop  }
0xb2: {  	[spmem:s14] =	stream.indirect.scatter.add.f32 [tilespmem:s20], [sflag:$0xA], $0x10, s26, s13, $0xb8;
	[tilespmem:$0x1F800] =	vst v63  }
0xb3: {  	_ =	swait.ge [sflag:s7], $0x2000  }
0xb4: {  	[sflag:s7] =	ssyncset.done $0x0  }
0xb5: {  	[sflag:s7] =	ssyncadd.s32 $0xFFFFE000  }
0xb6: {  	_ =	swait.ge [sflag:s22], $0x800  }
0xb7: {  	[sflag:s22] =	ssyncset.done $0x0  }
0xb8: {  	s29 =	simm.s32 $0x280;
	[sflag:s22] =	ssyncadd.s32 $0xFFFFF800  }
0xb9: {  	[tilespmem:s21], [sflag:$0x3] =	stream.indirect.gather [hbm4b:s17+s8], $0x40, s29, s8, $0xb8;
	[tilespmem:$0x1F800] =	vst v63  }
0xba: {  	s4 =	simm.s32 $0x2C0  }
0xbb: {  	[tilespmem:s23], [sflag:$0x6] =	stream.indirect.gather [hbm4b:s17+s8], $0x40, s4, s8, $0xb8;
	[tilespmem:$0x1F800] =	vst v63  }
0xbc: {  	_ =	swait.ge [sflag:s25], $0x1000  }
0xbd: {  	[sflag:s25] =	ssyncset.done $0x0  }
0xbe: {  	[sflag:s25] =	ssyncadd.s32 $0xFFFFF000  }
0xbf: {  	_ =	swait.ge [sflag:s28], $0x1000  }
0xc0: {  	[sflag:s28] =	ssyncset.done $0x0  }
0xc1: {  	s26 =	simm.s32 $0x5200;
	[sflag:s28] =	ssyncadd.s32 $0xFFFFF000  }
0xc2: {  	[spmem:s12] =	stream.indirect.scatter.add.f32 [tilespmem:s15], [sflag:$0x8], $0x40, s26, s13, $0xb8;
	[tilespmem:$0x1F800] =	vst v63  }
0xc3: {  	_ = 	snop  }
0xc4: {  	[spmem:s14] =	stream.indirect.scatter.add.f32 [tilespmem:s20], [sflag:$0xB], $0x10, s26, s13, $0xb8;
	[tilespmem:$0x1F800] =	vst v63  }
0xc5: {  	_ =	swait.ge [sflag:s31], $0x2000  }
0xc6: {  	[sflag:s31] =	ssyncset.done $0x0  }
0xc7: {  	[sflag:s31] =	ssyncadd.s32 $0xFFFFE000  }
0xc8: {  	_ =	swait.ge [sflag:s11], $0x800  }
0xc9: {  	s29 =	simm.s32 $0x300;
	[sflag:s11] =	ssyncset.done $0x0  }
0xca: {  	s4 =	simm.s32 $0x340;
	s26 =	simm.s32 $0x600;
	[sflag:s11] =	ssyncadd.s32 $0xFFFFF800  }
0xcb: {  	[tilespmem:s9], [sflag:$0x1] =	stream.indirect.gather [hbm4b:s17+s8], $0x40, s29, s8, $0xb8;
	[tilespmem:$0x1F800] =	vst v63  }
.LBB2_4:
0xcc: {  	[tilespmem:s10], [sflag:$0x4] =	stream.indirect.gather [hbm4b:s17+s8], $0x40, s4, s8, $0xb8;
	[tilespmem:$0x1F800] =	vst v63  }
0xcd: {  	s1 =	smov.u32 s26  }
0xce: {  	p0 =	sne.s32 s26, $0x13200;
	s26 =	sadd.s32 $0x600, s26;
	_ =	swait.ge [sflag:s0], $0x1000  }
0xcf: {  	[sflag:s0] =	ssyncset.done $0x0  }
0xd0: {  	[sflag:s0] =	ssyncadd.s32 $0xFFFFF000  }
0xd1: {  	_ =	swait.ge [sflag:s2], $0x1000  }
0xd2: {  	s29 =	sshra.s32 s1, $0x2;
	[sflag:s2] =	ssyncset.done $0x0  }
0xd3: {  	s1 =	sadd.s32 $0x5100, s29;
	[sflag:s2] =	ssyncadd.s32 $0xFFFFF000  }
0xd4: {  	[spmem:s12] =	stream.indirect.scatter.add.f32 [tilespmem:s21], [sflag:$0x9], $0x40, s1, s13, $0xb8;
	[tilespmem:$0x1F800] =	vst v63  }
0xd5: {  	_ = 	snop  }
0xd6: {  	[spmem:s14] =	stream.indirect.scatter.add.f32 [tilespmem:s20], [sflag:$0xC], $0x10, s1, s13, $0xb8;
	[tilespmem:$0x1F800] =	vst v63  }
0xd7: {  	_ =	swait.ge [sflag:s3], $0x2000  }
0xd8: {  	[sflag:s3] =	ssyncset.done $0x0  }
0xd9: {  	[sflag:s3] =	ssyncadd.s32 $0xFFFFE000  }
0xda: {  	_ =	swait.ge [sflag:s30], $0x800  }
0xdb: {  	[sflag:s30] =	ssyncset.done $0x0  }
0xdc: {  	s1 =	sadd.s32 $0x200, s29;
	[sflag:s30] =	ssyncadd.s32 $0xFFFFF800  }
0xdd: {  	[tilespmem:s15], [sflag:$0x2] =	stream.indirect.gather [hbm4b:s17+s8], $0x40, s1, s8, $0xb8;
	[tilespmem:$0x1F800] =	vst v63  }
0xde: {  	s1 =	sadd.s32 $0x240, s29  }
0xdf: {  	[tilespmem:s16], [sflag:$0x5] =	stream.indirect.gather [hbm4b:s17+s8], $0x40, s1, s8, $0xb8;
	[tilespmem:$0x1F800] =	vst v63  }
0xe0: {  	_ =	swait.ge [sflag:s18], $0x1000  }
0xe1: {  	[sflag:s18] =	ssyncset.done $0x0  }
0xe2: {  	[sflag:s18] =	ssyncadd.s32 $0xFFFFF000  }
0xe3: {  	_ =	swait.ge [sflag:s19], $0x1000  }
0xe4: {  	[sflag:s19] =	ssyncset.done $0x0  }
0xe5: {  	s1 =	sadd.s32 $0x5180, s29;
	[sflag:s19] =	ssyncadd.s32 $0xFFFFF000  }
0xe6: {  	[spmem:s12] =	stream.indirect.scatter.add.f32 [tilespmem:s9], [sflag:$0x7], $0x40, s1, s13, $0xb8;
	[tilespmem:$0x1F800] =	vst v63  }
0xe7: {  	_ = 	snop  }
0xe8: {  	[spmem:s14] =	stream.indirect.scatter.add.f32 [tilespmem:s20], [sflag:$0xA], $0x10, s1, s13, $0xb8;
	[tilespmem:$0x1F800] =	vst v63  }
0xe9: {  	_ =	swait.ge [sflag:s7], $0x2000  }
0xea: {  	[sflag:s7] =	ssyncset.done $0x0  }
0xeb: {  	[sflag:s7] =	ssyncadd.s32 $0xFFFFE000  }
0xec: {  	_ =	swait.ge [sflag:s22], $0x800  }
0xed: {  	[sflag:s22] =	ssyncset.done $0x0  }
0xee: {  	s1 =	sadd.s32 $0x280, s29;
	[sflag:s22] =	ssyncadd.s32 $0xFFFFF800  }
0xef: {  	[tilespmem:s21], [sflag:$0x3] =	stream.indirect.gather [hbm4b:s17+s8], $0x40, s1, s8, $0xb8;
	[tilespmem:$0x1F800] =	vst v63  }
0xf0: {  	s1 =	sadd.s32 $0x2C0, s29  }
0xf1: {  	[tilespmem:s23], [sflag:$0x6] =	stream.indirect.gather [hbm4b:s17+s8], $0x40, s1, s8, $0xb8;
	[tilespmem:$0x1F800] =	vst v63  }
0xf2: {  	_ =	swait.ge [sflag:s25], $0x1000  }
0xf3: {  	[sflag:s25] =	ssyncset.done $0x0  }
0xf4: {  	[sflag:s25] =	ssyncadd.s32 $0xFFFFF000  }
0xf5: {  	_ =	swait.ge [sflag:s28], $0x1000  }
0xf6: {  	[sflag:s28] =	ssyncset.done $0x0  }
0xf7: {  	s1 =	sadd.s32 $0x5200, s29;
	[sflag:s28] =	ssyncadd.s32 $0xFFFFF000  }
0xf8: {  	[spmem:s12] =	stream.indirect.scatter.add.f32 [tilespmem:s15], [sflag:$0x8], $0x40, s1, s13, $0xb8;
	[tilespmem:$0x1F800] =	vst v63  }
0xf9: {  	_ = 	snop  }
0xfa: {  	[spmem:s14] =	stream.indirect.scatter.add.f32 [tilespmem:s20], [sflag:$0xB], $0x10, s1, s13, $0xb8;
	[tilespmem:$0x1F800] =	vst v63  }
0xfb: {  	_ =	swait.ge [sflag:s31], $0x2000  }
0xfc: {  	[sflag:s31] =	ssyncset.done $0x0  }
0xfd: {  	[sflag:s31] =	ssyncadd.s32 $0xFFFFE000  }
.Ltmp1:
0xfe: {  	_ =	swait.ge [sflag:s11], $0x800;
	(pc) =	sbr.rel @p0 .LBB2_4-.Ltmp1, $4  }
0xff: {  	[sflag:s11] =	ssyncset.done $0x0  }
0x100: {  	s1 =	sadd.s32 $0x300, s29;
	[sflag:s11] =	ssyncadd.s32 $0xFFFFF800  }
0x101: {  	[tilespmem:s9], [sflag:$0x1] =	stream.indirect.gather [hbm4b:s17+s8], $0x40, s1, s8, $0xb8;
	[tilespmem:$0x1F800] =	vst v63  }
0x102: {  	s4 =	sadd.s32 $0x340, s29  }
0x103: {  	[tilespmem:s10], [sflag:$0x4] =	stream.indirect.gather [hbm4b:s17+s8], $0x40, s4, s8, $0xb8;
	[tilespmem:$0x1F800] =	vst v63  }
0x104: {  	_ =	swait.ge [sflag:s0], $0x1000  }
0x105: {  	[sflag:s0] =	ssyncset.done $0x0  }
0x106: {  	[sflag:s0] =	ssyncadd.s32 $0xFFFFF000  }
0x107: {  	_ =	swait.ge [sflag:s2], $0x1000  }
0x108: {  	[sflag:s2] =	ssyncset.done $0x0  }
0x109: {  	s1 =	simm.s32 $0x9F00;
	[sflag:s2] =	ssyncadd.s32 $0xFFFFF000  }
0x10a: {  	[spmem:s12] =	stream.indirect.scatter.add.f32 [tilespmem:s21], [sflag:$0x9], $0x40, s1, s13, $0xb8;
	[tilespmem:$0x1F800] =	vst v63  }
0x10b: {  	_ = 	snop  }
0x10c: {  	[spmem:s14] =	stream.indirect.scatter.add.f32 [tilespmem:s20], [sflag:$0xC], $0x10, s1, s13, $0xb8;
	[tilespmem:$0x1F800] =	vst v63  }
0x10d: {  	_ =	swait.ge [sflag:s18], $0x1000  }
0x10e: {  	[sflag:s18] =	ssyncset.done $0x0  }
0x10f: {  	[sflag:s18] =	ssyncadd.s32 $0xFFFFF000  }
0x110: {  	_ =	swait.ge [sflag:s19], $0x1000  }
0x111: {  	[sflag:s19] =	ssyncset.done $0x0  }
0x112: {  	s29 =	simm.s32 $0x9F80;
	[sflag:s19] =	ssyncadd.s32 $0xFFFFF000  }
0x113: {  	[spmem:s12] =	stream.indirect.scatter.add.f32 [tilespmem:s9], [sflag:$0x7], $0x40, s29, s13, $0xb8;
	[tilespmem:$0x1F800] =	vst v63  }
0x114: {  	_ = 	snop  }
0x115: {  	[spmem:s14] =	stream.indirect.scatter.add.f32 [tilespmem:s20], [sflag:$0xA], $0x10, s29, s13, $0xb8;
	[tilespmem:$0x1F800] =	vst v63  }
0x116: {  	_ =	swait.ge [sflag:s3], $0x2000  }
0x117: {  	[sflag:s3] =	ssyncset.done $0x0  }
0x118: {  	[sflag:s3] =	ssyncadd.s32 $0xFFFFE000  }
0x119: {  	_ =	swait.ge [sflag:s30], $0x800  }
0x11a: {  	[sflag:s30] =	ssyncset.done $0x0  }
0x11b: {  	[sflag:s30] =	ssyncadd.s32 $0xFFFFF800  }
0x11c: {  	_ =	swait.ge [sflag:s7], $0x2000  }
0x11d: {  	[sflag:s7] =	ssyncset.done $0x0  }
0x11e: {  	[sflag:s7] =	ssyncadd.s32 $0xFFFFE000  }
0x11f: {  	_ =	swait.ge [sflag:s22], $0x800  }
0x120: {  	[sflag:s22] =	ssyncset.done $0x0  }
0x121: {  	[sflag:s22] =	ssyncadd.s32 $0xFFFFF800  }
0x122: {  	_ =	swait.ge [sflag:s31], $0x2000  }
0x123: {  	[sflag:s31] =	ssyncset.done $0x0  }
0x124: {  	[sflag:s31] =	ssyncadd.s32 $0xFFFFE000  }
0x125: {  	_ =	swait.ge [sflag:s11], $0x800  }
0x126: {  	[sflag:s11] =	ssyncset.done $0x0  }
0x127: {  	[sflag:s11] =	ssyncadd.s32 $0xFFFFF800  }
0x128: {  	[bflag:$0x0] =	sbarrier.arrive $0xFFFF  }
0x129: {  	s4 =	rddreg [dreg:$0x11]  }
0x12a: {  	[tilespmem:s9], [sflag:$0xD] =	stream.linear.gather [spmem:s4], $0x2000, $0x38;
	[tilespmem:$0x1F800] =	vst v63  }
0x12b: {  	_ =	swait.ge [sflag:s5], $0x2000  }
0x12c: {  	[sflag:s5] =	ssyncset.done $0x0  }
0x12d: {  	s1 =	simm.s32 $0x0;
	s26 =	rddreg [dreg:$0x6];
	[sflag:s5] =	ssyncadd.s32 $0xFFFFE000  }
0x12e: {  	[hbm4b:s26+s1] =	stream.linear.scatter [tilespmem:s9], [sflag:$0xD], $0x2000, $0x38;
	[tilespmem:$0x1F800] =	vst v63  }
0x12f: {  	_ =	swait.ge [sflag:s5], $0x2000  }
0x130: {  	[sflag:s5] =	ssyncset.done $0x0  }
0x131: {  	s29 =	rddreg [dreg:$0x1d];
	[sflag:s5] =	ssyncadd.s32 $0xFFFFE000  }
0x132: {  	[tilespmem:s6], [sflag:$0xD] =	stream.linear.gather [spmem:s29], $0x800, $0x38;
	[tilespmem:$0x1F800] =	vst v63  }
0x133: {  	_ =	swait.ge [sflag:s5], $0x800  }
0x134: {  	[sflag:s5] =	ssyncset.done $0x0  }
0x135: {  	s26 =	rddreg [dreg:$0x7];
	[sflag:s5] =	ssyncadd.s32 $0xFFFFF800  }
0x136: {  	[hbm4b:s26+s1] =	stream.linear.scatter [tilespmem:s6], [sflag:$0xD], $0x800, $0x38;
	[tilespmem:$0x1F800] =	vst v63  }
0x137: {  	_ =	swait.ge [sflag:s5], $0x800  }
0x138: {  	[sflag:s5] =	ssyncset.done $0x0  }
0x139: {  	s29 =	rddreg [dreg:$0x15];
	[sflag:s5] =	ssyncadd.s32 $0xFFFFF800  }
0x13a: {  	[tilespmem:s9], [sflag:$0xD] =	stream.linear.gather [spmem:s29], $0x2000, $0x38;
	[tilespmem:$0x1F800] =	vst v63  }
0x13b: {  	_ =	swait.ge [sflag:s5], $0x2000  }
0x13c: {  	[sflag:s5] =	ssyncset.done $0x0  }
0x13d: {  	s26 =	rddreg [dreg:$0x8];
	[sflag:s5] =	ssyncadd.s32 $0xFFFFE000  }
0x13e: {  	[hbm4b:s26+s1] =	stream.linear.scatter [tilespmem:s9], [sflag:$0xD], $0x2000, $0x38;
	[tilespmem:$0x1F800] =	vst v63  }
0x13f: {  	_ =	swait.ge [sflag:s5], $0x2000  }
0x140: {  	[sflag:s5] =	ssyncset.done $0x0  }
0x141: {  	s29 =	rddreg [dreg:$0x1e];
	[sflag:s5] =	ssyncadd.s32 $0xFFFFE000  }
0x142: {  	[tilespmem:s6], [sflag:$0xD] =	stream.linear.gather [spmem:s29], $0x800, $0x38;
	[tilespmem:$0x1F800] =	vst v63  }
0x143: {  	_ =	swait.ge [sflag:s5], $0x800  }
0x144: {  	[sflag:s5] =	ssyncset.done $0x0  }
0x145: {  	s26 =	rddreg [dreg:$0xc];
	[sflag:s5] =	ssyncadd.s32 $0xFFFFF800  }
0x146: {  	[hbm4b:s26+s1] =	stream.linear.scatter [tilespmem:s6], [sflag:$0xD], $0x800, $0x38;
	[tilespmem:$0x1F800] =	vst v63  }
0x147: {  	_ =	swait.ge [sflag:s5], $0x800  }
0x148: {  	[sflag:s5] =	ssyncset.done $0x0  }
0x149: {  	s29 =	rddreg [dreg:$0x17];
	[sflag:s5] =	ssyncadd.s32 $0xFFFFF800  }
0x14a: {  	[tilespmem:s9], [sflag:$0xD] =	stream.linear.gather [spmem:s29], $0x2000, $0x38;
	[tilespmem:$0x1F800] =	vst v63  }
0x14b: {  	_ =	swait.ge [sflag:s5], $0x2000  }
0x14c: {  	[sflag:s5] =	ssyncset.done $0x0  }
0x14d: {  	s26 =	rddreg [dreg:$0x9];
	[sflag:s5] =	ssyncadd.s32 $0xFFFFE000  }
0x14e: {  	[hbm4b:s26+s1] =	stream.linear.scatter [tilespmem:s9], [sflag:$0xD], $0x2000, $0x38;
	[tilespmem:$0x1F800] =	vst v63  }
0x14f: {  	_ =	swait.ge [sflag:s5], $0x2000  }
0x150: {  	[sflag:s5] =	ssyncset.done $0x0  }
0x151: {  	s29 =	rddreg [dreg:$0x1f];
	[sflag:s5] =	ssyncadd.s32 $0xFFFFE000  }
0x152: {  	[tilespmem:s6], [sflag:$0xD] =	stream.linear.gather [spmem:s29], $0x800, $0x38;
	[tilespmem:$0x1F800] =	vst v63  }
0x153: {  	_ =	swait.ge [sflag:s5], $0x800  }
0x154: {  	[sflag:s5] =	ssyncset.done $0x0  }
0x155: {  	s26 =	rddreg [dreg:$0xd];
	[sflag:s5] =	ssyncadd.s32 $0xFFFFF800  }
0x156: {  	[hbm4b:s26+s1] =	stream.linear.scatter [tilespmem:s6], [sflag:$0xD], $0x800, $0x38;
	[tilespmem:$0x1F800] =	vst v63  }
0x157: {  	_ =	swait.ge [sflag:s5], $0x800  }
0x158: {  	[sflag:s5] =	ssyncset.done $0x0  }
0x159: {  	s29 =	rddreg [dreg:$0x19];
	[sflag:s5] =	ssyncadd.s32 $0xFFFFF800  }
0x15a: {  	[tilespmem:s9], [sflag:$0xD] =	stream.linear.gather [spmem:s29], $0x2000, $0x38;
	[tilespmem:$0x1F800] =	vst v63  }
0x15b: {  	_ =	swait.ge [sflag:s5], $0x2000  }
0x15c: {  	[sflag:s5] =	ssyncset.done $0x0  }
0x15d: {  	s26 =	rddreg [dreg:$0xa];
	[sflag:s5] =	ssyncadd.s32 $0xFFFFE000  }
0x15e: {  	[hbm4b:s26+s1] =	stream.linear.scatter [tilespmem:s9], [sflag:$0xD], $0x2000, $0x38;
	[tilespmem:$0x1F800] =	vst v63  }
0x15f: {  	_ =	swait.ge [sflag:s5], $0x2000  }
0x160: {  	s29 =	sld [smem:$0x7FC]  }
0x161: {  	[sflag:s5] =	ssyncset.done $0x0  }
0x162: {  	[sflag:s5] =	ssyncadd.s32 $0xFFFFE000  }
0x163: {  	[tilespmem:s6], [sflag:$0xD] =	stream.linear.gather [spmem:s29], $0x800, $0x38;
	[tilespmem:$0x1F800] =	vst v63  }
0x164: {  	_ =	swait.ge [sflag:s5], $0x800  }
0x165: {  	[sflag:s5] =	ssyncset.done $0x0  }
0x166: {  	s26 =	rddreg [dreg:$0xe];
	[sflag:s5] =	ssyncadd.s32 $0xFFFFF800  }
0x167: {  	[hbm4b:s26+s1] =	stream.linear.scatter [tilespmem:s6], [sflag:$0xD], $0x800, $0x38;
	[tilespmem:$0x1F800] =	vst v63  }
0x168: {  	_ =	swait.ge [sflag:s5], $0x800  }
0x169: {  	[sflag:s5] =	ssyncset.done $0x0  }
0x16a: {  	s29 =	rddreg [dreg:$0x1b];
	[sflag:s5] =	ssyncadd.s32 $0xFFFFF800  }
0x16b: {  	[tilespmem:s9], [sflag:$0xD] =	stream.linear.gather [spmem:s29], $0x2000, $0x38;
	[tilespmem:$0x1F800] =	vst v63  }
0x16c: {  	_ =	swait.ge [sflag:s5], $0x2000  }
0x16d: {  	[sflag:s5] =	ssyncset.done $0x0  }
0x16e: {  	s26 =	rddreg [dreg:$0xb];
	[sflag:s5] =	ssyncadd.s32 $0xFFFFE000  }
0x16f: {  	[hbm4b:s26+s1] =	stream.linear.scatter [tilespmem:s9], [sflag:$0xD], $0x2000, $0x38;
	[tilespmem:$0x1F800] =	vst v63  }
0x170: {  	_ =	swait.ge [sflag:s5], $0x2000  }
0x171: {  	s29 =	sld [smem:$0x7FD]  }
0x172: {  	[sflag:s5] =	ssyncset.done $0x0  }
0x173: {  	[sflag:s5] =	ssyncadd.s32 $0xFFFFE000  }
0x174: {  	[tilespmem:s6], [sflag:$0xD] =	stream.linear.gather [spmem:s29], $0x800, $0x38;
	[tilespmem:$0x1F800] =	vst v63  }
0x175: {  	_ =	swait.ge [sflag:s5], $0x800  }
0x176: {  	[sflag:s5] =	ssyncset.done $0x0  }
0x177: {  	s26 =	rddreg [dreg:$0xf];
	[sflag:s5] =	ssyncadd.s32 $0xFFFFF800  }
0x178: {  	[hbm4b:s26+s1] =	stream.linear.scatter [tilespmem:s6], [sflag:$0xD], $0x800, $0x38;
	[tilespmem:$0x1F800] =	vst v63  }
0x179: {  	_ =	swait.ge [sflag:s5], $0x800  }
0x17a: {  	s24 =	sadd.s32 $0x1, s24;
	s29 =	rddreg [dreg:$0x12]  }
0x17b: {  	p0 =	sne.s32 s24, s29  }
.Ltmp2:
0x17c: {  	_ = 	snop;
	(pc) =	sbr.rel @p0 .LBB2_1-.Ltmp2, $3  }
0x17d: {  	_ =	sdelay $0x1  }
0x17e: {  	[sflag:s5] =	ssyncset.done $0x0  }
0x17f: {  	[sflag:s5] =	ssyncadd.s32 $0xFFFFF800  }
0x180: {  	_ =	sfence.sel $0x180000  }
0x181: {  	[bflag:$0x0] =	sbarrier.arrive $0xFFFF  }
0x182: {  	_ =	strace $0x9000004D  }
0x183: {  	s0 =	stileid.u32;
	[bflag:$0x2] =	sbarrier.arrive $0xFFFF  }
0x184: {  	p0 =	sne.s32 s0, $0x0;
	s0 =	rddreg [dreg:$0x4]  }
0x185: {  	s0 =	sadd.s32 @!p0 $0x100000, s0  }
0x186: {  	[sflag:s0] =	ssyncadd.tile.s32 @!p0 $0x1;
	_ =	shalt  }
.Lfunc_end2:
_tile_overlayer_lowered:
.L_overlay_start_2:
0x187: {  	(tag) =	ssettag $0x2  }
0x188: {  	s0 =	rddreg [dreg:$0x0];
	s2 =	stileid.u32  }
0x189: {  	s1 =	rddreg [dreg:$0x1];
	p0 =	sne.s32 s2, $0x0  }
0x18a: {  	s3 =	rddreg [dreg:$0x2];
	[bflag:$0x3] =	sbarrier.arrive $0xFFFF;
	s2 =	simm.s32 @!p0 $0x1C0D  }
0x18b: {  	[timem:s3], [sflag:s2] =	dma.local @!p0 [hbm:s0], s1  }
0x18c: {  	s0 =	simm.s32 @!p0 $0xD  }
0x18d: {  	_ =	swait.ge @!p0 [sflag:s0], s1  }
0x18e: {  	s1 =	ssub.s32 @!p0 $0x0, s1;
	[sflag:s0] =	ssyncset.done @!p0 $0x0  }
0x18f: {  	[sflag:s0] =	ssyncadd.s32 @!p0 s1  }
0x190: {  	[bflag:$0x3] =	sbarrier.arrive $0xFFFF  }
0x191: {  	_ =	shalt  }

// kernel: kernel.8.cloned.1.call-start
scs
__scs_entry_jumppad:
0x0: {  	(pc) =	sbr.rel $0x88, $3  }
0x1: {  	(tag) =	ssettag $0x0;
	lr =	simm.s32 $0x1  }
0x2: {  	[smem:$0x3F96] =	sst lr;
	_ =	strace $0xD0000000  }
0x3: {  	_ = 	snop  }
0x4: {  	_ = 	snop  }
0x5: {  	_ = 	snop  }
0x6: {  	_ = 	snop  }
0x7: {  	_ = 	snop  }
__scs_overlays_trampoline_lowered:
0x8: {  	[smem:$0x3FA5] =	sst s0  }
0x9: {  	[smem:$0x3FA6] =	sst s1  }
0xa: {  	[smem:$0x3FA7] =	sst s2  }
0xb: {  	[smem:$0x3FA8] =	sst s3  }
0xc: {  	[smem:$0x3FA9] =	sst s4  }
0xd: {  	[smem:$0x3FAA] =	sst s5  }
0xe: {  	[smem:$0x3FAB] =	sst s6  }
0xf: {  	[smem:$0x3FAC] =	sst s7  }
0x10: {  	[smem:$0x3FAD] =	sst s8  }
0x11: {  	[smem:$0x3FAE] =	sst s9;
	s0 =	simm.s32 @!p0 $0x0  }
0x12: {  	s1 =	sld [smem:$0x3F94];
	s0 =	simm.s32 @p0 $0x1  }
0x13: {  	[smem:$0x3FAF] =	sst s0;
	s0 =	simm.s32 @!p1 $0x0  }
0x14: {  	s2 =	sld [smem:$0x3F93];
	s0 =	simm.s32 @p1 $0x1  }
0x15: {  	[smem:$0x3FB0] =	sst s0;
	s0 =	simm.s32 @!p2 $0x0  }
0x16: {  	s3 =	sld [smem:$0x3FDB];
	s0 =	simm.s32 @p2 $0x1  }
0x17: {  	s4 =	simm.s32 $0x1BF5;
	[smem:$0x3FB2] =	sst s0  }
0x18: {  	s0 =	sld [smem:$0x3F95];
	_ =	swait.ge [sflag:s4], $0x0  }
0x19: {  	s7 =	sld [smem:$0x3F96]  }
0x1a: {  	s8 =	sadd.s32 $0xFFFFE003, lr  }
0x1b: {  	s9 =	sadd.s32 $0xFFFFFEF7, lr;
	s5 =	simm.s32 $0xFFFFFFFF;
	p2 =	slt.u32 s8, $0xFFFFF086  }
0x1c: {  	p1 =	slt.u32 s9, $0xF7A;
	s5 =	simm.s32 @!p2 $0x0  }
0x1d: {  	s5 =	simm.s32 @p1 $0x1;
	p0 =	seq.s32 s7, s2  }
0x1e: {  	s7 =	smul.u32 @!p0 $0xF7A, s2;
	p2 =	seq.s32 @!p0 s5, $0x0  }
0x1f: {  	s9 =	smul.u32 $0xF7A, s1;
	s8 =	simm.s32 @!p0 $0x1BF5;
	p2 =	por !p2, p0  }
0x20: {  	[sflag:s8] =	ssyncset.s32 @!p0 $0xFFFFF086;
	s6 =	sadd.s32 @!p0 s3, s7;
	s7 =	simm.s32 @!p0 $0x108  }
0x21: {  	s3 =	sadd.s32 s3, s9;
	s6 =	sadd.s32 @!p0 $0x88, s6;
	s7 =	simm.s32 @p2 $0x1082  }
0x22: {  	[simem:s7], [sflag:s8] =	dma.local @!p0 [hbm:s6], $0xF7A  }
0x23: {  	s9 =	sor.u32 $0xD0000000, s2;
	s6 =	simm.s32 $0x108;
	_ =	swait.ge @!p0 [sflag:s8], $0x0  }
0x24: {  	s3 =	sadd.s32 $0x88, s3;
	s6 =	simm.s32 @!p1 $0x1082;
	[sflag:s4] =	ssyncset.s32 $0xFFFFF086  }
0x25: {  	[simem:s6], [sflag:s4] =	dma.local [hbm:s3], $0xF7A  }
0x26: {  	[smem:$0x3F96] =	sst s1;
	(tag) =	ssettag s2;
	_ =	strace s9  }
0x27: {  	s1 =	sld [smem:$0x3FA6]  }
0x28: {  	s2 =	sld [smem:$0x3FA7]  }
0x29: {  	s4 =	sld [smem:$0x3FA9]  }
0x2a: {  	p0 =	seq.s32 s5, $0x0;
	s5 =	sld [smem:$0x3FAA]  }
0x2b: {  	s6 =	sld [smem:$0x3FAB]  }
0x2c: {  	s7 =	sld [smem:$0x3FAC]  }
0x2d: {  	s3 =	simm.s32 $0x108;
	s8 =	sld [smem:$0x3FAD]  }
0x2e: {  	s3 =	simm.s32 @!p0 $0x1082;
	s9 =	sld [smem:$0x3FAE]  }
0x2f: {  	lr =	sadd.s32 s0, s3;
	s0 =	sld [smem:$0x3FA5]  }
0x30: {  	s3 =	sld [smem:$0x3FA8]  }
0x31: {  	[smem:$0x3FB1] =	sst s10  }
0x32: {  	s10 =	sld [smem:$0x3FAF];
	_ =	sdelay $0x3  }
0x33: {  	p0 =	seq.s32 s10, $0x1;
	s10 =	sld [smem:$0x3FB1];
	_ =	sdelay $0x3  }
0x34: {  	[smem:$0x3FB1] =	sst s10  }
0x35: {  	s10 =	sld [smem:$0x3FB0];
	_ =	sdelay $0x3  }
0x36: {  	p1 =	seq.s32 s10, $0x1;
	s10 =	sld [smem:$0x3FB1];
	_ =	sdelay $0x3  }
0x37: {  	[smem:$0x3FB1] =	sst s10  }
0x38: {  	s10 =	sld [smem:$0x3FB2]  }
0x39: {  	_ = 	snop;
	(pc) =	sbr.ind lr, $3  }
0x3a: {  	_ = 	snop  }
0x3b: {  	_ = 	snop  }
0x3c: {  	p2 =	seq.s32 s10, $0x1;
	s10 =	sld [smem:$0x3FB1]  }
0x3d: {  	_ =	shalt  }
0x3e: {  	_ =	shalt  }
0x3f: {  	_ =	shalt  }
0x40: {  	_ =	shalt  }
0x41: {  	_ =	shalt  }
0x42: {  	_ =	shalt  }
0x43: {  	_ =	shalt  }
0x44: {  	_ =	shalt  }
0x45: {  	_ =	shalt  }
0x46: {  	_ =	shalt  }
0x47: {  	_ =	shalt  }
0x48: {  	_ =	shalt  }
0x49: {  	_ =	shalt  }
0x4a: {  	_ =	shalt  }
0x4b: {  	_ =	shalt  }
0x4c: {  	_ =	shalt  }
0x4d: {  	_ =	shalt  }
0x4e: {  	_ =	shalt  }
0x4f: {  	_ =	shalt  }
0x50: {  	_ =	shalt  }
0x51: {  	_ =	shalt  }
0x52: {  	_ =	shalt  }
0x53: {  	_ =	shalt  }
0x54: {  	_ =	shalt  }
0x55: {  	_ =	shalt  }
0x56: {  	_ =	shalt  }
0x57: {  	_ =	shalt  }
0x58: {  	_ =	shalt  }
0x59: {  	_ =	shalt  }
0x5a: {  	_ =	shalt  }
0x5b: {  	_ =	shalt  }
0x5c: {  	_ =	shalt  }
0x5d: {  	_ =	shalt  }
0x5e: {  	_ =	shalt  }
0x5f: {  	_ =	shalt  }
0x60: {  	_ =	shalt  }
0x61: {  	_ =	shalt  }
0x62: {  	_ =	shalt  }
0x63: {  	_ =	shalt  }
0x64: {  	_ =	shalt  }
0x65: {  	_ =	shalt  }
0x66: {  	_ =	shalt  }
0x67: {  	_ =	shalt  }
0x68: {  	_ =	shalt  }
0x69: {  	_ =	shalt  }
0x6a: {  	_ =	shalt  }
0x6b: {  	_ =	shalt  }
0x6c: {  	_ =	shalt  }
0x6d: {  	_ =	shalt  }
0x6e: {  	_ =	shalt  }
0x6f: {  	_ =	shalt  }
0x70: {  	_ =	shalt  }
0x71: {  	_ =	shalt  }
0x72: {  	_ =	shalt  }
0x73: {  	_ =	shalt  }
0x74: {  	_ =	shalt  }
0x75: {  	_ =	shalt  }
0x76: {  	_ =	shalt  }
0x77: {  	_ =	shalt  }
0x78: {  	_ =	shalt  }
0x79: {  	_ =	shalt  }
0x7a: {  	_ =	shalt  }
0x7b: {  	_ =	shalt  }
0x7c: {  	_ =	shalt  }
0x7d: {  	_ =	shalt  }
0x7e: {  	_ =	shalt  }
0x7f: {  	_ =	shalt  }
0x80: {  	_ =	shalt  }
0x81: {  	_ =	shalt  }
0x82: {  	_ =	shalt  }
0x83: {  	_ =	shalt  }
0x84: {  	_ =	shalt  }
0x85: {  	_ =	shalt  }
0x86: {  	_ =	shalt  }
0x87: {  	_ =	shalt  }
.Lfunc_end0:
.L_simem_size_0:
called_computation_lowered:
.L_overlay_start_0:
0x88: {  	s2 =	sld [smem:$0x3FD9]  }
0x89: {  	s3 =	sld [smem:$0x3FFE];
	_ =	sdelay $0x1  }
0x8a: {  	s1 =	srdreg.scid  }
0x8b: {  	s0 =	sand.u32 $0x1, s1  }
0x8c: {  	s17 =	sshll.u32 s0, $0xA;
	s2 =	sadd.s32 s3, s2  }
0x8d: {  	s2 =	sadd.s32 s2, s17  }
0x8e: {  	[smem:$0x3FBD] =	sst s2  }
0x8f: {  	_ = 	snop  }
0x90: {  	s2 =	sld [smem:$0x3FD0];
	(tm) =	ssettm $0x1  }
0x91: {  	s18 =	sld [smem:$0x3FFB];
	_ =	sdelay $0x3  }
0x92: {  	_ =	strace s18  }
0x93: {  	s3 =	sld [smem:$0x3FFC];
	_ =	sdelay $0x3  }
0x94: {  	_ =	strace s3  }
0x95: {  	s3 =	sld [smem:$0x3FFD];
	_ =	sdelay $0x3  }
0x96: {  	_ =	strace s3  }
0x97: {  	_ =	strace $0x8FFFFFFF  }
0x98: {  	s19 =	sld [smem:$0x3FDB];
	_ =	sdelay $0x1  }
0x99: {  	s4 =	simm.s32 $_scs_section_size  }
0x9a: {  	s5 =	simm.s32 $_size__tile_overlayer_lowered;
	s6 =	simm.s32 $_tile_overlayer_lowered  }
0x9b: {  	s22 =	simm.s32 $0x1BFF;
	s21 =	sshll.u32 s6, $0x1;
	s3 =	sadd.s32 s4, s19  }
0x9c: {  	s7 =	simm.s32 $0x0;
	s20 =	sshll.u32 s5, $0x1;
	s5 =	sadd.s32 s21, s3  }
0x9d: {  	[timem:s7], [sflag:s22] =	dma.local [hbm:s5], s20  }
0x9e: {  	_ =	swait.ge [sflag:s22], s20  }
0x9f: {  	s4 =	ssub.s32 $0x0, s20;
	[sflag:s22] =	ssyncset.done $0x0  }
0xa0: {  	[sflag:s22] =	ssyncadd.s32 s4;
	_ =	sdelay $0x1  }
0xa1: {  	s23 =	simm.s32 $0x1B8B  }
0xa2: {  	_ =	swait.ge [sflag:s23], $0x1  }
0xa3: {  	[sflag:s23] =	ssyncset.done $0x0  }
0xa4: {  	s25 =	simm.s32 $0x1B8E;
	s24 =	sld [smem:$0x3FFE];
	[sflag:s23] =	ssyncadd.s32 $0xFFFFFFFF  }
0xa5: {  	s26 =	simm.s32 $execute0_lowered;
	[smem:$0x3FD2] =	sst s25  }
0xa6: {  	s5 =	sshll.u32 s26, $0x1;
	_ =	strace $0x80000046;
	[dreg:$0x1] =	wrdreg $0xFFFFFFFF  }
0xa7: {  	s28 =	simm.s32 $_size_execute0_lowered;
	s3 =	sadd.s32 s3, s5;
	[dreg:$0x0] =	wrdreg $0x0  }
0xa8: {  	s5 =	sshll.u32 s28, $0x1;
	[dreg:$0x2] =	wrdreg s3  }
0xa9: {  	[dreg:$0x3] =	wrdreg s5  }
0xaa: {  	[dreg:$0x4] =	wrdreg $0xC0  }
0xab: {  	_ =	task [dreg:s7], $0x5FFFF  }
0xac: {  	[dreg:$0x1] =	wrdreg $0xFFFFFFFF  }
0xad: {  	[dreg:$0x0] =	wrdreg $0x60  }
0xae: {  	[dreg:$0x2] =	wrdreg s24  }
0xaf: {  	[dreg:$0x3] =	wrdreg s2  }
0xb0: {  	[dreg:$0x4] =	wrdreg $0x130000  }
0xb1: {  	[dreg:$0x5] =	wrdreg $0x1D0000  }
0xb2: {  	[dreg:$0x6] =	wrdreg $0x9  }
0xb3: {  	_ =	task.clear_ibuf [dreg:s7], $0x7FFFF;
	_ =	strace $0x90000046  }
0xb4: {  	s29 =	simm.s32 $0x9;
	_ =	strace $0x80000048  }
0xb5: {  	_ =	swait.ge [sflag:s29], $0x1  }
0xb6: {  	[sflag:s29] =	ssyncadd.s32 $0xFFFFFFFF  }
0xb7: {  	_ =	strace $0x90000048  }
0xb8: {  	_ =	sfence  }
0xb9: {  	s30 =	sld [smem:$0x0];
	_ =	sdelay $0x2  }
0xba: {  	s31 =	sshll.u32 s1, $0xD;
	s1 =	sshrl.u32 s1, $0x2  }
0xbb: {  	s3 =	sand.u32 $0x4000, s31;
	s1 =	sadd.s32 s1, s30  }
0xbc: {  	s0 =	sor.u32 s3, s0;
	s1 =	sshll.u32 s1, $0x11  }
0xbd: {  	s0 =	sor.u32 s1, s0  }
0xbe: {  	s0 =	sadd.s32 $0x8F2B, s0  }
0xbf: {  	[sflag:s0] =	ssyncadd.remote.s32 $0x1  }
0xc0: {  	_ =	sfence.sel $0xFFFF  }
0xc1: {  	[dreg:$0x0] =	wrdreg $0xFFFFFFFF;
	(pc) =	sbr.abs _section_cstart, $3  }
0xc2: {  	[dreg:$0x1] =	wrdreg $0xFFFFFFFF  }
0xc3: {  	_ =	task.clear_ibuf [dreg:s7], $0x2FFFF;
	_ =	strace $0x9FFFFFFF  }
0xc4: {  	(tm) =	ssettm $0x7FFFFFFF  }
0xc5: {  	_ =	shalt  }
tec
execute0_lowered:
.L_overlay_start_1:
0x0: {  	(tag) =	ssettag $0x1  }
0x1: {  	s0 =	srdreg.scid;
	s3 =	rddreg [dreg:$0x0]  }
0x2: {  	s1 =	stileid.u32;
	s5 =	rddreg [dreg:$0x1];
	s6 =	simm.s32 $0x0  }
0x3: {  	s28 =	simm.s32 $0x5;
	s31 =	simm.s32 $0x7;
	s4 =	smul.u32 $0xA00, s1  }
0x4: {  	s30 =	simm.s32 $0xB;
	s0 =	sand.u32 $0x1, s0;
	s9 =	smul.u32 $0x280, s1  }
0x5: {  	[smem:$0x7FF] =	sst s6;
	s7 =	sadd.s32 $0x3D800, s3;
	s2 =	smul.u32 $0x13880, s0  }
0x6: {  	s8 =	ssub.s32 $0x2, s0;
	s11 =	smul.u32 $0xA0000, s0;
	s6 =	sadd.s32 s4, s3  }
0x7: {  	s10 =	sshrl.u32 s8, $0x1;
	s12 =	sadd.s32 $0x80, s9;
	s19 =	sadd.s32 s5, s4  }
0x8: {  	s4 =	smul.u32 $0xA000, s1;
	s13 =	sadd.s32 $0x100, s9;
	s14 =	sadd.s32 $0x180, s9  }
0x9: {  	s9 =	sadd.s32 $0x200, s9;
	s2 =	sadd.s32 s2, s3;
	s3 =	sadd.s32 $0x33800, s3  }
0xa: {  	s8 =	ssub.s32 s8, s10;
	s10 =	smul.u32 $0x28000, s0;
	[dreg:$0x5] =	wrdreg s19  }
0xb: {  	s5 =	sshll.u32 s12, $0x6;
	s0 =	smul.u32 $0x2800, s1;
	s15 =	sshll.u32 s13, $0x6  }
0xc: {  	s16 =	sshll.u32 s14, $0x6;
	s19 =	sshll.u32 s9, $0x6;
	s17 =	sadd.s32 s11, s4  }
0xd: {  	s13 =	sshll.u32 s13, $0x4;
	s21 =	sadd.s32 s11, s5;
	s17 =	sshrl.u32 s17, $0x3  }
0xe: {  	s18 =	sadd.s32 s10, s0;
	s22 =	sshrl.u32 s21, $0x3;
	s17 =	sadd.s32 s7, s17  }
0xf: {  	s20 =	sshrl.u32 s18, $0x3;
	s18 =	sshll.u32 s12, $0x4;
	s12 =	sadd.s32 s7, s22  }
0x10: {  	[dreg:$0x6] =	wrdreg s17;
	s17 =	sadd.s32 s3, s20;
	s20 =	sadd.s32 s11, s15  }
0x11: {  	s26 =	sadd.s32 s11, s16;
	[dreg:$0x8] =	wrdreg s12;
	s25 =	sshrl.u32 s20, $0x3  }
0x12: {  	s29 =	sadd.s32 s10, s13;
	[dreg:$0x7] =	wrdreg s17;
	s17 =	sadd.s32 s7, s25  }
0x13: {  	s11 =	sadd.s32 s11, s19;
	[dreg:$0x9] =	wrdreg s17;
	s17 =	sshrl.u32 s26, $0x3  }
0x14: {  	s12 =	rddreg [dreg:$0x2];
	s11 =	sshrl.u32 s11, $0x3;
	s17 =	sadd.s32 s7, s17  }
0x15: {  	s7 =	sadd.s32 s7, s11;
	s11 =	sshll.u32 s14, $0x4;
	s14 =	rddreg [dreg:$0x3]  }
0x16: {  	s23 =	sadd.s32 s10, s18;
	[dreg:$0xb] =	wrdreg s7;
	s7 =	sshrl.u32 s29, $0x3  }
0x17: {  	s24 =	sshrl.u32 s23, $0x3;
	[dreg:$0xa] =	wrdreg s17;
	s7 =	sadd.s32 s3, s7  }
0x18: {  	s20 =	sadd.s32 s10, s11;
	[dreg:$0xd] =	wrdreg s7;
	s7 =	sshll.u32 s9, $0x4  }
0x19: {  	s17 =	sadd.s32 s3, s24;
	s9 =	sshrl.u32 s20, $0x3;
	s10 =	sadd.s32 s10, s7  }
0x1a: {  	[dreg:$0xc] =	wrdreg s17;
	s9 =	sadd.s32 s3, s9;
	s21 =	sshrl.u32 s10, $0x3  }
0x1b: {  	s22 =	smul.u32 $0x28000, s1;
	[dreg:$0xe] =	wrdreg s9;
	s3 =	sadd.s32 s3, s21  }
0x1c: {  	s23 =	sadd.s32 $0x29800, s6;
	s25 =	sadd.s32 s4, s12;
	[dreg:$0xf] =	wrdreg s3  }
0x1d: {  	s26 =	sshrl.u32 s4, $0x2;
	_ =	strace $0x80000047;
	[dreg:$0x10] =	wrdreg s23  }
0x1e: {  	s24 =	sshrl.u32 s22, $0x2;
	s29 =	smax.u32 s8, $0x1;
	[dreg:$0x11] =	wrdreg s25  }
0x1f: {  	s17 =	sadd.s32 $0x2600, s2;
	s2 =	sadd.s32 s24, s12;
	[dreg:$0x12] =	wrdreg s29  }
0x20: {  	s6 =	sshrl.u32 s15, $0x2;
	s3 =	sadd.s32 s26, s14;
	[dreg:$0x13] =	wrdreg s2  }
0x21: {  	s4 =	sadd.s32 s5, s12;
	s5 =	sshrl.u32 s5, $0x2;
	[dreg:$0x14] =	wrdreg s3  }
0x22: {  	s8 =	sadd.s32 s5, s14;
	s22 =	sadd.s32 s19, s12;
	[dreg:$0x15] =	wrdreg s4  }
0x23: {  	s0 =	sadd.s32 s0, s14;
	s9 =	sadd.s32 s15, s12;
	[dreg:$0x16] =	wrdreg s8  }
0x24: {  	s5 =	simm.s32 $0xD;
	s10 =	sadd.s32 s6, s14;
	[dreg:$0x17] =	wrdreg s9  }
0x25: {  	s15 =	sadd.s32 s16, s12;
	s16 =	sshrl.u32 s16, $0x2;
	[dreg:$0x18] =	wrdreg s10  }
0x26: {  	s24 =	sadd.s32 s18, s14;
	s21 =	sadd.s32 s16, s14;
	[dreg:$0x19] =	wrdreg s15  }
0x27: {  	s18 =	simm.s32 $0x1;
	s20 =	sshrl.u32 s19, $0x2;
	[dreg:$0x1a] =	wrdreg s21  }
0x28: {  	s19 =	simm.s32 $0x4;
	s6 =	simm.s32 $0x10800;
	[dreg:$0x1b] =	wrdreg s22  }
0x29: {  	s16 =	simm.s32 $0xD000;
	s26 =	sadd.s32 s11, s14;
	[dreg:$0x1d] =	wrdreg s0  }
0x2a: {  	s11 =	simm.s32 $0xA;
	s23 =	sadd.s32 s20, s14;
	[dreg:$0x1e] =	wrdreg s24  }
0x2b: {  	s25 =	sadd.s32 s13, s14;
	[smem:$0x7FC] =	sst s26;
	s29 =	sadd.s32 s7, s14  }
0x2c: {  	s8 =	simm.s32 $0x40;
	s9 =	simm.s32 $0xA000;
	s10 =	simm.s32 $0xB000  }
0x2d: {  	s13 =	simm.s32 $0x80;
	s15 =	simm.s32 $0xC000;
	s20 =	simm.s32 $0x10000  }
0x2e: {  	s21 =	simm.s32 $0xE000;
	s0 =	simm.s32 $0x3;
	s2 =	simm.s32 $0x6  }
0x2f: {  	s3 =	simm.s32 $0x8;
	s7 =	simm.s32 $0x9;
	[dreg:$0x1c] =	wrdreg s23  }
0x30: {  	s22 =	simm.s32 $0xC;
	s24 =	simm.s32 $0x0;
	[dreg:$0x1f] =	wrdreg s25  }
0x31: {  	v0 =	vimm.f32 $0.0e+00;
	v1 =	vimm.f32 $1.000000000e+00;
	[smem:$0x7FD] =	sst s29;
	s23 =	simm.s32 $0xF000;
	s25 =	simm.s32 $0x2  }
.LBB2_1:
0x32: {  	s26 =	simm.s32 $0x11020  }
0x33: {  	[tilespmem:s26+$0xFFFFFFE0] =	vst v0  }
0x34: {  	[tilespmem:s26+$0x10] =	vst v0  }
0x35: {  	[tilespmem:s26+$0x0] =	vst v0  }
0x36: {  	s29 =	simm.s32 $0x40;
	s4 =	simm.s32 $0x0;
	[tilespmem:s26+$0xFFFFFFF0] =	vst v0  }
.LBB2_2:
0x37: {  	p0 =	sne.s32 s29, $0x1FC0  }
0x38: {  	[tilespmem:s4+$0x10800] =	vst v0;
	s26 =	sadd.s32 $0x40, s26;
	s1 =	smov.u32 s29;
	s29 =	sadd.s32 $0x40, s29  }
.Ltmp0:
0x39: {  	[tilespmem:s4+$0x10000] =	vst v1;
	(pc) =	sbr.rel @p0 .LBB2_2-.Ltmp0, $4  }
0x3a: {  	[tilespmem:s26+$0xFFFFFFE0] =	vst v0  }
0x3b: {  	[tilespmem:s26+$0x10] =	vst v0  }
0x3c: {  	[tilespmem:s26+$0x0] =	vst v0  }
0x3d: {  	s4 =	sshra.s32 s1, $0x2;
	[tilespmem:s26+$0xFFFFFFF0] =	vst v0  }
0x3e: {  	[tilespmem:s4+$0x10800] =	vst v0  }
0x3f: {  	[tilespmem:s4+$0x10000] =	vst v1;
	s1 =	rddreg [dreg:$0x13];
	s4 =	simm.s32 $0x11000  }
0x40: {  	[spmem:s1] =	stream.linear.scatter [tilespmem:s4], [sflag:$0xD], $0x2000, $0x38;
	[tilespmem:$0x1F800] =	vst v63  }
0x41: {  	_ =	swait.ge [sflag:s5], $0x2000  }
0x42: {  	[sflag:s5] =	ssyncset.done $0x0  }
0x43: {  	s26 =	rddreg [dreg:$0x14];
	[sflag:s5] =	ssyncadd.s32 $0xFFFFE000  }
0x44: {  	[spmem:s26] =	stream.linear.scatter [tilespmem:s6], [sflag:$0xD], $0x800, $0x38;
	[tilespmem:$0x1F800] =	vst v63  }
0x45: {  	_ =	swait.ge [sflag:s5], $0x800  }
0x46: {  	[sflag:s5] =	ssyncset.done $0x0  }
0x47: {  	s29 =	rddreg [dreg:$0x15];
	[sflag:s5] =	ssyncadd.s32 $0xFFFFF800  }
0x48: {  	[spmem:s29] =	stream.linear.scatter [tilespmem:s4], [sflag:$0xD], $0x2000, $0x38;
	[tilespmem:$0x1F800] =	vst v63  }
0x49: {  	_ =	swait.ge [sflag:s5], $0x2000  }
0x4a: {  	[sflag:s5] =	ssyncset.done $0x0  }
0x4b: {  	s26 =	rddreg [dreg:$0x16];
	[sflag:s5] =	ssyncadd.s32 $0xFFFFE000  }
0x4c: {  	[spmem:s26] =	stream.linear.scatter [tilespmem:s6], [sflag:$0xD], $0x800, $0x38;
	[tilespmem:$0x1F800] =	vst v63  }
0x4d: {  	_ =	swait.ge [sflag:s5], $0x800  }
0x4e: {  	[sflag:s5] =	ssyncset.done $0x0  }
0x4f: {  	s29 =	rddreg [dreg:$0x17];
	[sflag:s5] =	ssyncadd.s32 $0xFFFFF800  }
0x50: {  	[spmem:s29] =	stream.linear.scatter [tilespmem:s4], [sflag:$0xD], $0x2000, $0x38;
	[tilespmem:$0x1F800] =	vst v63  }
0x51: {  	_ =	swait.ge [sflag:s5], $0x2000  }
0x52: {  	[sflag:s5] =	ssyncset.done $0x0  }
0x53: {  	s26 =	rddreg [dreg:$0x18];
	[sflag:s5] =	ssyncadd.s32 $0xFFFFE000  }
0x54: {  	[spmem:s26] =	stream.linear.scatter [tilespmem:s6], [sflag:$0xD], $0x800, $0x38;
	[tilespmem:$0x1F800] =	vst v63  }
0x55: {  	_ =	swait.ge [sflag:s5], $0x800  }
0x56: {  	[sflag:s5] =	ssyncset.done $0x0  }
0x57: {  	s29 =	rddreg [dreg:$0x19];
	[sflag:s5] =	ssyncadd.s32 $0xFFFFF800  }
0x58: {  	[spmem:s29] =	stream.linear.scatter [tilespmem:s4], [sflag:$0xD], $0x2000, $0x38;
	[tilespmem:$0x1F800] =	vst v63  }
0x59: {  	_ =	swait.ge [sflag:s5], $0x2000  }
0x5a: {  	[sflag:s5] =	ssyncset.done $0x0  }
0x5b: {  	s26 =	rddreg [dreg:$0x1a];
	[sflag:s5] =	ssyncadd.s32 $0xFFFFE000  }
0x5c: {  	[spmem:s26] =	stream.linear.scatter [tilespmem:s6], [sflag:$0xD], $0x800, $0x38;
	[tilespmem:$0x1F800] =	vst v63  }
0x5d: {  	_ =	swait.ge [sflag:s5], $0x800  }
0x5e: {  	[sflag:s5] =	ssyncset.done $0x0  }
0x5f: {  	s29 =	rddreg [dreg:$0x1b];
	[sflag:s5] =	ssyncadd.s32 $0xFFFFF800  }
0x60: {  	[spmem:s29] =	stream.linear.scatter [tilespmem:s4], [sflag:$0xD], $0x2000, $0x38;
	[tilespmem:$0x1F800] =	vst v63  }
0x61: {  	_ =	swait.ge [sflag:s5], $0x2000  }
0x62: {  	[sflag:s5] =	ssyncset.done $0x0  }
0x63: {  	s4 =	rddreg [dreg:$0x1c];
	[sflag:s5] =	ssyncadd.s32 $0xFFFFE000  }
0x64: {  	[spmem:s4] =	stream.linear.scatter [tilespmem:s6], [sflag:$0xD], $0x800, $0x38;
	[tilespmem:$0x1F800] =	vst v63  }
0x65: {  	_ =	swait.ge [sflag:s5], $0x800  }
0x66: {  	[sflag:s5] =	ssyncset.done $0x0  }
0x67: {  	[sflag:s5] =	ssyncadd.s32 $0xFFFFF800  }
0x68: {  	[bflag:$0x0] =	sbarrier.arrive $0xFFFF  }
0x69: {  	s1 =	simm.s32 $0x0;
	s26 =	rddreg [dreg:$0x5]  }
0x6a: {  	[tilespmem:s1], [sflag:$0xD] =	stream.linear.gather [hbm4b:s26+s1], $0x5000, $0x38;
	[tilespmem:$0x1F800] =	vst v63  }
0x6b: {  	_ =	swait.ge [sflag:s5], $0x5000  }
0x6c: {  	[sflag:s5] =	ssyncset.done $0x0  }
0x6d: {  	s26 =	simm.s32 $0x5000;
	s29 =	rddreg [dreg:$0x10];
	[sflag:s5] =	ssyncadd.s32 $0xFFFFB000  }
0x6e: {  	[tilespmem:s26], [sflag:$0xD] =	stream.linear.gather [hbm4b:s29+s1], $0x5000, $0x38;
	[tilespmem:$0x1F800] =	vst v63  }
0x6f: {  	_ =	swait.ge [sflag:s5], $0x5000  }
0x70: {  	[sflag:s5] =	ssyncset.done $0x0  }
0x71: {  	[sflag:s5] =	ssyncadd.s32 $0xFFFFB000  }
0x72: {  	[tilespmem:s9], [sflag:$0x1] =	stream.indirect.gather [hbm4b:s17+s8], $0x40, s1, s8, $0xb8;
	[tilespmem:$0x1F800] =	vst v63  }
0x73: {  	_ = 	snop  }
0x74: {  	[tilespmem:s10], [sflag:$0x4] =	stream.indirect.gather [hbm4b:s17+s8], $0x40, s8, s8, $0xb8;
	[tilespmem:$0x1F800] =	vst v63  }
0x75: {  	_ = 	snop  }
0x76: {  	[tilespmem:s15], [sflag:$0x2] =	stream.indirect.gather [hbm4b:s17+s8], $0x40, s13, s8, $0xb8;
	[tilespmem:$0x1F800] =	vst v63  }
0x77: {  	s4 =	simm.s32 $0xC0  }
0x78: {  	[tilespmem:s16], [sflag:$0x5] =	stream.indirect.gather [hbm4b:s17+s8], $0x40, s4, s8, $0xb8;
	[tilespmem:$0x1F800] =	vst v63  }
0x79: {  	_ =	swait.ge [sflag:s18], $0x1000  }
0x7a: {  	[sflag:s18] =	ssyncset.done $0x0  }
0x7b: {  	[sflag:s18] =	ssyncadd.s32 $0xFFFFF000  }
0x7c: {  	_ =	swait.ge [sflag:s19], $0x1000  }
0x7d: {  	[sflag:s19] =	ssyncset.done $0x0  }
0x7e: {  	[sflag:s19] =	ssyncadd.s32 $0xFFFFF000  }
0x7f: {  	[spmem:s12] =	stream.indirect.scatter.add.f32 [tilespmem:s9], [sflag:$0x7], $0x40, s26, s13, $0xb8;
	[tilespmem:$0x1F800] =	vst v63  }
0x80: {  	_ = 	snop  }
0x81: {  	[spmem:s14] =	stream.indirect.scatter.add.f32 [tilespmem:s20], [sflag:$0xA], $0x10, s26, s13, $0xb8;
	[tilespmem:$0x1F800] =	vst v63  }
0x82: {  	s29 =	simm.s32 $0x100  }
0x83: {  	[tilespmem:s21], [sflag:$0x3] =	stream.indirect.gather [hbm4b:s17+s8], $0x40, s29, s8, $0xb8;
	[tilespmem:$0x1F800] =	vst v63  }
0x84: {  	s4 =	simm.s32 $0x140  }
0x85: {  	[tilespmem:s23], [sflag:$0x6] =	stream.indirect.gather [hbm4b:s17+s8], $0x40, s4, s8, $0xb8;
	[tilespmem:$0x1F800] =	vst v63  }
0x86: {  	_ =	swait.ge [sflag:s25], $0x1000  }
0x87: {  	[sflag:s25] =	ssyncset.done $0x0  }
0x88: {  	[sflag:s25] =	ssyncadd.s32 $0xFFFFF000  }
0x89: {  	_ =	swait.ge [sflag:s28], $0x1000  }
0x8a: {  	[sflag:s28] =	ssyncset.done $0x0  }
0x8b: {  	s26 =	simm.s32 $0x5080;
	[sflag:s28] =	ssyncadd.s32 $0xFFFFF000  }
0x8c: {  	[spmem:s12] =	stream.indirect.scatter.add.f32 [tilespmem:s15], [sflag:$0x8], $0x40, s26, s13, $0xb8;
	[tilespmem:$0x1F800] =	vst v63  }
0x8d: {  	_ = 	snop  }
0x8e: {  	[spmem:s14] =	stream.indirect.scatter.add.f32 [tilespmem:s20], [sflag:$0xB], $0x10, s26, s13, $0xb8;
	[tilespmem:$0x1F800] =	vst v63  }
0x8f: {  	_ =	swait.ge [sflag:s31], $0x2000  }
0x90: {  	[sflag:s31] =	ssyncset.done $0x0  }
0x91: {  	[sflag:s31] =	ssyncadd.s32 $0xFFFFE000  }
0x92: {  	_ =	swait.ge [sflag:s11], $0x800  }
0x93: {  	[sflag:s11] =	ssyncset.done $0x0  }
0x94: {  	s29 =	simm.s32 $0x180;
	[sflag:s11] =	ssyncadd.s32 $0xFFFFF800  }
0x95: {  	[tilespmem:s9], [sflag:$0x1] =	stream.indirect.gather [hbm4b:s17+s8], $0x40, s29, s8, $0xb8;
	[tilespmem:$0x1F800] =	vst v63  }
0x96: {  	s4 =	simm.s32 $0x1C0  }
0x97: {  	[tilespmem:s10], [sflag:$0x4] =	stream.indirect.gather [hbm4b:s17+s8], $0x40, s4, s8, $0xb8;
	[tilespmem:$0x1F800] =	vst v63  }
0x98: {  	_ =	swait.ge [sflag:s0], $0x1000  }
0x99: {  	[sflag:s0] =	ssyncset.done $0x0  }
0x9a: {  	[sflag:s0] =	ssyncadd.s32 $0xFFFFF000  }
0x9b: {  	_ =	swait.ge [sflag:s2], $0x1000  }
0x9c: {  	[sflag:s2] =	ssyncset.done $0x0  }
0x9d: {  	s26 =	simm.s32 $0x5100;
	[sflag:s2] =	ssyncadd.s32 $0xFFFFF000  }
0x9e: {  	[spmem:s12] =	stream.indirect.scatter.add.f32 [tilespmem:s21], [sflag:$0x9], $0x40, s26, s13, $0xb8;
	[tilespmem:$0x1F800] =	vst v63  }
0x9f: {  	_ = 	snop  }
0xa0: {  	[spmem:s14] =	stream.indirect.scatter.add.f32 [tilespmem:s20], [sflag:$0xC], $0x10, s26, s13, $0xb8;
	[tilespmem:$0x1F800] =	vst v63  }
0xa1: {  	_ =	swait.ge [sflag:s3], $0x2000  }
0xa2: {  	[sflag:s3] =	ssyncset.done $0x0  }
0xa3: {  	[sflag:s3] =	ssyncadd.s32 $0xFFFFE000  }
0xa4: {  	_ =	swait.ge [sflag:s30], $0x800  }
0xa5: {  	[sflag:s30] =	ssyncset.done $0x0  }
0xa6: {  	s29 =	simm.s32 $0x200;
	[sflag:s30] =	ssyncadd.s32 $0xFFFFF800  }
0xa7: {  	[tilespmem:s15], [sflag:$0x2] =	stream.indirect.gather [hbm4b:s17+s8], $0x40, s29, s8, $0xb8;
	[tilespmem:$0x1F800] =	vst v63  }
0xa8: {  	s4 =	simm.s32 $0x240  }
0xa9: {  	[tilespmem:s16], [sflag:$0x5] =	stream.indirect.gather [hbm4b:s17+s8], $0x40, s4, s8, $0xb8;
	[tilespmem:$0x1F800] =	vst v63  }
0xaa: {  	_ =	swait.ge [sflag:s18], $0x1000  }
0xab: {  	[sflag:s18] =	ssyncset.done $0x0  }
0xac: {  	[sflag:s18] =	ssyncadd.s32 $0xFFFFF000  }
0xad: {  	_ =	swait.ge [sflag:s19], $0x1000  }
0xae: {  	[sflag:s19] =	ssyncset.done $0x0  }
0xaf: {  	s26 =	simm.s32 $0x5180;
	[sflag:s19] =	ssyncadd.s32 $0xFFFFF000  }
0xb0: {  	[spmem:s12] =	stream.indirect.scatter.add.f32 [tilespmem:s9], [sflag:$0x7], $0x40, s26, s13, $0xb8;
	[tilespmem:$0x1F800] =	vst v63  }
0xb1: {  	_ = 	snop  }
0xb2: {  	[spmem:s14] =	stream.indirect.scatter.add.f32 [tilespmem:s20], [sflag:$0xA], $0x10, s26, s13, $0xb8;
	[tilespmem:$0x1F800] =	vst v63  }
0xb3: {  	_ =	swait.ge [sflag:s7], $0x2000  }
0xb4: {  	[sflag:s7] =	ssyncset.done $0x0  }
0xb5: {  	[sflag:s7] =	ssyncadd.s32 $0xFFFFE000  }
0xb6: {  	_ =	swait.ge [sflag:s22], $0x800  }
0xb7: {  	[sflag:s22] =	ssyncset.done $0x0  }
0xb8: {  	s29 =	simm.s32 $0x280;
	[sflag:s22] =	ssyncadd.s32 $0xFFFFF800  }
0xb9: {  	[tilespmem:s21], [sflag:$0x3] =	stream.indirect.gather [hbm4b:s17+s8], $0x40, s29, s8, $0xb8;
	[tilespmem:$0x1F800] =	vst v63  }
0xba: {  	s4 =	simm.s32 $0x2C0  }
0xbb: {  	[tilespmem:s23], [sflag:$0x6] =	stream.indirect.gather [hbm4b:s17+s8], $0x40, s4, s8, $0xb8;
	[tilespmem:$0x1F800] =	vst v63  }
0xbc: {  	_ =	swait.ge [sflag:s25], $0x1000  }
0xbd: {  	[sflag:s25] =	ssyncset.done $0x0  }
0xbe: {  	[sflag:s25] =	ssyncadd.s32 $0xFFFFF000  }
0xbf: {  	_ =	swait.ge [sflag:s28], $0x1000  }
0xc0: {  	[sflag:s28] =	ssyncset.done $0x0  }
0xc1: {  	s26 =	simm.s32 $0x5200;
	[sflag:s28] =	ssyncadd.s32 $0xFFFFF000  }
0xc2: {  	[spmem:s12] =	stream.indirect.scatter.add.f32 [tilespmem:s15], [sflag:$0x8], $0x40, s26, s13, $0xb8;
	[tilespmem:$0x1F800] =	vst v63  }
0xc3: {  	_ = 	snop  }
0xc4: {  	[spmem:s14] =	stream.indirect.scatter.add.f32 [tilespmem:s20], [sflag:$0xB], $0x10, s26, s13, $0xb8;
	[tilespmem:$0x1F800] =	vst v63  }
0xc5: {  	_ =	swait.ge [sflag:s31], $0x2000  }
0xc6: {  	[sflag:s31] =	ssyncset.done $0x0  }
0xc7: {  	[sflag:s31] =	ssyncadd.s32 $0xFFFFE000  }
0xc8: {  	_ =	swait.ge [sflag:s11], $0x800  }
0xc9: {  	s29 =	simm.s32 $0x300;
	[sflag:s11] =	ssyncset.done $0x0  }
0xca: {  	s4 =	simm.s32 $0x340;
	s26 =	simm.s32 $0x600;
	[sflag:s11] =	ssyncadd.s32 $0xFFFFF800  }
0xcb: {  	[tilespmem:s9], [sflag:$0x1] =	stream.indirect.gather [hbm4b:s17+s8], $0x40, s29, s8, $0xb8;
	[tilespmem:$0x1F800] =	vst v63  }
.LBB2_4:
0xcc: {  	[tilespmem:s10], [sflag:$0x4] =	stream.indirect.gather [hbm4b:s17+s8], $0x40, s4, s8, $0xb8;
	[tilespmem:$0x1F800] =	vst v63  }
0xcd: {  	s1 =	smov.u32 s26  }
0xce: {  	p0 =	sne.s32 s26, $0x13200;
	s26 =	sadd.s32 $0x600, s26;
	_ =	swait.ge [sflag:s0], $0x1000  }
0xcf: {  	[sflag:s0] =	ssyncset.done $0x0  }
0xd0: {  	[sflag:s0] =	ssyncadd.s32 $0xFFFFF000  }
0xd1: {  	_ =	swait.ge [sflag:s2], $0x1000  }
0xd2: {  	s29 =	sshra.s32 s1, $0x2;
	[sflag:s2] =	ssyncset.done $0x0  }
0xd3: {  	s1 =	sadd.s32 $0x5100, s29;
	[sflag:s2] =	ssyncadd.s32 $0xFFFFF000  }
0xd4: {  	[spmem:s12] =	stream.indirect.scatter.add.f32 [tilespmem:s21], [sflag:$0x9], $0x40, s1, s13, $0xb8;
	[tilespmem:$0x1F800] =	vst v63  }
0xd5: {  	_ = 	snop  }
0xd6: {  	[spmem:s14] =	stream.indirect.scatter.add.f32 [tilespmem:s20], [sflag:$0xC], $0x10, s1, s13, $0xb8;
	[tilespmem:$0x1F800] =	vst v63  }
0xd7: {  	_ =	swait.ge [sflag:s3], $0x2000  }
0xd8: {  	[sflag:s3] =	ssyncset.done $0x0  }
0xd9: {  	[sflag:s3] =	ssyncadd.s32 $0xFFFFE000  }
0xda: {  	_ =	swait.ge [sflag:s30], $0x800  }
0xdb: {  	[sflag:s30] =	ssyncset.done $0x0  }
0xdc: {  	s1 =	sadd.s32 $0x200, s29;
	[sflag:s30] =	ssyncadd.s32 $0xFFFFF800  }
0xdd: {  	[tilespmem:s15], [sflag:$0x2] =	stream.indirect.gather [hbm4b:s17+s8], $0x40, s1, s8, $0xb8;
	[tilespmem:$0x1F800] =	vst v63  }
0xde: {  	s1 =	sadd.s32 $0x240, s29  }
0xdf: {  	[tilespmem:s16], [sflag:$0x5] =	stream.indirect.gather [hbm4b:s17+s8], $0x40, s1, s8, $0xb8;
	[tilespmem:$0x1F800] =	vst v63  }
0xe0: {  	_ =	swait.ge [sflag:s18], $0x1000  }
0xe1: {  	[sflag:s18] =	ssyncset.done $0x0  }
0xe2: {  	[sflag:s18] =	ssyncadd.s32 $0xFFFFF000  }
0xe3: {  	_ =	swait.ge [sflag:s19], $0x1000  }
0xe4: {  	[sflag:s19] =	ssyncset.done $0x0  }
0xe5: {  	s1 =	sadd.s32 $0x5180, s29;
	[sflag:s19] =	ssyncadd.s32 $0xFFFFF000  }
0xe6: {  	[spmem:s12] =	stream.indirect.scatter.add.f32 [tilespmem:s9], [sflag:$0x7], $0x40, s1, s13, $0xb8;
	[tilespmem:$0x1F800] =	vst v63  }
0xe7: {  	_ = 	snop  }
0xe8: {  	[spmem:s14] =	stream.indirect.scatter.add.f32 [tilespmem:s20], [sflag:$0xA], $0x10, s1, s13, $0xb8;
	[tilespmem:$0x1F800] =	vst v63  }
0xe9: {  	_ =	swait.ge [sflag:s7], $0x2000  }
0xea: {  	[sflag:s7] =	ssyncset.done $0x0  }
0xeb: {  	[sflag:s7] =	ssyncadd.s32 $0xFFFFE000  }
0xec: {  	_ =	swait.ge [sflag:s22], $0x800  }
0xed: {  	[sflag:s22] =	ssyncset.done $0x0  }
0xee: {  	s1 =	sadd.s32 $0x280, s29;
	[sflag:s22] =	ssyncadd.s32 $0xFFFFF800  }
0xef: {  	[tilespmem:s21], [sflag:$0x3] =	stream.indirect.gather [hbm4b:s17+s8], $0x40, s1, s8, $0xb8;
	[tilespmem:$0x1F800] =	vst v63  }
0xf0: {  	s1 =	sadd.s32 $0x2C0, s29  }
0xf1: {  	[tilespmem:s23], [sflag:$0x6] =	stream.indirect.gather [hbm4b:s17+s8], $0x40, s1, s8, $0xb8;
	[tilespmem:$0x1F800] =	vst v63  }
0xf2: {  	_ =	swait.ge [sflag:s25], $0x1000  }
0xf3: {  	[sflag:s25] =	ssyncset.done $0x0  }
0xf4: {  	[sflag:s25] =	ssyncadd.s32 $0xFFFFF000  }
0xf5: {  	_ =	swait.ge [sflag:s28], $0x1000  }
0xf6: {  	[sflag:s28] =	ssyncset.done $0x0  }
0xf7: {  	s1 =	sadd.s32 $0x5200, s29;
	[sflag:s28] =	ssyncadd.s32 $0xFFFFF000  }
0xf8: {  	[spmem:s12] =	stream.indirect.scatter.add.f32 [tilespmem:s15], [sflag:$0x8], $0x40, s1, s13, $0xb8;
	[tilespmem:$0x1F800] =	vst v63  }
0xf9: {  	_ = 	snop  }
0xfa: {  	[spmem:s14] =	stream.indirect.scatter.add.f32 [tilespmem:s20], [sflag:$0xB], $0x10, s1, s13, $0xb8;
	[tilespmem:$0x1F800] =	vst v63  }
0xfb: {  	_ =	swait.ge [sflag:s31], $0x2000  }
0xfc: {  	[sflag:s31] =	ssyncset.done $0x0  }
0xfd: {  	[sflag:s31] =	ssyncadd.s32 $0xFFFFE000  }
.Ltmp1:
0xfe: {  	_ =	swait.ge [sflag:s11], $0x800;
	(pc) =	sbr.rel @p0 .LBB2_4-.Ltmp1, $4  }
0xff: {  	[sflag:s11] =	ssyncset.done $0x0  }
0x100: {  	s1 =	sadd.s32 $0x300, s29;
	[sflag:s11] =	ssyncadd.s32 $0xFFFFF800  }
0x101: {  	[tilespmem:s9], [sflag:$0x1] =	stream.indirect.gather [hbm4b:s17+s8], $0x40, s1, s8, $0xb8;
	[tilespmem:$0x1F800] =	vst v63  }
0x102: {  	s4 =	sadd.s32 $0x340, s29  }
0x103: {  	[tilespmem:s10], [sflag:$0x4] =	stream.indirect.gather [hbm4b:s17+s8], $0x40, s4, s8, $0xb8;
	[tilespmem:$0x1F800] =	vst v63  }
0x104: {  	_ =	swait.ge [sflag:s0], $0x1000  }
0x105: {  	[sflag:s0] =	ssyncset.done $0x0  }
0x106: {  	[sflag:s0] =	ssyncadd.s32 $0xFFFFF000  }
0x107: {  	_ =	swait.ge [sflag:s2], $0x1000  }
0x108: {  	[sflag:s2] =	ssyncset.done $0x0  }
0x109: {  	s1 =	simm.s32 $0x9F00;
	[sflag:s2] =	ssyncadd.s32 $0xFFFFF000  }
0x10a: {  	[spmem:s12] =	stream.indirect.scatter.add.f32 [tilespmem:s21], [sflag:$0x9], $0x40, s1, s13, $0xb8;
	[tilespmem:$0x1F800] =	vst v63  }
0x10b: {  	_ = 	snop  }
0x10c: {  	[spmem:s14] =	stream.indirect.scatter.add.f32 [tilespmem:s20], [sflag:$0xC], $0x10, s1, s13, $0xb8;
	[tilespmem:$0x1F800] =	vst v63  }
0x10d: {  	_ =	swait.ge [sflag:s18], $0x1000  }
0x10e: {  	[sflag:s18] =	ssyncset.done $0x0  }
0x10f: {  	[sflag:s18] =	ssyncadd.s32 $0xFFFFF000  }
0x110: {  	_ =	swait.ge [sflag:s19], $0x1000  }
0x111: {  	[sflag:s19] =	ssyncset.done $0x0  }
0x112: {  	s29 =	simm.s32 $0x9F80;
	[sflag:s19] =	ssyncadd.s32 $0xFFFFF000  }
0x113: {  	[spmem:s12] =	stream.indirect.scatter.add.f32 [tilespmem:s9], [sflag:$0x7], $0x40, s29, s13, $0xb8;
	[tilespmem:$0x1F800] =	vst v63  }
0x114: {  	_ = 	snop  }
0x115: {  	[spmem:s14] =	stream.indirect.scatter.add.f32 [tilespmem:s20], [sflag:$0xA], $0x10, s29, s13, $0xb8;
	[tilespmem:$0x1F800] =	vst v63  }
0x116: {  	_ =	swait.ge [sflag:s3], $0x2000  }
0x117: {  	[sflag:s3] =	ssyncset.done $0x0  }
0x118: {  	[sflag:s3] =	ssyncadd.s32 $0xFFFFE000  }
0x119: {  	_ =	swait.ge [sflag:s30], $0x800  }
0x11a: {  	[sflag:s30] =	ssyncset.done $0x0  }
0x11b: {  	[sflag:s30] =	ssyncadd.s32 $0xFFFFF800  }
0x11c: {  	_ =	swait.ge [sflag:s7], $0x2000  }
0x11d: {  	[sflag:s7] =	ssyncset.done $0x0  }
0x11e: {  	[sflag:s7] =	ssyncadd.s32 $0xFFFFE000  }
0x11f: {  	_ =	swait.ge [sflag:s22], $0x800  }
0x120: {  	[sflag:s22] =	ssyncset.done $0x0  }
0x121: {  	[sflag:s22] =	ssyncadd.s32 $0xFFFFF800  }
0x122: {  	_ =	swait.ge [sflag:s31], $0x2000  }
0x123: {  	[sflag:s31] =	ssyncset.done $0x0  }
0x124: {  	[sflag:s31] =	ssyncadd.s32 $0xFFFFE000  }
0x125: {  	_ =	swait.ge [sflag:s11], $0x800  }
0x126: {  	[sflag:s11] =	ssyncset.done $0x0  }
0x127: {  	[sflag:s11] =	ssyncadd.s32 $0xFFFFF800  }
0x128: {  	[bflag:$0x0] =	sbarrier.arrive $0xFFFF  }
0x129: {  	s4 =	rddreg [dreg:$0x11]  }
0x12a: {  	[tilespmem:s9], [sflag:$0xD] =	stream.linear.gather [spmem:s4], $0x2000, $0x38;
	[tilespmem:$0x1F800] =	vst v63  }
0x12b: {  	_ =	swait.ge [sflag:s5], $0x2000  }
0x12c: {  	[sflag:s5] =	ssyncset.done $0x0  }
0x12d: {  	s1 =	simm.s32 $0x0;
	s26 =	rddreg [dreg:$0x6];
	[sflag:s5] =	ssyncadd.s32 $0xFFFFE000  }
0x12e: {  	[hbm4b:s26+s1] =	stream.linear.scatter [tilespmem:s9], [sflag:$0xD], $0x2000, $0x38;
	[tilespmem:$0x1F800] =	vst v63  }
0x12f: {  	_ =	swait.ge [sflag:s5], $0x2000  }
0x130: {  	[sflag:s5] =	ssyncset.done $0x0  }
0x131: {  	s29 =	rddreg [dreg:$0x1d];
	[sflag:s5] =	ssyncadd.s32 $0xFFFFE000  }
0x132: {  	[tilespmem:s6], [sflag:$0xD] =	stream.linear.gather [spmem:s29], $0x800, $0x38;
	[tilespmem:$0x1F800] =	vst v63  }
0x133: {  	_ =	swait.ge [sflag:s5], $0x800  }
0x134: {  	[sflag:s5] =	ssyncset.done $0x0  }
0x135: {  	s26 =	rddreg [dreg:$0x7];
	[sflag:s5] =	ssyncadd.s32 $0xFFFFF800  }
0x136: {  	[hbm4b:s26+s1] =	stream.linear.scatter [tilespmem:s6], [sflag:$0xD], $0x800, $0x38;
	[tilespmem:$0x1F800] =	vst v63  }
0x137: {  	_ =	swait.ge [sflag:s5], $0x800  }
0x138: {  	[sflag:s5] =	ssyncset.done $0x0  }
0x139: {  	s29 =	rddreg [dreg:$0x15];
	[sflag:s5] =	ssyncadd.s32 $0xFFFFF800  }
0x13a: {  	[tilespmem:s9], [sflag:$0xD] =	stream.linear.gather [spmem:s29], $0x2000, $0x38;
	[tilespmem:$0x1F800] =	vst v63  }
0x13b: {  	_ =	swait.ge [sflag:s5], $0x2000  }
0x13c: {  	[sflag:s5] =	ssyncset.done $0x0  }
0x13d: {  	s26 =	rddreg [dreg:$0x8];
	[sflag:s5] =	ssyncadd.s32 $0xFFFFE000  }
0x13e: {  	[hbm4b:s26+s1] =	stream.linear.scatter [tilespmem:s9], [sflag:$0xD], $0x2000, $0x38;
	[tilespmem:$0x1F800] =	vst v63  }
0x13f: {  	_ =	swait.ge [sflag:s5], $0x2000  }
0x140: {  	[sflag:s5] =	ssyncset.done $0x0  }
0x141: {  	s29 =	rddreg [dreg:$0x1e];
	[sflag:s5] =	ssyncadd.s32 $0xFFFFE000  }
0x142: {  	[tilespmem:s6], [sflag:$0xD] =	stream.linear.gather [spmem:s29], $0x800, $0x38;
	[tilespmem:$0x1F800] =	vst v63  }
0x143: {  	_ =	swait.ge [sflag:s5], $0x800  }
0x144: {  	[sflag:s5] =	ssyncset.done $0x0  }
0x145: {  	s26 =	rddreg [dreg:$0xc];
	[sflag:s5] =	ssyncadd.s32 $0xFFFFF800  }
0x146: {  	[hbm4b:s26+s1] =	stream.linear.scatter [tilespmem:s6], [sflag:$0xD], $0x800, $0x38;
	[tilespmem:$0x1F800] =	vst v63  }
0x147: {  	_ =	swait.ge [sflag:s5], $0x800  }
0x148: {  	[sflag:s5] =	ssyncset.done $0x0  }
0x149: {  	s29 =	rddreg [dreg:$0x17];
	[sflag:s5] =	ssyncadd.s32 $0xFFFFF800  }
0x14a: {  	[tilespmem:s9], [sflag:$0xD] =	stream.linear.gather [spmem:s29], $0x2000, $0x38;
	[tilespmem:$0x1F800] =	vst v63  }
0x14b: {  	_ =	swait.ge [sflag:s5], $0x2000  }
0x14c: {  	[sflag:s5] =	ssyncset.done $0x0  }
0x14d: {  	s26 =	rddreg [dreg:$0x9];
	[sflag:s5] =	ssyncadd.s32 $0xFFFFE000  }
0x14e: {  	[hbm4b:s26+s1] =	stream.linear.scatter [tilespmem:s9], [sflag:$0xD], $0x2000, $0x38;
	[tilespmem:$0x1F800] =	vst v63  }
0x14f: {  	_ =	swait.ge [sflag:s5], $0x2000  }
0x150: {  	[sflag:s5] =	ssyncset.done $0x0  }
0x151: {  	s29 =	rddreg [dreg:$0x1f];
	[sflag:s5] =	ssyncadd.s32 $0xFFFFE000  }
0x152: {  	[tilespmem:s6], [sflag:$0xD] =	stream.linear.gather [spmem:s29], $0x800, $0x38;
	[tilespmem:$0x1F800] =	vst v63  }
0x153: {  	_ =	swait.ge [sflag:s5], $0x800  }
0x154: {  	[sflag:s5] =	ssyncset.done $0x0  }
0x155: {  	s26 =	rddreg [dreg:$0xd];
	[sflag:s5] =	ssyncadd.s32 $0xFFFFF800  }
0x156: {  	[hbm4b:s26+s1] =	stream.linear.scatter [tilespmem:s6], [sflag:$0xD], $0x800, $0x38;
	[tilespmem:$0x1F800] =	vst v63  }
0x157: {  	_ =	swait.ge [sflag:s5], $0x800  }
0x158: {  	[sflag:s5] =	ssyncset.done $0x0  }
0x159: {  	s29 =	rddreg [dreg:$0x19];
	[sflag:s5] =	ssyncadd.s32 $0xFFFFF800  }
0x15a: {  	[tilespmem:s9], [sflag:$0xD] =	stream.linear.gather [spmem:s29], $0x2000, $0x38;
	[tilespmem:$0x1F800] =	vst v63  }
0x15b: {  	_ =	swait.ge [sflag:s5], $0x2000  }
0x15c: {  	[sflag:s5] =	ssyncset.done $0x0  }
0x15d: {  	s26 =	rddreg [dreg:$0xa];
	[sflag:s5] =	ssyncadd.s32 $0xFFFFE000  }
0x15e: {  	[hbm4b:s26+s1] =	stream.linear.scatter [tilespmem:s9], [sflag:$0xD], $0x2000, $0x38;
	[tilespmem:$0x1F800] =	vst v63  }
0x15f: {  	_ =	swait.ge [sflag:s5], $0x2000  }
0x160: {  	s29 =	sld [smem:$0x7FC]  }
0x161: {  	[sflag:s5] =	ssyncset.done $0x0  }
0x162: {  	[sflag:s5] =	ssyncadd.s32 $0xFFFFE000  }
0x163: {  	[tilespmem:s6], [sflag:$0xD] =	stream.linear.gather [spmem:s29], $0x800, $0x38;
	[tilespmem:$0x1F800] =	vst v63  }
0x164: {  	_ =	swait.ge [sflag:s5], $0x800  }
0x165: {  	[sflag:s5] =	ssyncset.done $0x0  }
0x166: {  	s26 =	rddreg [dreg:$0xe];
	[sflag:s5] =	ssyncadd.s32 $0xFFFFF800  }
0x167: {  	[hbm4b:s26+s1] =	stream.linear.scatter [tilespmem:s6], [sflag:$0xD], $0x800, $0x38;
	[tilespmem:$0x1F800] =	vst v63  }
0x168: {  	_ =	swait.ge [sflag:s5], $0x800  }
0x169: {  	[sflag:s5] =	ssyncset.done $0x0  }
0x16a: {  	s29 =	rddreg [dreg:$0x1b];
	[sflag:s5] =	ssyncadd.s32 $0xFFFFF800  }
0x16b: {  	[tilespmem:s9], [sflag:$0xD] =	stream.linear.gather [spmem:s29], $0x2000, $0x38;
	[tilespmem:$0x1F800] =	vst v63  }
0x16c: {  	_ =	swait.ge [sflag:s5], $0x2000  }
0x16d: {  	[sflag:s5] =	ssyncset.done $0x0  }
0x16e: {  	s26 =	rddreg [dreg:$0xb];
	[sflag:s5] =	ssyncadd.s32 $0xFFFFE000  }
0x16f: {  	[hbm4b:s26+s1] =	stream.linear.scatter [tilespmem:s9], [sflag:$0xD], $0x2000, $0x38;
	[tilespmem:$0x1F800] =	vst v63  }
0x170: {  	_ =	swait.ge [sflag:s5], $0x2000  }
0x171: {  	s29 =	sld [smem:$0x7FD]  }
0x172: {  	[sflag:s5] =	ssyncset.done $0x0  }
0x173: {  	[sflag:s5] =	ssyncadd.s32 $0xFFFFE000  }
0x174: {  	[tilespmem:s6], [sflag:$0xD] =	stream.linear.gather [spmem:s29], $0x800, $0x38;
	[tilespmem:$0x1F800] =	vst v63  }
0x175: {  	_ =	swait.ge [sflag:s5], $0x800  }
0x176: {  	[sflag:s5] =	ssyncset.done $0x0  }
0x177: {  	s26 =	rddreg [dreg:$0xf];
	[sflag:s5] =	ssyncadd.s32 $0xFFFFF800  }
0x178: {  	[hbm4b:s26+s1] =	stream.linear.scatter [tilespmem:s6], [sflag:$0xD], $0x800, $0x38;
	[tilespmem:$0x1F800] =	vst v63  }
0x179: {  	_ =	swait.ge [sflag:s5], $0x800  }
0x17a: {  	s24 =	sadd.s32 $0x1, s24;
	s29 =	rddreg [dreg:$0x12]  }
0x17b: {  	p0 =	sne.s32 s24, s29  }
.Ltmp2:
0x17c: {  	_ = 	snop;
	(pc) =	sbr.rel @p0 .LBB2_1-.Ltmp2, $3  }
0x17d: {  	_ =	sdelay $0x1  }
0x17e: {  	[sflag:s5] =	ssyncset.done $0x0  }
0x17f: {  	[sflag:s5] =	ssyncadd.s32 $0xFFFFF800  }
0x180: {  	_ =	sfence.sel $0x180000  }
0x181: {  	[bflag:$0x0] =	sbarrier.arrive $0xFFFF  }
0x182: {  	_ =	strace $0x90000047  }
0x183: {  	s0 =	stileid.u32;
	[bflag:$0x2] =	sbarrier.arrive $0xFFFF  }
0x184: {  	p0 =	sne.s32 s0, $0x0;
	s0 =	rddreg [dreg:$0x4]  }
0x185: {  	s0 =	sadd.s32 @!p0 $0x100000, s0  }
0x186: {  	[sflag:s0] =	ssyncadd.tile.s32 @!p0 $0x1;
	_ =	shalt  }
.Lfunc_end2:
_tile_overlayer_lowered:
.L_overlay_start_2:
0x187: {  	(tag) =	ssettag $0x2  }
0x188: {  	s0 =	rddreg [dreg:$0x0];
	s2 =	stileid.u32  }
0x189: {  	s1 =	rddreg [dreg:$0x1];
	p0 =	sne.s32 s2, $0x0  }
0x18a: {  	s3 =	rddreg [dreg:$0x2];
	[bflag:$0x3] =	sbarrier.arrive $0xFFFF;
	s2 =	simm.s32 @!p0 $0x1C0D  }
0x18b: {  	[timem:s3], [sflag:s2] =	dma.local @!p0 [hbm:s0], s1  }
0x18c: {  	s0 =	simm.s32 @!p0 $0xD  }
0x18d: {  	_ =	swait.ge @!p0 [sflag:s0], s1  }
0x18e: {  	s1 =	ssub.s32 @!p0 $0x0, s1;
	[sflag:s0] =	ssyncset.done @!p0 $0x0  }
0x18f: {  	[sflag:s0] =	ssyncadd.s32 @!p0 s1  }
0x190: {  	[bflag:$0x3] =	sbarrier.arrive $0xFFFF  }
0x191: {  	_ =	shalt  }

</sc_bundles>
